<compile_context>
chip_gen: v7x
topology: tpu7x:2x2x1
jax: 0.10.2.dev20260603
libtpu: 0.0.44.dev20260713+nightly
codegen_flags: <defaults>
</compile_context>

<pallas_src>
import functools

import jax
import jax.numpy as jnp
from jax import lax
from jax.experimental import pallas as pl
from jax.experimental.pallas import tpu as pltpu
from jax.experimental.pallas import tpu_sc as plsc

N = 10000
E = 320000
D = 128
H = 128
B = 64

NC, NS = 2, 16
NW = NC * NS
EPW = E // NW
ECHUNK = 50
NECHUNK = EPW // ECHUNK
NPH = 5
CPP = NECHUNK // NPH
RING = 4
RCHUNK = 40
NRCHUNK = N // RCHUNK
RCPT = -(-NRCHUNK // NS)


def _sc_mesh():
    return plsc.VectorSubcoreMesh(core_axis_name="c", subcore_axis_name="s")


def _deg_body(dst_hbm, out_hbm, di_v, ones_v, zb_v, hist_sh):
    c = lax.axis_index("c")
    s = lax.axis_index("s")
    w = c * NS + s

    def fill(i, _):
        ones_v[i, :] = jnp.ones((16,), jnp.float32)
        return 0

    lax.fori_loop(0, ECHUNK, fill, 0)

    def zfill(i, _):
        zb_v[i, :] = jnp.zeros((16,), jnp.float32)
        return 0

    lax.fori_loop(0, RCHUNK, zfill, 0)
    pltpu.sync_copy(dst_hbm.at[w], di_v)

    def zstep(j, _):
        rc = s + NS * j

        @pl.when(rc < NRCHUNK)
        def _():
            pltpu.sync_copy(zb_v, hist_sh.at[pl.ds(rc * RCHUNK, RCHUNK)])
        return 0

    lax.fori_loop(0, RCPT, zstep, 0)
    plsc.subcore_barrier()

    def step(t, _):
        pltpu.sync_copy(ones_v, hist_sh.at[di_v.at[t]], add=True)
        return 0

    lax.fori_loop(0, NECHUNK, step, 0)
    plsc.subcore_barrier()

    def wstep(j, _):
        rc = s + NS * j

        @pl.when(rc < NRCHUNK)
        def _():
            pltpu.sync_copy(hist_sh.at[pl.ds(rc * RCHUNK, RCHUNK)],
                            out_hbm.at[c, pl.ds(rc * RCHUNK, RCHUNK)])
        return 0

    lax.fori_loop(0, RCPT, wstep, 0)


def _deg(dst3d):
    f = pl.kernel(
        _deg_body,
        out_type=jax.ShapeDtypeStruct((NC, N, 16), jnp.float32),
        mesh=_sc_mesh(),
        scratch_types=[
            pltpu.VMEM((NECHUNK, ECHUNK), jnp.int32),
            pltpu.VMEM((ECHUNK, 16), jnp.float32),
            pltpu.VMEM((RCHUNK, 16), jnp.float32),
            pltpu.VMEM_SHARED((N, 16), jnp.float32),
        ],
    )
    return f(dst3d)


def _agg_body(src_hbm, dst_hbm, y_hbm, out_hbm, si_v, di_v, rows,
              acc_sh, gsems):
    c = lax.axis_index("c")
    s = lax.axis_index("s")
    w = c * NS + s

    def zfill(i, _):
        for k in range(H // 16):
            rows[0][i, pl.ds(k * 16, 16)] = jnp.zeros((16,), jnp.float32)
        return 0

    lax.fori_loop(0, RCHUNK, zfill, 0)

    def zstep(j, _):
        rc = s + NS * j

        @pl.when(rc < NRCHUNK)
        def _():
            pltpu.sync_copy(rows[0].at[pl.ds(0, RCHUNK)],
                            acc_sh.at[pl.ds(rc * RCHUNK, RCHUNK)])
        return 0

    lax.fori_loop(0, RCPT, zstep, 0)
    plsc.subcore_barrier()

    for p in range(NPH):
        pltpu.sync_copy(src_hbm.at[w, p], si_v)
        pltpu.sync_copy(dst_hbm.at[w, p], di_v)
        for k in range(RING):
            pltpu.async_copy(y_hbm.at[si_v.at[k]], rows[k], gsems[k])

        def step(t, _):
            j0 = RING * t
            for k in range(RING):
                pltpu.make_async_copy(y_hbm.at[si_v.at[j0 + k]], rows[k],
                                      gsems[k]).wait()
                pltpu.sync_copy(rows[k], acc_sh.at[di_v.at[j0 + k]], add=True)

                @pl.when(t < CPP // RING - 1)
                def _():
                    pltpu.async_copy(y_hbm.at[si_v.at[j0 + RING + k]],
                                     rows[k], gsems[k])
            return 0

        lax.fori_loop(0, CPP // RING, step, 0)
    plsc.subcore_barrier()

    def wstep(j, _):
        rc = s + NS * j

        @pl.when(rc < NRCHUNK)
        def _():
            pltpu.sync_copy(acc_sh.at[pl.ds(rc * RCHUNK, RCHUNK)],
                            out_hbm.at[c, pl.ds(rc * RCHUNK, RCHUNK)])
        return 0

    lax.fori_loop(0, RCPT, wstep, 0)


def _agg_body_flat(src_hbm, dst_hbm, y_hbm, out_hbm, si_v, di_v,
                   r0, r1, r2, r3, acc_sh, g0, g1, g2, g3):
    return _agg_body(src_hbm, dst_hbm, y_hbm, out_hbm, si_v, di_v,
                     [r0, r1, r2, r3], acc_sh, [g0, g1, g2, g3])


def _agg(src3d, dst3d, y):
    f = pl.kernel(
        _agg_body_flat,
        out_type=jax.ShapeDtypeStruct((NC, N, H), jnp.float32),
        mesh=_sc_mesh(),
        scratch_types=(
            [pltpu.VMEM((CPP, ECHUNK), jnp.int32)] * 2
            + [pltpu.VMEM((ECHUNK, H), jnp.float32)] * RING
            + [pltpu.VMEM_SHARED((N, H), jnp.float32)]
            + [pltpu.SemaphoreType.DMA] * RING
        ),
    )
    return f(src3d, dst3d, y)


R = 1000
GRID = N // R


def _dinv(hp):
    deg = hp[0, :, 0] + hp[1, :, 0] + 1.0
    return lax.rsqrt(deg)


def _mm_body(x_ref, w_ref, y_ref):
    y_ref[...] = jnp.dot(x_ref[...], w_ref[...],
                         preferred_element_type=jnp.float32)


def _mm(x, w):
    return pl.pallas_call(
        _mm_body,
        grid=(GRID,),
        in_specs=[
            pl.BlockSpec((R, D), lambda i: (i, 0)),
            pl.BlockSpec((D, H), lambda i: (0, 0)),
        ],
        out_specs=pl.BlockSpec((R, H), lambda i: (i, 0)),
        out_shape=jax.ShapeDtypeStruct((N, H), jnp.float32),
    )(x, w)


def _scale_body(hp_ref, xw_ref, y_ref):
    dinv = _dinv(hp_ref[...])
    y_ref[...] = dinv[:, None] * xw_ref[...]


def _scale(hp, xw):
    return pl.pallas_call(
        _scale_body,
        grid=(GRID,),
        in_specs=[
            pl.BlockSpec((NC, R, 16), lambda i: (0, i, 0)),
            pl.BlockSpec((R, H), lambda i: (i, 0)),
        ],
        out_specs=pl.BlockSpec((R, H), lambda i: (i, 0)),
        out_shape=jax.ShapeDtypeStruct((N, H), jnp.float32),
    )(hp, xw)


def _layer_body(hp_ref, ap_ref, y_ref, w_ref, b_ref, o_ref):
    dinv = _dinv(hp_ref[...])
    aa = ap_ref[...]
    a = aa[0] + aa[1] + y_ref[...]
    h = jnp.maximum(dinv[:, None] * a + b_ref[...], 0.0)
    o_ref[...] = dinv[:, None] * jnp.dot(h, w_ref[...],
                                         preferred_element_type=jnp.float32)


def _layer(hp, ap, y, w, b):
    return pl.pallas_call(
        _layer_body,
        grid=(GRID,),
        in_specs=[
            pl.BlockSpec((NC, R, 16), lambda i: (0, i, 0)),
            pl.BlockSpec((NC, R, H), lambda i: (0, i, 0)),
            pl.BlockSpec((R, H), lambda i: (i, 0)),
            pl.BlockSpec((H, H), lambda i: (0, 0)),
            pl.BlockSpec((1, H), lambda i: (0, 0)),
        ],
        out_specs=pl.BlockSpec((R, H), lambda i: (i, 0)),
        out_shape=jax.ShapeDtypeStruct((N, H), jnp.float32),
    )(hp, ap, y, w, b)


def _final_body(hp_ref, ap_ref, y_ref, b2_ref, batch_ref, l1w_ref, l1b_ref,
                l2w_ref, l2b_ref, o_ref, pooled_acc, cnt_acc):
    i = pl.program_id(0)
    dinv = _dinv(hp_ref[...])
    aa = ap_ref[...]
    a = aa[0] + aa[1] + y_ref[...]
    h = jnp.maximum(dinv[:, None] * a + b2_ref[...], 0.0)

    bid = batch_ref[...]
    lanes = lax.broadcasted_iota(jnp.int32, (R, B), 1)
    m = jnp.where(bid == lanes, 1.0, 0.0)
    p = lax.dot_general(m, h, (((0,), (0,)), ((), ())),
                        preferred_element_type=jnp.float32)
    cn = lax.dot_general(m, jnp.ones_like(h), (((0,), (0,)), ((), ())),
                         preferred_element_type=jnp.float32)

    @pl.when(i == 0)
    def _():
        pooled_acc[...] = jnp.zeros_like(pooled_acc)
        cnt_acc[...] = jnp.zeros_like(cnt_acc)

    pooled_acc[...] += p
    cnt_acc[...] += cn

    @pl.when(i == GRID - 1)
    def _():
        mean = pooled_acc[...] / jnp.maximum(cnt_acc[...], 1.0)
        z = jnp.maximum(jnp.dot(mean, l1w_ref[...],
                                preferred_element_type=jnp.float32)
                        + l1b_ref[...], 0.0)
        o_ref[...] = (jnp.dot(z, l2w_ref[...],
                              preferred_element_type=jnp.float32)
                      + l2b_ref[...])


def _final(hp, ap, y, b2, batch2d, l1w, l1b, l2w, l2b):
    return pl.pallas_call(
        _final_body,
        grid=(GRID,),
        in_specs=[
            pl.BlockSpec((NC, R, 16), lambda i: (0, i, 0)),
            pl.BlockSpec((NC, R, H), lambda i: (0, i, 0)),
            pl.BlockSpec((R, H), lambda i: (i, 0)),
            pl.BlockSpec((1, H), lambda i: (0, 0)),
            pl.BlockSpec((R, 1), lambda i: (i, 0)),
            pl.BlockSpec((H, B), lambda i: (0, 0)),
            pl.BlockSpec((1, B), lambda i: (0, 0)),
            pl.BlockSpec((B, 1), lambda i: (0, 0)),
            pl.BlockSpec((1, 1), lambda i: (0, 0)),
        ],
        out_specs=pl.BlockSpec((B, 1), lambda i: (0, 0)),
        out_shape=jax.ShapeDtypeStruct((B, 1), jnp.float32),
        scratch_shapes=[
            pltpu.VMEM((B, H), jnp.float32),
            pltpu.VMEM((B, H), jnp.float32),
        ],
        compiler_params=pltpu.CompilerParams(
            dimension_semantics=("arbitrary",)),
    )(hp, ap, y, b2, batch2d, l1w, l1b, l2w, l2b)


def kernel(x, edge_index, batch, W1, b1, W2, b2, l1W, l1b, l2W, l2b):
    src = edge_index[0].astype(jnp.int32).reshape(NW, NPH, CPP, ECHUNK)
    dst = edge_index[1].astype(jnp.int32).reshape(NW, NPH, CPP, ECHUNK)
    xw1 = _mm(x, W1)
    hp = _deg(dst.reshape(NW, NECHUNK, ECHUNK))
    y1 = _scale(hp, xw1)
    ap1 = _agg(src, dst, y1)
    y2 = _layer(hp, ap1, y1, W2, b1.reshape(1, H))
    ap2 = _agg(src, dst, y2)
    out = _final(hp, ap2, y2, b2.reshape(1, H), batch.astype(jnp.int32).reshape(N, 1),
                 l1W, l1b.reshape(1, B), l2W, l2b.reshape(1, 1))
    return out[:, 0]

# --- scband reference (transcript-rebuilt; emitter-appended) ---
"""Pipeline reference for scband-gnnanomaly-detector-18983755448853 (READ-ONLY COPY).

The authoritative reference and input builder live on the scoring server;
editing this copy changes nothing except your own understanding.
"""

import jax, jax.numpy as jnp
import numpy as np

N = 10000
E = 320000
D = 128
H = 128
B = 64


def setup_inputs(seed: int = 0) -> dict:
    key = jax.random.key(seed)
    ks = jax.random.split(key, 12)
    x = jax.random.normal(ks[0], (N, D), dtype=jnp.float32)
    edge_index = jax.random.randint(ks[1], (2, E), 0, N)
    batch = jnp.sort(jax.random.randint(ks[2], (N,), 0, B))
    W1 = jax.random.normal(ks[3], (D, H), dtype=jnp.float32) * (1.0 / np.sqrt(D))
    b1 = jnp.zeros((H,), dtype=jnp.float32)
    W2 = jax.random.normal(ks[4], (H, H), dtype=jnp.float32) * (1.0 / np.sqrt(H))
    b2 = jnp.zeros((H,), dtype=jnp.float32)
    l1W = jax.random.normal(ks[5], (H, H // 2), dtype=jnp.float32) * (1.0 / np.sqrt(H))
    l1b = jnp.zeros((H // 2,), dtype=jnp.float32)
    l2W = jax.random.normal(ks[6], (H // 2, 1), dtype=jnp.float32) * (1.0 / np.sqrt(H // 2))
    l2b = jnp.zeros((1,), dtype=jnp.float32)
    return {"x": x, "edge_index": edge_index, "batch": batch,
            "W1": W1, "b1": b1, "W2": W2, "b2": b2,
            "l1W": l1W, "l1b": l1b, "l2W": l2W, "l2b": l2b}


def _gcn_conv(x, edge_index, W, b):
    # GCNConv: x' = D^{-1/2} (A + I) D^{-1/2} (X W) + b
    n = x.shape[0]
    loop = jnp.arange(n, dtype=edge_index.dtype)
    src = jnp.concatenate([edge_index[0], loop])
    dst = jnp.concatenate([edge_index[1], loop])
    deg = jnp.zeros((n,), dtype=x.dtype).at[dst].add(1.0)
    dinv = jnp.where(deg > 0, 1.0 / jnp.sqrt(deg), 0.0)
    norm = dinv[src] * dinv[dst]
    xw = x @ W
    msg = jnp.take(xw, src, axis=0) * norm[:, None]
    out = jnp.zeros((n, W.shape[1]), dtype=x.dtype).at[dst].add(msg)
    return out + b


def reference(x, edge_index, batch, W1, b1, W2, b2, l1W, l1b, l2W, l2b):
    h = jax.nn.relu(_gcn_conv(x, edge_index, W1, b1))
    # dropout is identity in eval mode
    h = jax.nn.relu(_gcn_conv(h, edge_index, W2, b2))
    # global_mean_pool over graph ids
    s = jax.ops.segment_sum(h, batch, num_segments=B)
    cnt = jax.ops.segment_sum(jnp.ones((h.shape[0], 1), dtype=h.dtype), batch, num_segments=B)
    pooled = s / jnp.maximum(cnt, 1.0)
    z = jax.nn.relu(pooled @ l1W + l1b)
    out = z @ l2W + l2b
    return out.squeeze(-1)

if __name__ == "__main__":
    import jax
    _d = setup_inputs()
    print(jax.jit(kernel)(*tuple(_d.values())))

</pallas_src>

<mosaic_0001>
#map = affine_map<(d0, d1) -> (0, 0, 0)>
module attributes {stable_mosaic.version = 14 : i64} {
  func.func @_deg_body(%arg0: i32, %arg1: i32, %arg2: memref<32x200x50xi32, #tpu.memory_space<hbm>>, %arg3: memref<2x10000x16xf32, #tpu.memory_space<hbm>>, %arg4: memref<200x50xi32, #tpu.memory_space<vmem>>, %arg5: memref<50x16xf32, #tpu.memory_space<vmem>>, %arg6: memref<40x16xf32, #tpu.memory_space<vmem>>, %arg7: memref<10000x16xf32, #tpu.memory_space<vmem_shared>>) attributes {dimension_semantics = [#tpu.dimension_semantics<core_parallel>, #tpu.dimension_semantics<subcore_parallel>], iteration_bounds = array<i64: 2, 16>, scalar_prefetch = 0 : i64, scratch_operands = 4 : i64, tpu.core_type = #tpu.core_type<sc_vector_subcore>, window_params = [{transform_indices = #map}, {transform_indices = #map}]} {
    %mul3A = arith.constant 16 : i32
    %mul3A_0 = arith.muli %arg0, %mul3A : i32
    %add3A = arith.addi %mul3A_0, %arg1 : i32
    %scan3A = arith.constant 0 : i32
    %scan3A_1 = arith.constant 0 : i32
    %scan3A_2 = arith.constant 50 : i32
    %scan3A_3 = arith.addi %scan3A_1, %scan3A_2 : i32
    %scan3A_4 = arith.constant 1 : i32
    %scan3A_5 = scf.for %scan3A_36 = %scan3A_1 to %scan3A_3 step %scan3A_4 iter_args(%scan3A_37 = %scan3A) -> (i32)  : i32 {
      %broadcast_in_dim3A = arith.constant 1.000000e+00 : f32
      %broadcast_in_dim3A_38 = vector.broadcast %broadcast_in_dim3A : f32 to vector<16xf32>
      %swap3A = arith.index_cast %scan3A_36 : i32 to index
      %swap3A_39 = arith.constant 0 : index
      %swap3A_40 = tpu.vector_load %arg5[%swap3A, %swap3A_39] {strides = array<i32>} : memref<50x16xf32, #tpu.memory_space<vmem>>, vector<1x16xf32>,
      %swap3A_41 = vector.shape_cast %swap3A_40 : vector<1x16xf32> to vector<16xf32>
      %swap3A_42 = vector.shape_cast %broadcast_in_dim3A_38 : vector<16xf32> to vector<1x16xf32>
      tpu.vector_store %arg5[%swap3A, %swap3A_39], %swap3A_42 {strides = array<i32>} : memref<50x16xf32, #tpu.memory_space<vmem>>, vector<1x16xf32>,
      %scan3A_43 = arith.constant 0 : i32
      scf.yield %scan3A_43 : i32
    }
    %scan3A_6 = arith.constant 50 : i32
    %scan3A_7 = arith.constant 0 : i32
    %scan3A_8 = arith.constant 0 : i32
    %scan3A_9 = arith.constant 40 : i32
    %scan3A_10 = arith.addi %scan3A_8, %scan3A_9 : i32
    %scan3A_11 = arith.constant 1 : i32
    %scan3A_12 = scf.for %scan3A_36 = %scan3A_8 to %scan3A_10 step %scan3A_11 iter_args(%scan3A_37 = %scan3A_7) -> (i32)  : i32 {
      %broadcast_in_dim3A = arith.constant 0.000000e+00 : f32
      %broadcast_in_dim3A_38 = vector.broadcast %broadcast_in_dim3A : f32 to vector<16xf32>
      %swap3A = arith.index_cast %scan3A_36 : i32 to index
      %swap3A_39 = arith.constant 0 : index
      %swap3A_40 = tpu.vector_load %arg6[%swap3A, %swap3A_39] {strides = array<i32>} : memref<40x16xf32, #tpu.memory_space<vmem>>, vector<1x16xf32>,
      %swap3A_41 = vector.shape_cast %swap3A_40 : vector<1x16xf32> to vector<16xf32>
      %swap3A_42 = vector.shape_cast %broadcast_in_dim3A_38 : vector<16xf32> to vector<1x16xf32>
      tpu.vector_store %arg6[%swap3A, %swap3A_39], %swap3A_42 {strides = array<i32>} : memref<40x16xf32, #tpu.memory_space<vmem>>, vector<1x16xf32>,
      %scan3A_43 = arith.constant 0 : i32
      scf.yield %scan3A_43 : i32
    }
    %scan3A_13 = arith.constant 40 : i32
    "tpu.region"() ({
      %run_scoped3A = tpu.sem_alloc : memref<!tpu.dma_semaphore, #tpu.memory_space<semaphore_mem>>
      %dma_start3A = arith.constant 0 : i32
      %dma_start3A_36 = arith.constant 0 : i32
      %dma_start3A_37 = tpu.memref_slice %arg2[%add3A, %dma_start3A, %dma_start3A_36] : memref<32x200x50xi32, #tpu.memory_space<hbm>> -> memref<1x200x50xi32, #tpu.memory_space<hbm>>
      %dma_start3A_38 = tpu.memref_squeeze %dma_start3A_37 : memref<1x200x50xi32, #tpu.memory_space<hbm>> -> memref<200x50xi32, #tpu.memory_space<hbm>>
      %dma_start3A_39 = arith.constant 0 : i32
      %dma_start3A_40 = arith.constant 0 : i32
      %dma_start3A_41 = tpu.memref_slice %arg2[%add3A, %dma_start3A_39, %dma_start3A_40] : memref<32x200x50xi32, #tpu.memory_space<hbm>> -> memref<1x200x50xi32, #tpu.memory_space<hbm>>
      %dma_start3A_42 = tpu.memref_squeeze %dma_start3A_41 : memref<1x200x50xi32, #tpu.memory_space<hbm>> -> memref<200x50xi32, #tpu.memory_space<hbm>>
      tpu.enqueue_dma source(%dma_start3A_42 : memref<200x50xi32, #tpu.memory_space<hbm>>) target(%arg4 : memref<200x50xi32, #tpu.memory_space<vmem>>) target_semaphore(%run_scoped3A : memref<!tpu.dma_semaphore, #tpu.memory_space<semaphore_mem>>)
      %dma_wait3A = arith.constant 0 : i32
      %dma_wait3A_43 = arith.constant 0 : i32
      %dma_wait3A_44 = tpu.memref_slice %arg2[%add3A, %dma_wait3A, %dma_wait3A_43] : memref<32x200x50xi32, #tpu.memory_space<hbm>> -> memref<1x200x50xi32, #tpu.memory_space<hbm>>
      %dma_wait3A_45 = tpu.memref_squeeze %dma_wait3A_44 : memref<1x200x50xi32, #tpu.memory_space<hbm>> -> memref<200x50xi32, #tpu.memory_space<hbm>>
      %dma_wait3A_46 = arith.constant 0 : i32
      %dma_wait3A_47 = arith.constant 0 : i32
      %dma_wait3A_48 = tpu.memref_slice %arg2[%add3A, %dma_wait3A_46, %dma_wait3A_47] : memref<32x200x50xi32, #tpu.memory_space<hbm>> -> memref<1x200x50xi32, #tpu.memory_space<hbm>>
      %dma_wait3A_49 = tpu.memref_squeeze %dma_wait3A_48 : memref<1x200x50xi32, #tpu.memory_space<hbm>> -> memref<200x50xi32, #tpu.memory_space<hbm>>
      tpu.wait_dma2 semaphore(%run_scoped3A : memref<!tpu.dma_semaphore, #tpu.memory_space<semaphore_mem>>) src(%dma_wait3A_49 : memref<200x50xi32, #tpu.memory_space<hbm>>) dst(%arg4 : memref<200x50xi32, #tpu.memory_space<vmem>>)
      tpu.yield
    }) : () -> ()
    %scan3A_14 = arith.constant 0 : i32
    %scan3A_15 = arith.constant 0 : i32
    %scan3A_16 = arith.constant 16 : i32
    %scan3A_17 = arith.addi %scan3A_15, %scan3A_16 : i32
    %scan3A_18 = arith.constant 1 : i32
    %scan3A_19 = scf.for %scan3A_36 = %scan3A_15 to %scan3A_17 step %scan3A_18 iter_args(%scan3A_37 = %scan3A_14) -> (i32)  : i32 {
      %mul3A_38 = arith.constant 16 : i32
      %mul3A_39 = arith.muli %mul3A_38, %scan3A_36 : i32
      %add3A_40 = arith.addi %arg1, %mul3A_39 : i32
      %lt3A = arith.constant 250 : i32
      %lt3A_41 = arith.cmpi slt, %add3A_40, %lt3A : i32
      %convert_element_type3A = arith.extui %lt3A_41 : i1 to i32
      %cond3A = arith.constant 0 : i32
      %cond3A_42 = arith.cmpi ne, %convert_element_type3A, %cond3A : i32
      scf.if %cond3A_42 {
        %mul3A_44 = arith.constant 40 : i32
        %mul3A_45 = arith.muli %add3A_40, %mul3A_44 : i32
        "tpu.region"() ({
          %run_scoped3A = tpu.sem_alloc : memref<!tpu.dma_semaphore, #tpu.memory_space<semaphore_mem>>
          %dma_start3A = arith.constant 0 : i32
          %dma_start3A_46 = tpu.memref_slice %arg7[%mul3A_45, %dma_start3A] : memref<10000x16xf32, #tpu.memory_space<vmem_shared>> -> memref<40x16xf32, #tpu.memory_space<vmem_shared>>
          %dma_start3A_47 = arith.constant 0 : i32
          %dma_start3A_48 = tpu.memref_slice %arg7[%mul3A_45, %dma_start3A_47] : memref<10000x16xf32, #tpu.memory_space<vmem_shared>> -> memref<40x16xf32, #tpu.memory_space<vmem_shared>>
          tpu.enqueue_dma source(%arg6 : memref<40x16xf32, #tpu.memory_space<vmem>>) target(%dma_start3A_48 : memref<40x16xf32, #tpu.memory_space<vmem_shared>>) target_semaphore(%run_scoped3A : memref<!tpu.dma_semaphore, #tpu.memory_space<semaphore_mem>>)
          %dma_wait3A = arith.constant 0 : i32
          %dma_wait3A_49 = tpu.memref_slice %arg7[%mul3A_45, %dma_wait3A] : memref<10000x16xf32, #tpu.memory_space<vmem_shared>> -> memref<40x16xf32, #tpu.memory_space<vmem_shared>>
          %dma_wait3A_50 = arith.constant 0 : i32
          %dma_wait3A_51 = tpu.memref_slice %arg7[%mul3A_45, %dma_wait3A_50] : memref<10000x16xf32, #tpu.memory_space<vmem_shared>> -> memref<40x16xf32, #tpu.memory_space<vmem_shared>>
          tpu.wait_dma2 semaphore(%run_scoped3A : memref<!tpu.dma_semaphore, #tpu.memory_space<semaphore_mem>>) src(%arg6 : memref<40x16xf32, #tpu.memory_space<vmem>>) dst(%dma_wait3A_51 : memref<40x16xf32, #tpu.memory_space<vmem_shared>>)
          tpu.yield
        }) : () -> ()
      } else {
      }
      %scan3A_43 = arith.constant 0 : i32
      scf.yield %scan3A_43 : i32
    }
    %scan3A_20 = arith.constant 16 : i32
    %barrier3A = arith.constant 0 : index
    tpu.barrier barrier_id(%barrier3A)
    %scan3A_21 = arith.constant 0 : i32
    %scan3A_22 = arith.constant 0 : i32
    %scan3A_23 = arith.constant 200 : i32
    %scan3A_24 = arith.addi %scan3A_22, %scan3A_23 : i32
    %scan3A_25 = arith.constant 1 : i32
    %scan3A_26 = scf.for %scan3A_36 = %scan3A_22 to %scan3A_24 step %scan3A_25 iter_args(%scan3A_37 = %scan3A_21) -> (i32)  : i32 {
      "tpu.region"() ({
        %run_scoped3A = tpu.sem_alloc : memref<!tpu.dma_semaphore, #tpu.memory_space<semaphore_mem>>
        %dma_start3A = arith.constant 0 : i32
        %dma_start3A_39 = tpu.memref_slice %arg4[%scan3A_36, %dma_start3A] : memref<200x50xi32, #tpu.memory_space<vmem>> -> memref<1x50xi32, #tpu.memory_space<vmem>>
        %dma_start3A_40 = tpu.memref_squeeze %dma_start3A_39 : memref<1x50xi32, #tpu.memory_space<vmem>> -> memref<50xi32, #tpu.memory_space<vmem>>
        %dma_start3A_41 = arith.constant 0 : i32
        %dma_start3A_42 = arith.constant 0 : i32
        %dma_start3A_43 = tpu.memref_slice %arg7[%dma_start3A_41, %dma_start3A_42] : memref<10000x16xf32, #tpu.memory_space<vmem_shared>> -> memref<10000x16xf32, #tpu.memory_space<vmem_shared>>
        tpu.enqueue_indirect_dma source(%arg5 : memref<50x16xf32, #tpu.memory_space<vmem>>) target(%dma_start3A_43 : memref<10000x16xf32, #tpu.memory_space<vmem_shared>>) offsets(%dma_start3A_40 : memref<50xi32, #tpu.memory_space<vmem>>) semaphore(%run_scoped3A : memref<!tpu.dma_semaphore, #tpu.memory_space<semaphore_mem>>) {add = true}
        %dma_wait3A = arith.constant 0 : i32
        %dma_wait3A_44 = tpu.memref_slice %arg4[%scan3A_36, %dma_wait3A] : memref<200x50xi32, #tpu.memory_space<vmem>> -> memref<1x50xi32, #tpu.memory_space<vmem>>
        %dma_wait3A_45 = tpu.memref_squeeze %dma_wait3A_44 : memref<1x50xi32, #tpu.memory_space<vmem>> -> memref<50xi32, #tpu.memory_space<vmem>>
        %dma_wait3A_46 = arith.constant 0 : i32
        %dma_wait3A_47 = arith.constant 0 : i32
        %dma_wait3A_48 = tpu.memref_slice %arg7[%dma_wait3A_46, %dma_wait3A_47] : memref<10000x16xf32, #tpu.memory_space<vmem_shared>> -> memref<10000x16xf32, #tpu.memory_space<vmem_shared>>
        tpu.wait_indirect_dma semaphore(%run_scoped3A : memref<!tpu.dma_semaphore, #tpu.memory_space<semaphore_mem>>) src(%arg5 : memref<50x16xf32, #tpu.memory_space<vmem>>) dst(%dma_wait3A_48 : memref<10000x16xf32, #tpu.memory_space<vmem_shared>>)
        tpu.yield
      }) : () -> ()
      %scan3A_38 = arith.constant 0 : i32
      scf.yield %scan3A_38 : i32
    }
    %scan3A_27 = arith.constant 200 : i32
    %barrier3A_28 = arith.constant 0 : index
    tpu.barrier barrier_id(%barrier3A_28)
    %scan3A_29 = arith.constant 0 : i32
    %scan3A_30 = arith.constant 0 : i32
    %scan3A_31 = arith.constant 16 : i32
    %scan3A_32 = arith.addi %scan3A_30, %scan3A_31 : i32
    %scan3A_33 = arith.constant 1 : i32
    %scan3A_34 = scf.for %scan3A_36 = %scan3A_30 to %scan3A_32 step %scan3A_33 iter_args(%scan3A_37 = %scan3A_29) -> (i32)  : i32 {
      %mul3A_38 = arith.constant 16 : i32
      %mul3A_39 = arith.muli %mul3A_38, %scan3A_36 : i32
      %add3A_40 = arith.addi %arg1, %mul3A_39 : i32
      %lt3A = arith.constant 250 : i32
      %lt3A_41 = arith.cmpi slt, %add3A_40, %lt3A : i32
      %convert_element_type3A = arith.extui %lt3A_41 : i1 to i32
      %cond3A = arith.constant 0 : i32
      %cond3A_42 = arith.cmpi ne, %convert_element_type3A, %cond3A : i32
      scf.if %cond3A_42 {
        %mul3A_44 = arith.constant 40 : i32
        %mul3A_45 = arith.muli %add3A_40, %mul3A_44 : i32
        %mul3A_46 = arith.constant 40 : i32
        %mul3A_47 = arith.muli %add3A_40, %mul3A_46 : i32
        "tpu.region"() ({
          %run_scoped3A = tpu.sem_alloc : memref<!tpu.dma_semaphore, #tpu.memory_space<semaphore_mem>>
          %dma_start3A = arith.constant 0 : i32
          %dma_start3A_48 = tpu.memref_slice %arg3[%arg0, %mul3A_47, %dma_start3A] : memref<2x10000x16xf32, #tpu.memory_space<hbm>> -> memref<1x40x16xf32, #tpu.memory_space<hbm>>
          %dma_start3A_49 = tpu.memref_squeeze %dma_start3A_48 : memref<1x40x16xf32, #tpu.memory_space<hbm>> -> memref<40x16xf32, #tpu.memory_space<hbm>>
          %dma_start3A_50 = arith.constant 0 : i32
          %dma_start3A_51 = tpu.memref_slice %arg7[%mul3A_45, %dma_start3A_50] : memref<10000x16xf32, #tpu.memory_space<vmem_shared>> -> memref<40x16xf32, #tpu.memory_space<vmem_shared>>
          tpu.enqueue_dma source(%dma_start3A_51 : memref<40x16xf32, #tpu.memory_space<vmem_shared>>) target(%dma_start3A_49 : memref<40x16xf32, #tpu.memory_space<hbm>>) target_semaphore(%run_scoped3A : memref<!tpu.dma_semaphore, #tpu.memory_space<semaphore_mem>>)
          %dma_wait3A = arith.constant 0 : i32
          %dma_wait3A_52 = tpu.memref_slice %arg3[%arg0, %mul3A_47, %dma_wait3A] : memref<2x10000x16xf32, #tpu.memory_space<hbm>> -> memref<1x40x16xf32, #tpu.memory_space<hbm>>
          %dma_wait3A_53 = tpu.memref_squeeze %dma_wait3A_52 : memref<1x40x16xf32, #tpu.memory_space<hbm>> -> memref<40x16xf32, #tpu.memory_space<hbm>>
          %dma_wait3A_54 = arith.constant 0 : i32
          %dma_wait3A_55 = tpu.memref_slice %arg7[%mul3A_45, %dma_wait3A_54] : memref<10000x16xf32, #tpu.memory_space<vmem_shared>> -> memref<40x16xf32, #tpu.memory_space<vmem_shared>>
          tpu.wait_dma2 semaphore(%run_scoped3A : memref<!tpu.dma_semaphore, #tpu.memory_space<semaphore_mem>>) src(%dma_wait3A_55 : memref<40x16xf32, #tpu.memory_space<vmem_shared>>) dst(%dma_wait3A_53 : memref<40x16xf32, #tpu.memory_space<hbm>>)
          tpu.yield
        }) : () -> ()
      } else {
      }
      %scan3A_43 = arith.constant 0 : i32
      scf.yield %scan3A_43 : i32
    }
    %scan3A_35 = arith.constant 16 : i32
    return
  }
}

#map = affine_map<(d0, d1) -> (0, 0, 0, 0)>
#map1 = affine_map<(d0, d1) -> (0, 0)>
#map2 = affine_map<(d0, d1) -> (0, 0, 0)>
module attributes {stable_mosaic.version = 14 : i64} {
  func.func @_agg_body_flat(%arg0: i32, %arg1: i32, %arg2: memref<32x5x40x50xi32, #tpu.memory_space<hbm>>, %arg3: memref<32x5x40x50xi32, #tpu.memory_space<hbm>>, %arg4: memref<10000x128xf32, #tpu.memory_space<hbm>>, %arg5: memref<2x10000x128xf32, #tpu.memory_space<hbm>>, %arg6: memref<40x50xi32, #tpu.memory_space<vmem>>, %arg7: memref<40x50xi32, #tpu.memory_space<vmem>>, %arg8: memref<50x128xf32, #tpu.memory_space<vmem>>, %arg9: memref<50x128xf32, #tpu.memory_space<vmem>>, %arg10: memref<50x128xf32, #tpu.memory_space<vmem>>, %arg11: memref<50x128xf32, #tpu.memory_space<vmem>>, %arg12: memref<10000x128xf32, #tpu.memory_space<vmem_shared>>, %arg13: memref<!tpu.dma_semaphore, #tpu.memory_space<semaphore_mem>>, %arg14: memref<!tpu.dma_semaphore, #tpu.memory_space<semaphore_mem>>, %arg15: memref<!tpu.dma_semaphore, #tpu.memory_space<semaphore_mem>>, %arg16: memref<!tpu.dma_semaphore, #tpu.memory_space<semaphore_mem>>) attributes {dimension_semantics = [#tpu.dimension_semantics<core_parallel>, #tpu.dimension_semantics<subcore_parallel>], iteration_bounds = array<i64: 2, 16>, scalar_prefetch = 0 : i64, scratch_operands = 11 : i64, tpu.core_type = #tpu.core_type<sc_vector_subcore>, window_params = [{transform_indices = #map}, {transform_indices = #map}, {transform_indices = #map1}, {transform_indices = #map2}]} {
    %mul3A = arith.constant 16 : i32
    %mul3A_0 = arith.muli %arg0, %mul3A : i32
    %add3A = arith.addi %mul3A_0, %arg1 : i32
    %scan3A = arith.constant 0 : i32
    %scan3A_1 = arith.constant 0 : i32
    %scan3A_2 = arith.constant 40 : i32
    %scan3A_3 = arith.addi %scan3A_1, %scan3A_2 : i32
    %scan3A_4 = arith.constant 1 : i32
    %scan3A_5 = scf.for %scan3A_205 = %scan3A_1 to %scan3A_3 step %scan3A_4 iter_args(%scan3A_206 = %scan3A) -> (i32)  : i32 {
      %broadcast_in_dim3A = arith.constant 0.000000e+00 : f32
      %broadcast_in_dim3A_207 = vector.broadcast %broadcast_in_dim3A : f32 to vector<16xf32>
      %swap3A = arith.index_cast %scan3A_205 : i32 to index
      %swap3A_208 = arith.constant 0 : index
      %swap3A_209 = tpu.vector_load %arg8[%swap3A, %swap3A_208] {strides = array<i32>} : memref<50x128xf32, #tpu.memory_space<vmem>>, vector<1x16xf32>,
      %swap3A_210 = vector.shape_cast %swap3A_209 : vector<1x16xf32> to vector<16xf32>
      %swap3A_211 = vector.shape_cast %broadcast_in_dim3A_207 : vector<16xf32> to vector<1x16xf32>
      tpu.vector_store %arg8[%swap3A, %swap3A_208], %swap3A_211 {strides = array<i32>} : memref<50x128xf32, #tpu.memory_space<vmem>>, vector<1x16xf32>,
      %broadcast_in_dim3A_212 = arith.constant 0.000000e+00 : f32
      %broadcast_in_dim3A_213 = vector.broadcast %broadcast_in_dim3A_212 : f32 to vector<16xf32>
      %swap3A_214 = arith.index_cast %scan3A_205 : i32 to index
      %swap3A_215 = arith.constant 16 : index
      %swap3A_216 = tpu.vector_load %arg8[%swap3A_214, %swap3A_215] {strides = array<i32>} : memref<50x128xf32, #tpu.memory_space<vmem>>, vector<1x16xf32>,
      %swap3A_217 = vector.shape_cast %swap3A_216 : vector<1x16xf32> to vector<16xf32>
      %swap3A_218 = vector.shape_cast %broadcast_in_dim3A_213 : vector<16xf32> to vector<1x16xf32>
      tpu.vector_store %arg8[%swap3A_214, %swap3A_215], %swap3A_218 {strides = array<i32>} : memref<50x128xf32, #tpu.memory_space<vmem>>, vector<1x16xf32>,
      %broadcast_in_dim3A_219 = arith.constant 0.000000e+00 : f32
      %broadcast_in_dim3A_220 = vector.broadcast %broadcast_in_dim3A_219 : f32 to vector<16xf32>
      %swap3A_221 = arith.index_cast %scan3A_205 : i32 to index
      %swap3A_222 = arith.constant 32 : index
      %swap3A_223 = tpu.vector_load %arg8[%swap3A_221, %swap3A_222] {strides = array<i32>} : memref<50x128xf32, #tpu.memory_space<vmem>>, vector<1x16xf32>,
      %swap3A_224 = vector.shape_cast %swap3A_223 : vector<1x16xf32> to vector<16xf32>
      %swap3A_225 = vector.shape_cast %broadcast_in_dim3A_220 : vector<16xf32> to vector<1x16xf32>
      tpu.vector_store %arg8[%swap3A_221, %swap3A_222], %swap3A_225 {strides = array<i32>} : memref<50x128xf32, #tpu.memory_space<vmem>>, vector<1x16xf32>,
      %broadcast_in_dim3A_226 = arith.constant 0.000000e+00 : f32
      %broadcast_in_dim3A_227 = vector.broadcast %broadcast_in_dim3A_226 : f32 to vector<16xf32>
      %swap3A_228 = arith.index_cast %scan3A_205 : i32 to index
      %swap3A_229 = arith.constant 48 : index
      %swap3A_230 = tpu.vector_load %arg8[%swap3A_228, %swap3A_229] {strides = array<i32>} : memref<50x128xf32, #tpu.memory_space<vmem>>, vector<1x16xf32>,
      %swap3A_231 = vector.shape_cast %swap3A_230 : vector<1x16xf32> to vector<16xf32>
      %swap3A_232 = vector.shape_cast %broadcast_in_dim3A_227 : vector<16xf32> to vector<1x16xf32>
      tpu.vector_store %arg8[%swap3A_228, %swap3A_229], %swap3A_232 {strides = array<i32>} : memref<50x128xf32, #tpu.memory_space<vmem>>, vector<1x16xf32>,
      %broadcast_in_dim3A_233 = arith.constant 0.000000e+00 : f32
      %broadcast_in_dim3A_234 = vector.broadcast %broadcast_in_dim3A_233 : f32 to vector<16xf32>
      %swap3A_235 = arith.index_cast %scan3A_205 : i32 to index
      %swap3A_236 = arith.constant 64 : index
      %swap3A_237 = tpu.vector_load %arg8[%swap3A_235, %swap3A_236] {strides = array<i32>} : memref<50x128xf32, #tpu.memory_space<vmem>>, vector<1x16xf32>,
      %swap3A_238 = vector.shape_cast %swap3A_237 : vector<1x16xf32> to vector<16xf32>
      %swap3A_239 = vector.shape_cast %broadcast_in_dim3A_234 : vector<16xf32> to vector<1x16xf32>
      tpu.vector_store %arg8[%swap3A_235, %swap3A_236], %swap3A_239 {strides = array<i32>} : memref<50x128xf32, #tpu.memory_space<vmem>>, vector<1x16xf32>,
      %broadcast_in_dim3A_240 = arith.constant 0.000000e+00 : f32
      %broadcast_in_dim3A_241 = vector.broadcast %broadcast_in_dim3A_240 : f32 to vector<16xf32>
      %swap3A_242 = arith.index_cast %scan3A_205 : i32 to index
      %swap3A_243 = arith.constant 80 : index
      %swap3A_244 = tpu.vector_load %arg8[%swap3A_242, %swap3A_243] {strides = array<i32>} : memref<50x128xf32, #tpu.memory_space<vmem>>, vector<1x16xf32>,
      %swap3A_245 = vector.shape_cast %swap3A_244 : vector<1x16xf32> to vector<16xf32>
      %swap3A_246 = vector.shape_cast %broadcast_in_dim3A_241 : vector<16xf32> to vector<1x16xf32>
      tpu.vector_store %arg8[%swap3A_242, %swap3A_243], %swap3A_246 {strides = array<i32>} : memref<50x128xf32, #tpu.memory_space<vmem>>, vector<1x16xf32>,
      %broadcast_in_dim3A_247 = arith.constant 0.000000e+00 : f32
      %broadcast_in_dim3A_248 = vector.broadcast %broadcast_in_dim3A_247 : f32 to vector<16xf32>
      %swap3A_249 = arith.index_cast %scan3A_205 : i32 to index
      %swap3A_250 = arith.constant 96 : index
      %swap3A_251 = tpu.vector_load %arg8[%swap3A_249, %swap3A_250] {strides = array<i32>} : memref<50x128xf32, #tpu.memory_space<vmem>>, vector<1x16xf32>,
      %swap3A_252 = vector.shape_cast %swap3A_251 : vector<1x16xf32> to vector<16xf32>
      %swap3A_253 = vector.shape_cast %broadcast_in_dim3A_248 : vector<16xf32> to vector<1x16xf32>
      tpu.vector_store %arg8[%swap3A_249, %swap3A_250], %swap3A_253 {strides = array<i32>} : memref<50x128xf32, #tpu.memory_space<vmem>>, vector<1x16xf32>,
      %broadcast_in_dim3A_254 = arith.constant 0.000000e+00 : f32
      %broadcast_in_dim3A_255 = vector.broadcast %broadcast_in_dim3A_254 : f32 to vector<16xf32>
      %swap3A_256 = arith.index_cast %scan3A_205 : i32 to index
      %swap3A_257 = arith.constant 112 : index
      %swap3A_258 = tpu.vector_load %arg8[%swap3A_256, %swap3A_257] {strides = array<i32>} : memref<50x128xf32, #tpu.memory_space<vmem>>, vector<1x16xf32>,
      %swap3A_259 = vector.shape_cast %swap3A_258 : vector<1x16xf32> to vector<16xf32>
      %swap3A_260 = vector.shape_cast %broadcast_in_dim3A_255 : vector<16xf32> to vector<1x16xf32>
      tpu.vector_store %arg8[%swap3A_256, %swap3A_257], %swap3A_260 {strides = array<i32>} : memref<50x128xf32, #tpu.memory_space<vmem>>, vector<1x16xf32>,
      %scan3A_261 = arith.constant 0 : i32
      scf.yield %scan3A_261 : i32
    }
    %scan3A_6 = arith.constant 40 : i32
    %scan3A_7 = arith.constant 0 : i32
    %scan3A_8 = arith.constant 0 : i32
    %scan3A_9 = arith.constant 16 : i32
    %scan3A_10 = arith.addi %scan3A_8, %scan3A_9 : i32
    %scan3A_11 = arith.constant 1 : i32
    %scan3A_12 = scf.for %scan3A_205 = %scan3A_8 to %scan3A_10 step %scan3A_11 iter_args(%scan3A_206 = %scan3A_7) -> (i32)  : i32 {
      %mul3A_207 = arith.constant 16 : i32
      %mul3A_208 = arith.muli %mul3A_207, %scan3A_205 : i32
      %add3A_209 = arith.addi %arg1, %mul3A_208 : i32
      %lt3A = arith.constant 250 : i32
      %lt3A_210 = arith.cmpi slt, %add3A_209, %lt3A : i32
      %convert_element_type3A = arith.extui %lt3A_210 : i1 to i32
      %cond3A = arith.constant 0 : i32
      %cond3A_211 = arith.cmpi ne, %convert_element_type3A, %cond3A : i32
      scf.if %cond3A_211 {
        %mul3A_213 = arith.constant 40 : i32
        %mul3A_214 = arith.muli %add3A_209, %mul3A_213 : i32
        "tpu.region"() ({
          %run_scoped3A_215 = tpu.sem_alloc : memref<!tpu.dma_semaphore, #tpu.memory_space<semaphore_mem>>
          %dma_start3A_216 = arith.constant 0 : i32
          %dma_start3A_217 = arith.constant 0 : i32
          %dma_start3A_218 = tpu.memref_slice %arg8[%dma_start3A_216, %dma_start3A_217] : memref<50x128xf32, #tpu.memory_space<vmem>> -> memref<40x128xf32, #tpu.memory_space<vmem>>
          %dma_start3A_219 = arith.constant 0 : i32
          %dma_start3A_220 = tpu.memref_slice %arg12[%mul3A_214, %dma_start3A_219] : memref<10000x128xf32, #tpu.memory_space<vmem_shared>> -> memref<40x128xf32, #tpu.memory_space<vmem_shared>>
          %dma_start3A_221 = arith.constant 0 : i32
          %dma_start3A_222 = tpu.memref_slice %arg12[%mul3A_214, %dma_start3A_221] : memref<10000x128xf32, #tpu.memory_space<vmem_shared>> -> memref<40x128xf32, #tpu.memory_space<vmem_shared>>
          %dma_start3A_223 = arith.constant 0 : i32
          %dma_start3A_224 = arith.constant 0 : i32
          %dma_start3A_225 = tpu.memref_slice %arg8[%dma_start3A_223, %dma_start3A_224] : memref<50x128xf32, #tpu.memory_space<vmem>> -> memref<40x128xf32, #tpu.memory_space<vmem>>
          tpu.enqueue_dma source(%dma_start3A_225 : memref<40x128xf32, #tpu.memory_space<vmem>>) target(%dma_start3A_222 : memref<40x128xf32, #tpu.memory_space<vmem_shared>>) target_semaphore(%run_scoped3A_215 : memref<!tpu.dma_semaphore, #tpu.memory_space<semaphore_mem>>)
          %dma_wait3A = arith.constant 0 : i32
          %dma_wait3A_226 = arith.constant 0 : i32
          %dma_wait3A_227 = tpu.memref_slice %arg8[%dma_wait3A, %dma_wait3A_226] : memref<50x128xf32, #tpu.memory_space<vmem>> -> memref<40x128xf32, #tpu.memory_space<vmem>>
          %dma_wait3A_228 = arith.constant 0 : i32
          %dma_wait3A_229 = tpu.memref_slice %arg12[%mul3A_214, %dma_wait3A_228] : memref<10000x128xf32, #tpu.memory_space<vmem_shared>> -> memref<40x128xf32, #tpu.memory_space<vmem_shared>>
          %dma_wait3A_230 = arith.constant 0 : i32
          %dma_wait3A_231 = tpu.memref_slice %arg12[%mul3A_214, %dma_wait3A_230] : memref<10000x128xf32, #tpu.memory_space<vmem_shared>> -> memref<40x128xf32, #tpu.memory_space<vmem_shared>>
          %dma_wait3A_232 = arith.constant 0 : i32
          %dma_wait3A_233 = arith.constant 0 : i32
          %dma_wait3A_234 = tpu.memref_slice %arg8[%dma_wait3A_232, %dma_wait3A_233] : memref<50x128xf32, #tpu.memory_space<vmem>> -> memref<40x128xf32, #tpu.memory_space<vmem>>
          tpu.wait_dma2 semaphore(%run_scoped3A_215 : memref<!tpu.dma_semaphore, #tpu.memory_space<semaphore_mem>>) src(%dma_wait3A_234 : memref<40x128xf32, #tpu.memory_space<vmem>>) dst(%dma_wait3A_231 : memref<40x128xf32, #tpu.memory_space<vmem_shared>>)
          tpu.yield
        }) : () -> ()
      } else {
      }
      %scan3A_212 = arith.constant 0 : i32
      scf.yield %scan3A_212 : i32
    }
    %scan3A_13 = arith.constant 16 : i32
    %barrier3A = arith.constant 0 : index
    tpu.barrier barrier_id(%barrier3A)
    %run_scoped3A = arith.constant 0 : i32
    "tpu.region"() ({
      %run_scoped3A_205 = tpu.sem_alloc : memref<!tpu.dma_semaphore, #tpu.memory_space<semaphore_mem>>
      %dma_start3A_206 = arith.constant 0 : i32
      %dma_start3A_207 = arith.constant 0 : i32
      %dma_start3A_208 = tpu.memref_slice %arg2[%add3A, %run_scoped3A, %dma_start3A_206, %dma_start3A_207] : memref<32x5x40x50xi32, #tpu.memory_space<hbm>> -> memref<1x1x40x50xi32, #tpu.memory_space<hbm>>
      %dma_start3A_209 = tpu.memref_squeeze %dma_start3A_208 : memref<1x1x40x50xi32, #tpu.memory_space<hbm>> -> memref<40x50xi32, #tpu.memory_space<hbm>>
      %dma_start3A_210 = arith.constant 0 : i32
      %dma_start3A_211 = arith.constant 0 : i32
      %dma_start3A_212 = tpu.memref_slice %arg2[%add3A, %run_scoped3A, %dma_start3A_210, %dma_start3A_211] : memref<32x5x40x50xi32, #tpu.memory_space<hbm>> -> memref<1x1x40x50xi32, #tpu.memory_space<hbm>>
      %dma_start3A_213 = tpu.memref_squeeze %dma_start3A_212 : memref<1x1x40x50xi32, #tpu.memory_space<hbm>> -> memref<40x50xi32, #tpu.memory_space<hbm>>
      tpu.enqueue_dma source(%dma_start3A_213 : memref<40x50xi32, #tpu.memory_space<hbm>>) target(%arg6 : memref<40x50xi32, #tpu.memory_space<vmem>>) target_semaphore(%run_scoped3A_205 : memref<!tpu.dma_semaphore, #tpu.memory_space<semaphore_mem>>)
      %dma_wait3A = arith.constant 0 : i32
      %dma_wait3A_214 = arith.constant 0 : i32
      %dma_wait3A_215 = tpu.memref_slice %arg2[%add3A, %run_scoped3A, %dma_wait3A, %dma_wait3A_214] : memref<32x5x40x50xi32, #tpu.memory_space<hbm>> -> memref<1x1x40x50xi32, #tpu.memory_space<hbm>>
      %dma_wait3A_216 = tpu.memref_squeeze %dma_wait3A_215 : memref<1x1x40x50xi32, #tpu.memory_space<hbm>> -> memref<40x50xi32, #tpu.memory_space<hbm>>
      %dma_wait3A_217 = arith.constant 0 : i32
      %dma_wait3A_218 = arith.constant 0 : i32
      %dma_wait3A_219 = tpu.memref_slice %arg2[%add3A, %run_scoped3A, %dma_wait3A_217, %dma_wait3A_218] : memref<32x5x40x50xi32, #tpu.memory_space<hbm>> -> memref<1x1x40x50xi32, #tpu.memory_space<hbm>>
      %dma_wait3A_220 = tpu.memref_squeeze %dma_wait3A_219 : memref<1x1x40x50xi32, #tpu.memory_space<hbm>> -> memref<40x50xi32, #tpu.memory_space<hbm>>
      tpu.wait_dma2 semaphore(%run_scoped3A_205 : memref<!tpu.dma_semaphore, #tpu.memory_space<semaphore_mem>>) src(%dma_wait3A_220 : memref<40x50xi32, #tpu.memory_space<hbm>>) dst(%arg6 : memref<40x50xi32, #tpu.memory_space<vmem>>)
      tpu.yield
    }) : () -> ()
    %run_scoped3A_14 = arith.constant 0 : i32
    "tpu.region"() ({
      %run_scoped3A_205 = tpu.sem_alloc : memref<!tpu.dma_semaphore, #tpu.memory_space<semaphore_mem>>
      %dma_start3A_206 = arith.constant 0 : i32
      %dma_start3A_207 = arith.constant 0 : i32
      %dma_start3A_208 = tpu.memref_slice %arg3[%add3A, %run_scoped3A_14, %dma_start3A_206, %dma_start3A_207] : memref<32x5x40x50xi32, #tpu.memory_space<hbm>> -> memref<1x1x40x50xi32, #tpu.memory_space<hbm>>
      %dma_start3A_209 = tpu.memref_squeeze %dma_start3A_208 : memref<1x1x40x50xi32, #tpu.memory_space<hbm>> -> memref<40x50xi32, #tpu.memory_space<hbm>>
      %dma_start3A_210 = arith.constant 0 : i32
      %dma_start3A_211 = arith.constant 0 : i32
      %dma_start3A_212 = tpu.memref_slice %arg3[%add3A, %run_scoped3A_14, %dma_start3A_210, %dma_start3A_211] : memref<32x5x40x50xi32, #tpu.memory_space<hbm>> -> memref<1x1x40x50xi32, #tpu.memory_space<hbm>>
      %dma_start3A_213 = tpu.memref_squeeze %dma_start3A_212 : memref<1x1x40x50xi32, #tpu.memory_space<hbm>> -> memref<40x50xi32, #tpu.memory_space<hbm>>
      tpu.enqueue_dma source(%dma_start3A_213 : memref<40x50xi32, #tpu.memory_space<hbm>>) target(%arg7 : memref<40x50xi32, #tpu.memory_space<vmem>>) target_semaphore(%run_scoped3A_205 : memref<!tpu.dma_semaphore, #tpu.memory_space<semaphore_mem>>)
      %dma_wait3A = arith.constant 0 : i32
      %dma_wait3A_214 = arith.constant 0 : i32
      %dma_wait3A_215 = tpu.memref_slice %arg3[%add3A, %run_scoped3A_14, %dma_wait3A, %dma_wait3A_214] : memref<32x5x40x50xi32, #tpu.memory_space<hbm>> -> memref<1x1x40x50xi32, #tpu.memory_space<hbm>>
      %dma_wait3A_216 = tpu.memref_squeeze %dma_wait3A_215 : memref<1x1x40x50xi32, #tpu.memory_space<hbm>> -> memref<40x50xi32, #tpu.memory_space<hbm>>
      %dma_wait3A_217 = arith.constant 0 : i32
      %dma_wait3A_218 = arith.constant 0 : i32
      %dma_wait3A_219 = tpu.memref_slice %arg3[%add3A, %run_scoped3A_14, %dma_wait3A_217, %dma_wait3A_218] : memref<32x5x40x50xi32, #tpu.memory_space<hbm>> -> memref<1x1x40x50xi32, #tpu.memory_space<hbm>>
      %dma_wait3A_220 = tpu.memref_squeeze %dma_wait3A_219 : memref<1x1x40x50xi32, #tpu.memory_space<hbm>> -> memref<40x50xi32, #tpu.memory_space<hbm>>
      tpu.wait_dma2 semaphore(%run_scoped3A_205 : memref<!tpu.dma_semaphore, #tpu.memory_space<semaphore_mem>>) src(%dma_wait3A_220 : memref<40x50xi32, #tpu.memory_space<hbm>>) dst(%arg7 : memref<40x50xi32, #tpu.memory_space<vmem>>)
      tpu.yield
    }) : () -> ()
    %dma_start3A = arith.constant 0 : i32
    %dma_start3A_15 = arith.constant 0 : i32
    %dma_start3A_16 = tpu.memref_slice %arg6[%dma_start3A, %dma_start3A_15] : memref<40x50xi32, #tpu.memory_space<vmem>> -> memref<1x50xi32, #tpu.memory_space<vmem>>
    %dma_start3A_17 = tpu.memref_squeeze %dma_start3A_16 : memref<1x50xi32, #tpu.memory_space<vmem>> -> memref<50xi32, #tpu.memory_space<vmem>>
    %dma_start3A_18 = arith.constant 0 : i32
    %dma_start3A_19 = arith.constant 0 : i32
    %dma_start3A_20 = tpu.memref_slice %arg4[%dma_start3A_18, %dma_start3A_19] : memref<10000x128xf32, #tpu.memory_space<hbm>> -> memref<10000x128xf32, #tpu.memory_space<hbm>>
    tpu.enqueue_indirect_dma source(%dma_start3A_20 : memref<10000x128xf32, #tpu.memory_space<hbm>>) target(%arg8 : memref<50x128xf32, #tpu.memory_space<vmem>>) offsets(%dma_start3A_17 : memref<50xi32, #tpu.memory_space<vmem>>) semaphore(%arg13 : memref<!tpu.dma_semaphore, #tpu.memory_space<semaphore_mem>>)
    %dma_start3A_21 = arith.constant 1 : i32
    %dma_start3A_22 = arith.constant 0 : i32
    %dma_start3A_23 = tpu.memref_slice %arg6[%dma_start3A_21, %dma_start3A_22] : memref<40x50xi32, #tpu.memory_space<vmem>> -> memref<1x50xi32, #tpu.memory_space<vmem>>
    %dma_start3A_24 = tpu.memref_squeeze %dma_start3A_23 : memref<1x50xi32, #tpu.memory_space<vmem>> -> memref<50xi32, #tpu.memory_space<vmem>>
    %dma_start3A_25 = arith.constant 0 : i32
    %dma_start3A_26 = arith.constant 0 : i32
    %dma_start3A_27 = tpu.memref_slice %arg4[%dma_start3A_25, %dma_start3A_26] : memref<10000x128xf32, #tpu.memory_space<hbm>> -> memref<10000x128xf32, #tpu.memory_space<hbm>>
    tpu.enqueue_indirect_dma source(%dma_start3A_27 : memref<10000x128xf32, #tpu.memory_space<hbm>>) target(%arg9 : memref<50x128xf32, #tpu.memory_space<vmem>>) offsets(%dma_start3A_24 : memref<50xi32, #tpu.memory_space<vmem>>) semaphore(%arg14 : memref<!tpu.dma_semaphore, #tpu.memory_space<semaphore_mem>>)
    %dma_start3A_28 = arith.constant 2 : i32
    %dma_start3A_29 = arith.constant 0 : i32
    %dma_start3A_30 = tpu.memref_slice %arg6[%dma_start3A_28, %dma_start3A_29] : memref<40x50xi32, #tpu.memory_space<vmem>> -> memref<1x50xi32, #tpu.memory_space<vmem>>
    %dma_start3A_31 = tpu.memref_squeeze %dma_start3A_30 : memref<1x50xi32, #tpu.memory_space<vmem>> -> memref<50xi32, #tpu.memory_space<vmem>>
    %dma_start3A_32 = arith.constant 0 : i32
    %dma_start3A_33 = arith.constant 0 : i32
    %dma_start3A_34 = tpu.memref_slice %arg4[%dma_start3A_32, %dma_start3A_33] : memref<10000x128xf32, #tpu.memory_space<hbm>> -> memref<10000x128xf32, #tpu.memory_space<hbm>>
    tpu.enqueue_indirect_dma source(%dma_start3A_34 : memref<10000x128xf32, #tpu.memory_space<hbm>>) target(%arg10 : memref<50x128xf32, #tpu.memory_space<vmem>>) offsets(%dma_start3A_31 : memref<50xi32, #tpu.memory_space<vmem>>) semaphore(%arg15 : memref<!tpu.dma_semaphore, #tpu.memory_space<semaphore_mem>>)
    %dma_start3A_35 = arith.constant 3 : i32
    %dma_start3A_36 = arith.constant 0 : i32
    %dma_start3A_37 = tpu.memref_slice %arg6[%dma_start3A_35, %dma_start3A_36] : memref<40x50xi32, #tpu.memory_space<vmem>> -> memref<1x50xi32, #tpu.memory_space<vmem>>
    %dma_start3A_38 = tpu.memref_squeeze %dma_start3A_37 : memref<1x50xi32, #tpu.memory_space<vmem>> -> memref<50xi32, #tpu.memory_space<vmem>>
    %dma_start3A_39 = arith.constant 0 : i32
    %dma_start3A_40 = arith.constant 0 : i32
    %dma_start3A_41 = tpu.memref_slice %arg4[%dma_start3A_39, %dma_start3A_40] : memref<10000x128xf32, #tpu.memory_space<hbm>> -> memref<10000x128xf32, #tpu.memory_space<hbm>>
    tpu.enqueue_indirect_dma source(%dma_start3A_41 : memref<10000x128xf32, #tpu.memory_space<hbm>>) target(%arg11 : memref<50x128xf32, #tpu.memory_space<vmem>>) offsets(%dma_start3A_38 : memref<50xi32, #tpu.memory_space<vmem>>) semaphore(%arg16 : memref<!tpu.dma_semaphore, #tpu.memory_space<semaphore_mem>>)
    %scan3A_42 = arith.constant 0 : i32
    %scan3A_43 = arith.constant 0 : i32
    %scan3A_44 = arith.constant 10 : i32
    %scan3A_45 = arith.addi %scan3A_43, %scan3A_44 : i32
    %scan3A_46 = arith.constant 1 : i32
    %scan3A_47 = scf.for %scan3A_205 = %scan3A_43 to %scan3A_45 step %scan3A_46 iter_args(%scan3A_206 = %scan3A_42) -> (i32)  : i32 {
      %mul3A_207 = arith.constant 4 : i32
      %mul3A_208 = arith.muli %mul3A_207, %scan3A_205 : i32
      %add3A_209 = arith.constant 0 : i32
      %add3A_210 = arith.addi %mul3A_208, %add3A_209 : i32
      %dma_wait3A = arith.constant 0 : i32
      %dma_wait3A_211 = tpu.memref_slice %arg6[%add3A_210, %dma_wait3A] : memref<40x50xi32, #tpu.memory_space<vmem>> -> memref<1x50xi32, #tpu.memory_space<vmem>>
      %dma_wait3A_212 = tpu.memref_squeeze %dma_wait3A_211 : memref<1x50xi32, #tpu.memory_space<vmem>> -> memref<50xi32, #tpu.memory_space<vmem>>
      %dma_wait3A_213 = arith.constant 0 : i32
      %dma_wait3A_214 = arith.constant 0 : i32
      %dma_wait3A_215 = tpu.memref_slice %arg4[%dma_wait3A_213, %dma_wait3A_214] : memref<10000x128xf32, #tpu.memory_space<hbm>> -> memref<10000x128xf32, #tpu.memory_space<hbm>>
      tpu.wait_indirect_dma semaphore(%arg13 : memref<!tpu.dma_semaphore, #tpu.memory_space<semaphore_mem>>) src(%dma_wait3A_215 : memref<10000x128xf32, #tpu.memory_space<hbm>>) dst(%arg8 : memref<50x128xf32, #tpu.memory_space<vmem>>)
      %add3A_216 = arith.constant 0 : i32
      %add3A_217 = arith.addi %mul3A_208, %add3A_216 : i32
      "tpu.region"() ({
        %run_scoped3A_266 = tpu.sem_alloc : memref<!tpu.dma_semaphore, #tpu.memory_space<semaphore_mem>>
        %dma_start3A_267 = arith.constant 0 : i32
        %dma_start3A_268 = tpu.memref_slice %arg7[%add3A_217, %dma_start3A_267] : memref<40x50xi32, #tpu.memory_space<vmem>> -> memref<1x50xi32, #tpu.memory_space<vmem>>
        %dma_start3A_269 = tpu.memref_squeeze %dma_start3A_268 : memref<1x50xi32, #tpu.memory_space<vmem>> -> memref<50xi32, #tpu.memory_space<vmem>>
        %dma_start3A_270 = arith.constant 0 : i32
        %dma_start3A_271 = arith.constant 0 : i32
        %dma_start3A_272 = tpu.memref_slice %arg12[%dma_start3A_270, %dma_start3A_271] : memref<10000x128xf32, #tpu.memory_space<vmem_shared>> -> memref<10000x128xf32, #tpu.memory_space<vmem_shared>>
        tpu.enqueue_indirect_dma source(%arg8 : memref<50x128xf32, #tpu.memory_space<vmem>>) target(%dma_start3A_272 : memref<10000x128xf32, #tpu.memory_space<vmem_shared>>) offsets(%dma_start3A_269 : memref<50xi32, #tpu.memory_space<vmem>>) semaphore(%run_scoped3A_266 : memref<!tpu.dma_semaphore, #tpu.memory_space<semaphore_mem>>) {add = true}
        %dma_wait3A_273 = arith.constant 0 : i32
        %dma_wait3A_274 = tpu.memref_slice %arg7[%add3A_217, %dma_wait3A_273] : memref<40x50xi32, #tpu.memory_space<vmem>> -> memref<1x50xi32, #tpu.memory_space<vmem>>
        %dma_wait3A_275 = tpu.memref_squeeze %dma_wait3A_274 : memref<1x50xi32, #tpu.memory_space<vmem>> -> memref<50xi32, #tpu.memory_space<vmem>>
        %dma_wait3A_276 = arith.constant 0 : i32
        %dma_wait3A_277 = arith.constant 0 : i32
        %dma_wait3A_278 = tpu.memref_slice %arg12[%dma_wait3A_276, %dma_wait3A_277] : memref<10000x128xf32, #tpu.memory_space<vmem_shared>> -> memref<10000x128xf32, #tpu.memory_space<vmem_shared>>
        tpu.wait_indirect_dma semaphore(%run_scoped3A_266 : memref<!tpu.dma_semaphore, #tpu.memory_space<semaphore_mem>>) src(%arg8 : memref<50x128xf32, #tpu.memory_space<vmem>>) dst(%dma_wait3A_278 : memref<10000x128xf32, #tpu.memory_space<vmem_shared>>)
        tpu.yield
      }) : () -> ()
      %lt3A = arith.constant 9 : i32
      %lt3A_218 = arith.cmpi slt, %scan3A_205, %lt3A : i32
      %convert_element_type3A = arith.extui %lt3A_218 : i1 to i32
      %cond3A = arith.constant 0 : i32
      %cond3A_219 = arith.cmpi ne, %convert_element_type3A, %cond3A : i32
      scf.if %cond3A_219 {
        %add3A_266 = arith.constant 4 : i32
        %add3A_267 = arith.addi %mul3A_208, %add3A_266 : i32
        %add3A_268 = arith.constant 0 : i32
        %add3A_269 = arith.addi %add3A_267, %add3A_268 : i32
        %dma_start3A_270 = arith.constant 0 : i32
        %dma_start3A_271 = tpu.memref_slice %arg6[%add3A_269, %dma_start3A_270] : memref<40x50xi32, #tpu.memory_space<vmem>> -> memref<1x50xi32, #tpu.memory_space<vmem>>
        %dma_start3A_272 = tpu.memref_squeeze %dma_start3A_271 : memref<1x50xi32, #tpu.memory_space<vmem>> -> memref<50xi32, #tpu.memory_space<vmem>>
        %dma_start3A_273 = arith.constant 0 : i32
        %dma_start3A_274 = arith.constant 0 : i32
        %dma_start3A_275 = tpu.memref_slice %arg4[%dma_start3A_273, %dma_start3A_274] : memref<10000x128xf32, #tpu.memory_space<hbm>> -> memref<10000x128xf32, #tpu.memory_space<hbm>>
        tpu.enqueue_indirect_dma source(%dma_start3A_275 : memref<10000x128xf32, #tpu.memory_space<hbm>>) target(%arg8 : memref<50x128xf32, #tpu.memory_space<vmem>>) offsets(%dma_start3A_272 : memref<50xi32, #tpu.memory_space<vmem>>) semaphore(%arg13 : memref<!tpu.dma_semaphore, #tpu.memory_space<semaphore_mem>>)
      } else {
      }
      %add3A_220 = arith.constant 1 : i32
      %add3A_221 = arith.addi %mul3A_208, %add3A_220 : i32
      %dma_wait3A_222 = arith.constant 0 : i32
      %dma_wait3A_223 = tpu.memref_slice %arg6[%add3A_221, %dma_wait3A_222] : memref<40x50xi32, #tpu.memory_space<vmem>> -> memref<1x50xi32, #tpu.memory_space<vmem>>
      %dma_wait3A_224 = tpu.memref_squeeze %dma_wait3A_223 : memref<1x50xi32, #tpu.memory_space<vmem>> -> memref<50xi32, #tpu.memory_space<vmem>>
      %dma_wait3A_225 = arith.constant 0 : i32
      %dma_wait3A_226 = arith.constant 0 : i32
      %dma_wait3A_227 = tpu.memref_slice %arg4[%dma_wait3A_225, %dma_wait3A_226] : memref<10000x128xf32, #tpu.memory_space<hbm>> -> memref<10000x128xf32, #tpu.memory_space<hbm>>
      tpu.wait_indirect_dma semaphore(%arg14 : memref<!tpu.dma_semaphore, #tpu.memory_space<semaphore_mem>>) src(%dma_wait3A_227 : memref<10000x128xf32, #tpu.memory_space<hbm>>) dst(%arg9 : memref<50x128xf32, #tpu.memory_space<vmem>>)
      %add3A_228 = arith.constant 1 : i32
      %add3A_229 = arith.addi %mul3A_208, %add3A_228 : i32
      "tpu.region"() ({
        %run_scoped3A_266 = tpu.sem_alloc : memref<!tpu.dma_semaphore, #tpu.memory_space<semaphore_mem>>
        %dma_start3A_267 = arith.constant 0 : i32
        %dma_start3A_268 = tpu.memref_slice %arg7[%add3A_229, %dma_start3A_267] : memref<40x50xi32, #tpu.memory_space<vmem>> -> memref<1x50xi32, #tpu.memory_space<vmem>>
        %dma_start3A_269 = tpu.memref_squeeze %dma_start3A_268 : memref<1x50xi32, #tpu.memory_space<vmem>> -> memref<50xi32, #tpu.memory_space<vmem>>
        %dma_start3A_270 = arith.constant 0 : i32
        %dma_start3A_271 = arith.constant 0 : i32
        %dma_start3A_272 = tpu.memref_slice %arg12[%dma_start3A_270, %dma_start3A_271] : memref<10000x128xf32, #tpu.memory_space<vmem_shared>> -> memref<10000x128xf32, #tpu.memory_space<vmem_shared>>
        tpu.enqueue_indirect_dma source(%arg9 : memref<50x128xf32, #tpu.memory_space<vmem>>) target(%dma_start3A_272 : memref<10000x128xf32, #tpu.memory_space<vmem_shared>>) offsets(%dma_start3A_269 : memref<50xi32, #tpu.memory_space<vmem>>) semaphore(%run_scoped3A_266 : memref<!tpu.dma_semaphore, #tpu.memory_space<semaphore_mem>>) {add = true}
        %dma_wait3A_273 = arith.constant 0 : i32
        %dma_wait3A_274 = tpu.memref_slice %arg7[%add3A_229, %dma_wait3A_273] : memref<40x50xi32, #tpu.memory_space<vmem>> -> memref<1x50xi32, #tpu.memory_space<vmem>>
        %dma_wait3A_275 = tpu.memref_squeeze %dma_wait3A_274 : memref<1x50xi32, #tpu.memory_space<vmem>> -> memref<50xi32, #tpu.memory_space<vmem>>
        %dma_wait3A_276 = arith.constant 0 : i32
        %dma_wait3A_277 = arith.constant 0 : i32
        %dma_wait3A_278 = tpu.memref_slice %arg12[%dma_wait3A_276, %dma_wait3A_277] : memref<10000x128xf32, #tpu.memory_space<vmem_shared>> -> memref<10000x128xf32, #tpu.memory_space<vmem_shared>>
        tpu.wait_indirect_dma semaphore(%run_scoped3A_266 : memref<!tpu.dma_semaphore, #tpu.memory_space<semaphore_mem>>) src(%arg9 : memref<50x128xf32, #tpu.memory_space<vmem>>) dst(%dma_wait3A_278 : memref<10000x128xf32, #tpu.memory_space<vmem_shared>>)
        tpu.yield
      }) : () -> ()
      %lt3A_230 = arith.constant 9 : i32
      %lt3A_231 = arith.cmpi slt, %scan3A_205, %lt3A_230 : i32
      %convert_element_type3A_232 = arith.extui %lt3A_231 : i1 to i32
      %cond3A_233 = arith.constant 0 : i32
      %cond3A_234 = arith.cmpi ne, %convert_element_type3A_232, %cond3A_233 : i32
      scf.if %cond3A_234 {
        %add3A_266 = arith.constant 4 : i32
        %add3A_267 = arith.addi %mul3A_208, %add3A_266 : i32
        %add3A_268 = arith.constant 1 : i32
        %add3A_269 = arith.addi %add3A_267, %add3A_268 : i32
        %dma_start3A_270 = arith.constant 0 : i32
        %dma_start3A_271 = tpu.memref_slice %arg6[%add3A_269, %dma_start3A_270] : memref<40x50xi32, #tpu.memory_space<vmem>> -> memref<1x50xi32, #tpu.memory_space<vmem>>
        %dma_start3A_272 = tpu.memref_squeeze %dma_start3A_271 : memref<1x50xi32, #tpu.memory_space<vmem>> -> memref<50xi32, #tpu.memory_space<vmem>>
        %dma_start3A_273 = arith.constant 0 : i32
        %dma_start3A_274 = arith.constant 0 : i32
        %dma_start3A_275 = tpu.memref_slice %arg4[%dma_start3A_273, %dma_start3A_274] : memref<10000x128xf32, #tpu.memory_space<hbm>> -> memref<10000x128xf32, #tpu.memory_space<hbm>>
        tpu.enqueue_indirect_dma source(%dma_start3A_275 : memref<10000x128xf32, #tpu.memory_space<hbm>>) target(%arg9 : memref<50x128xf32, #tpu.memory_space<vmem>>) offsets(%dma_start3A_272 : memref<50xi32, #tpu.memory_space<vmem>>) semaphore(%arg14 : memref<!tpu.dma_semaphore, #tpu.memory_space<semaphore_mem>>)
      } else {
      }
      %add3A_235 = arith.constant 2 : i32
      %add3A_236 = arith.addi %mul3A_208, %add3A_235 : i32
      %dma_wait3A_237 = arith.constant 0 : i32
      %dma_wait3A_238 = tpu.memref_slice %arg6[%add3A_236, %dma_wait3A_237] : memref<40x50xi32, #tpu.memory_space<vmem>> -> memref<1x50xi32, #tpu.memory_space<vmem>>
      %dma_wait3A_239 = tpu.memref_squeeze %dma_wait3A_238 : memref<1x50xi32, #tpu.memory_space<vmem>> -> memref<50xi32, #tpu.memory_space<vmem>>
      %dma_wait3A_240 = arith.constant 0 : i32
      %dma_wait3A_241 = arith.constant 0 : i32
      %dma_wait3A_242 = tpu.memref_slice %arg4[%dma_wait3A_240, %dma_wait3A_241] : memref<10000x128xf32, #tpu.memory_space<hbm>> -> memref<10000x128xf32, #tpu.memory_space<hbm>>
      tpu.wait_indirect_dma semaphore(%arg15 : memref<!tpu.dma_semaphore, #tpu.memory_space<semaphore_mem>>) src(%dma_wait3A_242 : memref<10000x128xf32, #tpu.memory_space<hbm>>) dst(%arg10 : memref<50x128xf32, #tpu.memory_space<vmem>>)
      %add3A_243 = arith.constant 2 : i32
      %add3A_244 = arith.addi %mul3A_208, %add3A_243 : i32
      "tpu.region"() ({
        %run_scoped3A_266 = tpu.sem_alloc : memref<!tpu.dma_semaphore, #tpu.memory_space<semaphore_mem>>
        %dma_start3A_267 = arith.constant 0 : i32
        %dma_start3A_268 = tpu.memref_slice %arg7[%add3A_244, %dma_start3A_267] : memref<40x50xi32, #tpu.memory_space<vmem>> -> memref<1x50xi32, #tpu.memory_space<vmem>>
        %dma_start3A_269 = tpu.memref_squeeze %dma_start3A_268 : memref<1x50xi32, #tpu.memory_space<vmem>> -> memref<50xi32, #tpu.memory_space<vmem>>
        %dma_start3A_270 = arith.constant 0 : i32
        %dma_start3A_271 = arith.constant 0 : i32
        %dma_start3A_272 = tpu.memref_slice %arg12[%dma_start3A_270, %dma_start3A_271] : memref<10000x128xf32, #tpu.memory_space<vmem_shared>> -> memref<10000x128xf32, #tpu.memory_space<vmem_shared>>
        tpu.enqueue_indirect_dma source(%arg10 : memref<50x128xf32, #tpu.memory_space<vmem>>) target(%dma_start3A_272 : memref<10000x128xf32, #tpu.memory_space<vmem_shared>>) offsets(%dma_start3A_269 : memref<50xi32, #tpu.memory_space<vmem>>) semaphore(%run_scoped3A_266 : memref<!tpu.dma_semaphore, #tpu.memory_space<semaphore_mem>>) {add = true}
        %dma_wait3A_273 = arith.constant 0 : i32
        %dma_wait3A_274 = tpu.memref_slice %arg7[%add3A_244, %dma_wait3A_273] : memref<40x50xi32, #tpu.memory_space<vmem>> -> memref<1x50xi32, #tpu.memory_space<vmem>>
        %dma_wait3A_275 = tpu.memref_squeeze %dma_wait3A_274 : memref<1x50xi32, #tpu.memory_space<vmem>> -> memref<50xi32, #tpu.memory_space<vmem>>
        %dma_wait3A_276 = arith.constant 0 : i32
        %dma_wait3A_277 = arith.constant 0 : i32
        %dma_wait3A_278 = tpu.memref_slice %arg12[%dma_wait3A_276, %dma_wait3A_277] : memref<10000x128xf32, #tpu.memory_space<vmem_shared>> -> memref<10000x128xf32, #tpu.memory_space<vmem_shared>>
        tpu.wait_indirect_dma semaphore(%run_scoped3A_266 : memref<!tpu.dma_semaphore, #tpu.memory_space<semaphore_mem>>) src(%arg10 : memref<50x128xf32, #tpu.memory_space<vmem>>) dst(%dma_wait3A_278 : memref<10000x128xf32, #tpu.memory_space<vmem_shared>>)
        tpu.yield
      }) : () -> ()
      %lt3A_245 = arith.constant 9 : i32
      %lt3A_246 = arith.cmpi slt, %scan3A_205, %lt3A_245 : i32
      %convert_element_type3A_247 = arith.extui %lt3A_246 : i1 to i32
      %cond3A_248 = arith.constant 0 : i32
      %cond3A_249 = arith.cmpi ne, %convert_element_type3A_247, %cond3A_248 : i32
      scf.if %cond3A_249 {
        %add3A_266 = arith.constant 4 : i32
        %add3A_267 = arith.addi %mul3A_208, %add3A_266 : i32
        %add3A_268 = arith.constant 2 : i32
        %add3A_269 = arith.addi %add3A_267, %add3A_268 : i32
        %dma_start3A_270 = arith.constant 0 : i32
        %dma_start3A_271 = tpu.memref_slice %arg6[%add3A_269, %dma_start3A_270] : memref<40x50xi32, #tpu.memory_space<vmem>> -> memref<1x50xi32, #tpu.memory_space<vmem>>
        %dma_start3A_272 = tpu.memref_squeeze %dma_start3A_271 : memref<1x50xi32, #tpu.memory_space<vmem>> -> memref<50xi32, #tpu.memory_space<vmem>>
        %dma_start3A_273 = arith.constant 0 : i32
        %dma_start3A_274 = arith.constant 0 : i32
        %dma_start3A_275 = tpu.memref_slice %arg4[%dma_start3A_273, %dma_start3A_274] : memref<10000x128xf32, #tpu.memory_space<hbm>> -> memref<10000x128xf32, #tpu.memory_space<hbm>>
        tpu.enqueue_indirect_dma source(%dma_start3A_275 : memref<10000x128xf32, #tpu.memory_space<hbm>>) target(%arg10 : memref<50x128xf32, #tpu.memory_space<vmem>>) offsets(%dma_start3A_272 : memref<50xi32, #tpu.memory_space<vmem>>) semaphore(%arg15 : memref<!tpu.dma_semaphore, #tpu.memory_space<semaphore_mem>>)
      } else {
      }
      %add3A_250 = arith.constant 3 : i32
      %add3A_251 = arith.addi %mul3A_208, %add3A_250 : i32
      %dma_wait3A_252 = arith.constant 0 : i32
      %dma_wait3A_253 = tpu.memref_slice %arg6[%add3A_251, %dma_wait3A_252] : memref<40x50xi32, #tpu.memory_space<vmem>> -> memref<1x50xi32, #tpu.memory_space<vmem>>
      %dma_wait3A_254 = tpu.memref_squeeze %dma_wait3A_253 : memref<1x50xi32, #tpu.memory_space<vmem>> -> memref<50xi32, #tpu.memory_space<vmem>>
      %dma_wait3A_255 = arith.constant 0 : i32
      %dma_wait3A_256 = arith.constant 0 : i32
      %dma_wait3A_257 = tpu.memref_slice %arg4[%dma_wait3A_255, %dma_wait3A_256] : memref<10000x128xf32, #tpu.memory_space<hbm>> -> memref<10000x128xf32, #tpu.memory_space<hbm>>
      tpu.wait_indirect_dma semaphore(%arg16 : memref<!tpu.dma_semaphore, #tpu.memory_space<semaphore_mem>>) src(%dma_wait3A_257 : memref<10000x128xf32, #tpu.memory_space<hbm>>) dst(%arg11 : memref<50x128xf32, #tpu.memory_space<vmem>>)
      %add3A_258 = arith.constant 3 : i32
      %add3A_259 = arith.addi %mul3A_208, %add3A_258 : i32
      "tpu.region"() ({
        %run_scoped3A_266 = tpu.sem_alloc : memref<!tpu.dma_semaphore, #tpu.memory_space<semaphore_mem>>
        %dma_start3A_267 = arith.constant 0 : i32
        %dma_start3A_268 = tpu.memref_slice %arg7[%add3A_259, %dma_start3A_267] : memref<40x50xi32, #tpu.memory_space<vmem>> -> memref<1x50xi32, #tpu.memory_space<vmem>>
        %dma_start3A_269 = tpu.memref_squeeze %dma_start3A_268 : memref<1x50xi32, #tpu.memory_space<vmem>> -> memref<50xi32, #tpu.memory_space<vmem>>
        %dma_start3A_270 = arith.constant 0 : i32
        %dma_start3A_271 = arith.constant 0 : i32
        %dma_start3A_272 = tpu.memref_slice %arg12[%dma_start3A_270, %dma_start3A_271] : memref<10000x128xf32, #tpu.memory_space<vmem_shared>> -> memref<10000x128xf32, #tpu.memory_space<vmem_shared>>
        tpu.enqueue_indirect_dma source(%arg11 : memref<50x128xf32, #tpu.memory_space<vmem>>) target(%dma_start3A_272 : memref<10000x128xf32, #tpu.memory_space<vmem_shared>>) offsets(%dma_start3A_269 : memref<50xi32, #tpu.memory_space<vmem>>) semaphore(%run_scoped3A_266 : memref<!tpu.dma_semaphore, #tpu.memory_space<semaphore_mem>>) {add = true}
        %dma_wait3A_273 = arith.constant 0 : i32
        %dma_wait3A_274 = tpu.memref_slice %arg7[%add3A_259, %dma_wait3A_273] : memref<40x50xi32, #tpu.memory_space<vmem>> -> memref<1x50xi32, #tpu.memory_space<vmem>>
        %dma_wait3A_275 = tpu.memref_squeeze %dma_wait3A_274 : memref<1x50xi32, #tpu.memory_space<vmem>> -> memref<50xi32, #tpu.memory_space<vmem>>
        %dma_wait3A_276 = arith.constant 0 : i32
        %dma_wait3A_277 = arith.constant 0 : i32
        %dma_wait3A_278 = tpu.memref_slice %arg12[%dma_wait3A_276, %dma_wait3A_277] : memref<10000x128xf32, #tpu.memory_space<vmem_shared>> -> memref<10000x128xf32, #tpu.memory_space<vmem_shared>>
        tpu.wait_indirect_dma semaphore(%run_scoped3A_266 : memref<!tpu.dma_semaphore, #tpu.memory_space<semaphore_mem>>) src(%arg11 : memref<50x128xf32, #tpu.memory_space<vmem>>) dst(%dma_wait3A_278 : memref<10000x128xf32, #tpu.memory_space<vmem_shared>>)
        tpu.yield
      }) : () -> ()
      %lt3A_260 = arith.constant 9 : i32
      %lt3A_261 = arith.cmpi slt, %scan3A_205, %lt3A_260 : i32
      %convert_element_type3A_262 = arith.extui %lt3A_261 : i1 to i32
      %cond3A_263 = arith.constant 0 : i32
      %cond3A_264 = arith.cmpi ne, %convert_element_type3A_262, %cond3A_263 : i32
      scf.if %cond3A_264 {
        %add3A_266 = arith.constant 4 : i32
        %add3A_267 = arith.addi %mul3A_208, %add3A_266 : i32
        %add3A_268 = arith.constant 3 : i32
        %add3A_269 = arith.addi %add3A_267, %add3A_268 : i32
        %dma_start3A_270 = arith.constant 0 : i32
        %dma_start3A_271 = tpu.memref_slice %arg6[%add3A_269, %dma_start3A_270] : memref<40x50xi32, #tpu.memory_space<vmem>> -> memref<1x50xi32, #tpu.memory_space<vmem>>
        %dma_start3A_272 = tpu.memref_squeeze %dma_start3A_271 : memref<1x50xi32, #tpu.memory_space<vmem>> -> memref<50xi32, #tpu.memory_space<vmem>>
        %dma_start3A_273 = arith.constant 0 : i32
        %dma_start3A_274 = arith.constant 0 : i32
        %dma_start3A_275 = tpu.memref_slice %arg4[%dma_start3A_273, %dma_start3A_274] : memref<10000x128xf32, #tpu.memory_space<hbm>> -> memref<10000x128xf32, #tpu.memory_space<hbm>>
        tpu.enqueue_indirect_dma source(%dma_start3A_275 : memref<10000x128xf32, #tpu.memory_space<hbm>>) target(%arg11 : memref<50x128xf32, #tpu.memory_space<vmem>>) offsets(%dma_start3A_272 : memref<50xi32, #tpu.memory_space<vmem>>) semaphore(%arg16 : memref<!tpu.dma_semaphore, #tpu.memory_space<semaphore_mem>>)
      } else {
      }
      %scan3A_265 = arith.constant 0 : i32
      scf.yield %scan3A_265 : i32
    }
    %scan3A_48 = arith.constant 10 : i32
    %run_scoped3A_49 = arith.constant 1 : i32
    "tpu.region"() ({
      %run_scoped3A_205 = tpu.sem_alloc : memref<!tpu.dma_semaphore, #tpu.memory_space<semaphore_mem>>
      %dma_start3A_206 = arith.constant 0 : i32
      %dma_start3A_207 = arith.constant 0 : i32
      %dma_start3A_208 = tpu.memref_slice %arg2[%add3A, %run_scoped3A_49, %dma_start3A_206, %dma_start3A_207] : memref<32x5x40x50xi32, #tpu.memory_space<hbm>> -> memref<1x1x40x50xi32, #tpu.memory_space<hbm>>
      %dma_start3A_209 = tpu.memref_squeeze %dma_start3A_208 : memref<1x1x40x50xi32, #tpu.memory_space<hbm>> -> memref<40x50xi32, #tpu.memory_space<hbm>>
      %dma_start3A_210 = arith.constant 0 : i32
      %dma_start3A_211 = arith.constant 0 : i32
      %dma_start3A_212 = tpu.memref_slice %arg2[%add3A, %run_scoped3A_49, %dma_start3A_210, %dma_start3A_211] : memref<32x5x40x50xi32, #tpu.memory_space<hbm>> -> memref<1x1x40x50xi32, #tpu.memory_space<hbm>>
      %dma_start3A_213 = tpu.memref_squeeze %dma_start3A_212 : memref<1x1x40x50xi32, #tpu.memory_space<hbm>> -> memref<40x50xi32, #tpu.memory_space<hbm>>
      tpu.enqueue_dma source(%dma_start3A_213 : memref<40x50xi32, #tpu.memory_space<hbm>>) target(%arg6 : memref<40x50xi32, #tpu.memory_space<vmem>>) target_semaphore(%run_scoped3A_205 : memref<!tpu.dma_semaphore, #tpu.memory_space<semaphore_mem>>)
      %dma_wait3A = arith.constant 0 : i32
      %dma_wait3A_214 = arith.constant 0 : i32
      %dma_wait3A_215 = tpu.memref_slice %arg2[%add3A, %run_scoped3A_49, %dma_wait3A, %dma_wait3A_214] : memref<32x5x40x50xi32, #tpu.memory_space<hbm>> -> memref<1x1x40x50xi32, #tpu.memory_space<hbm>>
      %dma_wait3A_216 = tpu.memref_squeeze %dma_wait3A_215 : memref<1x1x40x50xi32, #tpu.memory_space<hbm>> -> memref<40x50xi32, #tpu.memory_space<hbm>>
      %dma_wait3A_217 = arith.constant 0 : i32
      %dma_wait3A_218 = arith.constant 0 : i32
      %dma_wait3A_219 = tpu.memref_slice %arg2[%add3A, %run_scoped3A_49, %dma_wait3A_217, %dma_wait3A_218] : memref<32x5x40x50xi32, #tpu.memory_space<hbm>> -> memref<1x1x40x50xi32, #tpu.memory_space<hbm>>
      %dma_wait3A_220 = tpu.memref_squeeze %dma_wait3A_219 : memref<1x1x40x50xi32, #tpu.memory_space<hbm>> -> memref<40x50xi32, #tpu.memory_space<hbm>>
      tpu.wait_dma2 semaphore(%run_scoped3A_205 : memref<!tpu.dma_semaphore, #tpu.memory_space<semaphore_mem>>) src(%dma_wait3A_220 : memref<40x50xi32, #tpu.memory_space<hbm>>) dst(%arg6 : memref<40x50xi32, #tpu.memory_space<vmem>>)
      tpu.yield
    }) : () -> ()
    %run_scoped3A_50 = arith.constant 1 : i32
    "tpu.region"() ({
      %run_scoped3A_205 = tpu.sem_alloc : memref<!tpu.dma_semaphore, #tpu.memory_space<semaphore_mem>>
      %dma_start3A_206 = arith.constant 0 : i32
      %dma_start3A_207 = arith.constant 0 : i32
      %dma_start3A_208 = tpu.memref_slice %arg3[%add3A, %run_scoped3A_50, %dma_start3A_206, %dma_start3A_207] : memref<32x5x40x50xi32, #tpu.memory_space<hbm>> -> memref<1x1x40x50xi32, #tpu.memory_space<hbm>>
      %dma_start3A_209 = tpu.memref_squeeze %dma_start3A_208 : memref<1x1x40x50xi32, #tpu.memory_space<hbm>> -> memref<40x50xi32, #tpu.memory_space<hbm>>
      %dma_start3A_210 = arith.constant 0 : i32
      %dma_start3A_211 = arith.constant 0 : i32
      %dma_start3A_212 = tpu.memref_slice %arg3[%add3A, %run_scoped3A_50, %dma_start3A_210, %dma_start3A_211] : memref<32x5x40x50xi32, #tpu.memory_space<hbm>> -> memref<1x1x40x50xi32, #tpu.memory_space<hbm>>
      %dma_start3A_213 = tpu.memref_squeeze %dma_start3A_212 : memref<1x1x40x50xi32, #tpu.memory_space<hbm>> -> memref<40x50xi32, #tpu.memory_space<hbm>>
      tpu.enqueue_dma source(%dma_start3A_213 : memref<40x50xi32, #tpu.memory_space<hbm>>) target(%arg7 : memref<40x50xi32, #tpu.memory_space<vmem>>) target_semaphore(%run_scoped3A_205 : memref<!tpu.dma_semaphore, #tpu.memory_space<semaphore_mem>>)
      %dma_wait3A = arith.constant 0 : i32
      %dma_wait3A_214 = arith.constant 0 : i32
      %dma_wait3A_215 = tpu.memref_slice %arg3[%add3A, %run_scoped3A_50, %dma_wait3A, %dma_wait3A_214] : memref<32x5x40x50xi32, #tpu.memory_space<hbm>> -> memref<1x1x40x50xi32, #tpu.memory_space<hbm>>
      %dma_wait3A_216 = tpu.memref_squeeze %dma_wait3A_215 : memref<1x1x40x50xi32, #tpu.memory_space<hbm>> -> memref<40x50xi32, #tpu.memory_space<hbm>>
      %dma_wait3A_217 = arith.constant 0 : i32
      %dma_wait3A_218 = arith.constant 0 : i32
      %dma_wait3A_219 = tpu.memref_slice %arg3[%add3A, %run_scoped3A_50, %dma_wait3A_217, %dma_wait3A_218] : memref<32x5x40x50xi32, #tpu.memory_space<hbm>> -> memref<1x1x40x50xi32, #tpu.memory_space<hbm>>
      %dma_wait3A_220 = tpu.memref_squeeze %dma_wait3A_219 : memref<1x1x40x50xi32, #tpu.memory_space<hbm>> -> memref<40x50xi32, #tpu.memory_space<hbm>>
      tpu.wait_dma2 semaphore(%run_scoped3A_205 : memref<!tpu.dma_semaphore, #tpu.memory_space<semaphore_mem>>) src(%dma_wait3A_220 : memref<40x50xi32, #tpu.memory_space<hbm>>) dst(%arg7 : memref<40x50xi32, #tpu.memory_space<vmem>>)
      tpu.yield
    }) : () -> ()
    %dma_start3A_51 = arith.constant 0 : i32
    %dma_start3A_52 = arith.constant 0 : i32
    %dma_start3A_53 = tpu.memref_slice %arg6[%dma_start3A_51, %dma_start3A_52] : memref<40x50xi32, #tpu.memory_space<vmem>> -> memref<1x50xi32, #tpu.memory_space<vmem>>
    %dma_start3A_54 = tpu.memref_squeeze %dma_start3A_53 : memref<1x50xi32, #tpu.memory_space<vmem>> -> memref<50xi32, #tpu.memory_space<vmem>>
    %dma_start3A_55 = arith.constant 0 : i32
    %dma_start3A_56 = arith.constant 0 : i32
    %dma_start3A_57 = tpu.memref_slice %arg4[%dma_start3A_55, %dma_start3A_56] : memref<10000x128xf32, #tpu.memory_space<hbm>> -> memref<10000x128xf32, #tpu.memory_space<hbm>>
    tpu.enqueue_indirect_dma source(%dma_start3A_57 : memref<10000x128xf32, #tpu.memory_space<hbm>>) target(%arg8 : memref<50x128xf32, #tpu.memory_space<vmem>>) offsets(%dma_start3A_54 : memref<50xi32, #tpu.memory_space<vmem>>) semaphore(%arg13 : memref<!tpu.dma_semaphore, #tpu.memory_space<semaphore_mem>>)
    %dma_start3A_58 = arith.constant 1 : i32
    %dma_start3A_59 = arith.constant 0 : i32
    %dma_start3A_60 = tpu.memref_slice %arg6[%dma_start3A_58, %dma_start3A_59] : memref<40x50xi32, #tpu.memory_space<vmem>> -> memref<1x50xi32, #tpu.memory_space<vmem>>
    %dma_start3A_61 = tpu.memref_squeeze %dma_start3A_60 : memref<1x50xi32, #tpu.memory_space<vmem>> -> memref<50xi32, #tpu.memory_space<vmem>>
    %dma_start3A_62 = arith.constant 0 : i32
    %dma_start3A_63 = arith.constant 0 : i32
    %dma_start3A_64 = tpu.memref_slice %arg4[%dma_start3A_62, %dma_start3A_63] : memref<10000x128xf32, #tpu.memory_space<hbm>> -> memref<10000x128xf32, #tpu.memory_space<hbm>>
    tpu.enqueue_indirect_dma source(%dma_start3A_64 : memref<10000x128xf32, #tpu.memory_space<hbm>>) target(%arg9 : memref<50x128xf32, #tpu.memory_space<vmem>>) offsets(%dma_start3A_61 : memref<50xi32, #tpu.memory_space<vmem>>) semaphore(%arg14 : memref<!tpu.dma_semaphore, #tpu.memory_space<semaphore_mem>>)
    %dma_start3A_65 = arith.constant 2 : i32
    %dma_start3A_66 = arith.constant 0 : i32
    %dma_start3A_67 = tpu.memref_slice %arg6[%dma_start3A_65, %dma_start3A_66] : memref<40x50xi32, #tpu.memory_space<vmem>> -> memref<1x50xi32, #tpu.memory_space<vmem>>
    %dma_start3A_68 = tpu.memref_squeeze %dma_start3A_67 : memref<1x50xi32, #tpu.memory_space<vmem>> -> memref<50xi32, #tpu.memory_space<vmem>>
    %dma_start3A_69 = arith.constant 0 : i32
    %dma_start3A_70 = arith.constant 0 : i32
    %dma_start3A_71 = tpu.memref_slice %arg4[%dma_start3A_69, %dma_start3A_70] : memref<10000x128xf32, #tpu.memory_space<hbm>> -> memref<10000x128xf32, #tpu.memory_space<hbm>>
    tpu.enqueue_indirect_dma source(%dma_start3A_71 : memref<10000x128xf32, #tpu.memory_space<hbm>>) target(%arg10 : memref<50x128xf32, #tpu.memory_space<vmem>>) offsets(%dma_start3A_68 : memref<50xi32, #tpu.memory_space<vmem>>) semaphore(%arg15 : memref<!tpu.dma_semaphore, #tpu.memory_space<semaphore_mem>>)
    %dma_start3A_72 = arith.constant 3 : i32
    %dma_start3A_73 = arith.constant 0 : i32
    %dma_start3A_74 = tpu.memref_slice %arg6[%dma_start3A_72, %dma_start3A_73] : memref<40x50xi32, #tpu.memory_space<vmem>> -> memref<1x50xi32, #tpu.memory_space<vmem>>
    %dma_start3A_75 = tpu.memref_squeeze %dma_start3A_74 : memref<1x50xi32, #tpu.memory_space<vmem>> -> memref<50xi32, #tpu.memory_space<vmem>>
    %dma_start3A_76 = arith.constant 0 : i32
    %dma_start3A_77 = arith.constant 0 : i32
    %dma_start3A_78 = tpu.memref_slice %arg4[%dma_start3A_76, %dma_start3A_77] : memref<10000x128xf32, #tpu.memory_space<hbm>> -> memref<10000x128xf32, #tpu.memory_space<hbm>>
    tpu.enqueue_indirect_dma source(%dma_start3A_78 : memref<10000x128xf32, #tpu.memory_space<hbm>>) target(%arg11 : memref<50x128xf32, #tpu.memory_space<vmem>>) offsets(%dma_start3A_75 : memref<50xi32, #tpu.memory_space<vmem>>) semaphore(%arg16 : memref<!tpu.dma_semaphore, #tpu.memory_space<semaphore_mem>>)
    %scan3A_79 = arith.constant 0 : i32
    %scan3A_80 = arith.constant 0 : i32
    %scan3A_81 = arith.constant 10 : i32
    %scan3A_82 = arith.addi %scan3A_80, %scan3A_81 : i32
    %scan3A_83 = arith.constant 1 : i32
    %scan3A_84 = scf.for %scan3A_205 = %scan3A_80 to %scan3A_82 step %scan3A_83 iter_args(%scan3A_206 = %scan3A_79) -> (i32)  : i32 {
      %mul3A_207 = arith.constant 4 : i32
      %mul3A_208 = arith.muli %mul3A_207, %scan3A_205 : i32
      %add3A_209 = arith.constant 0 : i32
      %add3A_210 = arith.addi %mul3A_208, %add3A_209 : i32
      %dma_wait3A = arith.constant 0 : i32
      %dma_wait3A_211 = tpu.memref_slice %arg6[%add3A_210, %dma_wait3A] : memref<40x50xi32, #tpu.memory_space<vmem>> -> memref<1x50xi32, #tpu.memory_space<vmem>>
      %dma_wait3A_212 = tpu.memref_squeeze %dma_wait3A_211 : memref<1x50xi32, #tpu.memory_space<vmem>> -> memref<50xi32, #tpu.memory_space<vmem>>
      %dma_wait3A_213 = arith.constant 0 : i32
      %dma_wait3A_214 = arith.constant 0 : i32
      %dma_wait3A_215 = tpu.memref_slice %arg4[%dma_wait3A_213, %dma_wait3A_214] : memref<10000x128xf32, #tpu.memory_space<hbm>> -> memref<10000x128xf32, #tpu.memory_space<hbm>>
      tpu.wait_indirect_dma semaphore(%arg13 : memref<!tpu.dma_semaphore, #tpu.memory_space<semaphore_mem>>) src(%dma_wait3A_215 : memref<10000x128xf32, #tpu.memory_space<hbm>>) dst(%arg8 : memref<50x128xf32, #tpu.memory_space<vmem>>)
      %add3A_216 = arith.constant 0 : i32
      %add3A_217 = arith.addi %mul3A_208, %add3A_216 : i32
      "tpu.region"() ({
        %run_scoped3A_266 = tpu.sem_alloc : memref<!tpu.dma_semaphore, #tpu.memory_space<semaphore_mem>>
        %dma_start3A_267 = arith.constant 0 : i32
        %dma_start3A_268 = tpu.memref_slice %arg7[%add3A_217, %dma_start3A_267] : memref<40x50xi32, #tpu.memory_space<vmem>> -> memref<1x50xi32, #tpu.memory_space<vmem>>
        %dma_start3A_269 = tpu.memref_squeeze %dma_start3A_268 : memref<1x50xi32, #tpu.memory_space<vmem>> -> memref<50xi32, #tpu.memory_space<vmem>>
        %dma_start3A_270 = arith.constant 0 : i32
        %dma_start3A_271 = arith.constant 0 : i32
        %dma_start3A_272 = tpu.memref_slice %arg12[%dma_start3A_270, %dma_start3A_271] : memref<10000x128xf32, #tpu.memory_space<vmem_shared>> -> memref<10000x128xf32, #tpu.memory_space<vmem_shared>>
        tpu.enqueue_indirect_dma source(%arg8 : memref<50x128xf32, #tpu.memory_space<vmem>>) target(%dma_start3A_272 : memref<10000x128xf32, #tpu.memory_space<vmem_shared>>) offsets(%dma_start3A_269 : memref<50xi32, #tpu.memory_space<vmem>>) semaphore(%run_scoped3A_266 : memref<!tpu.dma_semaphore, #tpu.memory_space<semaphore_mem>>) {add = true}
        %dma_wait3A_273 = arith.constant 0 : i32
        %dma_wait3A_274 = tpu.memref_slice %arg7[%add3A_217, %dma_wait3A_273] : memref<40x50xi32, #tpu.memory_space<vmem>> -> memref<1x50xi32, #tpu.memory_space<vmem>>
        %dma_wait3A_275 = tpu.memref_squeeze %dma_wait3A_274 : memref<1x50xi32, #tpu.memory_space<vmem>> -> memref<50xi32, #tpu.memory_space<vmem>>
        %dma_wait3A_276 = arith.constant 0 : i32
        %dma_wait3A_277 = arith.constant 0 : i32
        %dma_wait3A_278 = tpu.memref_slice %arg12[%dma_wait3A_276, %dma_wait3A_277] : memref<10000x128xf32, #tpu.memory_space<vmem_shared>> -> memref<10000x128xf32, #tpu.memory_space<vmem_shared>>
        tpu.wait_indirect_dma semaphore(%run_scoped3A_266 : memref<!tpu.dma_semaphore, #tpu.memory_space<semaphore_mem>>) src(%arg8 : memref<50x128xf32, #tpu.memory_space<vmem>>) dst(%dma_wait3A_278 : memref<10000x128xf32, #tpu.memory_space<vmem_shared>>)
        tpu.yield
      }) : () -> ()
      %lt3A = arith.constant 9 : i32
      %lt3A_218 = arith.cmpi slt, %scan3A_205, %lt3A : i32
      %convert_element_type3A = arith.extui %lt3A_218 : i1 to i32
      %cond3A = arith.constant 0 : i32
      %cond3A_219 = arith.cmpi ne, %convert_element_type3A, %cond3A : i32
      scf.if %cond3A_219 {
        %add3A_266 = arith.constant 4 : i32
        %add3A_267 = arith.addi %mul3A_208, %add3A_266 : i32
        %add3A_268 = arith.constant 0 : i32
        %add3A_269 = arith.addi %add3A_267, %add3A_268 : i32
        %dma_start3A_270 = arith.constant 0 : i32
        %dma_start3A_271 = tpu.memref_slice %arg6[%add3A_269, %dma_start3A_270] : memref<40x50xi32, #tpu.memory_space<vmem>> -> memref<1x50xi32, #tpu.memory_space<vmem>>
        %dma_start3A_272 = tpu.memref_squeeze %dma_start3A_271 : memref<1x50xi32, #tpu.memory_space<vmem>> -> memref<50xi32, #tpu.memory_space<vmem>>
        %dma_start3A_273 = arith.constant 0 : i32
        %dma_start3A_274 = arith.constant 0 : i32
        %dma_start3A_275 = tpu.memref_slice %arg4[%dma_start3A_273, %dma_start3A_274] : memref<10000x128xf32, #tpu.memory_space<hbm>> -> memref<10000x128xf32, #tpu.memory_space<hbm>>
        tpu.enqueue_indirect_dma source(%dma_start3A_275 : memref<10000x128xf32, #tpu.memory_space<hbm>>) target(%arg8 : memref<50x128xf32, #tpu.memory_space<vmem>>) offsets(%dma_start3A_272 : memref<50xi32, #tpu.memory_space<vmem>>) semaphore(%arg13 : memref<!tpu.dma_semaphore, #tpu.memory_space<semaphore_mem>>)
      } else {
      }
      %add3A_220 = arith.constant 1 : i32
      %add3A_221 = arith.addi %mul3A_208, %add3A_220 : i32
      %dma_wait3A_222 = arith.constant 0 : i32
      %dma_wait3A_223 = tpu.memref_slice %arg6[%add3A_221, %dma_wait3A_222] : memref<40x50xi32, #tpu.memory_space<vmem>> -> memref<1x50xi32, #tpu.memory_space<vmem>>
      %dma_wait3A_224 = tpu.memref_squeeze %dma_wait3A_223 : memref<1x50xi32, #tpu.memory_space<vmem>> -> memref<50xi32, #tpu.memory_space<vmem>>
      %dma_wait3A_225 = arith.constant 0 : i32
      %dma_wait3A_226 = arith.constant 0 : i32
      %dma_wait3A_227 = tpu.memref_slice %arg4[%dma_wait3A_225, %dma_wait3A_226] : memref<10000x128xf32, #tpu.memory_space<hbm>> -> memref<10000x128xf32, #tpu.memory_space<hbm>>
      tpu.wait_indirect_dma semaphore(%arg14 : memref<!tpu.dma_semaphore, #tpu.memory_space<semaphore_mem>>) src(%dma_wait3A_227 : memref<10000x128xf32, #tpu.memory_space<hbm>>) dst(%arg9 : memref<50x128xf32, #tpu.memory_space<vmem>>)
      %add3A_228 = arith.constant 1 : i32
      %add3A_229 = arith.addi %mul3A_208, %add3A_228 : i32
      "tpu.region"() ({
        %run_scoped3A_266 = tpu.sem_alloc : memref<!tpu.dma_semaphore, #tpu.memory_space<semaphore_mem>>
        %dma_start3A_267 = arith.constant 0 : i32
        %dma_start3A_268 = tpu.memref_slice %arg7[%add3A_229, %dma_start3A_267] : memref<40x50xi32, #tpu.memory_space<vmem>> -> memref<1x50xi32, #tpu.memory_space<vmem>>
        %dma_start3A_269 = tpu.memref_squeeze %dma_start3A_268 : memref<1x50xi32, #tpu.memory_space<vmem>> -> memref<50xi32, #tpu.memory_space<vmem>>
        %dma_start3A_270 = arith.constant 0 : i32
        %dma_start3A_271 = arith.constant 0 : i32
        %dma_start3A_272 = tpu.memref_slice %arg12[%dma_start3A_270, %dma_start3A_271] : memref<10000x128xf32, #tpu.memory_space<vmem_shared>> -> memref<10000x128xf32, #tpu.memory_space<vmem_shared>>
        tpu.enqueue_indirect_dma source(%arg9 : memref<50x128xf32, #tpu.memory_space<vmem>>) target(%dma_start3A_272 : memref<10000x128xf32, #tpu.memory_space<vmem_shared>>) offsets(%dma_start3A_269 : memref<50xi32, #tpu.memory_space<vmem>>) semaphore(%run_scoped3A_266 : memref<!tpu.dma_semaphore, #tpu.memory_space<semaphore_mem>>) {add = true}
        %dma_wait3A_273 = arith.constant 0 : i32
        %dma_wait3A_274 = tpu.memref_slice %arg7[%add3A_229, %dma_wait3A_273] : memref<40x50xi32, #tpu.memory_space<vmem>> -> memref<1x50xi32, #tpu.memory_space<vmem>>
        %dma_wait3A_275 = tpu.memref_squeeze %dma_wait3A_274 : memref<1x50xi32, #tpu.memory_space<vmem>> -> memref<50xi32, #tpu.memory_space<vmem>>
        %dma_wait3A_276 = arith.constant 0 : i32
        %dma_wait3A_277 = arith.constant 0 : i32
        %dma_wait3A_278 = tpu.memref_slice %arg12[%dma_wait3A_276, %dma_wait3A_277] : memref<10000x128xf32, #tpu.memory_space<vmem_shared>> -> memref<10000x128xf32, #tpu.memory_space<vmem_shared>>
        tpu.wait_indirect_dma semaphore(%run_scoped3A_266 : memref<!tpu.dma_semaphore, #tpu.memory_space<semaphore_mem>>) src(%arg9 : memref<50x128xf32, #tpu.memory_space<vmem>>) dst(%dma_wait3A_278 : memref<10000x128xf32, #tpu.memory_space<vmem_shared>>)
        tpu.yield
      }) : () -> ()
      %lt3A_230 = arith.constant 9 : i32
      %lt3A_231 = arith.cmpi slt, %scan3A_205, %lt3A_230 : i32
      %convert_element_type3A_232 = arith.extui %lt3A_231 : i1 to i32
      %cond3A_233 = arith.constant 0 : i32
      %cond3A_234 = arith.cmpi ne, %convert_element_type3A_232, %cond3A_233 : i32
      scf.if %cond3A_234 {
        %add3A_266 = arith.constant 4 : i32
        %add3A_267 = arith.addi %mul3A_208, %add3A_266 : i32
        %add3A_268 = arith.constant 1 : i32
        %add3A_269 = arith.addi %add3A_267, %add3A_268 : i32
        %dma_start3A_270 = arith.constant 0 : i32
        %dma_start3A_271 = tpu.memref_slice %arg6[%add3A_269, %dma_start3A_270] : memref<40x50xi32, #tpu.memory_space<vmem>> -> memref<1x50xi32, #tpu.memory_space<vmem>>
        %dma_start3A_272 = tpu.memref_squeeze %dma_start3A_271 : memref<1x50xi32, #tpu.memory_space<vmem>> -> memref<50xi32, #tpu.memory_space<vmem>>
        %dma_start3A_273 = arith.constant 0 : i32
        %dma_start3A_274 = arith.constant 0 : i32
        %dma_start3A_275 = tpu.memref_slice %arg4[%dma_start3A_273, %dma_start3A_274] : memref<10000x128xf32, #tpu.memory_space<hbm>> -> memref<10000x128xf32, #tpu.memory_space<hbm>>
        tpu.enqueue_indirect_dma source(%dma_start3A_275 : memref<10000x128xf32, #tpu.memory_space<hbm>>) target(%arg9 : memref<50x128xf32, #tpu.memory_space<vmem>>) offsets(%dma_start3A_272 : memref<50xi32, #tpu.memory_space<vmem>>) semaphore(%arg14 : memref<!tpu.dma_semaphore, #tpu.memory_space<semaphore_mem>>)
      } else {
      }
      %add3A_235 = arith.constant 2 : i32
      %add3A_236 = arith.addi %mul3A_208, %add3A_235 : i32
      %dma_wait3A_237 = arith.constant 0 : i32
      %dma_wait3A_238 = tpu.memref_slice %arg6[%add3A_236, %dma_wait3A_237] : memref<40x50xi32, #tpu.memory_space<vmem>> -> memref<1x50xi32, #tpu.memory_space<vmem>>
      %dma_wait3A_239 = tpu.memref_squeeze %dma_wait3A_238 : memref<1x50xi32, #tpu.memory_space<vmem>> -> memref<50xi32, #tpu.memory_space<vmem>>
      %dma_wait3A_240 = arith.constant 0 : i32
      %dma_wait3A_241 = arith.constant 0 : i32
      %dma_wait3A_242 = tpu.memref_slice %arg4[%dma_wait3A_240, %dma_wait3A_241] : memref<10000x128xf32, #tpu.memory_space<hbm>> -> memref<10000x128xf32, #tpu.memory_space<hbm>>
      tpu.wait_indirect_dma semaphore(%arg15 : memref<!tpu.dma_semaphore, #tpu.memory_space<semaphore_mem>>) src(%dma_wait3A_242 : memref<10000x128xf32, #tpu.memory_space<hbm>>) dst(%arg10 : memref<50x128xf32, #tpu.memory_space<vmem>>)
      %add3A_243 = arith.constant 2 : i32
      %add3A_244 = arith.addi %mul3A_208, %add3A_243 : i32
      "tpu.region"() ({
        %run_scoped3A_266 = tpu.sem_alloc : memref<!tpu.dma_semaphore, #tpu.memory_space<semaphore_mem>>
        %dma_start3A_267 = arith.constant 0 : i32
        %dma_start3A_268 = tpu.memref_slice %arg7[%add3A_244, %dma_start3A_267] : memref<40x50xi32, #tpu.memory_space<vmem>> -> memref<1x50xi32, #tpu.memory_space<vmem>>
        %dma_start3A_269 = tpu.memref_squeeze %dma_start3A_268 : memref<1x50xi32, #tpu.memory_space<vmem>> -> memref<50xi32, #tpu.memory_space<vmem>>
        %dma_start3A_270 = arith.constant 0 : i32
        %dma_start3A_271 = arith.constant 0 : i32
        %dma_start3A_272 = tpu.memref_slice %arg12[%dma_start3A_270, %dma_start3A_271] : memref<10000x128xf32, #tpu.memory_space<vmem_shared>> -> memref<10000x128xf32, #tpu.memory_space<vmem_shared>>
        tpu.enqueue_indirect_dma source(%arg10 : memref<50x128xf32, #tpu.memory_space<vmem>>) target(%dma_start3A_272 : memref<10000x128xf32, #tpu.memory_space<vmem_shared>>) offsets(%dma_start3A_269 : memref<50xi32, #tpu.memory_space<vmem>>) semaphore(%run_scoped3A_266 : memref<!tpu.dma_semaphore, #tpu.memory_space<semaphore_mem>>) {add = true}
        %dma_wait3A_273 = arith.constant 0 : i32
        %dma_wait3A_274 = tpu.memref_slice %arg7[%add3A_244, %dma_wait3A_273] : memref<40x50xi32, #tpu.memory_space<vmem>> -> memref<1x50xi32, #tpu.memory_space<vmem>>
        %dma_wait3A_275 = tpu.memref_squeeze %dma_wait3A_274 : memref<1x50xi32, #tpu.memory_space<vmem>> -> memref<50xi32, #tpu.memory_space<vmem>>
        %dma_wait3A_276 = arith.constant 0 : i32
        %dma_wait3A_277 = arith.constant 0 : i32
        %dma_wait3A_278 = tpu.memref_slice %arg12[%dma_wait3A_276, %dma_wait3A_277] : memref<10000x128xf32, #tpu.memory_space<vmem_shared>> -> memref<10000x128xf32, #tpu.memory_space<vmem_shared>>
        tpu.wait_indirect_dma semaphore(%run_scoped3A_266 : memref<!tpu.dma_semaphore, #tpu.memory_space<semaphore_mem>>) src(%arg10 : memref<50x128xf32, #tpu.memory_space<vmem>>) dst(%dma_wait3A_278 : memref<10000x128xf32, #tpu.memory_space<vmem_shared>>)
        tpu.yield
      }) : () -> ()
      %lt3A_245 = arith.constant 9 : i32
      %lt3A_246 = arith.cmpi slt, %scan3A_205, %lt3A_245 : i32
      %convert_element_type3A_247 = arith.extui %lt3A_246 : i1 to i32
      %cond3A_248 = arith.constant 0 : i32
      %cond3A_249 = arith.cmpi ne, %convert_element_type3A_247, %cond3A_248 : i32
      scf.if %cond3A_249 {
        %add3A_266 = arith.constant 4 : i32
        %add3A_267 = arith.addi %mul3A_208, %add3A_266 : i32
        %add3A_268 = arith.constant 2 : i32
        %add3A_269 = arith.addi %add3A_267, %add3A_268 : i32
        %dma_start3A_270 = arith.constant 0 : i32
        %dma_start3A_271 = tpu.memref_slice %arg6[%add3A_269, %dma_start3A_270] : memref<40x50xi32, #tpu.memory_space<vmem>> -> memref<1x50xi32, #tpu.memory_space<vmem>>
        %dma_start3A_272 = tpu.memref_squeeze %dma_start3A_271 : memref<1x50xi32, #tpu.memory_space<vmem>> -> memref<50xi32, #tpu.memory_space<vmem>>
        %dma_start3A_273 = arith.constant 0 : i32
        %dma_start3A_274 = arith.constant 0 : i32
        %dma_start3A_275 = tpu.memref_slice %arg4[%dma_start3A_273, %dma_start3A_274] : memref<10000x128xf32, #tpu.memory_space<hbm>> -> memref<10000x128xf32, #tpu.memory_space<hbm>>
        tpu.enqueue_indirect_dma source(%dma_start3A_275 : memref<10000x128xf32, #tpu.memory_space<hbm>>) target(%arg10 : memref<50x128xf32, #tpu.memory_space<vmem>>) offsets(%dma_start3A_272 : memref<50xi32, #tpu.memory_space<vmem>>) semaphore(%arg15 : memref<!tpu.dma_semaphore, #tpu.memory_space<semaphore_mem>>)
      } else {
      }
      %add3A_250 = arith.constant 3 : i32
      %add3A_251 = arith.addi %mul3A_208, %add3A_250 : i32
      %dma_wait3A_252 = arith.constant 0 : i32
      %dma_wait3A_253 = tpu.memref_slice %arg6[%add3A_251, %dma_wait3A_252] : memref<40x50xi32, #tpu.memory_space<vmem>> -> memref<1x50xi32, #tpu.memory_space<vmem>>
      %dma_wait3A_254 = tpu.memref_squeeze %dma_wait3A_253 : memref<1x50xi32, #tpu.memory_space<vmem>> -> memref<50xi32, #tpu.memory_space<vmem>>
      %dma_wait3A_255 = arith.constant 0 : i32
      %dma_wait3A_256 = arith.constant 0 : i32
      %dma_wait3A_257 = tpu.memref_slice %arg4[%dma_wait3A_255, %dma_wait3A_256] : memref<10000x128xf32, #tpu.memory_space<hbm>> -> memref<10000x128xf32, #tpu.memory_space<hbm>>
      tpu.wait_indirect_dma semaphore(%arg16 : memref<!tpu.dma_semaphore, #tpu.memory_space<semaphore_mem>>) src(%dma_wait3A_257 : memref<10000x128xf32, #tpu.memory_space<hbm>>) dst(%arg11 : memref<50x128xf32, #tpu.memory_space<vmem>>)
      %add3A_258 = arith.constant 3 : i32
      %add3A_259 = arith.addi %mul3A_208, %add3A_258 : i32
      "tpu.region"() ({
        %run_scoped3A_266 = tpu.sem_alloc : memref<!tpu.dma_semaphore, #tpu.memory_space<semaphore_mem>>
        %dma_start3A_267 = arith.constant 0 : i32
        %dma_start3A_268 = tpu.memref_slice %arg7[%add3A_259, %dma_start3A_267] : memref<40x50xi32, #tpu.memory_space<vmem>> -> memref<1x50xi32, #tpu.memory_space<vmem>>
        %dma_start3A_269 = tpu.memref_squeeze %dma_start3A_268 : memref<1x50xi32, #tpu.memory_space<vmem>> -> memref<50xi32, #tpu.memory_space<vmem>>
        %dma_start3A_270 = arith.constant 0 : i32
        %dma_start3A_271 = arith.constant 0 : i32
        %dma_start3A_272 = tpu.memref_slice %arg12[%dma_start3A_270, %dma_start3A_271] : memref<10000x128xf32, #tpu.memory_space<vmem_shared>> -> memref<10000x128xf32, #tpu.memory_space<vmem_shared>>
        tpu.enqueue_indirect_dma source(%arg11 : memref<50x128xf32, #tpu.memory_space<vmem>>) target(%dma_start3A_272 : memref<10000x128xf32, #tpu.memory_space<vmem_shared>>) offsets(%dma_start3A_269 : memref<50xi32, #tpu.memory_space<vmem>>) semaphore(%run_scoped3A_266 : memref<!tpu.dma_semaphore, #tpu.memory_space<semaphore_mem>>) {add = true}
        %dma_wait3A_273 = arith.constant 0 : i32
        %dma_wait3A_274 = tpu.memref_slice %arg7[%add3A_259, %dma_wait3A_273] : memref<40x50xi32, #tpu.memory_space<vmem>> -> memref<1x50xi32, #tpu.memory_space<vmem>>
        %dma_wait3A_275 = tpu.memref_squeeze %dma_wait3A_274 : memref<1x50xi32, #tpu.memory_space<vmem>> -> memref<50xi32, #tpu.memory_space<vmem>>
        %dma_wait3A_276 = arith.constant 0 : i32
        %dma_wait3A_277 = arith.constant 0 : i32
        %dma_wait3A_278 = tpu.memref_slice %arg12[%dma_wait3A_276, %dma_wait3A_277] : memref<10000x128xf32, #tpu.memory_space<vmem_shared>> -> memref<10000x128xf32, #tpu.memory_space<vmem_shared>>
        tpu.wait_indirect_dma semaphore(%run_scoped3A_266 : memref<!tpu.dma_semaphore, #tpu.memory_space<semaphore_mem>>) src(%arg11 : memref<50x128xf32, #tpu.memory_space<vmem>>) dst(%dma_wait3A_278 : memref<10000x128xf32, #tpu.memory_space<vmem_shared>>)
        tpu.yield
      }) : () -> ()
      %lt3A_260 = arith.constant 9 : i32
      %lt3A_261 = arith.cmpi slt, %scan3A_205, %lt3A_260 : i32
      %convert_element_type3A_262 = arith.extui %lt3A_261 : i1 to i32
      %cond3A_263 = arith.constant 0 : i32
      %cond3A_264 = arith.cmpi ne, %convert_element_type3A_262, %cond3A_263 : i32
      scf.if %cond3A_264 {
        %add3A_266 = arith.constant 4 : i32
        %add3A_267 = arith.addi %mul3A_208, %add3A_266 : i32
        %add3A_268 = arith.constant 3 : i32
        %add3A_269 = arith.addi %add3A_267, %add3A_268 : i32
        %dma_start3A_270 = arith.constant 0 : i32
        %dma_start3A_271 = tpu.memref_slice %arg6[%add3A_269, %dma_start3A_270] : memref<40x50xi32, #tpu.memory_space<vmem>> -> memref<1x50xi32, #tpu.memory_space<vmem>>
        %dma_start3A_272 = tpu.memref_squeeze %dma_start3A_271 : memref<1x50xi32, #tpu.memory_space<vmem>> -> memref<50xi32, #tpu.memory_space<vmem>>
        %dma_start3A_273 = arith.constant 0 : i32
        %dma_start3A_274 = arith.constant 0 : i32
        %dma_start3A_275 = tpu.memref_slice %arg4[%dma_start3A_273, %dma_start3A_274] : memref<10000x128xf32, #tpu.memory_space<hbm>> -> memref<10000x128xf32, #tpu.memory_space<hbm>>
        tpu.enqueue_indirect_dma source(%dma_start3A_275 : memref<10000x128xf32, #tpu.memory_space<hbm>>) target(%arg11 : memref<50x128xf32, #tpu.memory_space<vmem>>) offsets(%dma_start3A_272 : memref<50xi32, #tpu.memory_space<vmem>>) semaphore(%arg16 : memref<!tpu.dma_semaphore, #tpu.memory_space<semaphore_mem>>)
      } else {
      }
      %scan3A_265 = arith.constant 0 : i32
      scf.yield %scan3A_265 : i32
    }
    %scan3A_85 = arith.constant 10 : i32
    %run_scoped3A_86 = arith.constant 2 : i32
    "tpu.region"() ({
      %run_scoped3A_205 = tpu.sem_alloc : memref<!tpu.dma_semaphore, #tpu.memory_space<semaphore_mem>>
      %dma_start3A_206 = arith.constant 0 : i32
      %dma_start3A_207 = arith.constant 0 : i32
      %dma_start3A_208 = tpu.memref_slice %arg2[%add3A, %run_scoped3A_86, %dma_start3A_206, %dma_start3A_207] : memref<32x5x40x50xi32, #tpu.memory_space<hbm>> -> memref<1x1x40x50xi32, #tpu.memory_space<hbm>>
      %dma_start3A_209 = tpu.memref_squeeze %dma_start3A_208 : memref<1x1x40x50xi32, #tpu.memory_space<hbm>> -> memref<40x50xi32, #tpu.memory_space<hbm>>
      %dma_start3A_210 = arith.constant 0 : i32
      %dma_start3A_211 = arith.constant 0 : i32
      %dma_start3A_212 = tpu.memref_slice %arg2[%add3A, %run_scoped3A_86, %dma_start3A_210, %dma_start3A_211] : memref<32x5x40x50xi32, #tpu.memory_space<hbm>> -> memref<1x1x40x50xi32, #tpu.memory_space<hbm>>
      %dma_start3A_213 = tpu.memref_squeeze %dma_start3A_212 : memref<1x1x40x50xi32, #tpu.memory_space<hbm>> -> memref<40x50xi32, #tpu.memory_space<hbm>>
      tpu.enqueue_dma source(%dma_start3A_213 : memref<40x50xi32, #tpu.memory_space<hbm>>) target(%arg6 : memref<40x50xi32, #tpu.memory_space<vmem>>) target_semaphore(%run_scoped3A_205 : memref<!tpu.dma_semaphore, #tpu.memory_space<semaphore_mem>>)
      %dma_wait3A = arith.constant 0 : i32
      %dma_wait3A_214 = arith.constant 0 : i32
      %dma_wait3A_215 = tpu.memref_slice %arg2[%add3A, %run_scoped3A_86, %dma_wait3A, %dma_wait3A_214] : memref<32x5x40x50xi32, #tpu.memory_space<hbm>> -> memref<1x1x40x50xi32, #tpu.memory_space<hbm>>
      %dma_wait3A_216 = tpu.memref_squeeze %dma_wait3A_215 : memref<1x1x40x50xi32, #tpu.memory_space<hbm>> -> memref<40x50xi32, #tpu.memory_space<hbm>>
      %dma_wait3A_217 = arith.constant 0 : i32
      %dma_wait3A_218 = arith.constant 0 : i32
      %dma_wait3A_219 = tpu.memref_slice %arg2[%add3A, %run_scoped3A_86, %dma_wait3A_217, %dma_wait3A_218] : memref<32x5x40x50xi32, #tpu.memory_space<hbm>> -> memref<1x1x40x50xi32, #tpu.memory_space<hbm>>
      %dma_wait3A_220 = tpu.memref_squeeze %dma_wait3A_219 : memref<1x1x40x50xi32, #tpu.memory_space<hbm>> -> memref<40x50xi32, #tpu.memory_space<hbm>>
      tpu.wait_dma2 semaphore(%run_scoped3A_205 : memref<!tpu.dma_semaphore, #tpu.memory_space<semaphore_mem>>) src(%dma_wait3A_220 : memref<40x50xi32, #tpu.memory_space<hbm>>) dst(%arg6 : memref<40x50xi32, #tpu.memory_space<vmem>>)
      tpu.yield
    }) : () -> ()
    %run_scoped3A_87 = arith.constant 2 : i32
    "tpu.region"() ({
      %run_scoped3A_205 = tpu.sem_alloc : memref<!tpu.dma_semaphore, #tpu.memory_space<semaphore_mem>>
      %dma_start3A_206 = arith.constant 0 : i32
      %dma_start3A_207 = arith.constant 0 : i32
      %dma_start3A_208 = tpu.memref_slice %arg3[%add3A, %run_scoped3A_87, %dma_start3A_206, %dma_start3A_207] : memref<32x5x40x50xi32, #tpu.memory_space<hbm>> -> memref<1x1x40x50xi32, #tpu.memory_space<hbm>>
      %dma_start3A_209 = tpu.memref_squeeze %dma_start3A_208 : memref<1x1x40x50xi32, #tpu.memory_space<hbm>> -> memref<40x50xi32, #tpu.memory_space<hbm>>
      %dma_start3A_210 = arith.constant 0 : i32
      %dma_start3A_211 = arith.constant 0 : i32
      %dma_start3A_212 = tpu.memref_slice %arg3[%add3A, %run_scoped3A_87, %dma_start3A_210, %dma_start3A_211] : memref<32x5x40x50xi32, #tpu.memory_space<hbm>> -> memref<1x1x40x50xi32, #tpu.memory_space<hbm>>
      %dma_start3A_213 = tpu.memref_squeeze %dma_start3A_212 : memref<1x1x40x50xi32, #tpu.memory_space<hbm>> -> memref<40x50xi32, #tpu.memory_space<hbm>>
      tpu.enqueue_dma source(%dma_start3A_213 : memref<40x50xi32, #tpu.memory_space<hbm>>) target(%arg7 : memref<40x50xi32, #tpu.memory_space<vmem>>) target_semaphore(%run_scoped3A_205 : memref<!tpu.dma_semaphore, #tpu.memory_space<semaphore_mem>>)
      %dma_wait3A = arith.constant 0 : i32
      %dma_wait3A_214 = arith.constant 0 : i32
      %dma_wait3A_215 = tpu.memref_slice %arg3[%add3A, %run_scoped3A_87, %dma_wait3A, %dma_wait3A_214] : memref<32x5x40x50xi32, #tpu.memory_space<hbm>> -> memref<1x1x40x50xi32, #tpu.memory_space<hbm>>
      %dma_wait3A_216 = tpu.memref_squeeze %dma_wait3A_215 : memref<1x1x40x50xi32, #tpu.memory_space<hbm>> -> memref<40x50xi32, #tpu.memory_space<hbm>>
      %dma_wait3A_217 = arith.constant 0 : i32
      %dma_wait3A_218 = arith.constant 0 : i32
      %dma_wait3A_219 = tpu.memref_slice %arg3[%add3A, %run_scoped3A_87, %dma_wait3A_217, %dma_wait3A_218] : memref<32x5x40x50xi32, #tpu.memory_space<hbm>> -> memref<1x1x40x50xi32, #tpu.memory_space<hbm>>
      %dma_wait3A_220 = tpu.memref_squeeze %dma_wait3A_219 : memref<1x1x40x50xi32, #tpu.memory_space<hbm>> -> memref<40x50xi32, #tpu.memory_space<hbm>>
      tpu.wait_dma2 semaphore(%run_scoped3A_205 : memref<!tpu.dma_semaphore, #tpu.memory_space<semaphore_mem>>) src(%dma_wait3A_220 : memref<40x50xi32, #tpu.memory_space<hbm>>) dst(%arg7 : memref<40x50xi32, #tpu.memory_space<vmem>>)
      tpu.yield
    }) : () -> ()
    %dma_start3A_88 = arith.constant 0 : i32
    %dma_start3A_89 = arith.constant 0 : i32
    %dma_start3A_90 = tpu.memref_slice %arg6[%dma_start3A_88, %dma_start3A_89] : memref<40x50xi32, #tpu.memory_space<vmem>> -> memref<1x50xi32, #tpu.memory_space<vmem>>
    %dma_start3A_91 = tpu.memref_squeeze %dma_start3A_90 : memref<1x50xi32, #tpu.memory_space<vmem>> -> memref<50xi32, #tpu.memory_space<vmem>>
    %dma_start3A_92 = arith.constant 0 : i32
    %dma_start3A_93 = arith.constant 0 : i32
    %dma_start3A_94 = tpu.memref_slice %arg4[%dma_start3A_92, %dma_start3A_93] : memref<10000x128xf32, #tpu.memory_space<hbm>> -> memref<10000x128xf32, #tpu.memory_space<hbm>>
    tpu.enqueue_indirect_dma source(%dma_start3A_94 : memref<10000x128xf32, #tpu.memory_space<hbm>>) target(%arg8 : memref<50x128xf32, #tpu.memory_space<vmem>>) offsets(%dma_start3A_91 : memref<50xi32, #tpu.memory_space<vmem>>) semaphore(%arg13 : memref<!tpu.dma_semaphore, #tpu.memory_space<semaphore_mem>>)
    %dma_start3A_95 = arith.constant 1 : i32
    %dma_start3A_96 = arith.constant 0 : i32
    %dma_start3A_97 = tpu.memref_slice %arg6[%dma_start3A_95, %dma_start3A_96] : memref<40x50xi32, #tpu.memory_space<vmem>> -> memref<1x50xi32, #tpu.memory_space<vmem>>
    %dma_start3A_98 = tpu.memref_squeeze %dma_start3A_97 : memref<1x50xi32, #tpu.memory_space<vmem>> -> memref<50xi32, #tpu.memory_space<vmem>>
    %dma_start3A_99 = arith.constant 0 : i32
    %dma_start3A_100 = arith.constant 0 : i32
    %dma_start3A_101 = tpu.memref_slice %arg4[%dma_start3A_99, %dma_start3A_100] : memref<10000x128xf32, #tpu.memory_space<hbm>> -> memref<10000x128xf32, #tpu.memory_space<hbm>>
    tpu.enqueue_indirect_dma source(%dma_start3A_101 : memref<10000x128xf32, #tpu.memory_space<hbm>>) target(%arg9 : memref<50x128xf32, #tpu.memory_space<vmem>>) offsets(%dma_start3A_98 : memref<50xi32, #tpu.memory_space<vmem>>) semaphore(%arg14 : memref<!tpu.dma_semaphore, #tpu.memory_space<semaphore_mem>>)
    %dma_start3A_102 = arith.constant 2 : i32
    %dma_start3A_103 = arith.constant 0 : i32
    %dma_start3A_104 = tpu.memref_slice %arg6[%dma_start3A_102, %dma_start3A_103] : memref<40x50xi32, #tpu.memory_space<vmem>> -> memref<1x50xi32, #tpu.memory_space<vmem>>
    %dma_start3A_105 = tpu.memref_squeeze %dma_start3A_104 : memref<1x50xi32, #tpu.memory_space<vmem>> -> memref<50xi32, #tpu.memory_space<vmem>>
    %dma_start3A_106 = arith.constant 0 : i32
    %dma_start3A_107 = arith.constant 0 : i32
    %dma_start3A_108 = tpu.memref_slice %arg4[%dma_start3A_106, %dma_start3A_107] : memref<10000x128xf32, #tpu.memory_space<hbm>> -> memref<10000x128xf32, #tpu.memory_space<hbm>>
    tpu.enqueue_indirect_dma source(%dma_start3A_108 : memref<10000x128xf32, #tpu.memory_space<hbm>>) target(%arg10 : memref<50x128xf32, #tpu.memory_space<vmem>>) offsets(%dma_start3A_105 : memref<50xi32, #tpu.memory_space<vmem>>) semaphore(%arg15 : memref<!tpu.dma_semaphore, #tpu.memory_space<semaphore_mem>>)
    %dma_start3A_109 = arith.constant 3 : i32
    %dma_start3A_110 = arith.constant 0 : i32
    %dma_start3A_111 = tpu.memref_slice %arg6[%dma_start3A_109, %dma_start3A_110] : memref<40x50xi32, #tpu.memory_space<vmem>> -> memref<1x50xi32, #tpu.memory_space<vmem>>
    %dma_start3A_112 = tpu.memref_squeeze %dma_start3A_111 : memref<1x50xi32, #tpu.memory_space<vmem>> -> memref<50xi32, #tpu.memory_space<vmem>>
    %dma_start3A_113 = arith.constant 0 : i32
    %dma_start3A_114 = arith.constant 0 : i32
    %dma_start3A_115 = tpu.memref_slice %arg4[%dma_start3A_113, %dma_start3A_114] : memref<10000x128xf32, #tpu.memory_space<hbm>> -> memref<10000x128xf32, #tpu.memory_space<hbm>>
    tpu.enqueue_indirect_dma source(%dma_start3A_115 : memref<10000x128xf32, #tpu.memory_space<hbm>>) target(%arg11 : memref<50x128xf32, #tpu.memory_space<vmem>>) offsets(%dma_start3A_112 : memref<50xi32, #tpu.memory_space<vmem>>) semaphore(%arg16 : memref<!tpu.dma_semaphore, #tpu.memory_space<semaphore_mem>>)
    %scan3A_116 = arith.constant 0 : i32
    %scan3A_117 = arith.constant 0 : i32
    %scan3A_118 = arith.constant 10 : i32
    %scan3A_119 = arith.addi %scan3A_117, %scan3A_118 : i32
    %scan3A_120 = arith.constant 1 : i32
    %scan3A_121 = scf.for %scan3A_205 = %scan3A_117 to %scan3A_119 step %scan3A_120 iter_args(%scan3A_206 = %scan3A_116) -> (i32)  : i32 {
      %mul3A_207 = arith.constant 4 : i32
      %mul3A_208 = arith.muli %mul3A_207, %scan3A_205 : i32
      %add3A_209 = arith.constant 0 : i32
      %add3A_210 = arith.addi %mul3A_208, %add3A_209 : i32
      %dma_wait3A = arith.constant 0 : i32
      %dma_wait3A_211 = tpu.memref_slice %arg6[%add3A_210, %dma_wait3A] : memref<40x50xi32, #tpu.memory_space<vmem>> -> memref<1x50xi32, #tpu.memory_space<vmem>>
      %dma_wait3A_212 = tpu.memref_squeeze %dma_wait3A_211 : memref<1x50xi32, #tpu.memory_space<vmem>> -> memref<50xi32, #tpu.memory_space<vmem>>
      %dma_wait3A_213 = arith.constant 0 : i32
      %dma_wait3A_214 = arith.constant 0 : i32
      %dma_wait3A_215 = tpu.memref_slice %arg4[%dma_wait3A_213, %dma_wait3A_214] : memref<10000x128xf32, #tpu.memory_space<hbm>> -> memref<10000x128xf32, #tpu.memory_space<hbm>>
      tpu.wait_indirect_dma semaphore(%arg13 : memref<!tpu.dma_semaphore, #tpu.memory_space<semaphore_mem>>) src(%dma_wait3A_215 : memref<10000x128xf32, #tpu.memory_space<hbm>>) dst(%arg8 : memref<50x128xf32, #tpu.memory_space<vmem>>)
      %add3A_216 = arith.constant 0 : i32
      %add3A_217 = arith.addi %mul3A_208, %add3A_216 : i32
      "tpu.region"() ({
        %run_scoped3A_266 = tpu.sem_alloc : memref<!tpu.dma_semaphore, #tpu.memory_space<semaphore_mem>>
        %dma_start3A_267 = arith.constant 0 : i32
        %dma_start3A_268 = tpu.memref_slice %arg7[%add3A_217, %dma_start3A_267] : memref<40x50xi32, #tpu.memory_space<vmem>> -> memref<1x50xi32, #tpu.memory_space<vmem>>
        %dma_start3A_269 = tpu.memref_squeeze %dma_start3A_268 : memref<1x50xi32, #tpu.memory_space<vmem>> -> memref<50xi32, #tpu.memory_space<vmem>>
        %dma_start3A_270 = arith.constant 0 : i32
        %dma_start3A_271 = arith.constant 0 : i32
        %dma_start3A_272 = tpu.memref_slice %arg12[%dma_start3A_270, %dma_start3A_271] : memref<10000x128xf32, #tpu.memory_space<vmem_shared>> -> memref<10000x128xf32, #tpu.memory_space<vmem_shared>>
        tpu.enqueue_indirect_dma source(%arg8 : memref<50x128xf32, #tpu.memory_space<vmem>>) target(%dma_start3A_272 : memref<10000x128xf32, #tpu.memory_space<vmem_shared>>) offsets(%dma_start3A_269 : memref<50xi32, #tpu.memory_space<vmem>>) semaphore(%run_scoped3A_266 : memref<!tpu.dma_semaphore, #tpu.memory_space<semaphore_mem>>) {add = true}
        %dma_wait3A_273 = arith.constant 0 : i32
        %dma_wait3A_274 = tpu.memref_slice %arg7[%add3A_217, %dma_wait3A_273] : memref<40x50xi32, #tpu.memory_space<vmem>> -> memref<1x50xi32, #tpu.memory_space<vmem>>
        %dma_wait3A_275 = tpu.memref_squeeze %dma_wait3A_274 : memref<1x50xi32, #tpu.memory_space<vmem>> -> memref<50xi32, #tpu.memory_space<vmem>>
        %dma_wait3A_276 = arith.constant 0 : i32
        %dma_wait3A_277 = arith.constant 0 : i32
        %dma_wait3A_278 = tpu.memref_slice %arg12[%dma_wait3A_276, %dma_wait3A_277] : memref<10000x128xf32, #tpu.memory_space<vmem_shared>> -> memref<10000x128xf32, #tpu.memory_space<vmem_shared>>
        tpu.wait_indirect_dma semaphore(%run_scoped3A_266 : memref<!tpu.dma_semaphore, #tpu.memory_space<semaphore_mem>>) src(%arg8 : memref<50x128xf32, #tpu.memory_space<vmem>>) dst(%dma_wait3A_278 : memref<10000x128xf32, #tpu.memory_space<vmem_shared>>)
        tpu.yield
      }) : () -> ()
      %lt3A = arith.constant 9 : i32
      %lt3A_218 = arith.cmpi slt, %scan3A_205, %lt3A : i32
      %convert_element_type3A = arith.extui %lt3A_218 : i1 to i32
      %cond3A = arith.constant 0 : i32
      %cond3A_219 = arith.cmpi ne, %convert_element_type3A, %cond3A : i32
      scf.if %cond3A_219 {
        %add3A_266 = arith.constant 4 : i32
        %add3A_267 = arith.addi %mul3A_208, %add3A_266 : i32
        %add3A_268 = arith.constant 0 : i32
        %add3A_269 = arith.addi %add3A_267, %add3A_268 : i32
        %dma_start3A_270 = arith.constant 0 : i32
        %dma_start3A_271 = tpu.memref_slice %arg6[%add3A_269, %dma_start3A_270] : memref<40x50xi32, #tpu.memory_space<vmem>> -> memref<1x50xi32, #tpu.memory_space<vmem>>
        %dma_start3A_272 = tpu.memref_squeeze %dma_start3A_271 : memref<1x50xi32, #tpu.memory_space<vmem>> -> memref<50xi32, #tpu.memory_space<vmem>>
        %dma_start3A_273 = arith.constant 0 : i32
        %dma_start3A_274 = arith.constant 0 : i32
        %dma_start3A_275 = tpu.memref_slice %arg4[%dma_start3A_273, %dma_start3A_274] : memref<10000x128xf32, #tpu.memory_space<hbm>> -> memref<10000x128xf32, #tpu.memory_space<hbm>>
        tpu.enqueue_indirect_dma source(%dma_start3A_275 : memref<10000x128xf32, #tpu.memory_space<hbm>>) target(%arg8 : memref<50x128xf32, #tpu.memory_space<vmem>>) offsets(%dma_start3A_272 : memref<50xi32, #tpu.memory_space<vmem>>) semaphore(%arg13 : memref<!tpu.dma_semaphore, #tpu.memory_space<semaphore_mem>>)
      } else {
      }
      %add3A_220 = arith.constant 1 : i32
      %add3A_221 = arith.addi %mul3A_208, %add3A_220 : i32
      %dma_wait3A_222 = arith.constant 0 : i32
      %dma_wait3A_223 = tpu.memref_slice %arg6[%add3A_221, %dma_wait3A_222] : memref<40x50xi32, #tpu.memory_space<vmem>> -> memref<1x50xi32, #tpu.memory_space<vmem>>
      %dma_wait3A_224 = tpu.memref_squeeze %dma_wait3A_223 : memref<1x50xi32, #tpu.memory_space<vmem>> -> memref<50xi32, #tpu.memory_space<vmem>>
      %dma_wait3A_225 = arith.constant 0 : i32
      %dma_wait3A_226 = arith.constant 0 : i32
      %dma_wait3A_227 = tpu.memref_slice %arg4[%dma_wait3A_225, %dma_wait3A_226] : memref<10000x128xf32, #tpu.memory_space<hbm>> -> memref<10000x128xf32, #tpu.memory_space<hbm>>
      tpu.wait_indirect_dma semaphore(%arg14 : memref<!tpu.dma_semaphore, #tpu.memory_space<semaphore_mem>>) src(%dma_wait3A_227 : memref<10000x128xf32, #tpu.memory_space<hbm>>) dst(%arg9 : memref<50x128xf32, #tpu.memory_space<vmem>>)
      %add3A_228 = arith.constant 1 : i32
      %add3A_229 = arith.addi %mul3A_208, %add3A_228 : i32
      "tpu.region"() ({
        %run_scoped3A_266 = tpu.sem_alloc : memref<!tpu.dma_semaphore, #tpu.memory_space<semaphore_mem>>
        %dma_start3A_267 = arith.constant 0 : i32
        %dma_start3A_268 = tpu.memref_slice %arg7[%add3A_229, %dma_start3A_267] : memref<40x50xi32, #tpu.memory_space<vmem>> -> memref<1x50xi32, #tpu.memory_space<vmem>>
        %dma_start3A_269 = tpu.memref_squeeze %dma_start3A_268 : memref<1x50xi32, #tpu.memory_space<vmem>> -> memref<50xi32, #tpu.memory_space<vmem>>
        %dma_start3A_270 = arith.constant 0 : i32
        %dma_start3A_271 = arith.constant 0 : i32
        %dma_start3A_272 = tpu.memref_slice %arg12[%dma_start3A_270, %dma_start3A_271] : memref<10000x128xf32, #tpu.memory_space<vmem_shared>> -> memref<10000x128xf32, #tpu.memory_space<vmem_shared>>
        tpu.enqueue_indirect_dma source(%arg9 : memref<50x128xf32, #tpu.memory_space<vmem>>) target(%dma_start3A_272 : memref<10000x128xf32, #tpu.memory_space<vmem_shared>>) offsets(%dma_start3A_269 : memref<50xi32, #tpu.memory_space<vmem>>) semaphore(%run_scoped3A_266 : memref<!tpu.dma_semaphore, #tpu.memory_space<semaphore_mem>>) {add = true}
        %dma_wait3A_273 = arith.constant 0 : i32
        %dma_wait3A_274 = tpu.memref_slice %arg7[%add3A_229, %dma_wait3A_273] : memref<40x50xi32, #tpu.memory_space<vmem>> -> memref<1x50xi32, #tpu.memory_space<vmem>>
        %dma_wait3A_275 = tpu.memref_squeeze %dma_wait3A_274 : memref<1x50xi32, #tpu.memory_space<vmem>> -> memref<50xi32, #tpu.memory_space<vmem>>
        %dma_wait3A_276 = arith.constant 0 : i32
        %dma_wait3A_277 = arith.constant 0 : i32
        %dma_wait3A_278 = tpu.memref_slice %arg12[%dma_wait3A_276, %dma_wait3A_277] : memref<10000x128xf32, #tpu.memory_space<vmem_shared>> -> memref<10000x128xf32, #tpu.memory_space<vmem_shared>>
        tpu.wait_indirect_dma semaphore(%run_scoped3A_266 : memref<!tpu.dma_semaphore, #tpu.memory_space<semaphore_mem>>) src(%arg9 : memref<50x128xf32, #tpu.memory_space<vmem>>) dst(%dma_wait3A_278 : memref<10000x128xf32, #tpu.memory_space<vmem_shared>>)
        tpu.yield
      }) : () -> ()
      %lt3A_230 = arith.constant 9 : i32
      %lt3A_231 = arith.cmpi slt, %scan3A_205, %lt3A_230 : i32
      %convert_element_type3A_232 = arith.extui %lt3A_231 : i1 to i32
      %cond3A_233 = arith.constant 0 : i32
      %cond3A_234 = arith.cmpi ne, %convert_element_type3A_232, %cond3A_233 : i32
      scf.if %cond3A_234 {
        %add3A_266 = arith.constant 4 : i32
        %add3A_267 = arith.addi %mul3A_208, %add3A_266 : i32
        %add3A_268 = arith.constant 1 : i32
        %add3A_269 = arith.addi %add3A_267, %add3A_268 : i32
        %dma_start3A_270 = arith.constant 0 : i32
        %dma_start3A_271 = tpu.memref_slice %arg6[%add3A_269, %dma_start3A_270] : memref<40x50xi32, #tpu.memory_space<vmem>> -> memref<1x50xi32, #tpu.memory_space<vmem>>
        %dma_start3A_272 = tpu.memref_squeeze %dma_start3A_271 : memref<1x50xi32, #tpu.memory_space<vmem>> -> memref<50xi32, #tpu.memory_space<vmem>>
        %dma_start3A_273 = arith.constant 0 : i32
        %dma_start3A_274 = arith.constant 0 : i32
        %dma_start3A_275 = tpu.memref_slice %arg4[%dma_start3A_273, %dma_start3A_274] : memref<10000x128xf32, #tpu.memory_space<hbm>> -> memref<10000x128xf32, #tpu.memory_space<hbm>>
        tpu.enqueue_indirect_dma source(%dma_start3A_275 : memref<10000x128xf32, #tpu.memory_space<hbm>>) target(%arg9 : memref<50x128xf32, #tpu.memory_space<vmem>>) offsets(%dma_start3A_272 : memref<50xi32, #tpu.memory_space<vmem>>) semaphore(%arg14 : memref<!tpu.dma_semaphore, #tpu.memory_space<semaphore_mem>>)
      } else {
      }
      %add3A_235 = arith.constant 2 : i32
      %add3A_236 = arith.addi %mul3A_208, %add3A_235 : i32
      %dma_wait3A_237 = arith.constant 0 : i32
      %dma_wait3A_238 = tpu.memref_slice %arg6[%add3A_236, %dma_wait3A_237] : memref<40x50xi32, #tpu.memory_space<vmem>> -> memref<1x50xi32, #tpu.memory_space<vmem>>
      %dma_wait3A_239 = tpu.memref_squeeze %dma_wait3A_238 : memref<1x50xi32, #tpu.memory_space<vmem>> -> memref<50xi32, #tpu.memory_space<vmem>>
      %dma_wait3A_240 = arith.constant 0 : i32
      %dma_wait3A_241 = arith.constant 0 : i32
      %dma_wait3A_242 = tpu.memref_slice %arg4[%dma_wait3A_240, %dma_wait3A_241] : memref<10000x128xf32, #tpu.memory_space<hbm>> -> memref<10000x128xf32, #tpu.memory_space<hbm>>
      tpu.wait_indirect_dma semaphore(%arg15 : memref<!tpu.dma_semaphore, #tpu.memory_space<semaphore_mem>>) src(%dma_wait3A_242 : memref<10000x128xf32, #tpu.memory_space<hbm>>) dst(%arg10 : memref<50x128xf32, #tpu.memory_space<vmem>>)
      %add3A_243 = arith.constant 2 : i32
      %add3A_244 = arith.addi %mul3A_208, %add3A_243 : i32
      "tpu.region"() ({
        %run_scoped3A_266 = tpu.sem_alloc : memref<!tpu.dma_semaphore, #tpu.memory_space<semaphore_mem>>
        %dma_start3A_267 = arith.constant 0 : i32
        %dma_start3A_268 = tpu.memref_slice %arg7[%add3A_244, %dma_start3A_267] : memref<40x50xi32, #tpu.memory_space<vmem>> -> memref<1x50xi32, #tpu.memory_space<vmem>>
        %dma_start3A_269 = tpu.memref_squeeze %dma_start3A_268 : memref<1x50xi32, #tpu.memory_space<vmem>> -> memref<50xi32, #tpu.memory_space<vmem>>
        %dma_start3A_270 = arith.constant 0 : i32
        %dma_start3A_271 = arith.constant 0 : i32
        %dma_start3A_272 = tpu.memref_slice %arg12[%dma_start3A_270, %dma_start3A_271] : memref<10000x128xf32, #tpu.memory_space<vmem_shared>> -> memref<10000x128xf32, #tpu.memory_space<vmem_shared>>
        tpu.enqueue_indirect_dma source(%arg10 : memref<50x128xf32, #tpu.memory_space<vmem>>) target(%dma_start3A_272 : memref<10000x128xf32, #tpu.memory_space<vmem_shared>>) offsets(%dma_start3A_269 : memref<50xi32, #tpu.memory_space<vmem>>) semaphore(%run_scoped3A_266 : memref<!tpu.dma_semaphore, #tpu.memory_space<semaphore_mem>>) {add = true}
        %dma_wait3A_273 = arith.constant 0 : i32
        %dma_wait3A_274 = tpu.memref_slice %arg7[%add3A_244, %dma_wait3A_273] : memref<40x50xi32, #tpu.memory_space<vmem>> -> memref<1x50xi32, #tpu.memory_space<vmem>>
        %dma_wait3A_275 = tpu.memref_squeeze %dma_wait3A_274 : memref<1x50xi32, #tpu.memory_space<vmem>> -> memref<50xi32, #tpu.memory_space<vmem>>
        %dma_wait3A_276 = arith.constant 0 : i32
        %dma_wait3A_277 = arith.constant 0 : i32
        %dma_wait3A_278 = tpu.memref_slice %arg12[%dma_wait3A_276, %dma_wait3A_277] : memref<10000x128xf32, #tpu.memory_space<vmem_shared>> -> memref<10000x128xf32, #tpu.memory_space<vmem_shared>>
        tpu.wait_indirect_dma semaphore(%run_scoped3A_266 : memref<!tpu.dma_semaphore, #tpu.memory_space<semaphore_mem>>) src(%arg10 : memref<50x128xf32, #tpu.memory_space<vmem>>) dst(%dma_wait3A_278 : memref<10000x128xf32, #tpu.memory_space<vmem_shared>>)
        tpu.yield
      }) : () -> ()
      %lt3A_245 = arith.constant 9 : i32
      %lt3A_246 = arith.cmpi slt, %scan3A_205, %lt3A_245 : i32
      %convert_element_type3A_247 = arith.extui %lt3A_246 : i1 to i32
      %cond3A_248 = arith.constant 0 : i32
      %cond3A_249 = arith.cmpi ne, %convert_element_type3A_247, %cond3A_248 : i32
      scf.if %cond3A_249 {
        %add3A_266 = arith.constant 4 : i32
        %add3A_267 = arith.addi %mul3A_208, %add3A_266 : i32
        %add3A_268 = arith.constant 2 : i32
        %add3A_269 = arith.addi %add3A_267, %add3A_268 : i32
        %dma_start3A_270 = arith.constant 0 : i32
        %dma_start3A_271 = tpu.memref_slice %arg6[%add3A_269, %dma_start3A_270] : memref<40x50xi32, #tpu.memory_space<vmem>> -> memref<1x50xi32, #tpu.memory_space<vmem>>
        %dma_start3A_272 = tpu.memref_squeeze %dma_start3A_271 : memref<1x50xi32, #tpu.memory_space<vmem>> -> memref<50xi32, #tpu.memory_space<vmem>>
        %dma_start3A_273 = arith.constant 0 : i32
        %dma_start3A_274 = arith.constant 0 : i32
        %dma_start3A_275 = tpu.memref_slice %arg4[%dma_start3A_273, %dma_start3A_274] : memref<10000x128xf32, #tpu.memory_space<hbm>> -> memref<10000x128xf32, #tpu.memory_space<hbm>>
        tpu.enqueue_indirect_dma source(%dma_start3A_275 : memref<10000x128xf32, #tpu.memory_space<hbm>>) target(%arg10 : memref<50x128xf32, #tpu.memory_space<vmem>>) offsets(%dma_start3A_272 : memref<50xi32, #tpu.memory_space<vmem>>) semaphore(%arg15 : memref<!tpu.dma_semaphore, #tpu.memory_space<semaphore_mem>>)
      } else {
      }
      %add3A_250 = arith.constant 3 : i32
      %add3A_251 = arith.addi %mul3A_208, %add3A_250 : i32
      %dma_wait3A_252 = arith.constant 0 : i32
      %dma_wait3A_253 = tpu.memref_slice %arg6[%add3A_251, %dma_wait3A_252] : memref<40x50xi32, #tpu.memory_space<vmem>> -> memref<1x50xi32, #tpu.memory_space<vmem>>
      %dma_wait3A_254 = tpu.memref_squeeze %dma_wait3A_253 : memref<1x50xi32, #tpu.memory_space<vmem>> -> memref<50xi32, #tpu.memory_space<vmem>>
      %dma_wait3A_255 = arith.constant 0 : i32
      %dma_wait3A_256 = arith.constant 0 : i32
      %dma_wait3A_257 = tpu.memref_slice %arg4[%dma_wait3A_255, %dma_wait3A_256] : memref<10000x128xf32, #tpu.memory_space<hbm>> -> memref<10000x128xf32, #tpu.memory_space<hbm>>
      tpu.wait_indirect_dma semaphore(%arg16 : memref<!tpu.dma_semaphore, #tpu.memory_space<semaphore_mem>>) src(%dma_wait3A_257 : memref<10000x128xf32, #tpu.memory_space<hbm>>) dst(%arg11 : memref<50x128xf32, #tpu.memory_space<vmem>>)
      %add3A_258 = arith.constant 3 : i32
      %add3A_259 = arith.addi %mul3A_208, %add3A_258 : i32
      "tpu.region"() ({
        %run_scoped3A_266 = tpu.sem_alloc : memref<!tpu.dma_semaphore, #tpu.memory_space<semaphore_mem>>
        %dma_start3A_267 = arith.constant 0 : i32
        %dma_start3A_268 = tpu.memref_slice %arg7[%add3A_259, %dma_start3A_267] : memref<40x50xi32, #tpu.memory_space<vmem>> -> memref<1x50xi32, #tpu.memory_space<vmem>>
        %dma_start3A_269 = tpu.memref_squeeze %dma_start3A_268 : memref<1x50xi32, #tpu.memory_space<vmem>> -> memref<50xi32, #tpu.memory_space<vmem>>
        %dma_start3A_270 = arith.constant 0 : i32
        %dma_start3A_271 = arith.constant 0 : i32
        %dma_start3A_272 = tpu.memref_slice %arg12[%dma_start3A_270, %dma_start3A_271] : memref<10000x128xf32, #tpu.memory_space<vmem_shared>> -> memref<10000x128xf32, #tpu.memory_space<vmem_shared>>
        tpu.enqueue_indirect_dma source(%arg11 : memref<50x128xf32, #tpu.memory_space<vmem>>) target(%dma_start3A_272 : memref<10000x128xf32, #tpu.memory_space<vmem_shared>>) offsets(%dma_start3A_269 : memref<50xi32, #tpu.memory_space<vmem>>) semaphore(%run_scoped3A_266 : memref<!tpu.dma_semaphore, #tpu.memory_space<semaphore_mem>>) {add = true}
        %dma_wait3A_273 = arith.constant 0 : i32
        %dma_wait3A_274 = tpu.memref_slice %arg7[%add3A_259, %dma_wait3A_273] : memref<40x50xi32, #tpu.memory_space<vmem>> -> memref<1x50xi32, #tpu.memory_space<vmem>>
        %dma_wait3A_275 = tpu.memref_squeeze %dma_wait3A_274 : memref<1x50xi32, #tpu.memory_space<vmem>> -> memref<50xi32, #tpu.memory_space<vmem>>
        %dma_wait3A_276 = arith.constant 0 : i32
        %dma_wait3A_277 = arith.constant 0 : i32
        %dma_wait3A_278 = tpu.memref_slice %arg12[%dma_wait3A_276, %dma_wait3A_277] : memref<10000x128xf32, #tpu.memory_space<vmem_shared>> -> memref<10000x128xf32, #tpu.memory_space<vmem_shared>>
        tpu.wait_indirect_dma semaphore(%run_scoped3A_266 : memref<!tpu.dma_semaphore, #tpu.memory_space<semaphore_mem>>) src(%arg11 : memref<50x128xf32, #tpu.memory_space<vmem>>) dst(%dma_wait3A_278 : memref<10000x128xf32, #tpu.memory_space<vmem_shared>>)
        tpu.yield
      }) : () -> ()
      %lt3A_260 = arith.constant 9 : i32
      %lt3A_261 = arith.cmpi slt, %scan3A_205, %lt3A_260 : i32
      %convert_element_type3A_262 = arith.extui %lt3A_261 : i1 to i32
      %cond3A_263 = arith.constant 0 : i32
      %cond3A_264 = arith.cmpi ne, %convert_element_type3A_262, %cond3A_263 : i32
      scf.if %cond3A_264 {
        %add3A_266 = arith.constant 4 : i32
        %add3A_267 = arith.addi %mul3A_208, %add3A_266 : i32
        %add3A_268 = arith.constant 3 : i32
        %add3A_269 = arith.addi %add3A_267, %add3A_268 : i32
        %dma_start3A_270 = arith.constant 0 : i32
        %dma_start3A_271 = tpu.memref_slice %arg6[%add3A_269, %dma_start3A_270] : memref<40x50xi32, #tpu.memory_space<vmem>> -> memref<1x50xi32, #tpu.memory_space<vmem>>
        %dma_start3A_272 = tpu.memref_squeeze %dma_start3A_271 : memref<1x50xi32, #tpu.memory_space<vmem>> -> memref<50xi32, #tpu.memory_space<vmem>>
        %dma_start3A_273 = arith.constant 0 : i32
        %dma_start3A_274 = arith.constant 0 : i32
        %dma_start3A_275 = tpu.memref_slice %arg4[%dma_start3A_273, %dma_start3A_274] : memref<10000x128xf32, #tpu.memory_space<hbm>> -> memref<10000x128xf32, #tpu.memory_space<hbm>>
        tpu.enqueue_indirect_dma source(%dma_start3A_275 : memref<10000x128xf32, #tpu.memory_space<hbm>>) target(%arg11 : memref<50x128xf32, #tpu.memory_space<vmem>>) offsets(%dma_start3A_272 : memref<50xi32, #tpu.memory_space<vmem>>) semaphore(%arg16 : memref<!tpu.dma_semaphore, #tpu.memory_space<semaphore_mem>>)
      } else {
      }
      %scan3A_265 = arith.constant 0 : i32
      scf.yield %scan3A_265 : i32
    }
    %scan3A_122 = arith.constant 10 : i32
    %run_scoped3A_123 = arith.constant 3 : i32
    "tpu.region"() ({
      %run_scoped3A_205 = tpu.sem_alloc : memref<!tpu.dma_semaphore, #tpu.memory_space<semaphore_mem>>
      %dma_start3A_206 = arith.constant 0 : i32
      %dma_start3A_207 = arith.constant 0 : i32
      %dma_start3A_208 = tpu.memref_slice %arg2[%add3A, %run_scoped3A_123, %dma_start3A_206, %dma_start3A_207] : memref<32x5x40x50xi32, #tpu.memory_space<hbm>> -> memref<1x1x40x50xi32, #tpu.memory_space<hbm>>
      %dma_start3A_209 = tpu.memref_squeeze %dma_start3A_208 : memref<1x1x40x50xi32, #tpu.memory_space<hbm>> -> memref<40x50xi32, #tpu.memory_space<hbm>>
      %dma_start3A_210 = arith.constant 0 : i32
      %dma_start3A_211 = arith.constant 0 : i32
      %dma_start3A_212 = tpu.memref_slice %arg2[%add3A, %run_scoped3A_123, %dma_start3A_210, %dma_start3A_211] : memref<32x5x40x50xi32, #tpu.memory_space<hbm>> -> memref<1x1x40x50xi32, #tpu.memory_space<hbm>>
      %dma_start3A_213 = tpu.memref_squeeze %dma_start3A_212 : memref<1x1x40x50xi32, #tpu.memory_space<hbm>> -> memref<40x50xi32, #tpu.memory_space<hbm>>
      tpu.enqueue_dma source(%dma_start3A_213 : memref<40x50xi32, #tpu.memory_space<hbm>>) target(%arg6 : memref<40x50xi32, #tpu.memory_space<vmem>>) target_semaphore(%run_scoped3A_205 : memref<!tpu.dma_semaphore, #tpu.memory_space<semaphore_mem>>)
      %dma_wait3A = arith.constant 0 : i32
      %dma_wait3A_214 = arith.constant 0 : i32
      %dma_wait3A_215 = tpu.memref_slice %arg2[%add3A, %run_scoped3A_123, %dma_wait3A, %dma_wait3A_214] : memref<32x5x40x50xi32, #tpu.memory_space<hbm>> -> memref<1x1x40x50xi32, #tpu.memory_space<hbm>>
      %dma_wait3A_216 = tpu.memref_squeeze %dma_wait3A_215 : memref<1x1x40x50xi32, #tpu.memory_space<hbm>> -> memref<40x50xi32, #tpu.memory_space<hbm>>
      %dma_wait3A_217 = arith.constant 0 : i32
      %dma_wait3A_218 = arith.constant 0 : i32
      %dma_wait3A_219 = tpu.memref_slice %arg2[%add3A, %run_scoped3A_123, %dma_wait3A_217, %dma_wait3A_218] : memref<32x5x40x50xi32, #tpu.memory_space<hbm>> -> memref<1x1x40x50xi32, #tpu.memory_space<hbm>>
      %dma_wait3A_220 = tpu.memref_squeeze %dma_wait3A_219 : memref<1x1x40x50xi32, #tpu.memory_space<hbm>> -> memref<40x50xi32, #tpu.memory_space<hbm>>
      tpu.wait_dma2 semaphore(%run_scoped3A_205 : memref<!tpu.dma_semaphore, #tpu.memory_space<semaphore_mem>>) src(%dma_wait3A_220 : memref<40x50xi32, #tpu.memory_space<hbm>>) dst(%arg6 : memref<40x50xi32, #tpu.memory_space<vmem>>)
      tpu.yield
    }) : () -> ()
    %run_scoped3A_124 = arith.constant 3 : i32
    "tpu.region"() ({
      %run_scoped3A_205 = tpu.sem_alloc : memref<!tpu.dma_semaphore, #tpu.memory_space<semaphore_mem>>
      %dma_start3A_206 = arith.constant 0 : i32
      %dma_start3A_207 = arith.constant 0 : i32
      %dma_start3A_208 = tpu.memref_slice %arg3[%add3A, %run_scoped3A_124, %dma_start3A_206, %dma_start3A_207] : memref<32x5x40x50xi32, #tpu.memory_space<hbm>> -> memref<1x1x40x50xi32, #tpu.memory_space<hbm>>
      %dma_start3A_209 = tpu.memref_squeeze %dma_start3A_208 : memref<1x1x40x50xi32, #tpu.memory_space<hbm>> -> memref<40x50xi32, #tpu.memory_space<hbm>>
      %dma_start3A_210 = arith.constant 0 : i32
      %dma_start3A_211 = arith.constant 0 : i32
      %dma_start3A_212 = tpu.memref_slice %arg3[%add3A, %run_scoped3A_124, %dma_start3A_210, %dma_start3A_211] : memref<32x5x40x50xi32, #tpu.memory_space<hbm>> -> memref<1x1x40x50xi32, #tpu.memory_space<hbm>>
      %dma_start3A_213 = tpu.memref_squeeze %dma_start3A_212 : memref<1x1x40x50xi32, #tpu.memory_space<hbm>> -> memref<40x50xi32, #tpu.memory_space<hbm>>
      tpu.enqueue_dma source(%dma_start3A_213 : memref<40x50xi32, #tpu.memory_space<hbm>>) target(%arg7 : memref<40x50xi32, #tpu.memory_space<vmem>>) target_semaphore(%run_scoped3A_205 : memref<!tpu.dma_semaphore, #tpu.memory_space<semaphore_mem>>)
      %dma_wait3A = arith.constant 0 : i32
      %dma_wait3A_214 = arith.constant 0 : i32
      %dma_wait3A_215 = tpu.memref_slice %arg3[%add3A, %run_scoped3A_124, %dma_wait3A, %dma_wait3A_214] : memref<32x5x40x50xi32, #tpu.memory_space<hbm>> -> memref<1x1x40x50xi32, #tpu.memory_space<hbm>>
      %dma_wait3A_216 = tpu.memref_squeeze %dma_wait3A_215 : memref<1x1x40x50xi32, #tpu.memory_space<hbm>> -> memref<40x50xi32, #tpu.memory_space<hbm>>
      %dma_wait3A_217 = arith.constant 0 : i32
      %dma_wait3A_218 = arith.constant 0 : i32
      %dma_wait3A_219 = tpu.memref_slice %arg3[%add3A, %run_scoped3A_124, %dma_wait3A_217, %dma_wait3A_218] : memref<32x5x40x50xi32, #tpu.memory_space<hbm>> -> memref<1x1x40x50xi32, #tpu.memory_space<hbm>>
      %dma_wait3A_220 = tpu.memref_squeeze %dma_wait3A_219 : memref<1x1x40x50xi32, #tpu.memory_space<hbm>> -> memref<40x50xi32, #tpu.memory_space<hbm>>
      tpu.wait_dma2 semaphore(%run_scoped3A_205 : memref<!tpu.dma_semaphore, #tpu.memory_space<semaphore_mem>>) src(%dma_wait3A_220 : memref<40x50xi32, #tpu.memory_space<hbm>>) dst(%arg7 : memref<40x50xi32, #tpu.memory_space<vmem>>)
      tpu.yield
    }) : () -> ()
    %dma_start3A_125 = arith.constant 0 : i32
    %dma_start3A_126 = arith.constant 0 : i32
    %dma_start3A_127 = tpu.memref_slice %arg6[%dma_start3A_125, %dma_start3A_126] : memref<40x50xi32, #tpu.memory_space<vmem>> -> memref<1x50xi32, #tpu.memory_space<vmem>>
    %dma_start3A_128 = tpu.memref_squeeze %dma_start3A_127 : memref<1x50xi32, #tpu.memory_space<vmem>> -> memref<50xi32, #tpu.memory_space<vmem>>
    %dma_start3A_129 = arith.constant 0 : i32
    %dma_start3A_130 = arith.constant 0 : i32
    %dma_start3A_131 = tpu.memref_slice %arg4[%dma_start3A_129, %dma_start3A_130] : memref<10000x128xf32, #tpu.memory_space<hbm>> -> memref<10000x128xf32, #tpu.memory_space<hbm>>
    tpu.enqueue_indirect_dma source(%dma_start3A_131 : memref<10000x128xf32, #tpu.memory_space<hbm>>) target(%arg8 : memref<50x128xf32, #tpu.memory_space<vmem>>) offsets(%dma_start3A_128 : memref<50xi32, #tpu.memory_space<vmem>>) semaphore(%arg13 : memref<!tpu.dma_semaphore, #tpu.memory_space<semaphore_mem>>)
    %dma_start3A_132 = arith.constant 1 : i32
    %dma_start3A_133 = arith.constant 0 : i32
    %dma_start3A_134 = tpu.memref_slice %arg6[%dma_start3A_132, %dma_start3A_133] : memref<40x50xi32, #tpu.memory_space<vmem>> -> memref<1x50xi32, #tpu.memory_space<vmem>>
    %dma_start3A_135 = tpu.memref_squeeze %dma_start3A_134 : memref<1x50xi32, #tpu.memory_space<vmem>> -> memref<50xi32, #tpu.memory_space<vmem>>
    %dma_start3A_136 = arith.constant 0 : i32
    %dma_start3A_137 = arith.constant 0 : i32
    %dma_start3A_138 = tpu.memref_slice %arg4[%dma_start3A_136, %dma_start3A_137] : memref<10000x128xf32, #tpu.memory_space<hbm>> -> memref<10000x128xf32, #tpu.memory_space<hbm>>
    tpu.enqueue_indirect_dma source(%dma_start3A_138 : memref<10000x128xf32, #tpu.memory_space<hbm>>) target(%arg9 : memref<50x128xf32, #tpu.memory_space<vmem>>) offsets(%dma_start3A_135 : memref<50xi32, #tpu.memory_space<vmem>>) semaphore(%arg14 : memref<!tpu.dma_semaphore, #tpu.memory_space<semaphore_mem>>)
    %dma_start3A_139 = arith.constant 2 : i32
    %dma_start3A_140 = arith.constant 0 : i32
    %dma_start3A_141 = tpu.memref_slice %arg6[%dma_start3A_139, %dma_start3A_140] : memref<40x50xi32, #tpu.memory_space<vmem>> -> memref<1x50xi32, #tpu.memory_space<vmem>>
    %dma_start3A_142 = tpu.memref_squeeze %dma_start3A_141 : memref<1x50xi32, #tpu.memory_space<vmem>> -> memref<50xi32, #tpu.memory_space<vmem>>
    %dma_start3A_143 = arith.constant 0 : i32
    %dma_start3A_144 = arith.constant 0 : i32
    %dma_start3A_145 = tpu.memref_slice %arg4[%dma_start3A_143, %dma_start3A_144] : memref<10000x128xf32, #tpu.memory_space<hbm>> -> memref<10000x128xf32, #tpu.memory_space<hbm>>
    tpu.enqueue_indirect_dma source(%dma_start3A_145 : memref<10000x128xf32, #tpu.memory_space<hbm>>) target(%arg10 : memref<50x128xf32, #tpu.memory_space<vmem>>) offsets(%dma_start3A_142 : memref<50xi32, #tpu.memory_space<vmem>>) semaphore(%arg15 : memref<!tpu.dma_semaphore, #tpu.memory_space<semaphore_mem>>)
    %dma_start3A_146 = arith.constant 3 : i32
    %dma_start3A_147 = arith.constant 0 : i32
    %dma_start3A_148 = tpu.memref_slice %arg6[%dma_start3A_146, %dma_start3A_147] : memref<40x50xi32, #tpu.memory_space<vmem>> -> memref<1x50xi32, #tpu.memory_space<vmem>>
    %dma_start3A_149 = tpu.memref_squeeze %dma_start3A_148 : memref<1x50xi32, #tpu.memory_space<vmem>> -> memref<50xi32, #tpu.memory_space<vmem>>
    %dma_start3A_150 = arith.constant 0 : i32
    %dma_start3A_151 = arith.constant 0 : i32
    %dma_start3A_152 = tpu.memref_slice %arg4[%dma_start3A_150, %dma_start3A_151] : memref<10000x128xf32, #tpu.memory_space<hbm>> -> memref<10000x128xf32, #tpu.memory_space<hbm>>
    tpu.enqueue_indirect_dma source(%dma_start3A_152 : memref<10000x128xf32, #tpu.memory_space<hbm>>) target(%arg11 : memref<50x128xf32, #tpu.memory_space<vmem>>) offsets(%dma_start3A_149 : memref<50xi32, #tpu.memory_space<vmem>>) semaphore(%arg16 : memref<!tpu.dma_semaphore, #tpu.memory_space<semaphore_mem>>)
    %scan3A_153 = arith.constant 0 : i32
    %scan3A_154 = arith.constant 0 : i32
    %scan3A_155 = arith.constant 10 : i32
    %scan3A_156 = arith.addi %scan3A_154, %scan3A_155 : i32
    %scan3A_157 = arith.constant 1 : i32
    %scan3A_158 = scf.for %scan3A_205 = %scan3A_154 to %scan3A_156 step %scan3A_157 iter_args(%scan3A_206 = %scan3A_153) -> (i32)  : i32 {
      %mul3A_207 = arith.constant 4 : i32
      %mul3A_208 = arith.muli %mul3A_207, %scan3A_205 : i32
      %add3A_209 = arith.constant 0 : i32
      %add3A_210 = arith.addi %mul3A_208, %add3A_209 : i32
      %dma_wait3A = arith.constant 0 : i32
      %dma_wait3A_211 = tpu.memref_slice %arg6[%add3A_210, %dma_wait3A] : memref<40x50xi32, #tpu.memory_space<vmem>> -> memref<1x50xi32, #tpu.memory_space<vmem>>
      %dma_wait3A_212 = tpu.memref_squeeze %dma_wait3A_211 : memref<1x50xi32, #tpu.memory_space<vmem>> -> memref<50xi32, #tpu.memory_space<vmem>>
      %dma_wait3A_213 = arith.constant 0 : i32
      %dma_wait3A_214 = arith.constant 0 : i32
      %dma_wait3A_215 = tpu.memref_slice %arg4[%dma_wait3A_213, %dma_wait3A_214] : memref<10000x128xf32, #tpu.memory_space<hbm>> -> memref<10000x128xf32, #tpu.memory_space<hbm>>
      tpu.wait_indirect_dma semaphore(%arg13 : memref<!tpu.dma_semaphore, #tpu.memory_space<semaphore_mem>>) src(%dma_wait3A_215 : memref<10000x128xf32, #tpu.memory_space<hbm>>) dst(%arg8 : memref<50x128xf32, #tpu.memory_space<vmem>>)
      %add3A_216 = arith.constant 0 : i32
      %add3A_217 = arith.addi %mul3A_208, %add3A_216 : i32
      "tpu.region"() ({
        %run_scoped3A_266 = tpu.sem_alloc : memref<!tpu.dma_semaphore, #tpu.memory_space<semaphore_mem>>
        %dma_start3A_267 = arith.constant 0 : i32
        %dma_start3A_268 = tpu.memref_slice %arg7[%add3A_217, %dma_start3A_267] : memref<40x50xi32, #tpu.memory_space<vmem>> -> memref<1x50xi32, #tpu.memory_space<vmem>>
        %dma_start3A_269 = tpu.memref_squeeze %dma_start3A_268 : memref<1x50xi32, #tpu.memory_space<vmem>> -> memref<50xi32, #tpu.memory_space<vmem>>
        %dma_start3A_270 = arith.constant 0 : i32
        %dma_start3A_271 = arith.constant 0 : i32
        %dma_start3A_272 = tpu.memref_slice %arg12[%dma_start3A_270, %dma_start3A_271] : memref<10000x128xf32, #tpu.memory_space<vmem_shared>> -> memref<10000x128xf32, #tpu.memory_space<vmem_shared>>
        tpu.enqueue_indirect_dma source(%arg8 : memref<50x128xf32, #tpu.memory_space<vmem>>) target(%dma_start3A_272 : memref<10000x128xf32, #tpu.memory_space<vmem_shared>>) offsets(%dma_start3A_269 : memref<50xi32, #tpu.memory_space<vmem>>) semaphore(%run_scoped3A_266 : memref<!tpu.dma_semaphore, #tpu.memory_space<semaphore_mem>>) {add = true}
        %dma_wait3A_273 = arith.constant 0 : i32
        %dma_wait3A_274 = tpu.memref_slice %arg7[%add3A_217, %dma_wait3A_273] : memref<40x50xi32, #tpu.memory_space<vmem>> -> memref<1x50xi32, #tpu.memory_space<vmem>>
        %dma_wait3A_275 = tpu.memref_squeeze %dma_wait3A_274 : memref<1x50xi32, #tpu.memory_space<vmem>> -> memref<50xi32, #tpu.memory_space<vmem>>
        %dma_wait3A_276 = arith.constant 0 : i32
        %dma_wait3A_277 = arith.constant 0 : i32
        %dma_wait3A_278 = tpu.memref_slice %arg12[%dma_wait3A_276, %dma_wait3A_277] : memref<10000x128xf32, #tpu.memory_space<vmem_shared>> -> memref<10000x128xf32, #tpu.memory_space<vmem_shared>>
        tpu.wait_indirect_dma semaphore(%run_scoped3A_266 : memref<!tpu.dma_semaphore, #tpu.memory_space<semaphore_mem>>) src(%arg8 : memref<50x128xf32, #tpu.memory_space<vmem>>) dst(%dma_wait3A_278 : memref<10000x128xf32, #tpu.memory_space<vmem_shared>>)
        tpu.yield
      }) : () -> ()
      %lt3A = arith.constant 9 : i32
      %lt3A_218 = arith.cmpi slt, %scan3A_205, %lt3A : i32
      %convert_element_type3A = arith.extui %lt3A_218 : i1 to i32
      %cond3A = arith.constant 0 : i32
      %cond3A_219 = arith.cmpi ne, %convert_element_type3A, %cond3A : i32
      scf.if %cond3A_219 {
        %add3A_266 = arith.constant 4 : i32
        %add3A_267 = arith.addi %mul3A_208, %add3A_266 : i32
        %add3A_268 = arith.constant 0 : i32
        %add3A_269 = arith.addi %add3A_267, %add3A_268 : i32
        %dma_start3A_270 = arith.constant 0 : i32
        %dma_start3A_271 = tpu.memref_slice %arg6[%add3A_269, %dma_start3A_270] : memref<40x50xi32, #tpu.memory_space<vmem>> -> memref<1x50xi32, #tpu.memory_space<vmem>>
        %dma_start3A_272 = tpu.memref_squeeze %dma_start3A_271 : memref<1x50xi32, #tpu.memory_space<vmem>> -> memref<50xi32, #tpu.memory_space<vmem>>
        %dma_start3A_273 = arith.constant 0 : i32
        %dma_start3A_274 = arith.constant 0 : i32
        %dma_start3A_275 = tpu.memref_slice %arg4[%dma_start3A_273, %dma_start3A_274] : memref<10000x128xf32, #tpu.memory_space<hbm>> -> memref<10000x128xf32, #tpu.memory_space<hbm>>
        tpu.enqueue_indirect_dma source(%dma_start3A_275 : memref<10000x128xf32, #tpu.memory_space<hbm>>) target(%arg8 : memref<50x128xf32, #tpu.memory_space<vmem>>) offsets(%dma_start3A_272 : memref<50xi32, #tpu.memory_space<vmem>>) semaphore(%arg13 : memref<!tpu.dma_semaphore, #tpu.memory_space<semaphore_mem>>)
      } else {
      }
      %add3A_220 = arith.constant 1 : i32
      %add3A_221 = arith.addi %mul3A_208, %add3A_220 : i32
      %dma_wait3A_222 = arith.constant 0 : i32
      %dma_wait3A_223 = tpu.memref_slice %arg6[%add3A_221, %dma_wait3A_222] : memref<40x50xi32, #tpu.memory_space<vmem>> -> memref<1x50xi32, #tpu.memory_space<vmem>>
      %dma_wait3A_224 = tpu.memref_squeeze %dma_wait3A_223 : memref<1x50xi32, #tpu.memory_space<vmem>> -> memref<50xi32, #tpu.memory_space<vmem>>
      %dma_wait3A_225 = arith.constant 0 : i32
      %dma_wait3A_226 = arith.constant 0 : i32
      %dma_wait3A_227 = tpu.memref_slice %arg4[%dma_wait3A_225, %dma_wait3A_226] : memref<10000x128xf32, #tpu.memory_space<hbm>> -> memref<10000x128xf32, #tpu.memory_space<hbm>>
      tpu.wait_indirect_dma semaphore(%arg14 : memref<!tpu.dma_semaphore, #tpu.memory_space<semaphore_mem>>) src(%dma_wait3A_227 : memref<10000x128xf32, #tpu.memory_space<hbm>>) dst(%arg9 : memref<50x128xf32, #tpu.memory_space<vmem>>)
      %add3A_228 = arith.constant 1 : i32
      %add3A_229 = arith.addi %mul3A_208, %add3A_228 : i32
      "tpu.region"() ({
        %run_scoped3A_266 = tpu.sem_alloc : memref<!tpu.dma_semaphore, #tpu.memory_space<semaphore_mem>>
        %dma_start3A_267 = arith.constant 0 : i32
        %dma_start3A_268 = tpu.memref_slice %arg7[%add3A_229, %dma_start3A_267] : memref<40x50xi32, #tpu.memory_space<vmem>> -> memref<1x50xi32, #tpu.memory_space<vmem>>
        %dma_start3A_269 = tpu.memref_squeeze %dma_start3A_268 : memref<1x50xi32, #tpu.memory_space<vmem>> -> memref<50xi32, #tpu.memory_space<vmem>>
        %dma_start3A_270 = arith.constant 0 : i32
        %dma_start3A_271 = arith.constant 0 : i32
        %dma_start3A_272 = tpu.memref_slice %arg12[%dma_start3A_270, %dma_start3A_271] : memref<10000x128xf32, #tpu.memory_space<vmem_shared>> -> memref<10000x128xf32, #tpu.memory_space<vmem_shared>>
        tpu.enqueue_indirect_dma source(%arg9 : memref<50x128xf32, #tpu.memory_space<vmem>>) target(%dma_start3A_272 : memref<10000x128xf32, #tpu.memory_space<vmem_shared>>) offsets(%dma_start3A_269 : memref<50xi32, #tpu.memory_space<vmem>>) semaphore(%run_scoped3A_266 : memref<!tpu.dma_semaphore, #tpu.memory_space<semaphore_mem>>) {add = true}
        %dma_wait3A_273 = arith.constant 0 : i32
        %dma_wait3A_274 = tpu.memref_slice %arg7[%add3A_229, %dma_wait3A_273] : memref<40x50xi32, #tpu.memory_space<vmem>> -> memref<1x50xi32, #tpu.memory_space<vmem>>
        %dma_wait3A_275 = tpu.memref_squeeze %dma_wait3A_274 : memref<1x50xi32, #tpu.memory_space<vmem>> -> memref<50xi32, #tpu.memory_space<vmem>>
        %dma_wait3A_276 = arith.constant 0 : i32
        %dma_wait3A_277 = arith.constant 0 : i32
        %dma_wait3A_278 = tpu.memref_slice %arg12[%dma_wait3A_276, %dma_wait3A_277] : memref<10000x128xf32, #tpu.memory_space<vmem_shared>> -> memref<10000x128xf32, #tpu.memory_space<vmem_shared>>
        tpu.wait_indirect_dma semaphore(%run_scoped3A_266 : memref<!tpu.dma_semaphore, #tpu.memory_space<semaphore_mem>>) src(%arg9 : memref<50x128xf32, #tpu.memory_space<vmem>>) dst(%dma_wait3A_278 : memref<10000x128xf32, #tpu.memory_space<vmem_shared>>)
        tpu.yield
      }) : () -> ()
      %lt3A_230 = arith.constant 9 : i32
      %lt3A_231 = arith.cmpi slt, %scan3A_205, %lt3A_230 : i32
      %convert_element_type3A_232 = arith.extui %lt3A_231 : i1 to i32
      %cond3A_233 = arith.constant 0 : i32
      %cond3A_234 = arith.cmpi ne, %convert_element_type3A_232, %cond3A_233 : i32
      scf.if %cond3A_234 {
        %add3A_266 = arith.constant 4 : i32
        %add3A_267 = arith.addi %mul3A_208, %add3A_266 : i32
        %add3A_268 = arith.constant 1 : i32
        %add3A_269 = arith.addi %add3A_267, %add3A_268 : i32
        %dma_start3A_270 = arith.constant 0 : i32
        %dma_start3A_271 = tpu.memref_slice %arg6[%add3A_269, %dma_start3A_270] : memref<40x50xi32, #tpu.memory_space<vmem>> -> memref<1x50xi32, #tpu.memory_space<vmem>>
        %dma_start3A_272 = tpu.memref_squeeze %dma_start3A_271 : memref<1x50xi32, #tpu.memory_space<vmem>> -> memref<50xi32, #tpu.memory_space<vmem>>
        %dma_start3A_273 = arith.constant 0 : i32
        %dma_start3A_274 = arith.constant 0 : i32
        %dma_start3A_275 = tpu.memref_slice %arg4[%dma_start3A_273, %dma_start3A_274] : memref<10000x128xf32, #tpu.memory_space<hbm>> -> memref<10000x128xf32, #tpu.memory_space<hbm>>
        tpu.enqueue_indirect_dma source(%dma_start3A_275 : memref<10000x128xf32, #tpu.memory_space<hbm>>) target(%arg9 : memref<50x128xf32, #tpu.memory_space<vmem>>) offsets(%dma_start3A_272 : memref<50xi32, #tpu.memory_space<vmem>>) semaphore(%arg14 : memref<!tpu.dma_semaphore, #tpu.memory_space<semaphore_mem>>)
      } else {
      }
      %add3A_235 = arith.constant 2 : i32
      %add3A_236 = arith.addi %mul3A_208, %add3A_235 : i32
      %dma_wait3A_237 = arith.constant 0 : i32
      %dma_wait3A_238 = tpu.memref_slice %arg6[%add3A_236, %dma_wait3A_237] : memref<40x50xi32, #tpu.memory_space<vmem>> -> memref<1x50xi32, #tpu.memory_space<vmem>>
      %dma_wait3A_239 = tpu.memref_squeeze %dma_wait3A_238 : memref<1x50xi32, #tpu.memory_space<vmem>> -> memref<50xi32, #tpu.memory_space<vmem>>
      %dma_wait3A_240 = arith.constant 0 : i32
      %dma_wait3A_241 = arith.constant 0 : i32
      %dma_wait3A_242 = tpu.memref_slice %arg4[%dma_wait3A_240, %dma_wait3A_241] : memref<10000x128xf32, #tpu.memory_space<hbm>> -> memref<10000x128xf32, #tpu.memory_space<hbm>>
      tpu.wait_indirect_dma semaphore(%arg15 : memref<!tpu.dma_semaphore, #tpu.memory_space<semaphore_mem>>) src(%dma_wait3A_242 : memref<10000x128xf32, #tpu.memory_space<hbm>>) dst(%arg10 : memref<50x128xf32, #tpu.memory_space<vmem>>)
      %add3A_243 = arith.constant 2 : i32
      %add3A_244 = arith.addi %mul3A_208, %add3A_243 : i32
      "tpu.region"() ({
        %run_scoped3A_266 = tpu.sem_alloc : memref<!tpu.dma_semaphore, #tpu.memory_space<semaphore_mem>>
        %dma_start3A_267 = arith.constant 0 : i32
        %dma_start3A_268 = tpu.memref_slice %arg7[%add3A_244, %dma_start3A_267] : memref<40x50xi32, #tpu.memory_space<vmem>> -> memref<1x50xi32, #tpu.memory_space<vmem>>
        %dma_start3A_269 = tpu.memref_squeeze %dma_start3A_268 : memref<1x50xi32, #tpu.memory_space<vmem>> -> memref<50xi32, #tpu.memory_space<vmem>>
        %dma_start3A_270 = arith.constant 0 : i32
        %dma_start3A_271 = arith.constant 0 : i32
        %dma_start3A_272 = tpu.memref_slice %arg12[%dma_start3A_270, %dma_start3A_271] : memref<10000x128xf32, #tpu.memory_space<vmem_shared>> -> memref<10000x128xf32, #tpu.memory_space<vmem_shared>>
        tpu.enqueue_indirect_dma source(%arg10 : memref<50x128xf32, #tpu.memory_space<vmem>>) target(%dma_start3A_272 : memref<10000x128xf32, #tpu.memory_space<vmem_shared>>) offsets(%dma_start3A_269 : memref<50xi32, #tpu.memory_space<vmem>>) semaphore(%run_scoped3A_266 : memref<!tpu.dma_semaphore, #tpu.memory_space<semaphore_mem>>) {add = true}
        %dma_wait3A_273 = arith.constant 0 : i32
        %dma_wait3A_274 = tpu.memref_slice %arg7[%add3A_244, %dma_wait3A_273] : memref<40x50xi32, #tpu.memory_space<vmem>> -> memref<1x50xi32, #tpu.memory_space<vmem>>
        %dma_wait3A_275 = tpu.memref_squeeze %dma_wait3A_274 : memref<1x50xi32, #tpu.memory_space<vmem>> -> memref<50xi32, #tpu.memory_space<vmem>>
        %dma_wait3A_276 = arith.constant 0 : i32
        %dma_wait3A_277 = arith.constant 0 : i32
        %dma_wait3A_278 = tpu.memref_slice %arg12[%dma_wait3A_276, %dma_wait3A_277] : memref<10000x128xf32, #tpu.memory_space<vmem_shared>> -> memref<10000x128xf32, #tpu.memory_space<vmem_shared>>
        tpu.wait_indirect_dma semaphore(%run_scoped3A_266 : memref<!tpu.dma_semaphore, #tpu.memory_space<semaphore_mem>>) src(%arg10 : memref<50x128xf32, #tpu.memory_space<vmem>>) dst(%dma_wait3A_278 : memref<10000x128xf32, #tpu.memory_space<vmem_shared>>)
        tpu.yield
      }) : () -> ()
      %lt3A_245 = arith.constant 9 : i32
      %lt3A_246 = arith.cmpi slt, %scan3A_205, %lt3A_245 : i32
      %convert_element_type3A_247 = arith.extui %lt3A_246 : i1 to i32
      %cond3A_248 = arith.constant 0 : i32
      %cond3A_249 = arith.cmpi ne, %convert_element_type3A_247, %cond3A_248 : i32
      scf.if %cond3A_249 {
        %add3A_266 = arith.constant 4 : i32
        %add3A_267 = arith.addi %mul3A_208, %add3A_266 : i32
        %add3A_268 = arith.constant 2 : i32
        %add3A_269 = arith.addi %add3A_267, %add3A_268 : i32
        %dma_start3A_270 = arith.constant 0 : i32
        %dma_start3A_271 = tpu.memref_slice %arg6[%add3A_269, %dma_start3A_270] : memref<40x50xi32, #tpu.memory_space<vmem>> -> memref<1x50xi32, #tpu.memory_space<vmem>>
        %dma_start3A_272 = tpu.memref_squeeze %dma_start3A_271 : memref<1x50xi32, #tpu.memory_space<vmem>> -> memref<50xi32, #tpu.memory_space<vmem>>
        %dma_start3A_273 = arith.constant 0 : i32
        %dma_start3A_274 = arith.constant 0 : i32
        %dma_start3A_275 = tpu.memref_slice %arg4[%dma_start3A_273, %dma_start3A_274] : memref<10000x128xf32, #tpu.memory_space<hbm>> -> memref<10000x128xf32, #tpu.memory_space<hbm>>
        tpu.enqueue_indirect_dma source(%dma_start3A_275 : memref<10000x128xf32, #tpu.memory_space<hbm>>) target(%arg10 : memref<50x128xf32, #tpu.memory_space<vmem>>) offsets(%dma_start3A_272 : memref<50xi32, #tpu.memory_space<vmem>>) semaphore(%arg15 : memref<!tpu.dma_semaphore, #tpu.memory_space<semaphore_mem>>)
      } else {
      }
      %add3A_250 = arith.constant 3 : i32
      %add3A_251 = arith.addi %mul3A_208, %add3A_250 : i32
      %dma_wait3A_252 = arith.constant 0 : i32
      %dma_wait3A_253 = tpu.memref_slice %arg6[%add3A_251, %dma_wait3A_252] : memref<40x50xi32, #tpu.memory_space<vmem>> -> memref<1x50xi32, #tpu.memory_space<vmem>>
      %dma_wait3A_254 = tpu.memref_squeeze %dma_wait3A_253 : memref<1x50xi32, #tpu.memory_space<vmem>> -> memref<50xi32, #tpu.memory_space<vmem>>
      %dma_wait3A_255 = arith.constant 0 : i32
      %dma_wait3A_256 = arith.constant 0 : i32
      %dma_wait3A_257 = tpu.memref_slice %arg4[%dma_wait3A_255, %dma_wait3A_256] : memref<10000x128xf32, #tpu.memory_space<hbm>> -> memref<10000x128xf32, #tpu.memory_space<hbm>>
      tpu.wait_indirect_dma semaphore(%arg16 : memref<!tpu.dma_semaphore, #tpu.memory_space<semaphore_mem>>) src(%dma_wait3A_257 : memref<10000x128xf32, #tpu.memory_space<hbm>>) dst(%arg11 : memref<50x128xf32, #tpu.memory_space<vmem>>)
      %add3A_258 = arith.constant 3 : i32
      %add3A_259 = arith.addi %mul3A_208, %add3A_258 : i32
      "tpu.region"() ({
        %run_scoped3A_266 = tpu.sem_alloc : memref<!tpu.dma_semaphore, #tpu.memory_space<semaphore_mem>>
        %dma_start3A_267 = arith.constant 0 : i32
        %dma_start3A_268 = tpu.memref_slice %arg7[%add3A_259, %dma_start3A_267] : memref<40x50xi32, #tpu.memory_space<vmem>> -> memref<1x50xi32, #tpu.memory_space<vmem>>
        %dma_start3A_269 = tpu.memref_squeeze %dma_start3A_268 : memref<1x50xi32, #tpu.memory_space<vmem>> -> memref<50xi32, #tpu.memory_space<vmem>>
        %dma_start3A_270 = arith.constant 0 : i32
        %dma_start3A_271 = arith.constant 0 : i32
        %dma_start3A_272 = tpu.memref_slice %arg12[%dma_start3A_270, %dma_start3A_271] : memref<10000x128xf32, #tpu.memory_space<vmem_shared>> -> memref<10000x128xf32, #tpu.memory_space<vmem_shared>>
        tpu.enqueue_indirect_dma source(%arg11 : memref<50x128xf32, #tpu.memory_space<vmem>>) target(%dma_start3A_272 : memref<10000x128xf32, #tpu.memory_space<vmem_shared>>) offsets(%dma_start3A_269 : memref<50xi32, #tpu.memory_space<vmem>>) semaphore(%run_scoped3A_266 : memref<!tpu.dma_semaphore, #tpu.memory_space<semaphore_mem>>) {add = true}
        %dma_wait3A_273 = arith.constant 0 : i32
        %dma_wait3A_274 = tpu.memref_slice %arg7[%add3A_259, %dma_wait3A_273] : memref<40x50xi32, #tpu.memory_space<vmem>> -> memref<1x50xi32, #tpu.memory_space<vmem>>
        %dma_wait3A_275 = tpu.memref_squeeze %dma_wait3A_274 : memref<1x50xi32, #tpu.memory_space<vmem>> -> memref<50xi32, #tpu.memory_space<vmem>>
        %dma_wait3A_276 = arith.constant 0 : i32
        %dma_wait3A_277 = arith.constant 0 : i32
        %dma_wait3A_278 = tpu.memref_slice %arg12[%dma_wait3A_276, %dma_wait3A_277] : memref<10000x128xf32, #tpu.memory_space<vmem_shared>> -> memref<10000x128xf32, #tpu.memory_space<vmem_shared>>
        tpu.wait_indirect_dma semaphore(%run_scoped3A_266 : memref<!tpu.dma_semaphore, #tpu.memory_space<semaphore_mem>>) src(%arg11 : memref<50x128xf32, #tpu.memory_space<vmem>>) dst(%dma_wait3A_278 : memref<10000x128xf32, #tpu.memory_space<vmem_shared>>)
        tpu.yield
      }) : () -> ()
      %lt3A_260 = arith.constant 9 : i32
      %lt3A_261 = arith.cmpi slt, %scan3A_205, %lt3A_260 : i32
      %convert_element_type3A_262 = arith.extui %lt3A_261 : i1 to i32
      %cond3A_263 = arith.constant 0 : i32
      %cond3A_264 = arith.cmpi ne, %convert_element_type3A_262, %cond3A_263 : i32
      scf.if %cond3A_264 {
        %add3A_266 = arith.constant 4 : i32
        %add3A_267 = arith.addi %mul3A_208, %add3A_266 : i32
        %add3A_268 = arith.constant 3 : i32
        %add3A_269 = arith.addi %add3A_267, %add3A_268 : i32
        %dma_start3A_270 = arith.constant 0 : i32
        %dma_start3A_271 = tpu.memref_slice %arg6[%add3A_269, %dma_start3A_270] : memref<40x50xi32, #tpu.memory_space<vmem>> -> memref<1x50xi32, #tpu.memory_space<vmem>>
        %dma_start3A_272 = tpu.memref_squeeze %dma_start3A_271 : memref<1x50xi32, #tpu.memory_space<vmem>> -> memref<50xi32, #tpu.memory_space<vmem>>
        %dma_start3A_273 = arith.constant 0 : i32
        %dma_start3A_274 = arith.constant 0 : i32
        %dma_start3A_275 = tpu.memref_slice %arg4[%dma_start3A_273, %dma_start3A_274] : memref<10000x128xf32, #tpu.memory_space<hbm>> -> memref<10000x128xf32, #tpu.memory_space<hbm>>
        tpu.enqueue_indirect_dma source(%dma_start3A_275 : memref<10000x128xf32, #tpu.memory_space<hbm>>) target(%arg11 : memref<50x128xf32, #tpu.memory_space<vmem>>) offsets(%dma_start3A_272 : memref<50xi32, #tpu.memory_space<vmem>>) semaphore(%arg16 : memref<!tpu.dma_semaphore, #tpu.memory_space<semaphore_mem>>)
      } else {
      }
      %scan3A_265 = arith.constant 0 : i32
      scf.yield %scan3A_265 : i32
    }
    %scan3A_159 = arith.constant 10 : i32
    %run_scoped3A_160 = arith.constant 4 : i32
    "tpu.region"() ({
      %run_scoped3A_205 = tpu.sem_alloc : memref<!tpu.dma_semaphore, #tpu.memory_space<semaphore_mem>>
      %dma_start3A_206 = arith.constant 0 : i32
      %dma_start3A_207 = arith.constant 0 : i32
      %dma_start3A_208 = tpu.memref_slice %arg2[%add3A, %run_scoped3A_160, %dma_start3A_206, %dma_start3A_207] : memref<32x5x40x50xi32, #tpu.memory_space<hbm>> -> memref<1x1x40x50xi32, #tpu.memory_space<hbm>>
      %dma_start3A_209 = tpu.memref_squeeze %dma_start3A_208 : memref<1x1x40x50xi32, #tpu.memory_space<hbm>> -> memref<40x50xi32, #tpu.memory_space<hbm>>
      %dma_start3A_210 = arith.constant 0 : i32
      %dma_start3A_211 = arith.constant 0 : i32
      %dma_start3A_212 = tpu.memref_slice %arg2[%add3A, %run_scoped3A_160, %dma_start3A_210, %dma_start3A_211] : memref<32x5x40x50xi32, #tpu.memory_space<hbm>> -> memref<1x1x40x50xi32, #tpu.memory_space<hbm>>
      %dma_start3A_213 = tpu.memref_squeeze %dma_start3A_212 : memref<1x1x40x50xi32, #tpu.memory_space<hbm>> -> memref<40x50xi32, #tpu.memory_space<hbm>>
      tpu.enqueue_dma source(%dma_start3A_213 : memref<40x50xi32, #tpu.memory_space<hbm>>) target(%arg6 : memref<40x50xi32, #tpu.memory_space<vmem>>) target_semaphore(%run_scoped3A_205 : memref<!tpu.dma_semaphore, #tpu.memory_space<semaphore_mem>>)
      %dma_wait3A = arith.constant 0 : i32
      %dma_wait3A_214 = arith.constant 0 : i32
      %dma_wait3A_215 = tpu.memref_slice %arg2[%add3A, %run_scoped3A_160, %dma_wait3A, %dma_wait3A_214] : memref<32x5x40x50xi32, #tpu.memory_space<hbm>> -> memref<1x1x40x50xi32, #tpu.memory_space<hbm>>
      %dma_wait3A_216 = tpu.memref_squeeze %dma_wait3A_215 : memref<1x1x40x50xi32, #tpu.memory_space<hbm>> -> memref<40x50xi32, #tpu.memory_space<hbm>>
      %dma_wait3A_217 = arith.constant 0 : i32
      %dma_wait3A_218 = arith.constant 0 : i32
      %dma_wait3A_219 = tpu.memref_slice %arg2[%add3A, %run_scoped3A_160, %dma_wait3A_217, %dma_wait3A_218] : memref<32x5x40x50xi32, #tpu.memory_space<hbm>> -> memref<1x1x40x50xi32, #tpu.memory_space<hbm>>
      %dma_wait3A_220 = tpu.memref_squeeze %dma_wait3A_219 : memref<1x1x40x50xi32, #tpu.memory_space<hbm>> -> memref<40x50xi32, #tpu.memory_space<hbm>>
      tpu.wait_dma2 semaphore(%run_scoped3A_205 : memref<!tpu.dma_semaphore, #tpu.memory_space<semaphore_mem>>) src(%dma_wait3A_220 : memref<40x50xi32, #tpu.memory_space<hbm>>) dst(%arg6 : memref<40x50xi32, #tpu.memory_space<vmem>>)
      tpu.yield
    }) : () -> ()
    %run_scoped3A_161 = arith.constant 4 : i32
    "tpu.region"() ({
      %run_scoped3A_205 = tpu.sem_alloc : memref<!tpu.dma_semaphore, #tpu.memory_space<semaphore_mem>>
      %dma_start3A_206 = arith.constant 0 : i32
      %dma_start3A_207 = arith.constant 0 : i32
      %dma_start3A_208 = tpu.memref_slice %arg3[%add3A, %run_scoped3A_161, %dma_start3A_206, %dma_start3A_207] : memref<32x5x40x50xi32, #tpu.memory_space<hbm>> -> memref<1x1x40x50xi32, #tpu.memory_space<hbm>>
      %dma_start3A_209 = tpu.memref_squeeze %dma_start3A_208 : memref<1x1x40x50xi32, #tpu.memory_space<hbm>> -> memref<40x50xi32, #tpu.memory_space<hbm>>
      %dma_start3A_210 = arith.constant 0 : i32
      %dma_start3A_211 = arith.constant 0 : i32
      %dma_start3A_212 = tpu.memref_slice %arg3[%add3A, %run_scoped3A_161, %dma_start3A_210, %dma_start3A_211] : memref<32x5x40x50xi32, #tpu.memory_space<hbm>> -> memref<1x1x40x50xi32, #tpu.memory_space<hbm>>
      %dma_start3A_213 = tpu.memref_squeeze %dma_start3A_212 : memref<1x1x40x50xi32, #tpu.memory_space<hbm>> -> memref<40x50xi32, #tpu.memory_space<hbm>>
      tpu.enqueue_dma source(%dma_start3A_213 : memref<40x50xi32, #tpu.memory_space<hbm>>) target(%arg7 : memref<40x50xi32, #tpu.memory_space<vmem>>) target_semaphore(%run_scoped3A_205 : memref<!tpu.dma_semaphore, #tpu.memory_space<semaphore_mem>>)
      %dma_wait3A = arith.constant 0 : i32
      %dma_wait3A_214 = arith.constant 0 : i32
      %dma_wait3A_215 = tpu.memref_slice %arg3[%add3A, %run_scoped3A_161, %dma_wait3A, %dma_wait3A_214] : memref<32x5x40x50xi32, #tpu.memory_space<hbm>> -> memref<1x1x40x50xi32, #tpu.memory_space<hbm>>
      %dma_wait3A_216 = tpu.memref_squeeze %dma_wait3A_215 : memref<1x1x40x50xi32, #tpu.memory_space<hbm>> -> memref<40x50xi32, #tpu.memory_space<hbm>>
      %dma_wait3A_217 = arith.constant 0 : i32
      %dma_wait3A_218 = arith.constant 0 : i32
      %dma_wait3A_219 = tpu.memref_slice %arg3[%add3A, %run_scoped3A_161, %dma_wait3A_217, %dma_wait3A_218] : memref<32x5x40x50xi32, #tpu.memory_space<hbm>> -> memref<1x1x40x50xi32, #tpu.memory_space<hbm>>
      %dma_wait3A_220 = tpu.memref_squeeze %dma_wait3A_219 : memref<1x1x40x50xi32, #tpu.memory_space<hbm>> -> memref<40x50xi32, #tpu.memory_space<hbm>>
      tpu.wait_dma2 semaphore(%run_scoped3A_205 : memref<!tpu.dma_semaphore, #tpu.memory_space<semaphore_mem>>) src(%dma_wait3A_220 : memref<40x50xi32, #tpu.memory_space<hbm>>) dst(%arg7 : memref<40x50xi32, #tpu.memory_space<vmem>>)
      tpu.yield
    }) : () -> ()
    %dma_start3A_162 = arith.constant 0 : i32
    %dma_start3A_163 = arith.constant 0 : i32
    %dma_start3A_164 = tpu.memref_slice %arg6[%dma_start3A_162, %dma_start3A_163] : memref<40x50xi32, #tpu.memory_space<vmem>> -> memref<1x50xi32, #tpu.memory_space<vmem>>
    %dma_start3A_165 = tpu.memref_squeeze %dma_start3A_164 : memref<1x50xi32, #tpu.memory_space<vmem>> -> memref<50xi32, #tpu.memory_space<vmem>>
    %dma_start3A_166 = arith.constant 0 : i32
    %dma_start3A_167 = arith.constant 0 : i32
    %dma_start3A_168 = tpu.memref_slice %arg4[%dma_start3A_166, %dma_start3A_167] : memref<10000x128xf32, #tpu.memory_space<hbm>> -> memref<10000x128xf32, #tpu.memory_space<hbm>>
    tpu.enqueue_indirect_dma source(%dma_start3A_168 : memref<10000x128xf32, #tpu.memory_space<hbm>>) target(%arg8 : memref<50x128xf32, #tpu.memory_space<vmem>>) offsets(%dma_start3A_165 : memref<50xi32, #tpu.memory_space<vmem>>) semaphore(%arg13 : memref<!tpu.dma_semaphore, #tpu.memory_space<semaphore_mem>>)
    %dma_start3A_169 = arith.constant 1 : i32
    %dma_start3A_170 = arith.constant 0 : i32
    %dma_start3A_171 = tpu.memref_slice %arg6[%dma_start3A_169, %dma_start3A_170] : memref<40x50xi32, #tpu.memory_space<vmem>> -> memref<1x50xi32, #tpu.memory_space<vmem>>
    %dma_start3A_172 = tpu.memref_squeeze %dma_start3A_171 : memref<1x50xi32, #tpu.memory_space<vmem>> -> memref<50xi32, #tpu.memory_space<vmem>>
    %dma_start3A_173 = arith.constant 0 : i32
    %dma_start3A_174 = arith.constant 0 : i32
    %dma_start3A_175 = tpu.memref_slice %arg4[%dma_start3A_173, %dma_start3A_174] : memref<10000x128xf32, #tpu.memory_space<hbm>> -> memref<10000x128xf32, #tpu.memory_space<hbm>>
    tpu.enqueue_indirect_dma source(%dma_start3A_175 : memref<10000x128xf32, #tpu.memory_space<hbm>>) target(%arg9 : memref<50x128xf32, #tpu.memory_space<vmem>>) offsets(%dma_start3A_172 : memref<50xi32, #tpu.memory_space<vmem>>) semaphore(%arg14 : memref<!tpu.dma_semaphore, #tpu.memory_space<semaphore_mem>>)
    %dma_start3A_176 = arith.constant 2 : i32
    %dma_start3A_177 = arith.constant 0 : i32
    %dma_start3A_178 = tpu.memref_slice %arg6[%dma_start3A_176, %dma_start3A_177] : memref<40x50xi32, #tpu.memory_space<vmem>> -> memref<1x50xi32, #tpu.memory_space<vmem>>
    %dma_start3A_179 = tpu.memref_squeeze %dma_start3A_178 : memref<1x50xi32, #tpu.memory_space<vmem>> -> memref<50xi32, #tpu.memory_space<vmem>>
    %dma_start3A_180 = arith.constant 0 : i32
    %dma_start3A_181 = arith.constant 0 : i32
    %dma_start3A_182 = tpu.memref_slice %arg4[%dma_start3A_180, %dma_start3A_181] : memref<10000x128xf32, #tpu.memory_space<hbm>> -> memref<10000x128xf32, #tpu.memory_space<hbm>>
    tpu.enqueue_indirect_dma source(%dma_start3A_182 : memref<10000x128xf32, #tpu.memory_space<hbm>>) target(%arg10 : memref<50x128xf32, #tpu.memory_space<vmem>>) offsets(%dma_start3A_179 : memref<50xi32, #tpu.memory_space<vmem>>) semaphore(%arg15 : memref<!tpu.dma_semaphore, #tpu.memory_space<semaphore_mem>>)
    %dma_start3A_183 = arith.constant 3 : i32
    %dma_start3A_184 = arith.constant 0 : i32
    %dma_start3A_185 = tpu.memref_slice %arg6[%dma_start3A_183, %dma_start3A_184] : memref<40x50xi32, #tpu.memory_space<vmem>> -> memref<1x50xi32, #tpu.memory_space<vmem>>
    %dma_start3A_186 = tpu.memref_squeeze %dma_start3A_185 : memref<1x50xi32, #tpu.memory_space<vmem>> -> memref<50xi32, #tpu.memory_space<vmem>>
    %dma_start3A_187 = arith.constant 0 : i32
    %dma_start3A_188 = arith.constant 0 : i32
    %dma_start3A_189 = tpu.memref_slice %arg4[%dma_start3A_187, %dma_start3A_188] : memref<10000x128xf32, #tpu.memory_space<hbm>> -> memref<10000x128xf32, #tpu.memory_space<hbm>>
    tpu.enqueue_indirect_dma source(%dma_start3A_189 : memref<10000x128xf32, #tpu.memory_space<hbm>>) target(%arg11 : memref<50x128xf32, #tpu.memory_space<vmem>>) offsets(%dma_start3A_186 : memref<50xi32, #tpu.memory_space<vmem>>) semaphore(%arg16 : memref<!tpu.dma_semaphore, #tpu.memory_space<semaphore_mem>>)
    %scan3A_190 = arith.constant 0 : i32
    %scan3A_191 = arith.constant 0 : i32
    %scan3A_192 = arith.constant 10 : i32
    %scan3A_193 = arith.addi %scan3A_191, %scan3A_192 : i32
    %scan3A_194 = arith.constant 1 : i32
    %scan3A_195 = scf.for %scan3A_205 = %scan3A_191 to %scan3A_193 step %scan3A_194 iter_args(%scan3A_206 = %scan3A_190) -> (i32)  : i32 {
      %mul3A_207 = arith.constant 4 : i32
      %mul3A_208 = arith.muli %mul3A_207, %scan3A_205 : i32
      %add3A_209 = arith.constant 0 : i32
      %add3A_210 = arith.addi %mul3A_208, %add3A_209 : i32
      %dma_wait3A = arith.constant 0 : i32
      %dma_wait3A_211 = tpu.memref_slice %arg6[%add3A_210, %dma_wait3A] : memref<40x50xi32, #tpu.memory_space<vmem>> -> memref<1x50xi32, #tpu.memory_space<vmem>>
      %dma_wait3A_212 = tpu.memref_squeeze %dma_wait3A_211 : memref<1x50xi32, #tpu.memory_space<vmem>> -> memref<50xi32, #tpu.memory_space<vmem>>
      %dma_wait3A_213 = arith.constant 0 : i32
      %dma_wait3A_214 = arith.constant 0 : i32
      %dma_wait3A_215 = tpu.memref_slice %arg4[%dma_wait3A_213, %dma_wait3A_214] : memref<10000x128xf32, #tpu.memory_space<hbm>> -> memref<10000x128xf32, #tpu.memory_space<hbm>>
      tpu.wait_indirect_dma semaphore(%arg13 : memref<!tpu.dma_semaphore, #tpu.memory_space<semaphore_mem>>) src(%dma_wait3A_215 : memref<10000x128xf32, #tpu.memory_space<hbm>>) dst(%arg8 : memref<50x128xf32, #tpu.memory_space<vmem>>)
      %add3A_216 = arith.constant 0 : i32
      %add3A_217 = arith.addi %mul3A_208, %add3A_216 : i32
      "tpu.region"() ({
        %run_scoped3A_266 = tpu.sem_alloc : memref<!tpu.dma_semaphore, #tpu.memory_space<semaphore_mem>>
        %dma_start3A_267 = arith.constant 0 : i32
        %dma_start3A_268 = tpu.memref_slice %arg7[%add3A_217, %dma_start3A_267] : memref<40x50xi32, #tpu.memory_space<vmem>> -> memref<1x50xi32, #tpu.memory_space<vmem>>
        %dma_start3A_269 = tpu.memref_squeeze %dma_start3A_268 : memref<1x50xi32, #tpu.memory_space<vmem>> -> memref<50xi32, #tpu.memory_space<vmem>>
        %dma_start3A_270 = arith.constant 0 : i32
        %dma_start3A_271 = arith.constant 0 : i32
        %dma_start3A_272 = tpu.memref_slice %arg12[%dma_start3A_270, %dma_start3A_271] : memref<10000x128xf32, #tpu.memory_space<vmem_shared>> -> memref<10000x128xf32, #tpu.memory_space<vmem_shared>>
        tpu.enqueue_indirect_dma source(%arg8 : memref<50x128xf32, #tpu.memory_space<vmem>>) target(%dma_start3A_272 : memref<10000x128xf32, #tpu.memory_space<vmem_shared>>) offsets(%dma_start3A_269 : memref<50xi32, #tpu.memory_space<vmem>>) semaphore(%run_scoped3A_266 : memref<!tpu.dma_semaphore, #tpu.memory_space<semaphore_mem>>) {add = true}
        %dma_wait3A_273 = arith.constant 0 : i32
        %dma_wait3A_274 = tpu.memref_slice %arg7[%add3A_217, %dma_wait3A_273] : memref<40x50xi32, #tpu.memory_space<vmem>> -> memref<1x50xi32, #tpu.memory_space<vmem>>
        %dma_wait3A_275 = tpu.memref_squeeze %dma_wait3A_274 : memref<1x50xi32, #tpu.memory_space<vmem>> -> memref<50xi32, #tpu.memory_space<vmem>>
        %dma_wait3A_276 = arith.constant 0 : i32
        %dma_wait3A_277 = arith.constant 0 : i32
        %dma_wait3A_278 = tpu.memref_slice %arg12[%dma_wait3A_276, %dma_wait3A_277] : memref<10000x128xf32, #tpu.memory_space<vmem_shared>> -> memref<10000x128xf32, #tpu.memory_space<vmem_shared>>
        tpu.wait_indirect_dma semaphore(%run_scoped3A_266 : memref<!tpu.dma_semaphore, #tpu.memory_space<semaphore_mem>>) src(%arg8 : memref<50x128xf32, #tpu.memory_space<vmem>>) dst(%dma_wait3A_278 : memref<10000x128xf32, #tpu.memory_space<vmem_shared>>)
        tpu.yield
      }) : () -> ()
      %lt3A = arith.constant 9 : i32
      %lt3A_218 = arith.cmpi slt, %scan3A_205, %lt3A : i32
      %convert_element_type3A = arith.extui %lt3A_218 : i1 to i32
      %cond3A = arith.constant 0 : i32
      %cond3A_219 = arith.cmpi ne, %convert_element_type3A, %cond3A : i32
      scf.if %cond3A_219 {
        %add3A_266 = arith.constant 4 : i32
        %add3A_267 = arith.addi %mul3A_208, %add3A_266 : i32
        %add3A_268 = arith.constant 0 : i32
        %add3A_269 = arith.addi %add3A_267, %add3A_268 : i32
        %dma_start3A_270 = arith.constant 0 : i32
        %dma_start3A_271 = tpu.memref_slice %arg6[%add3A_269, %dma_start3A_270] : memref<40x50xi32, #tpu.memory_space<vmem>> -> memref<1x50xi32, #tpu.memory_space<vmem>>
        %dma_start3A_272 = tpu.memref_squeeze %dma_start3A_271 : memref<1x50xi32, #tpu.memory_space<vmem>> -> memref<50xi32, #tpu.memory_space<vmem>>
        %dma_start3A_273 = arith.constant 0 : i32
        %dma_start3A_274 = arith.constant 0 : i32
        %dma_start3A_275 = tpu.memref_slice %arg4[%dma_start3A_273, %dma_start3A_274] : memref<10000x128xf32, #tpu.memory_space<hbm>> -> memref<10000x128xf32, #tpu.memory_space<hbm>>
        tpu.enqueue_indirect_dma source(%dma_start3A_275 : memref<10000x128xf32, #tpu.memory_space<hbm>>) target(%arg8 : memref<50x128xf32, #tpu.memory_space<vmem>>) offsets(%dma_start3A_272 : memref<50xi32, #tpu.memory_space<vmem>>) semaphore(%arg13 : memref<!tpu.dma_semaphore, #tpu.memory_space<semaphore_mem>>)
      } else {
      }
      %add3A_220 = arith.constant 1 : i32
      %add3A_221 = arith.addi %mul3A_208, %add3A_220 : i32
      %dma_wait3A_222 = arith.constant 0 : i32
      %dma_wait3A_223 = tpu.memref_slice %arg6[%add3A_221, %dma_wait3A_222] : memref<40x50xi32, #tpu.memory_space<vmem>> -> memref<1x50xi32, #tpu.memory_space<vmem>>
      %dma_wait3A_224 = tpu.memref_squeeze %dma_wait3A_223 : memref<1x50xi32, #tpu.memory_space<vmem>> -> memref<50xi32, #tpu.memory_space<vmem>>
      %dma_wait3A_225 = arith.constant 0 : i32
      %dma_wait3A_226 = arith.constant 0 : i32
      %dma_wait3A_227 = tpu.memref_slice %arg4[%dma_wait3A_225, %dma_wait3A_226] : memref<10000x128xf32, #tpu.memory_space<hbm>> -> memref<10000x128xf32, #tpu.memory_space<hbm>>
      tpu.wait_indirect_dma semaphore(%arg14 : memref<!tpu.dma_semaphore, #tpu.memory_space<semaphore_mem>>) src(%dma_wait3A_227 : memref<10000x128xf32, #tpu.memory_space<hbm>>) dst(%arg9 : memref<50x128xf32, #tpu.memory_space<vmem>>)
      %add3A_228 = arith.constant 1 : i32
      %add3A_229 = arith.addi %mul3A_208, %add3A_228 : i32
      "tpu.region"() ({
        %run_scoped3A_266 = tpu.sem_alloc : memref<!tpu.dma_semaphore, #tpu.memory_space<semaphore_mem>>
        %dma_start3A_267 = arith.constant 0 : i32
        %dma_start3A_268 = tpu.memref_slice %arg7[%add3A_229, %dma_start3A_267] : memref<40x50xi32, #tpu.memory_space<vmem>> -> memref<1x50xi32, #tpu.memory_space<vmem>>
        %dma_start3A_269 = tpu.memref_squeeze %dma_start3A_268 : memref<1x50xi32, #tpu.memory_space<vmem>> -> memref<50xi32, #tpu.memory_space<vmem>>
        %dma_start3A_270 = arith.constant 0 : i32
        %dma_start3A_271 = arith.constant 0 : i32
        %dma_start3A_272 = tpu.memref_slice %arg12[%dma_start3A_270, %dma_start3A_271] : memref<10000x128xf32, #tpu.memory_space<vmem_shared>> -> memref<10000x128xf32, #tpu.memory_space<vmem_shared>>
        tpu.enqueue_indirect_dma source(%arg9 : memref<50x128xf32, #tpu.memory_space<vmem>>) target(%dma_start3A_272 : memref<10000x128xf32, #tpu.memory_space<vmem_shared>>) offsets(%dma_start3A_269 : memref<50xi32, #tpu.memory_space<vmem>>) semaphore(%run_scoped3A_266 : memref<!tpu.dma_semaphore, #tpu.memory_space<semaphore_mem>>) {add = true}
        %dma_wait3A_273 = arith.constant 0 : i32
        %dma_wait3A_274 = tpu.memref_slice %arg7[%add3A_229, %dma_wait3A_273] : memref<40x50xi32, #tpu.memory_space<vmem>> -> memref<1x50xi32, #tpu.memory_space<vmem>>
        %dma_wait3A_275 = tpu.memref_squeeze %dma_wait3A_274 : memref<1x50xi32, #tpu.memory_space<vmem>> -> memref<50xi32, #tpu.memory_space<vmem>>
        %dma_wait3A_276 = arith.constant 0 : i32
        %dma_wait3A_277 = arith.constant 0 : i32
        %dma_wait3A_278 = tpu.memref_slice %arg12[%dma_wait3A_276, %dma_wait3A_277] : memref<10000x128xf32, #tpu.memory_space<vmem_shared>> -> memref<10000x128xf32, #tpu.memory_space<vmem_shared>>
        tpu.wait_indirect_dma semaphore(%run_scoped3A_266 : memref<!tpu.dma_semaphore, #tpu.memory_space<semaphore_mem>>) src(%arg9 : memref<50x128xf32, #tpu.memory_space<vmem>>) dst(%dma_wait3A_278 : memref<10000x128xf32, #tpu.memory_space<vmem_shared>>)
        tpu.yield
      }) : () -> ()
      %lt3A_230 = arith.constant 9 : i32
      %lt3A_231 = arith.cmpi slt, %scan3A_205, %lt3A_230 : i32
      %convert_element_type3A_232 = arith.extui %lt3A_231 : i1 to i32
      %cond3A_233 = arith.constant 0 : i32
      %cond3A_234 = arith.cmpi ne, %convert_element_type3A_232, %cond3A_233 : i32
      scf.if %cond3A_234 {
        %add3A_266 = arith.constant 4 : i32
        %add3A_267 = arith.addi %mul3A_208, %add3A_266 : i32
        %add3A_268 = arith.constant 1 : i32
        %add3A_269 = arith.addi %add3A_267, %add3A_268 : i32
        %dma_start3A_270 = arith.constant 0 : i32
        %dma_start3A_271 = tpu.memref_slice %arg6[%add3A_269, %dma_start3A_270] : memref<40x50xi32, #tpu.memory_space<vmem>> -> memref<1x50xi32, #tpu.memory_space<vmem>>
        %dma_start3A_272 = tpu.memref_squeeze %dma_start3A_271 : memref<1x50xi32, #tpu.memory_space<vmem>> -> memref<50xi32, #tpu.memory_space<vmem>>
        %dma_start3A_273 = arith.constant 0 : i32
        %dma_start3A_274 = arith.constant 0 : i32
        %dma_start3A_275 = tpu.memref_slice %arg4[%dma_start3A_273, %dma_start3A_274] : memref<10000x128xf32, #tpu.memory_space<hbm>> -> memref<10000x128xf32, #tpu.memory_space<hbm>>
        tpu.enqueue_indirect_dma source(%dma_start3A_275 : memref<10000x128xf32, #tpu.memory_space<hbm>>) target(%arg9 : memref<50x128xf32, #tpu.memory_space<vmem>>) offsets(%dma_start3A_272 : memref<50xi32, #tpu.memory_space<vmem>>) semaphore(%arg14 : memref<!tpu.dma_semaphore, #tpu.memory_space<semaphore_mem>>)
      } else {
      }
      %add3A_235 = arith.constant 2 : i32
      %add3A_236 = arith.addi %mul3A_208, %add3A_235 : i32
      %dma_wait3A_237 = arith.constant 0 : i32
      %dma_wait3A_238 = tpu.memref_slice %arg6[%add3A_236, %dma_wait3A_237] : memref<40x50xi32, #tpu.memory_space<vmem>> -> memref<1x50xi32, #tpu.memory_space<vmem>>
      %dma_wait3A_239 = tpu.memref_squeeze %dma_wait3A_238 : memref<1x50xi32, #tpu.memory_space<vmem>> -> memref<50xi32, #tpu.memory_space<vmem>>
      %dma_wait3A_240 = arith.constant 0 : i32
      %dma_wait3A_241 = arith.constant 0 : i32
      %dma_wait3A_242 = tpu.memref_slice %arg4[%dma_wait3A_240, %dma_wait3A_241] : memref<10000x128xf32, #tpu.memory_space<hbm>> -> memref<10000x128xf32, #tpu.memory_space<hbm>>
      tpu.wait_indirect_dma semaphore(%arg15 : memref<!tpu.dma_semaphore, #tpu.memory_space<semaphore_mem>>) src(%dma_wait3A_242 : memref<10000x128xf32, #tpu.memory_space<hbm>>) dst(%arg10 : memref<50x128xf32, #tpu.memory_space<vmem>>)
      %add3A_243 = arith.constant 2 : i32
      %add3A_244 = arith.addi %mul3A_208, %add3A_243 : i32
      "tpu.region"() ({
        %run_scoped3A_266 = tpu.sem_alloc : memref<!tpu.dma_semaphore, #tpu.memory_space<semaphore_mem>>
        %dma_start3A_267 = arith.constant 0 : i32
        %dma_start3A_268 = tpu.memref_slice %arg7[%add3A_244, %dma_start3A_267] : memref<40x50xi32, #tpu.memory_space<vmem>> -> memref<1x50xi32, #tpu.memory_space<vmem>>
        %dma_start3A_269 = tpu.memref_squeeze %dma_start3A_268 : memref<1x50xi32, #tpu.memory_space<vmem>> -> memref<50xi32, #tpu.memory_space<vmem>>
        %dma_start3A_270 = arith.constant 0 : i32
        %dma_start3A_271 = arith.constant 0 : i32
        %dma_start3A_272 = tpu.memref_slice %arg12[%dma_start3A_270, %dma_start3A_271] : memref<10000x128xf32, #tpu.memory_space<vmem_shared>> -> memref<10000x128xf32, #tpu.memory_space<vmem_shared>>
        tpu.enqueue_indirect_dma source(%arg10 : memref<50x128xf32, #tpu.memory_space<vmem>>) target(%dma_start3A_272 : memref<10000x128xf32, #tpu.memory_space<vmem_shared>>) offsets(%dma_start3A_269 : memref<50xi32, #tpu.memory_space<vmem>>) semaphore(%run_scoped3A_266 : memref<!tpu.dma_semaphore, #tpu.memory_space<semaphore_mem>>) {add = true}
        %dma_wait3A_273 = arith.constant 0 : i32
        %dma_wait3A_274 = tpu.memref_slice %arg7[%add3A_244, %dma_wait3A_273] : memref<40x50xi32, #tpu.memory_space<vmem>> -> memref<1x50xi32, #tpu.memory_space<vmem>>
        %dma_wait3A_275 = tpu.memref_squeeze %dma_wait3A_274 : memref<1x50xi32, #tpu.memory_space<vmem>> -> memref<50xi32, #tpu.memory_space<vmem>>
        %dma_wait3A_276 = arith.constant 0 : i32
        %dma_wait3A_277 = arith.constant 0 : i32
        %dma_wait3A_278 = tpu.memref_slice %arg12[%dma_wait3A_276, %dma_wait3A_277] : memref<10000x128xf32, #tpu.memory_space<vmem_shared>> -> memref<10000x128xf32, #tpu.memory_space<vmem_shared>>
        tpu.wait_indirect_dma semaphore(%run_scoped3A_266 : memref<!tpu.dma_semaphore, #tpu.memory_space<semaphore_mem>>) src(%arg10 : memref<50x128xf32, #tpu.memory_space<vmem>>) dst(%dma_wait3A_278 : memref<10000x128xf32, #tpu.memory_space<vmem_shared>>)
        tpu.yield
      }) : () -> ()
      %lt3A_245 = arith.constant 9 : i32
      %lt3A_246 = arith.cmpi slt, %scan3A_205, %lt3A_245 : i32
      %convert_element_type3A_247 = arith.extui %lt3A_246 : i1 to i32
      %cond3A_248 = arith.constant 0 : i32
      %cond3A_249 = arith.cmpi ne, %convert_element_type3A_247, %cond3A_248 : i32
      scf.if %cond3A_249 {
        %add3A_266 = arith.constant 4 : i32
        %add3A_267 = arith.addi %mul3A_208, %add3A_266 : i32
        %add3A_268 = arith.constant 2 : i32
        %add3A_269 = arith.addi %add3A_267, %add3A_268 : i32
        %dma_start3A_270 = arith.constant 0 : i32
        %dma_start3A_271 = tpu.memref_slice %arg6[%add3A_269, %dma_start3A_270] : memref<40x50xi32, #tpu.memory_space<vmem>> -> memref<1x50xi32, #tpu.memory_space<vmem>>
        %dma_start3A_272 = tpu.memref_squeeze %dma_start3A_271 : memref<1x50xi32, #tpu.memory_space<vmem>> -> memref<50xi32, #tpu.memory_space<vmem>>
        %dma_start3A_273 = arith.constant 0 : i32
        %dma_start3A_274 = arith.constant 0 : i32
        %dma_start3A_275 = tpu.memref_slice %arg4[%dma_start3A_273, %dma_start3A_274] : memref<10000x128xf32, #tpu.memory_space<hbm>> -> memref<10000x128xf32, #tpu.memory_space<hbm>>
        tpu.enqueue_indirect_dma source(%dma_start3A_275 : memref<10000x128xf32, #tpu.memory_space<hbm>>) target(%arg10 : memref<50x128xf32, #tpu.memory_space<vmem>>) offsets(%dma_start3A_272 : memref<50xi32, #tpu.memory_space<vmem>>) semaphore(%arg15 : memref<!tpu.dma_semaphore, #tpu.memory_space<semaphore_mem>>)
      } else {
      }
      %add3A_250 = arith.constant 3 : i32
      %add3A_251 = arith.addi %mul3A_208, %add3A_250 : i32
      %dma_wait3A_252 = arith.constant 0 : i32
      %dma_wait3A_253 = tpu.memref_slice %arg6[%add3A_251, %dma_wait3A_252] : memref<40x50xi32, #tpu.memory_space<vmem>> -> memref<1x50xi32, #tpu.memory_space<vmem>>
      %dma_wait3A_254 = tpu.memref_squeeze %dma_wait3A_253 : memref<1x50xi32, #tpu.memory_space<vmem>> -> memref<50xi32, #tpu.memory_space<vmem>>
      %dma_wait3A_255 = arith.constant 0 : i32
      %dma_wait3A_256 = arith.constant 0 : i32
      %dma_wait3A_257 = tpu.memref_slice %arg4[%dma_wait3A_255, %dma_wait3A_256] : memref<10000x128xf32, #tpu.memory_space<hbm>> -> memref<10000x128xf32, #tpu.memory_space<hbm>>
      tpu.wait_indirect_dma semaphore(%arg16 : memref<!tpu.dma_semaphore, #tpu.memory_space<semaphore_mem>>) src(%dma_wait3A_257 : memref<10000x128xf32, #tpu.memory_space<hbm>>) dst(%arg11 : memref<50x128xf32, #tpu.memory_space<vmem>>)
      %add3A_258 = arith.constant 3 : i32
      %add3A_259 = arith.addi %mul3A_208, %add3A_258 : i32
      "tpu.region"() ({
        %run_scoped3A_266 = tpu.sem_alloc : memref<!tpu.dma_semaphore, #tpu.memory_space<semaphore_mem>>
        %dma_start3A_267 = arith.constant 0 : i32
        %dma_start3A_268 = tpu.memref_slice %arg7[%add3A_259, %dma_start3A_267] : memref<40x50xi32, #tpu.memory_space<vmem>> -> memref<1x50xi32, #tpu.memory_space<vmem>>
        %dma_start3A_269 = tpu.memref_squeeze %dma_start3A_268 : memref<1x50xi32, #tpu.memory_space<vmem>> -> memref<50xi32, #tpu.memory_space<vmem>>
        %dma_start3A_270 = arith.constant 0 : i32
        %dma_start3A_271 = arith.constant 0 : i32
        %dma_start3A_272 = tpu.memref_slice %arg12[%dma_start3A_270, %dma_start3A_271] : memref<10000x128xf32, #tpu.memory_space<vmem_shared>> -> memref<10000x128xf32, #tpu.memory_space<vmem_shared>>
        tpu.enqueue_indirect_dma source(%arg11 : memref<50x128xf32, #tpu.memory_space<vmem>>) target(%dma_start3A_272 : memref<10000x128xf32, #tpu.memory_space<vmem_shared>>) offsets(%dma_start3A_269 : memref<50xi32, #tpu.memory_space<vmem>>) semaphore(%run_scoped3A_266 : memref<!tpu.dma_semaphore, #tpu.memory_space<semaphore_mem>>) {add = true}
        %dma_wait3A_273 = arith.constant 0 : i32
        %dma_wait3A_274 = tpu.memref_slice %arg7[%add3A_259, %dma_wait3A_273] : memref<40x50xi32, #tpu.memory_space<vmem>> -> memref<1x50xi32, #tpu.memory_space<vmem>>
        %dma_wait3A_275 = tpu.memref_squeeze %dma_wait3A_274 : memref<1x50xi32, #tpu.memory_space<vmem>> -> memref<50xi32, #tpu.memory_space<vmem>>
        %dma_wait3A_276 = arith.constant 0 : i32
        %dma_wait3A_277 = arith.constant 0 : i32
        %dma_wait3A_278 = tpu.memref_slice %arg12[%dma_wait3A_276, %dma_wait3A_277] : memref<10000x128xf32, #tpu.memory_space<vmem_shared>> -> memref<10000x128xf32, #tpu.memory_space<vmem_shared>>
        tpu.wait_indirect_dma semaphore(%run_scoped3A_266 : memref<!tpu.dma_semaphore, #tpu.memory_space<semaphore_mem>>) src(%arg11 : memref<50x128xf32, #tpu.memory_space<vmem>>) dst(%dma_wait3A_278 : memref<10000x128xf32, #tpu.memory_space<vmem_shared>>)
        tpu.yield
      }) : () -> ()
      %lt3A_260 = arith.constant 9 : i32
      %lt3A_261 = arith.cmpi slt, %scan3A_205, %lt3A_260 : i32
      %convert_element_type3A_262 = arith.extui %lt3A_261 : i1 to i32
      %cond3A_263 = arith.constant 0 : i32
      %cond3A_264 = arith.cmpi ne, %convert_element_type3A_262, %cond3A_263 : i32
      scf.if %cond3A_264 {
        %add3A_266 = arith.constant 4 : i32
        %add3A_267 = arith.addi %mul3A_208, %add3A_266 : i32
        %add3A_268 = arith.constant 3 : i32
        %add3A_269 = arith.addi %add3A_267, %add3A_268 : i32
        %dma_start3A_270 = arith.constant 0 : i32
        %dma_start3A_271 = tpu.memref_slice %arg6[%add3A_269, %dma_start3A_270] : memref<40x50xi32, #tpu.memory_space<vmem>> -> memref<1x50xi32, #tpu.memory_space<vmem>>
        %dma_start3A_272 = tpu.memref_squeeze %dma_start3A_271 : memref<1x50xi32, #tpu.memory_space<vmem>> -> memref<50xi32, #tpu.memory_space<vmem>>
        %dma_start3A_273 = arith.constant 0 : i32
        %dma_start3A_274 = arith.constant 0 : i32
        %dma_start3A_275 = tpu.memref_slice %arg4[%dma_start3A_273, %dma_start3A_274] : memref<10000x128xf32, #tpu.memory_space<hbm>> -> memref<10000x128xf32, #tpu.memory_space<hbm>>
        tpu.enqueue_indirect_dma source(%dma_start3A_275 : memref<10000x128xf32, #tpu.memory_space<hbm>>) target(%arg11 : memref<50x128xf32, #tpu.memory_space<vmem>>) offsets(%dma_start3A_272 : memref<50xi32, #tpu.memory_space<vmem>>) semaphore(%arg16 : memref<!tpu.dma_semaphore, #tpu.memory_space<semaphore_mem>>)
      } else {
      }
      %scan3A_265 = arith.constant 0 : i32
      scf.yield %scan3A_265 : i32
    }
    %scan3A_196 = arith.constant 10 : i32
    %barrier3A_197 = arith.constant 0 : index
    tpu.barrier barrier_id(%barrier3A_197)
    %scan3A_198 = arith.constant 0 : i32
    %scan3A_199 = arith.constant 0 : i32
    %scan3A_200 = arith.constant 16 : i32
    %scan3A_201 = arith.addi %scan3A_199, %scan3A_200 : i32
    %scan3A_202 = arith.constant 1 : i32
    %scan3A_203 = scf.for %scan3A_205 = %scan3A_199 to %scan3A_201 step %scan3A_202 iter_args(%scan3A_206 = %scan3A_198) -> (i32)  : i32 {
      %mul3A_207 = arith.constant 16 : i32
      %mul3A_208 = arith.muli %mul3A_207, %scan3A_205 : i32
      %add3A_209 = arith.addi %arg1, %mul3A_208 : i32
      %lt3A = arith.constant 250 : i32
      %lt3A_210 = arith.cmpi slt, %add3A_209, %lt3A : i32
      %convert_element_type3A = arith.extui %lt3A_210 : i1 to i32
      %cond3A = arith.constant 0 : i32
      %cond3A_211 = arith.cmpi ne, %convert_element_type3A, %cond3A : i32
      scf.if %cond3A_211 {
        %mul3A_213 = arith.constant 40 : i32
        %mul3A_214 = arith.muli %add3A_209, %mul3A_213 : i32
        %mul3A_215 = arith.constant 40 : i32
        %mul3A_216 = arith.muli %add3A_209, %mul3A_215 : i32
        "tpu.region"() ({
          %run_scoped3A_217 = tpu.sem_alloc : memref<!tpu.dma_semaphore, #tpu.memory_space<semaphore_mem>>
          %dma_start3A_218 = arith.constant 0 : i32
          %dma_start3A_219 = tpu.memref_slice %arg5[%arg0, %mul3A_216, %dma_start3A_218] : memref<2x10000x128xf32, #tpu.memory_space<hbm>> -> memref<1x40x128xf32, #tpu.memory_space<hbm>>
          %dma_start3A_220 = tpu.memref_squeeze %dma_start3A_219 : memref<1x40x128xf32, #tpu.memory_space<hbm>> -> memref<40x128xf32, #tpu.memory_space<hbm>>
          %dma_start3A_221 = arith.constant 0 : i32
          %dma_start3A_222 = tpu.memref_slice %arg12[%mul3A_214, %dma_start3A_221] : memref<10000x128xf32, #tpu.memory_space<vmem_shared>> -> memref<40x128xf32, #tpu.memory_space<vmem_shared>>
          tpu.enqueue_dma source(%dma_start3A_222 : memref<40x128xf32, #tpu.memory_space<vmem_shared>>) target(%dma_start3A_220 : memref<40x128xf32, #tpu.memory_space<hbm>>) target_semaphore(%run_scoped3A_217 : memref<!tpu.dma_semaphore, #tpu.memory_space<semaphore_mem>>)
          %dma_wait3A = arith.constant 0 : i32
          %dma_wait3A_223 = tpu.memref_slice %arg5[%arg0, %mul3A_216, %dma_wait3A] : memref<2x10000x128xf32, #tpu.memory_space<hbm>> -> memref<1x40x128xf32, #tpu.memory_space<hbm>>
          %dma_wait3A_224 = tpu.memref_squeeze %dma_wait3A_223 : memref<1x40x128xf32, #tpu.memory_space<hbm>> -> memref<40x128xf32, #tpu.memory_space<hbm>>
          %dma_wait3A_225 = arith.constant 0 : i32
          %dma_wait3A_226 = tpu.memref_slice %arg12[%mul3A_214, %dma_wait3A_225] : memref<10000x128xf32, #tpu.memory_space<vmem_shared>> -> memref<40x128xf32, #tpu.memory_space<vmem_shared>>
          tpu.wait_dma2 semaphore(%run_scoped3A_217 : memref<!tpu.dma_semaphore, #tpu.memory_space<semaphore_mem>>) src(%dma_wait3A_226 : memref<40x128xf32, #tpu.memory_space<vmem_shared>>) dst(%dma_wait3A_224 : memref<40x128xf32, #tpu.memory_space<hbm>>)
          tpu.yield
        }) : () -> ()
      } else {
      }
      %scan3A_212 = arith.constant 0 : i32
      scf.yield %scan3A_212 : i32
    }
    %scan3A_204 = arith.constant 16 : i32
    return
  }
}

#map = affine_map<(d0, d1) -> (0, 0, 0, 0)>
#map1 = affine_map<(d0, d1) -> (0, 0)>
#map2 = affine_map<(d0, d1) -> (0, 0, 0)>
module attributes {stable_mosaic.version = 14 : i64} {
  func.func @_agg_body_flat(%arg0: i32, %arg1: i32, %arg2: memref<32x5x40x50xi32, #tpu.memory_space<hbm>>, %arg3: memref<32x5x40x50xi32, #tpu.memory_space<hbm>>, %arg4: memref<10000x128xf32, #tpu.memory_space<hbm>>, %arg5: memref<2x10000x128xf32, #tpu.memory_space<hbm>>, %arg6: memref<40x50xi32, #tpu.memory_space<vmem>>, %arg7: memref<40x50xi32, #tpu.memory_space<vmem>>, %arg8: memref<50x128xf32, #tpu.memory_space<vmem>>, %arg9: memref<50x128xf32, #tpu.memory_space<vmem>>, %arg10: memref<50x128xf32, #tpu.memory_space<vmem>>, %arg11: memref<50x128xf32, #tpu.memory_space<vmem>>, %arg12: memref<10000x128xf32, #tpu.memory_space<vmem_shared>>, %arg13: memref<!tpu.dma_semaphore, #tpu.memory_space<semaphore_mem>>, %arg14: memref<!tpu.dma_semaphore, #tpu.memory_space<semaphore_mem>>, %arg15: memref<!tpu.dma_semaphore, #tpu.memory_space<semaphore_mem>>, %arg16: memref<!tpu.dma_semaphore, #tpu.memory_space<semaphore_mem>>) attributes {dimension_semantics = [#tpu.dimension_semantics<core_parallel>, #tpu.dimension_semantics<subcore_parallel>], iteration_bounds = array<i64: 2, 16>, scalar_prefetch = 0 : i64, scratch_operands = 11 : i64, tpu.core_type = #tpu.core_type<sc_vector_subcore>, window_params = [{transform_indices = #map}, {transform_indices = #map}, {transform_indices = #map1}, {transform_indices = #map2}]} {
    %mul3A = arith.constant 16 : i32
    %mul3A_0 = arith.muli %arg0, %mul3A : i32
    %add3A = arith.addi %mul3A_0, %arg1 : i32
    %scan3A = arith.constant 0 : i32
    %scan3A_1 = arith.constant 0 : i32
    %scan3A_2 = arith.constant 40 : i32
    %scan3A_3 = arith.addi %scan3A_1, %scan3A_2 : i32
    %scan3A_4 = arith.constant 1 : i32
    %scan3A_5 = scf.for %scan3A_205 = %scan3A_1 to %scan3A_3 step %scan3A_4 iter_args(%scan3A_206 = %scan3A) -> (i32)  : i32 {
      %broadcast_in_dim3A = arith.constant 0.000000e+00 : f32
      %broadcast_in_dim3A_207 = vector.broadcast %broadcast_in_dim3A : f32 to vector<16xf32>
      %swap3A = arith.index_cast %scan3A_205 : i32 to index
      %swap3A_208 = arith.constant 0 : index
      %swap3A_209 = tpu.vector_load %arg8[%swap3A, %swap3A_208] {strides = array<i32>} : memref<50x128xf32, #tpu.memory_space<vmem>>, vector<1x16xf32>,
      %swap3A_210 = vector.shape_cast %swap3A_209 : vector<1x16xf32> to vector<16xf32>
      %swap3A_211 = vector.shape_cast %broadcast_in_dim3A_207 : vector<16xf32> to vector<1x16xf32>
      tpu.vector_store %arg8[%swap3A, %swap3A_208], %swap3A_211 {strides = array<i32>} : memref<50x128xf32, #tpu.memory_space<vmem>>, vector<1x16xf32>,
      %broadcast_in_dim3A_212 = arith.constant 0.000000e+00 : f32
      %broadcast_in_dim3A_213 = vector.broadcast %broadcast_in_dim3A_212 : f32 to vector<16xf32>
      %swap3A_214 = arith.index_cast %scan3A_205 : i32 to index
      %swap3A_215 = arith.constant 16 : index
      %swap3A_216 = tpu.vector_load %arg8[%swap3A_214, %swap3A_215] {strides = array<i32>} : memref<50x128xf32, #tpu.memory_space<vmem>>, vector<1x16xf32>,
      %swap3A_217 = vector.shape_cast %swap3A_216 : vector<1x16xf32> to vector<16xf32>
      %swap3A_218 = vector.shape_cast %broadcast_in_dim3A_213 : vector<16xf32> to vector<1x16xf32>
      tpu.vector_store %arg8[%swap3A_214, %swap3A_215], %swap3A_218 {strides = array<i32>} : memref<50x128xf32, #tpu.memory_space<vmem>>, vector<1x16xf32>,
      %broadcast_in_dim3A_219 = arith.constant 0.000000e+00 : f32
      %broadcast_in_dim3A_220 = vector.broadcast %broadcast_in_dim3A_219 : f32 to vector<16xf32>
      %swap3A_221 = arith.index_cast %scan3A_205 : i32 to index
      %swap3A_222 = arith.constant 32 : index
      %swap3A_223 = tpu.vector_load %arg8[%swap3A_221, %swap3A_222] {strides = array<i32>} : memref<50x128xf32, #tpu.memory_space<vmem>>, vector<1x16xf32>,
      %swap3A_224 = vector.shape_cast %swap3A_223 : vector<1x16xf32> to vector<16xf32>
      %swap3A_225 = vector.shape_cast %broadcast_in_dim3A_220 : vector<16xf32> to vector<1x16xf32>
      tpu.vector_store %arg8[%swap3A_221, %swap3A_222], %swap3A_225 {strides = array<i32>} : memref<50x128xf32, #tpu.memory_space<vmem>>, vector<1x16xf32>,
      %broadcast_in_dim3A_226 = arith.constant 0.000000e+00 : f32
      %broadcast_in_dim3A_227 = vector.broadcast %broadcast_in_dim3A_226 : f32 to vector<16xf32>
      %swap3A_228 = arith.index_cast %scan3A_205 : i32 to index
      %swap3A_229 = arith.constant 48 : index
      %swap3A_230 = tpu.vector_load %arg8[%swap3A_228, %swap3A_229] {strides = array<i32>} : memref<50x128xf32, #tpu.memory_space<vmem>>, vector<1x16xf32>,
      %swap3A_231 = vector.shape_cast %swap3A_230 : vector<1x16xf32> to vector<16xf32>
      %swap3A_232 = vector.shape_cast %broadcast_in_dim3A_227 : vector<16xf32> to vector<1x16xf32>
      tpu.vector_store %arg8[%swap3A_228, %swap3A_229], %swap3A_232 {strides = array<i32>} : memref<50x128xf32, #tpu.memory_space<vmem>>, vector<1x16xf32>,
      %broadcast_in_dim3A_233 = arith.constant 0.000000e+00 : f32
      %broadcast_in_dim3A_234 = vector.broadcast %broadcast_in_dim3A_233 : f32 to vector<16xf32>
      %swap3A_235 = arith.index_cast %scan3A_205 : i32 to index
      %swap3A_236 = arith.constant 64 : index
      %swap3A_237 = tpu.vector_load %arg8[%swap3A_235, %swap3A_236] {strides = array<i32>} : memref<50x128xf32, #tpu.memory_space<vmem>>, vector<1x16xf32>,
      %swap3A_238 = vector.shape_cast %swap3A_237 : vector<1x16xf32> to vector<16xf32>
      %swap3A_239 = vector.shape_cast %broadcast_in_dim3A_234 : vector<16xf32> to vector<1x16xf32>
      tpu.vector_store %arg8[%swap3A_235, %swap3A_236], %swap3A_239 {strides = array<i32>} : memref<50x128xf32, #tpu.memory_space<vmem>>, vector<1x16xf32>,
      %broadcast_in_dim3A_240 = arith.constant 0.000000e+00 : f32
      %broadcast_in_dim3A_241 = vector.broadcast %broadcast_in_dim3A_240 : f32 to vector<16xf32>
      %swap3A_242 = arith.index_cast %scan3A_205 : i32 to index
      %swap3A_243 = arith.constant 80 : index
      %swap3A_244 = tpu.vector_load %arg8[%swap3A_242, %swap3A_243] {strides = array<i32>} : memref<50x128xf32, #tpu.memory_space<vmem>>, vector<1x16xf32>,
      %swap3A_245 = vector.shape_cast %swap3A_244 : vector<1x16xf32> to vector<16xf32>
      %swap3A_246 = vector.shape_cast %broadcast_in_dim3A_241 : vector<16xf32> to vector<1x16xf32>
      tpu.vector_store %arg8[%swap3A_242, %swap3A_243], %swap3A_246 {strides = array<i32>} : memref<50x128xf32, #tpu.memory_space<vmem>>, vector<1x16xf32>,
      %broadcast_in_dim3A_247 = arith.constant 0.000000e+00 : f32
      %broadcast_in_dim3A_248 = vector.broadcast %broadcast_in_dim3A_247 : f32 to vector<16xf32>
      %swap3A_249 = arith.index_cast %scan3A_205 : i32 to index
      %swap3A_250 = arith.constant 96 : index
      %swap3A_251 = tpu.vector_load %arg8[%swap3A_249, %swap3A_250] {strides = array<i32>} : memref<50x128xf32, #tpu.memory_space<vmem>>, vector<1x16xf32>,
      %swap3A_252 = vector.shape_cast %swap3A_251 : vector<1x16xf32> to vector<16xf32>
      %swap3A_253 = vector.shape_cast %broadcast_in_dim3A_248 : vector<16xf32> to vector<1x16xf32>
      tpu.vector_store %arg8[%swap3A_249, %swap3A_250], %swap3A_253 {strides = array<i32>} : memref<50x128xf32, #tpu.memory_space<vmem>>, vector<1x16xf32>,
      %broadcast_in_dim3A_254 = arith.constant 0.000000e+00 : f32
      %broadcast_in_dim3A_255 = vector.broadcast %broadcast_in_dim3A_254 : f32 to vector<16xf32>
      %swap3A_256 = arith.index_cast %scan3A_205 : i32 to index
      %swap3A_257 = arith.constant 112 : index
      %swap3A_258 = tpu.vector_load %arg8[%swap3A_256, %swap3A_257] {strides = array<i32>} : memref<50x128xf32, #tpu.memory_space<vmem>>, vector<1x16xf32>,
      %swap3A_259 = vector.shape_cast %swap3A_258 : vector<1x16xf32> to vector<16xf32>
      %swap3A_260 = vector.shape_cast %broadcast_in_dim3A_255 : vector<16xf32> to vector<1x16xf32>
      tpu.vector_store %arg8[%swap3A_256, %swap3A_257], %swap3A_260 {strides = array<i32>} : memref<50x128xf32, #tpu.memory_space<vmem>>, vector<1x16xf32>,
      %scan3A_261 = arith.constant 0 : i32
      scf.yield %scan3A_261 : i32
    }
    %scan3A_6 = arith.constant 40 : i32
    %scan3A_7 = arith.constant 0 : i32
    %scan3A_8 = arith.constant 0 : i32
    %scan3A_9 = arith.constant 16 : i32
    %scan3A_10 = arith.addi %scan3A_8, %scan3A_9 : i32
    %scan3A_11 = arith.constant 1 : i32
    %scan3A_12 = scf.for %scan3A_205 = %scan3A_8 to %scan3A_10 step %scan3A_11 iter_args(%scan3A_206 = %scan3A_7) -> (i32)  : i32 {
      %mul3A_207 = arith.constant 16 : i32
      %mul3A_208 = arith.muli %mul3A_207, %scan3A_205 : i32
      %add3A_209 = arith.addi %arg1, %mul3A_208 : i32
      %lt3A = arith.constant 250 : i32
      %lt3A_210 = arith.cmpi slt, %add3A_209, %lt3A : i32
      %convert_element_type3A = arith.extui %lt3A_210 : i1 to i32
      %cond3A = arith.constant 0 : i32
      %cond3A_211 = arith.cmpi ne, %convert_element_type3A, %cond3A : i32
      scf.if %cond3A_211 {
        %mul3A_213 = arith.constant 40 : i32
        %mul3A_214 = arith.muli %add3A_209, %mul3A_213 : i32
        "tpu.region"() ({
          %run_scoped3A_215 = tpu.sem_alloc : memref<!tpu.dma_semaphore, #tpu.memory_space<semaphore_mem>>
          %dma_start3A_216 = arith.constant 0 : i32
          %dma_start3A_217 = arith.constant 0 : i32
          %dma_start3A_218 = tpu.memref_slice %arg8[%dma_start3A_216, %dma_start3A_217] : memref<50x128xf32, #tpu.memory_space<vmem>> -> memref<40x128xf32, #tpu.memory_space<vmem>>
          %dma_start3A_219 = arith.constant 0 : i32
          %dma_start3A_220 = tpu.memref_slice %arg12[%mul3A_214, %dma_start3A_219] : memref<10000x128xf32, #tpu.memory_space<vmem_shared>> -> memref<40x128xf32, #tpu.memory_space<vmem_shared>>
          %dma_start3A_221 = arith.constant 0 : i32
          %dma_start3A_222 = tpu.memref_slice %arg12[%mul3A_214, %dma_start3A_221] : memref<10000x128xf32, #tpu.memory_space<vmem_shared>> -> memref<40x128xf32, #tpu.memory_space<vmem_shared>>
          %dma_start3A_223 = arith.constant 0 : i32
          %dma_start3A_224 = arith.constant 0 : i32
          %dma_start3A_225 = tpu.memref_slice %arg8[%dma_start3A_223, %dma_start3A_224] : memref<50x128xf32, #tpu.memory_space<vmem>> -> memref<40x128xf32, #tpu.memory_space<vmem>>
          tpu.enqueue_dma source(%dma_start3A_225 : memref<40x128xf32, #tpu.memory_space<vmem>>) target(%dma_start3A_222 : memref<40x128xf32, #tpu.memory_space<vmem_shared>>) target_semaphore(%run_scoped3A_215 : memref<!tpu.dma_semaphore, #tpu.memory_space<semaphore_mem>>)
          %dma_wait3A = arith.constant 0 : i32
          %dma_wait3A_226 = arith.constant 0 : i32
          %dma_wait3A_227 = tpu.memref_slice %arg8[%dma_wait3A, %dma_wait3A_226] : memref<50x128xf32, #tpu.memory_space<vmem>> -> memref<40x128xf32, #tpu.memory_space<vmem>>
          %dma_wait3A_228 = arith.constant 0 : i32
          %dma_wait3A_229 = tpu.memref_slice %arg12[%mul3A_214, %dma_wait3A_228] : memref<10000x128xf32, #tpu.memory_space<vmem_shared>> -> memref<40x128xf32, #tpu.memory_space<vmem_shared>>
          %dma_wait3A_230 = arith.constant 0 : i32
          %dma_wait3A_231 = tpu.memref_slice %arg12[%mul3A_214, %dma_wait3A_230] : memref<10000x128xf32, #tpu.memory_space<vmem_shared>> -> memref<40x128xf32, #tpu.memory_space<vmem_shared>>
          %dma_wait3A_232 = arith.constant 0 : i32
          %dma_wait3A_233 = arith.constant 0 : i32
          %dma_wait3A_234 = tpu.memref_slice %arg8[%dma_wait3A_232, %dma_wait3A_233] : memref<50x128xf32, #tpu.memory_space<vmem>> -> memref<40x128xf32, #tpu.memory_space<vmem>>
          tpu.wait_dma2 semaphore(%run_scoped3A_215 : memref<!tpu.dma_semaphore, #tpu.memory_space<semaphore_mem>>) src(%dma_wait3A_234 : memref<40x128xf32, #tpu.memory_space<vmem>>) dst(%dma_wait3A_231 : memref<40x128xf32, #tpu.memory_space<vmem_shared>>)
          tpu.yield
        }) : () -> ()
      } else {
      }
      %scan3A_212 = arith.constant 0 : i32
      scf.yield %scan3A_212 : i32
    }
    %scan3A_13 = arith.constant 16 : i32
    %barrier3A = arith.constant 0 : index
    tpu.barrier barrier_id(%barrier3A)
    %run_scoped3A = arith.constant 0 : i32
    "tpu.region"() ({
      %run_scoped3A_205 = tpu.sem_alloc : memref<!tpu.dma_semaphore, #tpu.memory_space<semaphore_mem>>
      %dma_start3A_206 = arith.constant 0 : i32
      %dma_start3A_207 = arith.constant 0 : i32
      %dma_start3A_208 = tpu.memref_slice %arg2[%add3A, %run_scoped3A, %dma_start3A_206, %dma_start3A_207] : memref<32x5x40x50xi32, #tpu.memory_space<hbm>> -> memref<1x1x40x50xi32, #tpu.memory_space<hbm>>
      %dma_start3A_209 = tpu.memref_squeeze %dma_start3A_208 : memref<1x1x40x50xi32, #tpu.memory_space<hbm>> -> memref<40x50xi32, #tpu.memory_space<hbm>>
      %dma_start3A_210 = arith.constant 0 : i32
      %dma_start3A_211 = arith.constant 0 : i32
      %dma_start3A_212 = tpu.memref_slice %arg2[%add3A, %run_scoped3A, %dma_start3A_210, %dma_start3A_211] : memref<32x5x40x50xi32, #tpu.memory_space<hbm>> -> memref<1x1x40x50xi32, #tpu.memory_space<hbm>>
      %dma_start3A_213 = tpu.memref_squeeze %dma_start3A_212 : memref<1x1x40x50xi32, #tpu.memory_space<hbm>> -> memref<40x50xi32, #tpu.memory_space<hbm>>
      tpu.enqueue_dma source(%dma_start3A_213 : memref<40x50xi32, #tpu.memory_space<hbm>>) target(%arg6 : memref<40x50xi32, #tpu.memory_space<vmem>>) target_semaphore(%run_scoped3A_205 : memref<!tpu.dma_semaphore, #tpu.memory_space<semaphore_mem>>)
      %dma_wait3A = arith.constant 0 : i32
      %dma_wait3A_214 = arith.constant 0 : i32
      %dma_wait3A_215 = tpu.memref_slice %arg2[%add3A, %run_scoped3A, %dma_wait3A, %dma_wait3A_214] : memref<32x5x40x50xi32, #tpu.memory_space<hbm>> -> memref<1x1x40x50xi32, #tpu.memory_space<hbm>>
      %dma_wait3A_216 = tpu.memref_squeeze %dma_wait3A_215 : memref<1x1x40x50xi32, #tpu.memory_space<hbm>> -> memref<40x50xi32, #tpu.memory_space<hbm>>
      %dma_wait3A_217 = arith.constant 0 : i32
      %dma_wait3A_218 = arith.constant 0 : i32
      %dma_wait3A_219 = tpu.memref_slice %arg2[%add3A, %run_scoped3A, %dma_wait3A_217, %dma_wait3A_218] : memref<32x5x40x50xi32, #tpu.memory_space<hbm>> -> memref<1x1x40x50xi32, #tpu.memory_space<hbm>>
      %dma_wait3A_220 = tpu.memref_squeeze %dma_wait3A_219 : memref<1x1x40x50xi32, #tpu.memory_space<hbm>> -> memref<40x50xi32, #tpu.memory_space<hbm>>
      tpu.wait_dma2 semaphore(%run_scoped3A_205 : memref<!tpu.dma_semaphore, #tpu.memory_space<semaphore_mem>>) src(%dma_wait3A_220 : memref<40x50xi32, #tpu.memory_space<hbm>>) dst(%arg6 : memref<40x50xi32, #tpu.memory_space<vmem>>)
      tpu.yield
    }) : () -> ()
    %run_scoped3A_14 = arith.constant 0 : i32
    "tpu.region"() ({
      %run_scoped3A_205 = tpu.sem_alloc : memref<!tpu.dma_semaphore, #tpu.memory_space<semaphore_mem>>
      %dma_start3A_206 = arith.constant 0 : i32
      %dma_start3A_207 = arith.constant 0 : i32
      %dma_start3A_208 = tpu.memref_slice %arg3[%add3A, %run_scoped3A_14, %dma_start3A_206, %dma_start3A_207] : memref<32x5x40x50xi32, #tpu.memory_space<hbm>> -> memref<1x1x40x50xi32, #tpu.memory_space<hbm>>
      %dma_start3A_209 = tpu.memref_squeeze %dma_start3A_208 : memref<1x1x40x50xi32, #tpu.memory_space<hbm>> -> memref<40x50xi32, #tpu.memory_space<hbm>>
      %dma_start3A_210 = arith.constant 0 : i32
      %dma_start3A_211 = arith.constant 0 : i32
      %dma_start3A_212 = tpu.memref_slice %arg3[%add3A, %run_scoped3A_14, %dma_start3A_210, %dma_start3A_211] : memref<32x5x40x50xi32, #tpu.memory_space<hbm>> -> memref<1x1x40x50xi32, #tpu.memory_space<hbm>>
      %dma_start3A_213 = tpu.memref_squeeze %dma_start3A_212 : memref<1x1x40x50xi32, #tpu.memory_space<hbm>> -> memref<40x50xi32, #tpu.memory_space<hbm>>
      tpu.enqueue_dma source(%dma_start3A_213 : memref<40x50xi32, #tpu.memory_space<hbm>>) target(%arg7 : memref<40x50xi32, #tpu.memory_space<vmem>>) target_semaphore(%run_scoped3A_205 : memref<!tpu.dma_semaphore, #tpu.memory_space<semaphore_mem>>)
      %dma_wait3A = arith.constant 0 : i32
      %dma_wait3A_214 = arith.constant 0 : i32
      %dma_wait3A_215 = tpu.memref_slice %arg3[%add3A, %run_scoped3A_14, %dma_wait3A, %dma_wait3A_214] : memref<32x5x40x50xi32, #tpu.memory_space<hbm>> -> memref<1x1x40x50xi32, #tpu.memory_space<hbm>>
      %dma_wait3A_216 = tpu.memref_squeeze %dma_wait3A_215 : memref<1x1x40x50xi32, #tpu.memory_space<hbm>> -> memref<40x50xi32, #tpu.memory_space<hbm>>
      %dma_wait3A_217 = arith.constant 0 : i32
      %dma_wait3A_218 = arith.constant 0 : i32
      %dma_wait3A_219 = tpu.memref_slice %arg3[%add3A, %run_scoped3A_14, %dma_wait3A_217, %dma_wait3A_218] : memref<32x5x40x50xi32, #tpu.memory_space<hbm>> -> memref<1x1x40x50xi32, #tpu.memory_space<hbm>>
      %dma_wait3A_220 = tpu.memref_squeeze %dma_wait3A_219 : memref<1x1x40x50xi32, #tpu.memory_space<hbm>> -> memref<40x50xi32, #tpu.memory_space<hbm>>
      tpu.wait_dma2 semaphore(%run_scoped3A_205 : memref<!tpu.dma_semaphore, #tpu.memory_space<semaphore_mem>>) src(%dma_wait3A_220 : memref<40x50xi32, #tpu.memory_space<hbm>>) dst(%arg7 : memref<40x50xi32, #tpu.memory_space<vmem>>)
      tpu.yield
    }) : () -> ()
    %dma_start3A = arith.constant 0 : i32
    %dma_start3A_15 = arith.constant 0 : i32
    %dma_start3A_16 = tpu.memref_slice %arg6[%dma_start3A, %dma_start3A_15] : memref<40x50xi32, #tpu.memory_space<vmem>> -> memref<1x50xi32, #tpu.memory_space<vmem>>
    %dma_start3A_17 = tpu.memref_squeeze %dma_start3A_16 : memref<1x50xi32, #tpu.memory_space<vmem>> -> memref<50xi32, #tpu.memory_space<vmem>>
    %dma_start3A_18 = arith.constant 0 : i32
    %dma_start3A_19 = arith.constant 0 : i32
    %dma_start3A_20 = tpu.memref_slice %arg4[%dma_start3A_18, %dma_start3A_19] : memref<10000x128xf32, #tpu.memory_space<hbm>> -> memref<10000x128xf32, #tpu.memory_space<hbm>>
    tpu.enqueue_indirect_dma source(%dma_start3A_20 : memref<10000x128xf32, #tpu.memory_space<hbm>>) target(%arg8 : memref<50x128xf32, #tpu.memory_space<vmem>>) offsets(%dma_start3A_17 : memref<50xi32, #tpu.memory_space<vmem>>) semaphore(%arg13 : memref<!tpu.dma_semaphore, #tpu.memory_space<semaphore_mem>>)
    %dma_start3A_21 = arith.constant 1 : i32
    %dma_start3A_22 = arith.constant 0 : i32
    %dma_start3A_23 = tpu.memref_slice %arg6[%dma_start3A_21, %dma_start3A_22] : memref<40x50xi32, #tpu.memory_space<vmem>> -> memref<1x50xi32, #tpu.memory_space<vmem>>
    %dma_start3A_24 = tpu.memref_squeeze %dma_start3A_23 : memref<1x50xi32, #tpu.memory_space<vmem>> -> memref<50xi32, #tpu.memory_space<vmem>>
    %dma_start3A_25 = arith.constant 0 : i32
    %dma_start3A_26 = arith.constant 0 : i32
    %dma_start3A_27 = tpu.memref_slice %arg4[%dma_start3A_25, %dma_start3A_26] : memref<10000x128xf32, #tpu.memory_space<hbm>> -> memref<10000x128xf32, #tpu.memory_space<hbm>>
    tpu.enqueue_indirect_dma source(%dma_start3A_27 : memref<10000x128xf32, #tpu.memory_space<hbm>>) target(%arg9 : memref<50x128xf32, #tpu.memory_space<vmem>>) offsets(%dma_start3A_24 : memref<50xi32, #tpu.memory_space<vmem>>) semaphore(%arg14 : memref<!tpu.dma_semaphore, #tpu.memory_space<semaphore_mem>>)
    %dma_start3A_28 = arith.constant 2 : i32
    %dma_start3A_29 = arith.constant 0 : i32
    %dma_start3A_30 = tpu.memref_slice %arg6[%dma_start3A_28, %dma_start3A_29] : memref<40x50xi32, #tpu.memory_space<vmem>> -> memref<1x50xi32, #tpu.memory_space<vmem>>
    %dma_start3A_31 = tpu.memref_squeeze %dma_start3A_30 : memref<1x50xi32, #tpu.memory_space<vmem>> -> memref<50xi32, #tpu.memory_space<vmem>>
    %dma_start3A_32 = arith.constant 0 : i32
    %dma_start3A_33 = arith.constant 0 : i32
    %dma_start3A_34 = tpu.memref_slice %arg4[%dma_start3A_32, %dma_start3A_33] : memref<10000x128xf32, #tpu.memory_space<hbm>> -> memref<10000x128xf32, #tpu.memory_space<hbm>>
    tpu.enqueue_indirect_dma source(%dma_start3A_34 : memref<10000x128xf32, #tpu.memory_space<hbm>>) target(%arg10 : memref<50x128xf32, #tpu.memory_space<vmem>>) offsets(%dma_start3A_31 : memref<50xi32, #tpu.memory_space<vmem>>) semaphore(%arg15 : memref<!tpu.dma_semaphore, #tpu.memory_space<semaphore_mem>>)
    %dma_start3A_35 = arith.constant 3 : i32
    %dma_start3A_36 = arith.constant 0 : i32
    %dma_start3A_37 = tpu.memref_slice %arg6[%dma_start3A_35, %dma_start3A_36] : memref<40x50xi32, #tpu.memory_space<vmem>> -> memref<1x50xi32, #tpu.memory_space<vmem>>
    %dma_start3A_38 = tpu.memref_squeeze %dma_start3A_37 : memref<1x50xi32, #tpu.memory_space<vmem>> -> memref<50xi32, #tpu.memory_space<vmem>>
    %dma_start3A_39 = arith.constant 0 : i32
    %dma_start3A_40 = arith.constant 0 : i32
    %dma_start3A_41 = tpu.memref_slice %arg4[%dma_start3A_39, %dma_start3A_40] : memref<10000x128xf32, #tpu.memory_space<hbm>> -> memref<10000x128xf32, #tpu.memory_space<hbm>>
    tpu.enqueue_indirect_dma source(%dma_start3A_41 : memref<10000x128xf32, #tpu.memory_space<hbm>>) target(%arg11 : memref<50x128xf32, #tpu.memory_space<vmem>>) offsets(%dma_start3A_38 : memref<50xi32, #tpu.memory_space<vmem>>) semaphore(%arg16 : memref<!tpu.dma_semaphore, #tpu.memory_space<semaphore_mem>>)
    %scan3A_42 = arith.constant 0 : i32
    %scan3A_43 = arith.constant 0 : i32
    %scan3A_44 = arith.constant 10 : i32
    %scan3A_45 = arith.addi %scan3A_43, %scan3A_44 : i32
    %scan3A_46 = arith.constant 1 : i32
    %scan3A_47 = scf.for %scan3A_205 = %scan3A_43 to %scan3A_45 step %scan3A_46 iter_args(%scan3A_206 = %scan3A_42) -> (i32)  : i32 {
      %mul3A_207 = arith.constant 4 : i32
      %mul3A_208 = arith.muli %mul3A_207, %scan3A_205 : i32
      %add3A_209 = arith.constant 0 : i32
      %add3A_210 = arith.addi %mul3A_208, %add3A_209 : i32
      %dma_wait3A = arith.constant 0 : i32
      %dma_wait3A_211 = tpu.memref_slice %arg6[%add3A_210, %dma_wait3A] : memref<40x50xi32, #tpu.memory_space<vmem>> -> memref<1x50xi32, #tpu.memory_space<vmem>>
      %dma_wait3A_212 = tpu.memref_squeeze %dma_wait3A_211 : memref<1x50xi32, #tpu.memory_space<vmem>> -> memref<50xi32, #tpu.memory_space<vmem>>
      %dma_wait3A_213 = arith.constant 0 : i32
      %dma_wait3A_214 = arith.constant 0 : i32
      %dma_wait3A_215 = tpu.memref_slice %arg4[%dma_wait3A_213, %dma_wait3A_214] : memref<10000x128xf32, #tpu.memory_space<hbm>> -> memref<10000x128xf32, #tpu.memory_space<hbm>>
      tpu.wait_indirect_dma semaphore(%arg13 : memref<!tpu.dma_semaphore, #tpu.memory_space<semaphore_mem>>) src(%dma_wait3A_215 : memref<10000x128xf32, #tpu.memory_space<hbm>>) dst(%arg8 : memref<50x128xf32, #tpu.memory_space<vmem>>)
      %add3A_216 = arith.constant 0 : i32
      %add3A_217 = arith.addi %mul3A_208, %add3A_216 : i32
      "tpu.region"() ({
        %run_scoped3A_266 = tpu.sem_alloc : memref<!tpu.dma_semaphore, #tpu.memory_space<semaphore_mem>>
        %dma_start3A_267 = arith.constant 0 : i32
        %dma_start3A_268 = tpu.memref_slice %arg7[%add3A_217, %dma_start3A_267] : memref<40x50xi32, #tpu.memory_space<vmem>> -> memref<1x50xi32, #tpu.memory_space<vmem>>
        %dma_start3A_269 = tpu.memref_squeeze %dma_start3A_268 : memref<1x50xi32, #tpu.memory_space<vmem>> -> memref<50xi32, #tpu.memory_space<vmem>>
        %dma_start3A_270 = arith.constant 0 : i32
        %dma_start3A_271 = arith.constant 0 : i32
        %dma_start3A_272 = tpu.memref_slice %arg12[%dma_start3A_270, %dma_start3A_271] : memref<10000x128xf32, #tpu.memory_space<vmem_shared>> -> memref<10000x128xf32, #tpu.memory_space<vmem_shared>>
        tpu.enqueue_indirect_dma source(%arg8 : memref<50x128xf32, #tpu.memory_space<vmem>>) target(%dma_start3A_272 : memref<10000x128xf32, #tpu.memory_space<vmem_shared>>) offsets(%dma_start3A_269 : memref<50xi32, #tpu.memory_space<vmem>>) semaphore(%run_scoped3A_266 : memref<!tpu.dma_semaphore, #tpu.memory_space<semaphore_mem>>) {add = true}
        %dma_wait3A_273 = arith.constant 0 : i32
        %dma_wait3A_274 = tpu.memref_slice %arg7[%add3A_217, %dma_wait3A_273] : memref<40x50xi32, #tpu.memory_space<vmem>> -> memref<1x50xi32, #tpu.memory_space<vmem>>
        %dma_wait3A_275 = tpu.memref_squeeze %dma_wait3A_274 : memref<1x50xi32, #tpu.memory_space<vmem>> -> memref<50xi32, #tpu.memory_space<vmem>>
        %dma_wait3A_276 = arith.constant 0 : i32
        %dma_wait3A_277 = arith.constant 0 : i32
        %dma_wait3A_278 = tpu.memref_slice %arg12[%dma_wait3A_276, %dma_wait3A_277] : memref<10000x128xf32, #tpu.memory_space<vmem_shared>> -> memref<10000x128xf32, #tpu.memory_space<vmem_shared>>
        tpu.wait_indirect_dma semaphore(%run_scoped3A_266 : memref<!tpu.dma_semaphore, #tpu.memory_space<semaphore_mem>>) src(%arg8 : memref<50x128xf32, #tpu.memory_space<vmem>>) dst(%dma_wait3A_278 : memref<10000x128xf32, #tpu.memory_space<vmem_shared>>)
        tpu.yield
      }) : () -> ()
      %lt3A = arith.constant 9 : i32
      %lt3A_218 = arith.cmpi slt, %scan3A_205, %lt3A : i32
      %convert_element_type3A = arith.extui %lt3A_218 : i1 to i32
      %cond3A = arith.constant 0 : i32
      %cond3A_219 = arith.cmpi ne, %convert_element_type3A, %cond3A : i32
      scf.if %cond3A_219 {
        %add3A_266 = arith.constant 4 : i32
        %add3A_267 = arith.addi %mul3A_208, %add3A_266 : i32
        %add3A_268 = arith.constant 0 : i32
        %add3A_269 = arith.addi %add3A_267, %add3A_268 : i32
        %dma_start3A_270 = arith.constant 0 : i32
        %dma_start3A_271 = tpu.memref_slice %arg6[%add3A_269, %dma_start3A_270] : memref<40x50xi32, #tpu.memory_space<vmem>> -> memref<1x50xi32, #tpu.memory_space<vmem>>
        %dma_start3A_272 = tpu.memref_squeeze %dma_start3A_271 : memref<1x50xi32, #tpu.memory_space<vmem>> -> memref<50xi32, #tpu.memory_space<vmem>>
        %dma_start3A_273 = arith.constant 0 : i32
        %dma_start3A_274 = arith.constant 0 : i32
        %dma_start3A_275 = tpu.memref_slice %arg4[%dma_start3A_273, %dma_start3A_274] : memref<10000x128xf32, #tpu.memory_space<hbm>> -> memref<10000x128xf32, #tpu.memory_space<hbm>>
        tpu.enqueue_indirect_dma source(%dma_start3A_275 : memref<10000x128xf32, #tpu.memory_space<hbm>>) target(%arg8 : memref<50x128xf32, #tpu.memory_space<vmem>>) offsets(%dma_start3A_272 : memref<50xi32, #tpu.memory_space<vmem>>) semaphore(%arg13 : memref<!tpu.dma_semaphore, #tpu.memory_space<semaphore_mem>>)
      } else {
      }
      %add3A_220 = arith.constant 1 : i32
      %add3A_221 = arith.addi %mul3A_208, %add3A_220 : i32
      %dma_wait3A_222 = arith.constant 0 : i32
      %dma_wait3A_223 = tpu.memref_slice %arg6[%add3A_221, %dma_wait3A_222] : memref<40x50xi32, #tpu.memory_space<vmem>> -> memref<1x50xi32, #tpu.memory_space<vmem>>
      %dma_wait3A_224 = tpu.memref_squeeze %dma_wait3A_223 : memref<1x50xi32, #tpu.memory_space<vmem>> -> memref<50xi32, #tpu.memory_space<vmem>>
      %dma_wait3A_225 = arith.constant 0 : i32
      %dma_wait3A_226 = arith.constant 0 : i32
      %dma_wait3A_227 = tpu.memref_slice %arg4[%dma_wait3A_225, %dma_wait3A_226] : memref<10000x128xf32, #tpu.memory_space<hbm>> -> memref<10000x128xf32, #tpu.memory_space<hbm>>
      tpu.wait_indirect_dma semaphore(%arg14 : memref<!tpu.dma_semaphore, #tpu.memory_space<semaphore_mem>>) src(%dma_wait3A_227 : memref<10000x128xf32, #tpu.memory_space<hbm>>) dst(%arg9 : memref<50x128xf32, #tpu.memory_space<vmem>>)
      %add3A_228 = arith.constant 1 : i32
      %add3A_229 = arith.addi %mul3A_208, %add3A_228 : i32
      "tpu.region"() ({
        %run_scoped3A_266 = tpu.sem_alloc : memref<!tpu.dma_semaphore, #tpu.memory_space<semaphore_mem>>
        %dma_start3A_267 = arith.constant 0 : i32
        %dma_start3A_268 = tpu.memref_slice %arg7[%add3A_229, %dma_start3A_267] : memref<40x50xi32, #tpu.memory_space<vmem>> -> memref<1x50xi32, #tpu.memory_space<vmem>>
        %dma_start3A_269 = tpu.memref_squeeze %dma_start3A_268 : memref<1x50xi32, #tpu.memory_space<vmem>> -> memref<50xi32, #tpu.memory_space<vmem>>
        %dma_start3A_270 = arith.constant 0 : i32
        %dma_start3A_271 = arith.constant 0 : i32
        %dma_start3A_272 = tpu.memref_slice %arg12[%dma_start3A_270, %dma_start3A_271] : memref<10000x128xf32, #tpu.memory_space<vmem_shared>> -> memref<10000x128xf32, #tpu.memory_space<vmem_shared>>
        tpu.enqueue_indirect_dma source(%arg9 : memref<50x128xf32, #tpu.memory_space<vmem>>) target(%dma_start3A_272 : memref<10000x128xf32, #tpu.memory_space<vmem_shared>>) offsets(%dma_start3A_269 : memref<50xi32, #tpu.memory_space<vmem>>) semaphore(%run_scoped3A_266 : memref<!tpu.dma_semaphore, #tpu.memory_space<semaphore_mem>>) {add = true}
        %dma_wait3A_273 = arith.constant 0 : i32
        %dma_wait3A_274 = tpu.memref_slice %arg7[%add3A_229, %dma_wait3A_273] : memref<40x50xi32, #tpu.memory_space<vmem>> -> memref<1x50xi32, #tpu.memory_space<vmem>>
        %dma_wait3A_275 = tpu.memref_squeeze %dma_wait3A_274 : memref<1x50xi32, #tpu.memory_space<vmem>> -> memref<50xi32, #tpu.memory_space<vmem>>
        %dma_wait3A_276 = arith.constant 0 : i32
        %dma_wait3A_277 = arith.constant 0 : i32
        %dma_wait3A_278 = tpu.memref_slice %arg12[%dma_wait3A_276, %dma_wait3A_277] : memref<10000x128xf32, #tpu.memory_space<vmem_shared>> -> memref<10000x128xf32, #tpu.memory_space<vmem_shared>>
        tpu.wait_indirect_dma semaphore(%run_scoped3A_266 : memref<!tpu.dma_semaphore, #tpu.memory_space<semaphore_mem>>) src(%arg9 : memref<50x128xf32, #tpu.memory_space<vmem>>) dst(%dma_wait3A_278 : memref<10000x128xf32, #tpu.memory_space<vmem_shared>>)
        tpu.yield
      }) : () -> ()
      %lt3A_230 = arith.constant 9 : i32
      %lt3A_231 = arith.cmpi slt, %scan3A_205, %lt3A_230 : i32
      %convert_element_type3A_232 = arith.extui %lt3A_231 : i1 to i32
      %cond3A_233 = arith.constant 0 : i32
      %cond3A_234 = arith.cmpi ne, %convert_element_type3A_232, %cond3A_233 : i32
      scf.if %cond3A_234 {
        %add3A_266 = arith.constant 4 : i32
        %add3A_267 = arith.addi %mul3A_208, %add3A_266 : i32
        %add3A_268 = arith.constant 1 : i32
        %add3A_269 = arith.addi %add3A_267, %add3A_268 : i32
        %dma_start3A_270 = arith.constant 0 : i32
        %dma_start3A_271 = tpu.memref_slice %arg6[%add3A_269, %dma_start3A_270] : memref<40x50xi32, #tpu.memory_space<vmem>> -> memref<1x50xi32, #tpu.memory_space<vmem>>
        %dma_start3A_272 = tpu.memref_squeeze %dma_start3A_271 : memref<1x50xi32, #tpu.memory_space<vmem>> -> memref<50xi32, #tpu.memory_space<vmem>>
        %dma_start3A_273 = arith.constant 0 : i32
        %dma_start3A_274 = arith.constant 0 : i32
        %dma_start3A_275 = tpu.memref_slice %arg4[%dma_start3A_273, %dma_start3A_274] : memref<10000x128xf32, #tpu.memory_space<hbm>> -> memref<10000x128xf32, #tpu.memory_space<hbm>>
        tpu.enqueue_indirect_dma source(%dma_start3A_275 : memref<10000x128xf32, #tpu.memory_space<hbm>>) target(%arg9 : memref<50x128xf32, #tpu.memory_space<vmem>>) offsets(%dma_start3A_272 : memref<50xi32, #tpu.memory_space<vmem>>) semaphore(%arg14 : memref<!tpu.dma_semaphore, #tpu.memory_space<semaphore_mem>>)
      } else {
      }
      %add3A_235 = arith.constant 2 : i32
      %add3A_236 = arith.addi %mul3A_208, %add3A_235 : i32
      %dma_wait3A_237 = arith.constant 0 : i32
      %dma_wait3A_238 = tpu.memref_slice %arg6[%add3A_236, %dma_wait3A_237] : memref<40x50xi32, #tpu.memory_space<vmem>> -> memref<1x50xi32, #tpu.memory_space<vmem>>
      %dma_wait3A_239 = tpu.memref_squeeze %dma_wait3A_238 : memref<1x50xi32, #tpu.memory_space<vmem>> -> memref<50xi32, #tpu.memory_space<vmem>>
      %dma_wait3A_240 = arith.constant 0 : i32
      %dma_wait3A_241 = arith.constant 0 : i32
      %dma_wait3A_242 = tpu.memref_slice %arg4[%dma_wait3A_240, %dma_wait3A_241] : memref<10000x128xf32, #tpu.memory_space<hbm>> -> memref<10000x128xf32, #tpu.memory_space<hbm>>
      tpu.wait_indirect_dma semaphore(%arg15 : memref<!tpu.dma_semaphore, #tpu.memory_space<semaphore_mem>>) src(%dma_wait3A_242 : memref<10000x128xf32, #tpu.memory_space<hbm>>) dst(%arg10 : memref<50x128xf32, #tpu.memory_space<vmem>>)
      %add3A_243 = arith.constant 2 : i32
      %add3A_244 = arith.addi %mul3A_208, %add3A_243 : i32
      "tpu.region"() ({
        %run_scoped3A_266 = tpu.sem_alloc : memref<!tpu.dma_semaphore, #tpu.memory_space<semaphore_mem>>
        %dma_start3A_267 = arith.constant 0 : i32
        %dma_start3A_268 = tpu.memref_slice %arg7[%add3A_244, %dma_start3A_267] : memref<40x50xi32, #tpu.memory_space<vmem>> -> memref<1x50xi32, #tpu.memory_space<vmem>>
        %dma_start3A_269 = tpu.memref_squeeze %dma_start3A_268 : memref<1x50xi32, #tpu.memory_space<vmem>> -> memref<50xi32, #tpu.memory_space<vmem>>
        %dma_start3A_270 = arith.constant 0 : i32
        %dma_start3A_271 = arith.constant 0 : i32
        %dma_start3A_272 = tpu.memref_slice %arg12[%dma_start3A_270, %dma_start3A_271] : memref<10000x128xf32, #tpu.memory_space<vmem_shared>> -> memref<10000x128xf32, #tpu.memory_space<vmem_shared>>
        tpu.enqueue_indirect_dma source(%arg10 : memref<50x128xf32, #tpu.memory_space<vmem>>) target(%dma_start3A_272 : memref<10000x128xf32, #tpu.memory_space<vmem_shared>>) offsets(%dma_start3A_269 : memref<50xi32, #tpu.memory_space<vmem>>) semaphore(%run_scoped3A_266 : memref<!tpu.dma_semaphore, #tpu.memory_space<semaphore_mem>>) {add = true}
        %dma_wait3A_273 = arith.constant 0 : i32
        %dma_wait3A_274 = tpu.memref_slice %arg7[%add3A_244, %dma_wait3A_273] : memref<40x50xi32, #tpu.memory_space<vmem>> -> memref<1x50xi32, #tpu.memory_space<vmem>>
        %dma_wait3A_275 = tpu.memref_squeeze %dma_wait3A_274 : memref<1x50xi32, #tpu.memory_space<vmem>> -> memref<50xi32, #tpu.memory_space<vmem>>
        %dma_wait3A_276 = arith.constant 0 : i32
        %dma_wait3A_277 = arith.constant 0 : i32
        %dma_wait3A_278 = tpu.memref_slice %arg12[%dma_wait3A_276, %dma_wait3A_277] : memref<10000x128xf32, #tpu.memory_space<vmem_shared>> -> memref<10000x128xf32, #tpu.memory_space<vmem_shared>>
        tpu.wait_indirect_dma semaphore(%run_scoped3A_266 : memref<!tpu.dma_semaphore, #tpu.memory_space<semaphore_mem>>) src(%arg10 : memref<50x128xf32, #tpu.memory_space<vmem>>) dst(%dma_wait3A_278 : memref<10000x128xf32, #tpu.memory_space<vmem_shared>>)
        tpu.yield
      }) : () -> ()
      %lt3A_245 = arith.constant 9 : i32
      %lt3A_246 = arith.cmpi slt, %scan3A_205, %lt3A_245 : i32
      %convert_element_type3A_247 = arith.extui %lt3A_246 : i1 to i32
      %cond3A_248 = arith.constant 0 : i32
      %cond3A_249 = arith.cmpi ne, %convert_element_type3A_247, %cond3A_248 : i32
      scf.if %cond3A_249 {
        %add3A_266 = arith.constant 4 : i32
        %add3A_267 = arith.addi %mul3A_208, %add3A_266 : i32
        %add3A_268 = arith.constant 2 : i32
        %add3A_269 = arith.addi %add3A_267, %add3A_268 : i32
        %dma_start3A_270 = arith.constant 0 : i32
        %dma_start3A_271 = tpu.memref_slice %arg6[%add3A_269, %dma_start3A_270] : memref<40x50xi32, #tpu.memory_space<vmem>> -> memref<1x50xi32, #tpu.memory_space<vmem>>
        %dma_start3A_272 = tpu.memref_squeeze %dma_start3A_271 : memref<1x50xi32, #tpu.memory_space<vmem>> -> memref<50xi32, #tpu.memory_space<vmem>>
        %dma_start3A_273 = arith.constant 0 : i32
        %dma_start3A_274 = arith.constant 0 : i32
        %dma_start3A_275 = tpu.memref_slice %arg4[%dma_start3A_273, %dma_start3A_274] : memref<10000x128xf32, #tpu.memory_space<hbm>> -> memref<10000x128xf32, #tpu.memory_space<hbm>>
        tpu.enqueue_indirect_dma source(%dma_start3A_275 : memref<10000x128xf32, #tpu.memory_space<hbm>>) target(%arg10 : memref<50x128xf32, #tpu.memory_space<vmem>>) offsets(%dma_start3A_272 : memref<50xi32, #tpu.memory_space<vmem>>) semaphore(%arg15 : memref<!tpu.dma_semaphore, #tpu.memory_space<semaphore_mem>>)
      } else {
      }
      %add3A_250 = arith.constant 3 : i32
      %add3A_251 = arith.addi %mul3A_208, %add3A_250 : i32
      %dma_wait3A_252 = arith.constant 0 : i32
      %dma_wait3A_253 = tpu.memref_slice %arg6[%add3A_251, %dma_wait3A_252] : memref<40x50xi32, #tpu.memory_space<vmem>> -> memref<1x50xi32, #tpu.memory_space<vmem>>
      %dma_wait3A_254 = tpu.memref_squeeze %dma_wait3A_253 : memref<1x50xi32, #tpu.memory_space<vmem>> -> memref<50xi32, #tpu.memory_space<vmem>>
      %dma_wait3A_255 = arith.constant 0 : i32
      %dma_wait3A_256 = arith.constant 0 : i32
      %dma_wait3A_257 = tpu.memref_slice %arg4[%dma_wait3A_255, %dma_wait3A_256] : memref<10000x128xf32, #tpu.memory_space<hbm>> -> memref<10000x128xf32, #tpu.memory_space<hbm>>
      tpu.wait_indirect_dma semaphore(%arg16 : memref<!tpu.dma_semaphore, #tpu.memory_space<semaphore_mem>>) src(%dma_wait3A_257 : memref<10000x128xf32, #tpu.memory_space<hbm>>) dst(%arg11 : memref<50x128xf32, #tpu.memory_space<vmem>>)
      %add3A_258 = arith.constant 3 : i32
      %add3A_259 = arith.addi %mul3A_208, %add3A_258 : i32
      "tpu.region"() ({
        %run_scoped3A_266 = tpu.sem_alloc : memref<!tpu.dma_semaphore, #tpu.memory_space<semaphore_mem>>
        %dma_start3A_267 = arith.constant 0 : i32
        %dma_start3A_268 = tpu.memref_slice %arg7[%add3A_259, %dma_start3A_267] : memref<40x50xi32, #tpu.memory_space<vmem>> -> memref<1x50xi32, #tpu.memory_space<vmem>>
        %dma_start3A_269 = tpu.memref_squeeze %dma_start3A_268 : memref<1x50xi32, #tpu.memory_space<vmem>> -> memref<50xi32, #tpu.memory_space<vmem>>
        %dma_start3A_270 = arith.constant 0 : i32
        %dma_start3A_271 = arith.constant 0 : i32
        %dma_start3A_272 = tpu.memref_slice %arg12[%dma_start3A_270, %dma_start3A_271] : memref<10000x128xf32, #tpu.memory_space<vmem_shared>> -> memref<10000x128xf32, #tpu.memory_space<vmem_shared>>
        tpu.enqueue_indirect_dma source(%arg11 : memref<50x128xf32, #tpu.memory_space<vmem>>) target(%dma_start3A_272 : memref<10000x128xf32, #tpu.memory_space<vmem_shared>>) offsets(%dma_start3A_269 : memref<50xi32, #tpu.memory_space<vmem>>) semaphore(%run_scoped3A_266 : memref<!tpu.dma_semaphore, #tpu.memory_space<semaphore_mem>>) {add = true}
        %dma_wait3A_273 = arith.constant 0 : i32
        %dma_wait3A_274 = tpu.memref_slice %arg7[%add3A_259, %dma_wait3A_273] : memref<40x50xi32, #tpu.memory_space<vmem>> -> memref<1x50xi32, #tpu.memory_space<vmem>>
        %dma_wait3A_275 = tpu.memref_squeeze %dma_wait3A_274 : memref<1x50xi32, #tpu.memory_space<vmem>> -> memref<50xi32, #tpu.memory_space<vmem>>
        %dma_wait3A_276 = arith.constant 0 : i32
        %dma_wait3A_277 = arith.constant 0 : i32
        %dma_wait3A_278 = tpu.memref_slice %arg12[%dma_wait3A_276, %dma_wait3A_277] : memref<10000x128xf32, #tpu.memory_space<vmem_shared>> -> memref<10000x128xf32, #tpu.memory_space<vmem_shared>>
        tpu.wait_indirect_dma semaphore(%run_scoped3A_266 : memref<!tpu.dma_semaphore, #tpu.memory_space<semaphore_mem>>) src(%arg11 : memref<50x128xf32, #tpu.memory_space<vmem>>) dst(%dma_wait3A_278 : memref<10000x128xf32, #tpu.memory_space<vmem_shared>>)
        tpu.yield
      }) : () -> ()
      %lt3A_260 = arith.constant 9 : i32
      %lt3A_261 = arith.cmpi slt, %scan3A_205, %lt3A_260 : i32
      %convert_element_type3A_262 = arith.extui %lt3A_261 : i1 to i32
      %cond3A_263 = arith.constant 0 : i32
      %cond3A_264 = arith.cmpi ne, %convert_element_type3A_262, %cond3A_263 : i32
      scf.if %cond3A_264 {
        %add3A_266 = arith.constant 4 : i32
        %add3A_267 = arith.addi %mul3A_208, %add3A_266 : i32
        %add3A_268 = arith.constant 3 : i32
        %add3A_269 = arith.addi %add3A_267, %add3A_268 : i32
        %dma_start3A_270 = arith.constant 0 : i32
        %dma_start3A_271 = tpu.memref_slice %arg6[%add3A_269, %dma_start3A_270] : memref<40x50xi32, #tpu.memory_space<vmem>> -> memref<1x50xi32, #tpu.memory_space<vmem>>
        %dma_start3A_272 = tpu.memref_squeeze %dma_start3A_271 : memref<1x50xi32, #tpu.memory_space<vmem>> -> memref<50xi32, #tpu.memory_space<vmem>>
        %dma_start3A_273 = arith.constant 0 : i32
        %dma_start3A_274 = arith.constant 0 : i32
        %dma_start3A_275 = tpu.memref_slice %arg4[%dma_start3A_273, %dma_start3A_274] : memref<10000x128xf32, #tpu.memory_space<hbm>> -> memref<10000x128xf32, #tpu.memory_space<hbm>>
        tpu.enqueue_indirect_dma source(%dma_start3A_275 : memref<10000x128xf32, #tpu.memory_space<hbm>>) target(%arg11 : memref<50x128xf32, #tpu.memory_space<vmem>>) offsets(%dma_start3A_272 : memref<50xi32, #tpu.memory_space<vmem>>) semaphore(%arg16 : memref<!tpu.dma_semaphore, #tpu.memory_space<semaphore_mem>>)
      } else {
      }
      %scan3A_265 = arith.constant 0 : i32
      scf.yield %scan3A_265 : i32
    }
    %scan3A_48 = arith.constant 10 : i32
    %run_scoped3A_49 = arith.constant 1 : i32
    "tpu.region"() ({
      %run_scoped3A_205 = tpu.sem_alloc : memref<!tpu.dma_semaphore, #tpu.memory_space<semaphore_mem>>
      %dma_start3A_206 = arith.constant 0 : i32
      %dma_start3A_207 = arith.constant 0 : i32
      %dma_start3A_208 = tpu.memref_slice %arg2[%add3A, %run_scoped3A_49, %dma_start3A_206, %dma_start3A_207] : memref<32x5x40x50xi32, #tpu.memory_space<hbm>> -> memref<1x1x40x50xi32, #tpu.memory_space<hbm>>
      %dma_start3A_209 = tpu.memref_squeeze %dma_start3A_208 : memref<1x1x40x50xi32, #tpu.memory_space<hbm>> -> memref<40x50xi32, #tpu.memory_space<hbm>>
      %dma_start3A_210 = arith.constant 0 : i32
      %dma_start3A_211 = arith.constant 0 : i32
      %dma_start3A_212 = tpu.memref_slice %arg2[%add3A, %run_scoped3A_49, %dma_start3A_210, %dma_start3A_211] : memref<32x5x40x50xi32, #tpu.memory_space<hbm>> -> memref<1x1x40x50xi32, #tpu.memory_space<hbm>>
      %dma_start3A_213 = tpu.memref_squeeze %dma_start3A_212 : memref<1x1x40x50xi32, #tpu.memory_space<hbm>> -> memref<40x50xi32, #tpu.memory_space<hbm>>
      tpu.enqueue_dma source(%dma_start3A_213 : memref<40x50xi32, #tpu.memory_space<hbm>>) target(%arg6 : memref<40x50xi32, #tpu.memory_space<vmem>>) target_semaphore(%run_scoped3A_205 : memref<!tpu.dma_semaphore, #tpu.memory_space<semaphore_mem>>)
      %dma_wait3A = arith.constant 0 : i32
      %dma_wait3A_214 = arith.constant 0 : i32
      %dma_wait3A_215 = tpu.memref_slice %arg2[%add3A, %run_scoped3A_49, %dma_wait3A, %dma_wait3A_214] : memref<32x5x40x50xi32, #tpu.memory_space<hbm>> -> memref<1x1x40x50xi32, #tpu.memory_space<hbm>>
      %dma_wait3A_216 = tpu.memref_squeeze %dma_wait3A_215 : memref<1x1x40x50xi32, #tpu.memory_space<hbm>> -> memref<40x50xi32, #tpu.memory_space<hbm>>
      %dma_wait3A_217 = arith.constant 0 : i32
      %dma_wait3A_218 = arith.constant 0 : i32
      %dma_wait3A_219 = tpu.memref_slice %arg2[%add3A, %run_scoped3A_49, %dma_wait3A_217, %dma_wait3A_218] : memref<32x5x40x50xi32, #tpu.memory_space<hbm>> -> memref<1x1x40x50xi32, #tpu.memory_space<hbm>>
      %dma_wait3A_220 = tpu.memref_squeeze %dma_wait3A_219 : memref<1x1x40x50xi32, #tpu.memory_space<hbm>> -> memref<40x50xi32, #tpu.memory_space<hbm>>
      tpu.wait_dma2 semaphore(%run_scoped3A_205 : memref<!tpu.dma_semaphore, #tpu.memory_space<semaphore_mem>>) src(%dma_wait3A_220 : memref<40x50xi32, #tpu.memory_space<hbm>>) dst(%arg6 : memref<40x50xi32, #tpu.memory_space<vmem>>)
      tpu.yield
    }) : () -> ()
    %run_scoped3A_50 = arith.constant 1 : i32
    "tpu.region"() ({
      %run_scoped3A_205 = tpu.sem_alloc : memref<!tpu.dma_semaphore, #tpu.memory_space<semaphore_mem>>
      %dma_start3A_206 = arith.constant 0 : i32
      %dma_start3A_207 = arith.constant 0 : i32
      %dma_start3A_208 = tpu.memref_slice %arg3[%add3A, %run_scoped3A_50, %dma_start3A_206, %dma_start3A_207] : memref<32x5x40x50xi32, #tpu.memory_space<hbm>> -> memref<1x1x40x50xi32, #tpu.memory_space<hbm>>
      %dma_start3A_209 = tpu.memref_squeeze %dma_start3A_208 : memref<1x1x40x50xi32, #tpu.memory_space<hbm>> -> memref<40x50xi32, #tpu.memory_space<hbm>>
      %dma_start3A_210 = arith.constant 0 : i32
      %dma_start3A_211 = arith.constant 0 : i32
      %dma_start3A_212 = tpu.memref_slice %arg3[%add3A, %run_scoped3A_50, %dma_start3A_210, %dma_start3A_211] : memref<32x5x40x50xi32, #tpu.memory_space<hbm>> -> memref<1x1x40x50xi32, #tpu.memory_space<hbm>>
      %dma_start3A_213 = tpu.memref_squeeze %dma_start3A_212 : memref<1x1x40x50xi32, #tpu.memory_space<hbm>> -> memref<40x50xi32, #tpu.memory_space<hbm>>
      tpu.enqueue_dma source(%dma_start3A_213 : memref<40x50xi32, #tpu.memory_space<hbm>>) target(%arg7 : memref<40x50xi32, #tpu.memory_space<vmem>>) target_semaphore(%run_scoped3A_205 : memref<!tpu.dma_semaphore, #tpu.memory_space<semaphore_mem>>)
      %dma_wait3A = arith.constant 0 : i32
      %dma_wait3A_214 = arith.constant 0 : i32
      %dma_wait3A_215 = tpu.memref_slice %arg3[%add3A, %run_scoped3A_50, %dma_wait3A, %dma_wait3A_214] : memref<32x5x40x50xi32, #tpu.memory_space<hbm>> -> memref<1x1x40x50xi32, #tpu.memory_space<hbm>>
      %dma_wait3A_216 = tpu.memref_squeeze %dma_wait3A_215 : memref<1x1x40x50xi32, #tpu.memory_space<hbm>> -> memref<40x50xi32, #tpu.memory_space<hbm>>
      %dma_wait3A_217 = arith.constant 0 : i32
      %dma_wait3A_218 = arith.constant 0 : i32
      %dma_wait3A_219 = tpu.memref_slice %arg3[%add3A, %run_scoped3A_50, %dma_wait3A_217, %dma_wait3A_218] : memref<32x5x40x50xi32, #tpu.memory_space<hbm>> -> memref<1x1x40x50xi32, #tpu.memory_space<hbm>>
      %dma_wait3A_220 = tpu.memref_squeeze %dma_wait3A_219 : memref<1x1x40x50xi32, #tpu.memory_space<hbm>> -> memref<40x50xi32, #tpu.memory_space<hbm>>
      tpu.wait_dma2 semaphore(%run_scoped3A_205 : memref<!tpu.dma_semaphore, #tpu.memory_space<semaphore_mem>>) src(%dma_wait3A_220 : memref<40x50xi32, #tpu.memory_space<hbm>>) dst(%arg7 : memref<40x50xi32, #tpu.memory_space<vmem>>)
      tpu.yield
    }) : () -> ()
    %dma_start3A_51 = arith.constant 0 : i32
    %dma_start3A_52 = arith.constant 0 : i32
    %dma_start3A_53 = tpu.memref_slice %arg6[%dma_start3A_51, %dma_start3A_52] : memref<40x50xi32, #tpu.memory_space<vmem>> -> memref<1x50xi32, #tpu.memory_space<vmem>>
    %dma_start3A_54 = tpu.memref_squeeze %dma_start3A_53 : memref<1x50xi32, #tpu.memory_space<vmem>> -> memref<50xi32, #tpu.memory_space<vmem>>
    %dma_start3A_55 = arith.constant 0 : i32
    %dma_start3A_56 = arith.constant 0 : i32
    %dma_start3A_57 = tpu.memref_slice %arg4[%dma_start3A_55, %dma_start3A_56] : memref<10000x128xf32, #tpu.memory_space<hbm>> -> memref<10000x128xf32, #tpu.memory_space<hbm>>
    tpu.enqueue_indirect_dma source(%dma_start3A_57 : memref<10000x128xf32, #tpu.memory_space<hbm>>) target(%arg8 : memref<50x128xf32, #tpu.memory_space<vmem>>) offsets(%dma_start3A_54 : memref<50xi32, #tpu.memory_space<vmem>>) semaphore(%arg13 : memref<!tpu.dma_semaphore, #tpu.memory_space<semaphore_mem>>)
    %dma_start3A_58 = arith.constant 1 : i32
    %dma_start3A_59 = arith.constant 0 : i32
    %dma_start3A_60 = tpu.memref_slice %arg6[%dma_start3A_58, %dma_start3A_59] : memref<40x50xi32, #tpu.memory_space<vmem>> -> memref<1x50xi32, #tpu.memory_space<vmem>>
    %dma_start3A_61 = tpu.memref_squeeze %dma_start3A_60 : memref<1x50xi32, #tpu.memory_space<vmem>> -> memref<50xi32, #tpu.memory_space<vmem>>
    %dma_start3A_62 = arith.constant 0 : i32
    %dma_start3A_63 = arith.constant 0 : i32
    %dma_start3A_64 = tpu.memref_slice %arg4[%dma_start3A_62, %dma_start3A_63] : memref<10000x128xf32, #tpu.memory_space<hbm>> -> memref<10000x128xf32, #tpu.memory_space<hbm>>
    tpu.enqueue_indirect_dma source(%dma_start3A_64 : memref<10000x128xf32, #tpu.memory_space<hbm>>) target(%arg9 : memref<50x128xf32, #tpu.memory_space<vmem>>) offsets(%dma_start3A_61 : memref<50xi32, #tpu.memory_space<vmem>>) semaphore(%arg14 : memref<!tpu.dma_semaphore, #tpu.memory_space<semaphore_mem>>)
    %dma_start3A_65 = arith.constant 2 : i32
    %dma_start3A_66 = arith.constant 0 : i32
    %dma_start3A_67 = tpu.memref_slice %arg6[%dma_start3A_65, %dma_start3A_66] : memref<40x50xi32, #tpu.memory_space<vmem>> -> memref<1x50xi32, #tpu.memory_space<vmem>>
    %dma_start3A_68 = tpu.memref_squeeze %dma_start3A_67 : memref<1x50xi32, #tpu.memory_space<vmem>> -> memref<50xi32, #tpu.memory_space<vmem>>
    %dma_start3A_69 = arith.constant 0 : i32
    %dma_start3A_70 = arith.constant 0 : i32
    %dma_start3A_71 = tpu.memref_slice %arg4[%dma_start3A_69, %dma_start3A_70] : memref<10000x128xf32, #tpu.memory_space<hbm>> -> memref<10000x128xf32, #tpu.memory_space<hbm>>
    tpu.enqueue_indirect_dma source(%dma_start3A_71 : memref<10000x128xf32, #tpu.memory_space<hbm>>) target(%arg10 : memref<50x128xf32, #tpu.memory_space<vmem>>) offsets(%dma_start3A_68 : memref<50xi32, #tpu.memory_space<vmem>>) semaphore(%arg15 : memref<!tpu.dma_semaphore, #tpu.memory_space<semaphore_mem>>)
    %dma_start3A_72 = arith.constant 3 : i32
    %dma_start3A_73 = arith.constant 0 : i32
    %dma_start3A_74 = tpu.memref_slice %arg6[%dma_start3A_72, %dma_start3A_73] : memref<40x50xi32, #tpu.memory_space<vmem>> -> memref<1x50xi32, #tpu.memory_space<vmem>>
    %dma_start3A_75 = tpu.memref_squeeze %dma_start3A_74 : memref<1x50xi32, #tpu.memory_space<vmem>> -> memref<50xi32, #tpu.memory_space<vmem>>
    %dma_start3A_76 = arith.constant 0 : i32
    %dma_start3A_77 = arith.constant 0 : i32
    %dma_start3A_78 = tpu.memref_slice %arg4[%dma_start3A_76, %dma_start3A_77] : memref<10000x128xf32, #tpu.memory_space<hbm>> -> memref<10000x128xf32, #tpu.memory_space<hbm>>
    tpu.enqueue_indirect_dma source(%dma_start3A_78 : memref<10000x128xf32, #tpu.memory_space<hbm>>) target(%arg11 : memref<50x128xf32, #tpu.memory_space<vmem>>) offsets(%dma_start3A_75 : memref<50xi32, #tpu.memory_space<vmem>>) semaphore(%arg16 : memref<!tpu.dma_semaphore, #tpu.memory_space<semaphore_mem>>)
    %scan3A_79 = arith.constant 0 : i32
    %scan3A_80 = arith.constant 0 : i32
    %scan3A_81 = arith.constant 10 : i32
    %scan3A_82 = arith.addi %scan3A_80, %scan3A_81 : i32
    %scan3A_83 = arith.constant 1 : i32
    %scan3A_84 = scf.for %scan3A_205 = %scan3A_80 to %scan3A_82 step %scan3A_83 iter_args(%scan3A_206 = %scan3A_79) -> (i32)  : i32 {
      %mul3A_207 = arith.constant 4 : i32
      %mul3A_208 = arith.muli %mul3A_207, %scan3A_205 : i32
      %add3A_209 = arith.constant 0 : i32
      %add3A_210 = arith.addi %mul3A_208, %add3A_209 : i32
      %dma_wait3A = arith.constant 0 : i32
      %dma_wait3A_211 = tpu.memref_slice %arg6[%add3A_210, %dma_wait3A] : memref<40x50xi32, #tpu.memory_space<vmem>> -> memref<1x50xi32, #tpu.memory_space<vmem>>
      %dma_wait3A_212 = tpu.memref_squeeze %dma_wait3A_211 : memref<1x50xi32, #tpu.memory_space<vmem>> -> memref<50xi32, #tpu.memory_space<vmem>>
      %dma_wait3A_213 = arith.constant 0 : i32
      %dma_wait3A_214 = arith.constant 0 : i32
      %dma_wait3A_215 = tpu.memref_slice %arg4[%dma_wait3A_213, %dma_wait3A_214] : memref<10000x128xf32, #tpu.memory_space<hbm>> -> memref<10000x128xf32, #tpu.memory_space<hbm>>
      tpu.wait_indirect_dma semaphore(%arg13 : memref<!tpu.dma_semaphore, #tpu.memory_space<semaphore_mem>>) src(%dma_wait3A_215 : memref<10000x128xf32, #tpu.memory_space<hbm>>) dst(%arg8 : memref<50x128xf32, #tpu.memory_space<vmem>>)
      %add3A_216 = arith.constant 0 : i32
      %add3A_217 = arith.addi %mul3A_208, %add3A_216 : i32
      "tpu.region"() ({
        %run_scoped3A_266 = tpu.sem_alloc : memref<!tpu.dma_semaphore, #tpu.memory_space<semaphore_mem>>
        %dma_start3A_267 = arith.constant 0 : i32
        %dma_start3A_268 = tpu.memref_slice %arg7[%add3A_217, %dma_start3A_267] : memref<40x50xi32, #tpu.memory_space<vmem>> -> memref<1x50xi32, #tpu.memory_space<vmem>>
        %dma_start3A_269 = tpu.memref_squeeze %dma_start3A_268 : memref<1x50xi32, #tpu.memory_space<vmem>> -> memref<50xi32, #tpu.memory_space<vmem>>
        %dma_start3A_270 = arith.constant 0 : i32
        %dma_start3A_271 = arith.constant 0 : i32
        %dma_start3A_272 = tpu.memref_slice %arg12[%dma_start3A_270, %dma_start3A_271] : memref<10000x128xf32, #tpu.memory_space<vmem_shared>> -> memref<10000x128xf32, #tpu.memory_space<vmem_shared>>
        tpu.enqueue_indirect_dma source(%arg8 : memref<50x128xf32, #tpu.memory_space<vmem>>) target(%dma_start3A_272 : memref<10000x128xf32, #tpu.memory_space<vmem_shared>>) offsets(%dma_start3A_269 : memref<50xi32, #tpu.memory_space<vmem>>) semaphore(%run_scoped3A_266 : memref<!tpu.dma_semaphore, #tpu.memory_space<semaphore_mem>>) {add = true}
        %dma_wait3A_273 = arith.constant 0 : i32
        %dma_wait3A_274 = tpu.memref_slice %arg7[%add3A_217, %dma_wait3A_273] : memref<40x50xi32, #tpu.memory_space<vmem>> -> memref<1x50xi32, #tpu.memory_space<vmem>>
        %dma_wait3A_275 = tpu.memref_squeeze %dma_wait3A_274 : memref<1x50xi32, #tpu.memory_space<vmem>> -> memref<50xi32, #tpu.memory_space<vmem>>
        %dma_wait3A_276 = arith.constant 0 : i32
        %dma_wait3A_277 = arith.constant 0 : i32
        %dma_wait3A_278 = tpu.memref_slice %arg12[%dma_wait3A_276, %dma_wait3A_277] : memref<10000x128xf32, #tpu.memory_space<vmem_shared>> -> memref<10000x128xf32, #tpu.memory_space<vmem_shared>>
        tpu.wait_indirect_dma semaphore(%run_scoped3A_266 : memref<!tpu.dma_semaphore, #tpu.memory_space<semaphore_mem>>) src(%arg8 : memref<50x128xf32, #tpu.memory_space<vmem>>) dst(%dma_wait3A_278 : memref<10000x128xf32, #tpu.memory_space<vmem_shared>>)
        tpu.yield
      }) : () -> ()
      %lt3A = arith.constant 9 : i32
      %lt3A_218 = arith.cmpi slt, %scan3A_205, %lt3A : i32
      %convert_element_type3A = arith.extui %lt3A_218 : i1 to i32
      %cond3A = arith.constant 0 : i32
      %cond3A_219 = arith.cmpi ne, %convert_element_type3A, %cond3A : i32
      scf.if %cond3A_219 {
        %add3A_266 = arith.constant 4 : i32
        %add3A_267 = arith.addi %mul3A_208, %add3A_266 : i32
        %add3A_268 = arith.constant 0 : i32
        %add3A_269 = arith.addi %add3A_267, %add3A_268 : i32
        %dma_start3A_270 = arith.constant 0 : i32
        %dma_start3A_271 = tpu.memref_slice %arg6[%add3A_269, %dma_start3A_270] : memref<40x50xi32, #tpu.memory_space<vmem>> -> memref<1x50xi32, #tpu.memory_space<vmem>>
        %dma_start3A_272 = tpu.memref_squeeze %dma_start3A_271 : memref<1x50xi32, #tpu.memory_space<vmem>> -> memref<50xi32, #tpu.memory_space<vmem>>
        %dma_start3A_273 = arith.constant 0 : i32
        %dma_start3A_274 = arith.constant 0 : i32
        %dma_start3A_275 = tpu.memref_slice %arg4[%dma_start3A_273, %dma_start3A_274] : memref<10000x128xf32, #tpu.memory_space<hbm>> -> memref<10000x128xf32, #tpu.memory_space<hbm>>
        tpu.enqueue_indirect_dma source(%dma_start3A_275 : memref<10000x128xf32, #tpu.memory_space<hbm>>) target(%arg8 : memref<50x128xf32, #tpu.memory_space<vmem>>) offsets(%dma_start3A_272 : memref<50xi32, #tpu.memory_space<vmem>>) semaphore(%arg13 : memref<!tpu.dma_semaphore, #tpu.memory_space<semaphore_mem>>)
      } else {
      }
      %add3A_220 = arith.constant 1 : i32
      %add3A_221 = arith.addi %mul3A_208, %add3A_220 : i32
      %dma_wait3A_222 = arith.constant 0 : i32
      %dma_wait3A_223 = tpu.memref_slice %arg6[%add3A_221, %dma_wait3A_222] : memref<40x50xi32, #tpu.memory_space<vmem>> -> memref<1x50xi32, #tpu.memory_space<vmem>>
      %dma_wait3A_224 = tpu.memref_squeeze %dma_wait3A_223 : memref<1x50xi32, #tpu.memory_space<vmem>> -> memref<50xi32, #tpu.memory_space<vmem>>
      %dma_wait3A_225 = arith.constant 0 : i32
      %dma_wait3A_226 = arith.constant 0 : i32
      %dma_wait3A_227 = tpu.memref_slice %arg4[%dma_wait3A_225, %dma_wait3A_226] : memref<10000x128xf32, #tpu.memory_space<hbm>> -> memref<10000x128xf32, #tpu.memory_space<hbm>>
      tpu.wait_indirect_dma semaphore(%arg14 : memref<!tpu.dma_semaphore, #tpu.memory_space<semaphore_mem>>) src(%dma_wait3A_227 : memref<10000x128xf32, #tpu.memory_space<hbm>>) dst(%arg9 : memref<50x128xf32, #tpu.memory_space<vmem>>)
      %add3A_228 = arith.constant 1 : i32
      %add3A_229 = arith.addi %mul3A_208, %add3A_228 : i32
      "tpu.region"() ({
        %run_scoped3A_266 = tpu.sem_alloc : memref<!tpu.dma_semaphore, #tpu.memory_space<semaphore_mem>>
        %dma_start3A_267 = arith.constant 0 : i32
        %dma_start3A_268 = tpu.memref_slice %arg7[%add3A_229, %dma_start3A_267] : memref<40x50xi32, #tpu.memory_space<vmem>> -> memref<1x50xi32, #tpu.memory_space<vmem>>
        %dma_start3A_269 = tpu.memref_squeeze %dma_start3A_268 : memref<1x50xi32, #tpu.memory_space<vmem>> -> memref<50xi32, #tpu.memory_space<vmem>>
        %dma_start3A_270 = arith.constant 0 : i32
        %dma_start3A_271 = arith.constant 0 : i32
        %dma_start3A_272 = tpu.memref_slice %arg12[%dma_start3A_270, %dma_start3A_271] : memref<10000x128xf32, #tpu.memory_space<vmem_shared>> -> memref<10000x128xf32, #tpu.memory_space<vmem_shared>>
        tpu.enqueue_indirect_dma source(%arg9 : memref<50x128xf32, #tpu.memory_space<vmem>>) target(%dma_start3A_272 : memref<10000x128xf32, #tpu.memory_space<vmem_shared>>) offsets(%dma_start3A_269 : memref<50xi32, #tpu.memory_space<vmem>>) semaphore(%run_scoped3A_266 : memref<!tpu.dma_semaphore, #tpu.memory_space<semaphore_mem>>) {add = true}
        %dma_wait3A_273 = arith.constant 0 : i32
        %dma_wait3A_274 = tpu.memref_slice %arg7[%add3A_229, %dma_wait3A_273] : memref<40x50xi32, #tpu.memory_space<vmem>> -> memref<1x50xi32, #tpu.memory_space<vmem>>
        %dma_wait3A_275 = tpu.memref_squeeze %dma_wait3A_274 : memref<1x50xi32, #tpu.memory_space<vmem>> -> memref<50xi32, #tpu.memory_space<vmem>>
        %dma_wait3A_276 = arith.constant 0 : i32
        %dma_wait3A_277 = arith.constant 0 : i32
        %dma_wait3A_278 = tpu.memref_slice %arg12[%dma_wait3A_276, %dma_wait3A_277] : memref<10000x128xf32, #tpu.memory_space<vmem_shared>> -> memref<10000x128xf32, #tpu.memory_space<vmem_shared>>
        tpu.wait_indirect_dma semaphore(%run_scoped3A_266 : memref<!tpu.dma_semaphore, #tpu.memory_space<semaphore_mem>>) src(%arg9 : memref<50x128xf32, #tpu.memory_space<vmem>>) dst(%dma_wait3A_278 : memref<10000x128xf32, #tpu.memory_space<vmem_shared>>)
        tpu.yield
      }) : () -> ()
      %lt3A_230 = arith.constant 9 : i32
      %lt3A_231 = arith.cmpi slt, %scan3A_205, %lt3A_230 : i32
      %convert_element_type3A_232 = arith.extui %lt3A_231 : i1 to i32
      %cond3A_233 = arith.constant 0 : i32
      %cond3A_234 = arith.cmpi ne, %convert_element_type3A_232, %cond3A_233 : i32
      scf.if %cond3A_234 {
        %add3A_266 = arith.constant 4 : i32
        %add3A_267 = arith.addi %mul3A_208, %add3A_266 : i32
        %add3A_268 = arith.constant 1 : i32
        %add3A_269 = arith.addi %add3A_267, %add3A_268 : i32
        %dma_start3A_270 = arith.constant 0 : i32
        %dma_start3A_271 = tpu.memref_slice %arg6[%add3A_269, %dma_start3A_270] : memref<40x50xi32, #tpu.memory_space<vmem>> -> memref<1x50xi32, #tpu.memory_space<vmem>>
        %dma_start3A_272 = tpu.memref_squeeze %dma_start3A_271 : memref<1x50xi32, #tpu.memory_space<vmem>> -> memref<50xi32, #tpu.memory_space<vmem>>
        %dma_start3A_273 = arith.constant 0 : i32
        %dma_start3A_274 = arith.constant 0 : i32
        %dma_start3A_275 = tpu.memref_slice %arg4[%dma_start3A_273, %dma_start3A_274] : memref<10000x128xf32, #tpu.memory_space<hbm>> -> memref<10000x128xf32, #tpu.memory_space<hbm>>
        tpu.enqueue_indirect_dma source(%dma_start3A_275 : memref<10000x128xf32, #tpu.memory_space<hbm>>) target(%arg9 : memref<50x128xf32, #tpu.memory_space<vmem>>) offsets(%dma_start3A_272 : memref<50xi32, #tpu.memory_space<vmem>>) semaphore(%arg14 : memref<!tpu.dma_semaphore, #tpu.memory_space<semaphore_mem>>)
      } else {
      }
      %add3A_235 = arith.constant 2 : i32
      %add3A_236 = arith.addi %mul3A_208, %add3A_235 : i32
      %dma_wait3A_237 = arith.constant 0 : i32
      %dma_wait3A_238 = tpu.memref_slice %arg6[%add3A_236, %dma_wait3A_237] : memref<40x50xi32, #tpu.memory_space<vmem>> -> memref<1x50xi32, #tpu.memory_space<vmem>>
      %dma_wait3A_239 = tpu.memref_squeeze %dma_wait3A_238 : memref<1x50xi32, #tpu.memory_space<vmem>> -> memref<50xi32, #tpu.memory_space<vmem>>
      %dma_wait3A_240 = arith.constant 0 : i32
      %dma_wait3A_241 = arith.constant 0 : i32
      %dma_wait3A_242 = tpu.memref_slice %arg4[%dma_wait3A_240, %dma_wait3A_241] : memref<10000x128xf32, #tpu.memory_space<hbm>> -> memref<10000x128xf32, #tpu.memory_space<hbm>>
      tpu.wait_indirect_dma semaphore(%arg15 : memref<!tpu.dma_semaphore, #tpu.memory_space<semaphore_mem>>) src(%dma_wait3A_242 : memref<10000x128xf32, #tpu.memory_space<hbm>>) dst(%arg10 : memref<50x128xf32, #tpu.memory_space<vmem>>)
      %add3A_243 = arith.constant 2 : i32
      %add3A_244 = arith.addi %mul3A_208, %add3A_243 : i32
      "tpu.region"() ({
        %run_scoped3A_266 = tpu.sem_alloc : memref<!tpu.dma_semaphore, #tpu.memory_space<semaphore_mem>>
        %dma_start3A_267 = arith.constant 0 : i32
        %dma_start3A_268 = tpu.memref_slice %arg7[%add3A_244, %dma_start3A_267] : memref<40x50xi32, #tpu.memory_space<vmem>> -> memref<1x50xi32, #tpu.memory_space<vmem>>
        %dma_start3A_269 = tpu.memref_squeeze %dma_start3A_268 : memref<1x50xi32, #tpu.memory_space<vmem>> -> memref<50xi32, #tpu.memory_space<vmem>>
        %dma_start3A_270 = arith.constant 0 : i32
        %dma_start3A_271 = arith.constant 0 : i32
        %dma_start3A_272 = tpu.memref_slice %arg12[%dma_start3A_270, %dma_start3A_271] : memref<10000x128xf32, #tpu.memory_space<vmem_shared>> -> memref<10000x128xf32, #tpu.memory_space<vmem_shared>>
        tpu.enqueue_indirect_dma source(%arg10 : memref<50x128xf32, #tpu.memory_space<vmem>>) target(%dma_start3A_272 : memref<10000x128xf32, #tpu.memory_space<vmem_shared>>) offsets(%dma_start3A_269 : memref<50xi32, #tpu.memory_space<vmem>>) semaphore(%run_scoped3A_266 : memref<!tpu.dma_semaphore, #tpu.memory_space<semaphore_mem>>) {add = true}
        %dma_wait3A_273 = arith.constant 0 : i32
        %dma_wait3A_274 = tpu.memref_slice %arg7[%add3A_244, %dma_wait3A_273] : memref<40x50xi32, #tpu.memory_space<vmem>> -> memref<1x50xi32, #tpu.memory_space<vmem>>
        %dma_wait3A_275 = tpu.memref_squeeze %dma_wait3A_274 : memref<1x50xi32, #tpu.memory_space<vmem>> -> memref<50xi32, #tpu.memory_space<vmem>>
        %dma_wait3A_276 = arith.constant 0 : i32
        %dma_wait3A_277 = arith.constant 0 : i32
        %dma_wait3A_278 = tpu.memref_slice %arg12[%dma_wait3A_276, %dma_wait3A_277] : memref<10000x128xf32, #tpu.memory_space<vmem_shared>> -> memref<10000x128xf32, #tpu.memory_space<vmem_shared>>
        tpu.wait_indirect_dma semaphore(%run_scoped3A_266 : memref<!tpu.dma_semaphore, #tpu.memory_space<semaphore_mem>>) src(%arg10 : memref<50x128xf32, #tpu.memory_space<vmem>>) dst(%dma_wait3A_278 : memref<10000x128xf32, #tpu.memory_space<vmem_shared>>)
        tpu.yield
      }) : () -> ()
      %lt3A_245 = arith.constant 9 : i32
      %lt3A_246 = arith.cmpi slt, %scan3A_205, %lt3A_245 : i32
      %convert_element_type3A_247 = arith.extui %lt3A_246 : i1 to i32
      %cond3A_248 = arith.constant 0 : i32
      %cond3A_249 = arith.cmpi ne, %convert_element_type3A_247, %cond3A_248 : i32
      scf.if %cond3A_249 {
        %add3A_266 = arith.constant 4 : i32
        %add3A_267 = arith.addi %mul3A_208, %add3A_266 : i32
        %add3A_268 = arith.constant 2 : i32
        %add3A_269 = arith.addi %add3A_267, %add3A_268 : i32
        %dma_start3A_270 = arith.constant 0 : i32
        %dma_start3A_271 = tpu.memref_slice %arg6[%add3A_269, %dma_start3A_270] : memref<40x50xi32, #tpu.memory_space<vmem>> -> memref<1x50xi32, #tpu.memory_space<vmem>>
        %dma_start3A_272 = tpu.memref_squeeze %dma_start3A_271 : memref<1x50xi32, #tpu.memory_space<vmem>> -> memref<50xi32, #tpu.memory_space<vmem>>
        %dma_start3A_273 = arith.constant 0 : i32
        %dma_start3A_274 = arith.constant 0 : i32
        %dma_start3A_275 = tpu.memref_slice %arg4[%dma_start3A_273, %dma_start3A_274] : memref<10000x128xf32, #tpu.memory_space<hbm>> -> memref<10000x128xf32, #tpu.memory_space<hbm>>
        tpu.enqueue_indirect_dma source(%dma_start3A_275 : memref<10000x128xf32, #tpu.memory_space<hbm>>) target(%arg10 : memref<50x128xf32, #tpu.memory_space<vmem>>) offsets(%dma_start3A_272 : memref<50xi32, #tpu.memory_space<vmem>>) semaphore(%arg15 : memref<!tpu.dma_semaphore, #tpu.memory_space<semaphore_mem>>)
      } else {
      }
      %add3A_250 = arith.constant 3 : i32
      %add3A_251 = arith.addi %mul3A_208, %add3A_250 : i32
      %dma_wait3A_252 = arith.constant 0 : i32
      %dma_wait3A_253 = tpu.memref_slice %arg6[%add3A_251, %dma_wait3A_252] : memref<40x50xi32, #tpu.memory_space<vmem>> -> memref<1x50xi32, #tpu.memory_space<vmem>>
      %dma_wait3A_254 = tpu.memref_squeeze %dma_wait3A_253 : memref<1x50xi32, #tpu.memory_space<vmem>> -> memref<50xi32, #tpu.memory_space<vmem>>
      %dma_wait3A_255 = arith.constant 0 : i32
      %dma_wait3A_256 = arith.constant 0 : i32
      %dma_wait3A_257 = tpu.memref_slice %arg4[%dma_wait3A_255, %dma_wait3A_256] : memref<10000x128xf32, #tpu.memory_space<hbm>> -> memref<10000x128xf32, #tpu.memory_space<hbm>>
      tpu.wait_indirect_dma semaphore(%arg16 : memref<!tpu.dma_semaphore, #tpu.memory_space<semaphore_mem>>) src(%dma_wait3A_257 : memref<10000x128xf32, #tpu.memory_space<hbm>>) dst(%arg11 : memref<50x128xf32, #tpu.memory_space<vmem>>)
      %add3A_258 = arith.constant 3 : i32
      %add3A_259 = arith.addi %mul3A_208, %add3A_258 : i32
      "tpu.region"() ({
        %run_scoped3A_266 = tpu.sem_alloc : memref<!tpu.dma_semaphore, #tpu.memory_space<semaphore_mem>>
        %dma_start3A_267 = arith.constant 0 : i32
        %dma_start3A_268 = tpu.memref_slice %arg7[%add3A_259, %dma_start3A_267] : memref<40x50xi32, #tpu.memory_space<vmem>> -> memref<1x50xi32, #tpu.memory_space<vmem>>
        %dma_start3A_269 = tpu.memref_squeeze %dma_start3A_268 : memref<1x50xi32, #tpu.memory_space<vmem>> -> memref<50xi32, #tpu.memory_space<vmem>>
        %dma_start3A_270 = arith.constant 0 : i32
        %dma_start3A_271 = arith.constant 0 : i32
        %dma_start3A_272 = tpu.memref_slice %arg12[%dma_start3A_270, %dma_start3A_271] : memref<10000x128xf32, #tpu.memory_space<vmem_shared>> -> memref<10000x128xf32, #tpu.memory_space<vmem_shared>>
        tpu.enqueue_indirect_dma source(%arg11 : memref<50x128xf32, #tpu.memory_space<vmem>>) target(%dma_start3A_272 : memref<10000x128xf32, #tpu.memory_space<vmem_shared>>) offsets(%dma_start3A_269 : memref<50xi32, #tpu.memory_space<vmem>>) semaphore(%run_scoped3A_266 : memref<!tpu.dma_semaphore, #tpu.memory_space<semaphore_mem>>) {add = true}
        %dma_wait3A_273 = arith.constant 0 : i32
        %dma_wait3A_274 = tpu.memref_slice %arg7[%add3A_259, %dma_wait3A_273] : memref<40x50xi32, #tpu.memory_space<vmem>> -> memref<1x50xi32, #tpu.memory_space<vmem>>
        %dma_wait3A_275 = tpu.memref_squeeze %dma_wait3A_274 : memref<1x50xi32, #tpu.memory_space<vmem>> -> memref<50xi32, #tpu.memory_space<vmem>>
        %dma_wait3A_276 = arith.constant 0 : i32
        %dma_wait3A_277 = arith.constant 0 : i32
        %dma_wait3A_278 = tpu.memref_slice %arg12[%dma_wait3A_276, %dma_wait3A_277] : memref<10000x128xf32, #tpu.memory_space<vmem_shared>> -> memref<10000x128xf32, #tpu.memory_space<vmem_shared>>
        tpu.wait_indirect_dma semaphore(%run_scoped3A_266 : memref<!tpu.dma_semaphore, #tpu.memory_space<semaphore_mem>>) src(%arg11 : memref<50x128xf32, #tpu.memory_space<vmem>>) dst(%dma_wait3A_278 : memref<10000x128xf32, #tpu.memory_space<vmem_shared>>)
        tpu.yield
      }) : () -> ()
      %lt3A_260 = arith.constant 9 : i32
      %lt3A_261 = arith.cmpi slt, %scan3A_205, %lt3A_260 : i32
      %convert_element_type3A_262 = arith.extui %lt3A_261 : i1 to i32
      %cond3A_263 = arith.constant 0 : i32
      %cond3A_264 = arith.cmpi ne, %convert_element_type3A_262, %cond3A_263 : i32
      scf.if %cond3A_264 {
        %add3A_266 = arith.constant 4 : i32
        %add3A_267 = arith.addi %mul3A_208, %add3A_266 : i32
        %add3A_268 = arith.constant 3 : i32
        %add3A_269 = arith.addi %add3A_267, %add3A_268 : i32
        %dma_start3A_270 = arith.constant 0 : i32
        %dma_start3A_271 = tpu.memref_slice %arg6[%add3A_269, %dma_start3A_270] : memref<40x50xi32, #tpu.memory_space<vmem>> -> memref<1x50xi32, #tpu.memory_space<vmem>>
        %dma_start3A_272 = tpu.memref_squeeze %dma_start3A_271 : memref<1x50xi32, #tpu.memory_space<vmem>> -> memref<50xi32, #tpu.memory_space<vmem>>
        %dma_start3A_273 = arith.constant 0 : i32
        %dma_start3A_274 = arith.constant 0 : i32
        %dma_start3A_275 = tpu.memref_slice %arg4[%dma_start3A_273, %dma_start3A_274] : memref<10000x128xf32, #tpu.memory_space<hbm>> -> memref<10000x128xf32, #tpu.memory_space<hbm>>
        tpu.enqueue_indirect_dma source(%dma_start3A_275 : memref<10000x128xf32, #tpu.memory_space<hbm>>) target(%arg11 : memref<50x128xf32, #tpu.memory_space<vmem>>) offsets(%dma_start3A_272 : memref<50xi32, #tpu.memory_space<vmem>>) semaphore(%arg16 : memref<!tpu.dma_semaphore, #tpu.memory_space<semaphore_mem>>)
      } else {
      }
      %scan3A_265 = arith.constant 0 : i32
      scf.yield %scan3A_265 : i32
    }
    %scan3A_85 = arith.constant 10 : i32
    %run_scoped3A_86 = arith.constant 2 : i32
    "tpu.region"() ({
      %run_scoped3A_205 = tpu.sem_alloc : memref<!tpu.dma_semaphore, #tpu.memory_space<semaphore_mem>>
      %dma_start3A_206 = arith.constant 0 : i32
      %dma_start3A_207 = arith.constant 0 : i32
      %dma_start3A_208 = tpu.memref_slice %arg2[%add3A, %run_scoped3A_86, %dma_start3A_206, %dma_start3A_207] : memref<32x5x40x50xi32, #tpu.memory_space<hbm>> -> memref<1x1x40x50xi32, #tpu.memory_space<hbm>>
      %dma_start3A_209 = tpu.memref_squeeze %dma_start3A_208 : memref<1x1x40x50xi32, #tpu.memory_space<hbm>> -> memref<40x50xi32, #tpu.memory_space<hbm>>
      %dma_start3A_210 = arith.constant 0 : i32
      %dma_start3A_211 = arith.constant 0 : i32
      %dma_start3A_212 = tpu.memref_slice %arg2[%add3A, %run_scoped3A_86, %dma_start3A_210, %dma_start3A_211] : memref<32x5x40x50xi32, #tpu.memory_space<hbm>> -> memref<1x1x40x50xi32, #tpu.memory_space<hbm>>
      %dma_start3A_213 = tpu.memref_squeeze %dma_start3A_212 : memref<1x1x40x50xi32, #tpu.memory_space<hbm>> -> memref<40x50xi32, #tpu.memory_space<hbm>>
      tpu.enqueue_dma source(%dma_start3A_213 : memref<40x50xi32, #tpu.memory_space<hbm>>) target(%arg6 : memref<40x50xi32, #tpu.memory_space<vmem>>) target_semaphore(%run_scoped3A_205 : memref<!tpu.dma_semaphore, #tpu.memory_space<semaphore_mem>>)
      %dma_wait3A = arith.constant 0 : i32
      %dma_wait3A_214 = arith.constant 0 : i32
      %dma_wait3A_215 = tpu.memref_slice %arg2[%add3A, %run_scoped3A_86, %dma_wait3A, %dma_wait3A_214] : memref<32x5x40x50xi32, #tpu.memory_space<hbm>> -> memref<1x1x40x50xi32, #tpu.memory_space<hbm>>
      %dma_wait3A_216 = tpu.memref_squeeze %dma_wait3A_215 : memref<1x1x40x50xi32, #tpu.memory_space<hbm>> -> memref<40x50xi32, #tpu.memory_space<hbm>>
      %dma_wait3A_217 = arith.constant 0 : i32
      %dma_wait3A_218 = arith.constant 0 : i32
      %dma_wait3A_219 = tpu.memref_slice %arg2[%add3A, %run_scoped3A_86, %dma_wait3A_217, %dma_wait3A_218] : memref<32x5x40x50xi32, #tpu.memory_space<hbm>> -> memref<1x1x40x50xi32, #tpu.memory_space<hbm>>
      %dma_wait3A_220 = tpu.memref_squeeze %dma_wait3A_219 : memref<1x1x40x50xi32, #tpu.memory_space<hbm>> -> memref<40x50xi32, #tpu.memory_space<hbm>>
      tpu.wait_dma2 semaphore(%run_scoped3A_205 : memref<!tpu.dma_semaphore, #tpu.memory_space<semaphore_mem>>) src(%dma_wait3A_220 : memref<40x50xi32, #tpu.memory_space<hbm>>) dst(%arg6 : memref<40x50xi32, #tpu.memory_space<vmem>>)
      tpu.yield
    }) : () -> ()
    %run_scoped3A_87 = arith.constant 2 : i32
    "tpu.region"() ({
      %run_scoped3A_205 = tpu.sem_alloc : memref<!tpu.dma_semaphore, #tpu.memory_space<semaphore_mem>>
      %dma_start3A_206 = arith.constant 0 : i32
      %dma_start3A_207 = arith.constant 0 : i32
      %dma_start3A_208 = tpu.memref_slice %arg3[%add3A, %run_scoped3A_87, %dma_start3A_206, %dma_start3A_207] : memref<32x5x40x50xi32, #tpu.memory_space<hbm>> -> memref<1x1x40x50xi32, #tpu.memory_space<hbm>>
      %dma_start3A_209 = tpu.memref_squeeze %dma_start3A_208 : memref<1x1x40x50xi32, #tpu.memory_space<hbm>> -> memref<40x50xi32, #tpu.memory_space<hbm>>
      %dma_start3A_210 = arith.constant 0 : i32
      %dma_start3A_211 = arith.constant 0 : i32
      %dma_start3A_212 = tpu.memref_slice %arg3[%add3A, %run_scoped3A_87, %dma_start3A_210, %dma_start3A_211] : memref<32x5x40x50xi32, #tpu.memory_space<hbm>> -> memref<1x1x40x50xi32, #tpu.memory_space<hbm>>
      %dma_start3A_213 = tpu.memref_squeeze %dma_start3A_212 : memref<1x1x40x50xi32, #tpu.memory_space<hbm>> -> memref<40x50xi32, #tpu.memory_space<hbm>>
      tpu.enqueue_dma source(%dma_start3A_213 : memref<40x50xi32, #tpu.memory_space<hbm>>) target(%arg7 : memref<40x50xi32, #tpu.memory_space<vmem>>) target_semaphore(%run_scoped3A_205 : memref<!tpu.dma_semaphore, #tpu.memory_space<semaphore_mem>>)
      %dma_wait3A = arith.constant 0 : i32
      %dma_wait3A_214 = arith.constant 0 : i32
      %dma_wait3A_215 = tpu.memref_slice %arg3[%add3A, %run_scoped3A_87, %dma_wait3A, %dma_wait3A_214] : memref<32x5x40x50xi32, #tpu.memory_space<hbm>> -> memref<1x1x40x50xi32, #tpu.memory_space<hbm>>
      %dma_wait3A_216 = tpu.memref_squeeze %dma_wait3A_215 : memref<1x1x40x50xi32, #tpu.memory_space<hbm>> -> memref<40x50xi32, #tpu.memory_space<hbm>>
      %dma_wait3A_217 = arith.constant 0 : i32
      %dma_wait3A_218 = arith.constant 0 : i32
      %dma_wait3A_219 = tpu.memref_slice %arg3[%add3A, %run_scoped3A_87, %dma_wait3A_217, %dma_wait3A_218] : memref<32x5x40x50xi32, #tpu.memory_space<hbm>> -> memref<1x1x40x50xi32, #tpu.memory_space<hbm>>
      %dma_wait3A_220 = tpu.memref_squeeze %dma_wait3A_219 : memref<1x1x40x50xi32, #tpu.memory_space<hbm>> -> memref<40x50xi32, #tpu.memory_space<hbm>>
      tpu.wait_dma2 semaphore(%run_scoped3A_205 : memref<!tpu.dma_semaphore, #tpu.memory_space<semaphore_mem>>) src(%dma_wait3A_220 : memref<40x50xi32, #tpu.memory_space<hbm>>) dst(%arg7 : memref<40x50xi32, #tpu.memory_space<vmem>>)
      tpu.yield
    }) : () -> ()
    %dma_start3A_88 = arith.constant 0 : i32
    %dma_start3A_89 = arith.constant 0 : i32
    %dma_start3A_90 = tpu.memref_slice %arg6[%dma_start3A_88, %dma_start3A_89] : memref<40x50xi32, #tpu.memory_space<vmem>> -> memref<1x50xi32, #tpu.memory_space<vmem>>
    %dma_start3A_91 = tpu.memref_squeeze %dma_start3A_90 : memref<1x50xi32, #tpu.memory_space<vmem>> -> memref<50xi32, #tpu.memory_space<vmem>>
    %dma_start3A_92 = arith.constant 0 : i32
    %dma_start3A_93 = arith.constant 0 : i32
    %dma_start3A_94 = tpu.memref_slice %arg4[%dma_start3A_92, %dma_start3A_93] : memref<10000x128xf32, #tpu.memory_space<hbm>> -> memref<10000x128xf32, #tpu.memory_space<hbm>>
    tpu.enqueue_indirect_dma source(%dma_start3A_94 : memref<10000x128xf32, #tpu.memory_space<hbm>>) target(%arg8 : memref<50x128xf32, #tpu.memory_space<vmem>>) offsets(%dma_start3A_91 : memref<50xi32, #tpu.memory_space<vmem>>) semaphore(%arg13 : memref<!tpu.dma_semaphore, #tpu.memory_space<semaphore_mem>>)
    %dma_start3A_95 = arith.constant 1 : i32
    %dma_start3A_96 = arith.constant 0 : i32
    %dma_start3A_97 = tpu.memref_slice %arg6[%dma_start3A_95, %dma_start3A_96] : memref<40x50xi32, #tpu.memory_space<vmem>> -> memref<1x50xi32, #tpu.memory_space<vmem>>
    %dma_start3A_98 = tpu.memref_squeeze %dma_start3A_97 : memref<1x50xi32, #tpu.memory_space<vmem>> -> memref<50xi32, #tpu.memory_space<vmem>>
    %dma_start3A_99 = arith.constant 0 : i32
    %dma_start3A_100 = arith.constant 0 : i32
    %dma_start3A_101 = tpu.memref_slice %arg4[%dma_start3A_99, %dma_start3A_100] : memref<10000x128xf32, #tpu.memory_space<hbm>> -> memref<10000x128xf32, #tpu.memory_space<hbm>>
    tpu.enqueue_indirect_dma source(%dma_start3A_101 : memref<10000x128xf32, #tpu.memory_space<hbm>>) target(%arg9 : memref<50x128xf32, #tpu.memory_space<vmem>>) offsets(%dma_start3A_98 : memref<50xi32, #tpu.memory_space<vmem>>) semaphore(%arg14 : memref<!tpu.dma_semaphore, #tpu.memory_space<semaphore_mem>>)
    %dma_start3A_102 = arith.constant 2 : i32
    %dma_start3A_103 = arith.constant 0 : i32
    %dma_start3A_104 = tpu.memref_slice %arg6[%dma_start3A_102, %dma_start3A_103] : memref<40x50xi32, #tpu.memory_space<vmem>> -> memref<1x50xi32, #tpu.memory_space<vmem>>
    %dma_start3A_105 = tpu.memref_squeeze %dma_start3A_104 : memref<1x50xi32, #tpu.memory_space<vmem>> -> memref<50xi32, #tpu.memory_space<vmem>>
    %dma_start3A_106 = arith.constant 0 : i32
    %dma_start3A_107 = arith.constant 0 : i32
    %dma_start3A_108 = tpu.memref_slice %arg4[%dma_start3A_106, %dma_start3A_107] : memref<10000x128xf32, #tpu.memory_space<hbm>> -> memref<10000x128xf32, #tpu.memory_space<hbm>>
    tpu.enqueue_indirect_dma source(%dma_start3A_108 : memref<10000x128xf32, #tpu.memory_space<hbm>>) target(%arg10 : memref<50x128xf32, #tpu.memory_space<vmem>>) offsets(%dma_start3A_105 : memref<50xi32, #tpu.memory_space<vmem>>) semaphore(%arg15 : memref<!tpu.dma_semaphore, #tpu.memory_space<semaphore_mem>>)
    %dma_start3A_109 = arith.constant 3 : i32
    %dma_start3A_110 = arith.constant 0 : i32
    %dma_start3A_111 = tpu.memref_slice %arg6[%dma_start3A_109, %dma_start3A_110] : memref<40x50xi32, #tpu.memory_space<vmem>> -> memref<1x50xi32, #tpu.memory_space<vmem>>
    %dma_start3A_112 = tpu.memref_squeeze %dma_start3A_111 : memref<1x50xi32, #tpu.memory_space<vmem>> -> memref<50xi32, #tpu.memory_space<vmem>>
    %dma_start3A_113 = arith.constant 0 : i32
    %dma_start3A_114 = arith.constant 0 : i32
    %dma_start3A_115 = tpu.memref_slice %arg4[%dma_start3A_113, %dma_start3A_114] : memref<10000x128xf32, #tpu.memory_space<hbm>> -> memref<10000x128xf32, #tpu.memory_space<hbm>>
    tpu.enqueue_indirect_dma source(%dma_start3A_115 : memref<10000x128xf32, #tpu.memory_space<hbm>>) target(%arg11 : memref<50x128xf32, #tpu.memory_space<vmem>>) offsets(%dma_start3A_112 : memref<50xi32, #tpu.memory_space<vmem>>) semaphore(%arg16 : memref<!tpu.dma_semaphore, #tpu.memory_space<semaphore_mem>>)
    %scan3A_116 = arith.constant 0 : i32
    %scan3A_117 = arith.constant 0 : i32
    %scan3A_118 = arith.constant 10 : i32
    %scan3A_119 = arith.addi %scan3A_117, %scan3A_118 : i32
    %scan3A_120 = arith.constant 1 : i32
    %scan3A_121 = scf.for %scan3A_205 = %scan3A_117 to %scan3A_119 step %scan3A_120 iter_args(%scan3A_206 = %scan3A_116) -> (i32)  : i32 {
      %mul3A_207 = arith.constant 4 : i32
      %mul3A_208 = arith.muli %mul3A_207, %scan3A_205 : i32
      %add3A_209 = arith.constant 0 : i32
      %add3A_210 = arith.addi %mul3A_208, %add3A_209 : i32
      %dma_wait3A = arith.constant 0 : i32
      %dma_wait3A_211 = tpu.memref_slice %arg6[%add3A_210, %dma_wait3A] : memref<40x50xi32, #tpu.memory_space<vmem>> -> memref<1x50xi32, #tpu.memory_space<vmem>>
      %dma_wait3A_212 = tpu.memref_squeeze %dma_wait3A_211 : memref<1x50xi32, #tpu.memory_space<vmem>> -> memref<50xi32, #tpu.memory_space<vmem>>
      %dma_wait3A_213 = arith.constant 0 : i32
      %dma_wait3A_214 = arith.constant 0 : i32
      %dma_wait3A_215 = tpu.memref_slice %arg4[%dma_wait3A_213, %dma_wait3A_214] : memref<10000x128xf32, #tpu.memory_space<hbm>> -> memref<10000x128xf32, #tpu.memory_space<hbm>>
      tpu.wait_indirect_dma semaphore(%arg13 : memref<!tpu.dma_semaphore, #tpu.memory_space<semaphore_mem>>) src(%dma_wait3A_215 : memref<10000x128xf32, #tpu.memory_space<hbm>>) dst(%arg8 : memref<50x128xf32, #tpu.memory_space<vmem>>)
      %add3A_216 = arith.constant 0 : i32
      %add3A_217 = arith.addi %mul3A_208, %add3A_216 : i32
      "tpu.region"() ({
        %run_scoped3A_266 = tpu.sem_alloc : memref<!tpu.dma_semaphore, #tpu.memory_space<semaphore_mem>>
        %dma_start3A_267 = arith.constant 0 : i32
        %dma_start3A_268 = tpu.memref_slice %arg7[%add3A_217, %dma_start3A_267] : memref<40x50xi32, #tpu.memory_space<vmem>> -> memref<1x50xi32, #tpu.memory_space<vmem>>
        %dma_start3A_269 = tpu.memref_squeeze %dma_start3A_268 : memref<1x50xi32, #tpu.memory_space<vmem>> -> memref<50xi32, #tpu.memory_space<vmem>>
        %dma_start3A_270 = arith.constant 0 : i32
        %dma_start3A_271 = arith.constant 0 : i32
        %dma_start3A_272 = tpu.memref_slice %arg12[%dma_start3A_270, %dma_start3A_271] : memref<10000x128xf32, #tpu.memory_space<vmem_shared>> -> memref<10000x128xf32, #tpu.memory_space<vmem_shared>>
        tpu.enqueue_indirect_dma source(%arg8 : memref<50x128xf32, #tpu.memory_space<vmem>>) target(%dma_start3A_272 : memref<10000x128xf32, #tpu.memory_space<vmem_shared>>) offsets(%dma_start3A_269 : memref<50xi32, #tpu.memory_space<vmem>>) semaphore(%run_scoped3A_266 : memref<!tpu.dma_semaphore, #tpu.memory_space<semaphore_mem>>) {add = true}
        %dma_wait3A_273 = arith.constant 0 : i32
        %dma_wait3A_274 = tpu.memref_slice %arg7[%add3A_217, %dma_wait3A_273] : memref<40x50xi32, #tpu.memory_space<vmem>> -> memref<1x50xi32, #tpu.memory_space<vmem>>
        %dma_wait3A_275 = tpu.memref_squeeze %dma_wait3A_274 : memref<1x50xi32, #tpu.memory_space<vmem>> -> memref<50xi32, #tpu.memory_space<vmem>>
        %dma_wait3A_276 = arith.constant 0 : i32
        %dma_wait3A_277 = arith.constant 0 : i32
        %dma_wait3A_278 = tpu.memref_slice %arg12[%dma_wait3A_276, %dma_wait3A_277] : memref<10000x128xf32, #tpu.memory_space<vmem_shared>> -> memref<10000x128xf32, #tpu.memory_space<vmem_shared>>
        tpu.wait_indirect_dma semaphore(%run_scoped3A_266 : memref<!tpu.dma_semaphore, #tpu.memory_space<semaphore_mem>>) src(%arg8 : memref<50x128xf32, #tpu.memory_space<vmem>>) dst(%dma_wait3A_278 : memref<10000x128xf32, #tpu.memory_space<vmem_shared>>)
        tpu.yield
      }) : () -> ()
      %lt3A = arith.constant 9 : i32
      %lt3A_218 = arith.cmpi slt, %scan3A_205, %lt3A : i32
      %convert_element_type3A = arith.extui %lt3A_218 : i1 to i32
      %cond3A = arith.constant 0 : i32
      %cond3A_219 = arith.cmpi ne, %convert_element_type3A, %cond3A : i32
      scf.if %cond3A_219 {
        %add3A_266 = arith.constant 4 : i32
        %add3A_267 = arith.addi %mul3A_208, %add3A_266 : i32
        %add3A_268 = arith.constant 0 : i32
        %add3A_269 = arith.addi %add3A_267, %add3A_268 : i32
        %dma_start3A_270 = arith.constant 0 : i32
        %dma_start3A_271 = tpu.memref_slice %arg6[%add3A_269, %dma_start3A_270] : memref<40x50xi32, #tpu.memory_space<vmem>> -> memref<1x50xi32, #tpu.memory_space<vmem>>
        %dma_start3A_272 = tpu.memref_squeeze %dma_start3A_271 : memref<1x50xi32, #tpu.memory_space<vmem>> -> memref<50xi32, #tpu.memory_space<vmem>>
        %dma_start3A_273 = arith.constant 0 : i32
        %dma_start3A_274 = arith.constant 0 : i32
        %dma_start3A_275 = tpu.memref_slice %arg4[%dma_start3A_273, %dma_start3A_274] : memref<10000x128xf32, #tpu.memory_space<hbm>> -> memref<10000x128xf32, #tpu.memory_space<hbm>>
        tpu.enqueue_indirect_dma source(%dma_start3A_275 : memref<10000x128xf32, #tpu.memory_space<hbm>>) target(%arg8 : memref<50x128xf32, #tpu.memory_space<vmem>>) offsets(%dma_start3A_272 : memref<50xi32, #tpu.memory_space<vmem>>) semaphore(%arg13 : memref<!tpu.dma_semaphore, #tpu.memory_space<semaphore_mem>>)
      } else {
      }
      %add3A_220 = arith.constant 1 : i32
      %add3A_221 = arith.addi %mul3A_208, %add3A_220 : i32
      %dma_wait3A_222 = arith.constant 0 : i32
      %dma_wait3A_223 = tpu.memref_slice %arg6[%add3A_221, %dma_wait3A_222] : memref<40x50xi32, #tpu.memory_space<vmem>> -> memref<1x50xi32, #tpu.memory_space<vmem>>
      %dma_wait3A_224 = tpu.memref_squeeze %dma_wait3A_223 : memref<1x50xi32, #tpu.memory_space<vmem>> -> memref<50xi32, #tpu.memory_space<vmem>>
      %dma_wait3A_225 = arith.constant 0 : i32
      %dma_wait3A_226 = arith.constant 0 : i32
      %dma_wait3A_227 = tpu.memref_slice %arg4[%dma_wait3A_225, %dma_wait3A_226] : memref<10000x128xf32, #tpu.memory_space<hbm>> -> memref<10000x128xf32, #tpu.memory_space<hbm>>
      tpu.wait_indirect_dma semaphore(%arg14 : memref<!tpu.dma_semaphore, #tpu.memory_space<semaphore_mem>>) src(%dma_wait3A_227 : memref<10000x128xf32, #tpu.memory_space<hbm>>) dst(%arg9 : memref<50x128xf32, #tpu.memory_space<vmem>>)
      %add3A_228 = arith.constant 1 : i32
      %add3A_229 = arith.addi %mul3A_208, %add3A_228 : i32
      "tpu.region"() ({
        %run_scoped3A_266 = tpu.sem_alloc : memref<!tpu.dma_semaphore, #tpu.memory_space<semaphore_mem>>
        %dma_start3A_267 = arith.constant 0 : i32
        %dma_start3A_268 = tpu.memref_slice %arg7[%add3A_229, %dma_start3A_267] : memref<40x50xi32, #tpu.memory_space<vmem>> -> memref<1x50xi32, #tpu.memory_space<vmem>>
        %dma_start3A_269 = tpu.memref_squeeze %dma_start3A_268 : memref<1x50xi32, #tpu.memory_space<vmem>> -> memref<50xi32, #tpu.memory_space<vmem>>
        %dma_start3A_270 = arith.constant 0 : i32
        %dma_start3A_271 = arith.constant 0 : i32
        %dma_start3A_272 = tpu.memref_slice %arg12[%dma_start3A_270, %dma_start3A_271] : memref<10000x128xf32, #tpu.memory_space<vmem_shared>> -> memref<10000x128xf32, #tpu.memory_space<vmem_shared>>
        tpu.enqueue_indirect_dma source(%arg9 : memref<50x128xf32, #tpu.memory_space<vmem>>) target(%dma_start3A_272 : memref<10000x128xf32, #tpu.memory_space<vmem_shared>>) offsets(%dma_start3A_269 : memref<50xi32, #tpu.memory_space<vmem>>) semaphore(%run_scoped3A_266 : memref<!tpu.dma_semaphore, #tpu.memory_space<semaphore_mem>>) {add = true}
        %dma_wait3A_273 = arith.constant 0 : i32
        %dma_wait3A_274 = tpu.memref_slice %arg7[%add3A_229, %dma_wait3A_273] : memref<40x50xi32, #tpu.memory_space<vmem>> -> memref<1x50xi32, #tpu.memory_space<vmem>>
        %dma_wait3A_275 = tpu.memref_squeeze %dma_wait3A_274 : memref<1x50xi32, #tpu.memory_space<vmem>> -> memref<50xi32, #tpu.memory_space<vmem>>
        %dma_wait3A_276 = arith.constant 0 : i32
        %dma_wait3A_277 = arith.constant 0 : i32
        %dma_wait3A_278 = tpu.memref_slice %arg12[%dma_wait3A_276, %dma_wait3A_277] : memref<10000x128xf32, #tpu.memory_space<vmem_shared>> -> memref<10000x128xf32, #tpu.memory_space<vmem_shared>>
        tpu.wait_indirect_dma semaphore(%run_scoped3A_266 : memref<!tpu.dma_semaphore, #tpu.memory_space<semaphore_mem>>) src(%arg9 : memref<50x128xf32, #tpu.memory_space<vmem>>) dst(%dma_wait3A_278 : memref<10000x128xf32, #tpu.memory_space<vmem_shared>>)
        tpu.yield
      }) : () -> ()
      %lt3A_230 = arith.constant 9 : i32
      %lt3A_231 = arith.cmpi slt, %scan3A_205, %lt3A_230 : i32
      %convert_element_type3A_232 = arith.extui %lt3A_231 : i1 to i32
      %cond3A_233 = arith.constant 0 : i32
      %cond3A_234 = arith.cmpi ne, %convert_element_type3A_232, %cond3A_233 : i32
      scf.if %cond3A_234 {
        %add3A_266 = arith.constant 4 : i32
        %add3A_267 = arith.addi %mul3A_208, %add3A_266 : i32
        %add3A_268 = arith.constant 1 : i32
        %add3A_269 = arith.addi %add3A_267, %add3A_268 : i32
        %dma_start3A_270 = arith.constant 0 : i32
        %dma_start3A_271 = tpu.memref_slice %arg6[%add3A_269, %dma_start3A_270] : memref<40x50xi32, #tpu.memory_space<vmem>> -> memref<1x50xi32, #tpu.memory_space<vmem>>
        %dma_start3A_272 = tpu.memref_squeeze %dma_start3A_271 : memref<1x50xi32, #tpu.memory_space<vmem>> -> memref<50xi32, #tpu.memory_space<vmem>>
        %dma_start3A_273 = arith.constant 0 : i32
        %dma_start3A_274 = arith.constant 0 : i32
        %dma_start3A_275 = tpu.memref_slice %arg4[%dma_start3A_273, %dma_start3A_274] : memref<10000x128xf32, #tpu.memory_space<hbm>> -> memref<10000x128xf32, #tpu.memory_space<hbm>>
        tpu.enqueue_indirect_dma source(%dma_start3A_275 : memref<10000x128xf32, #tpu.memory_space<hbm>>) target(%arg9 : memref<50x128xf32, #tpu.memory_space<vmem>>) offsets(%dma_start3A_272 : memref<50xi32, #tpu.memory_space<vmem>>) semaphore(%arg14 : memref<!tpu.dma_semaphore, #tpu.memory_space<semaphore_mem>>)
      } else {
      }
      %add3A_235 = arith.constant 2 : i32
      %add3A_236 = arith.addi %mul3A_208, %add3A_235 : i32
      %dma_wait3A_237 = arith.constant 0 : i32
      %dma_wait3A_238 = tpu.memref_slice %arg6[%add3A_236, %dma_wait3A_237] : memref<40x50xi32, #tpu.memory_space<vmem>> -> memref<1x50xi32, #tpu.memory_space<vmem>>
      %dma_wait3A_239 = tpu.memref_squeeze %dma_wait3A_238 : memref<1x50xi32, #tpu.memory_space<vmem>> -> memref<50xi32, #tpu.memory_space<vmem>>
      %dma_wait3A_240 = arith.constant 0 : i32
      %dma_wait3A_241 = arith.constant 0 : i32
      %dma_wait3A_242 = tpu.memref_slice %arg4[%dma_wait3A_240, %dma_wait3A_241] : memref<10000x128xf32, #tpu.memory_space<hbm>> -> memref<10000x128xf32, #tpu.memory_space<hbm>>
      tpu.wait_indirect_dma semaphore(%arg15 : memref<!tpu.dma_semaphore, #tpu.memory_space<semaphore_mem>>) src(%dma_wait3A_242 : memref<10000x128xf32, #tpu.memory_space<hbm>>) dst(%arg10 : memref<50x128xf32, #tpu.memory_space<vmem>>)
      %add3A_243 = arith.constant 2 : i32
      %add3A_244 = arith.addi %mul3A_208, %add3A_243 : i32
      "tpu.region"() ({
        %run_scoped3A_266 = tpu.sem_alloc : memref<!tpu.dma_semaphore, #tpu.memory_space<semaphore_mem>>
        %dma_start3A_267 = arith.constant 0 : i32
        %dma_start3A_268 = tpu.memref_slice %arg7[%add3A_244, %dma_start3A_267] : memref<40x50xi32, #tpu.memory_space<vmem>> -> memref<1x50xi32, #tpu.memory_space<vmem>>
        %dma_start3A_269 = tpu.memref_squeeze %dma_start3A_268 : memref<1x50xi32, #tpu.memory_space<vmem>> -> memref<50xi32, #tpu.memory_space<vmem>>
        %dma_start3A_270 = arith.constant 0 : i32
        %dma_start3A_271 = arith.constant 0 : i32
        %dma_start3A_272 = tpu.memref_slice %arg12[%dma_start3A_270, %dma_start3A_271] : memref<10000x128xf32, #tpu.memory_space<vmem_shared>> -> memref<10000x128xf32, #tpu.memory_space<vmem_shared>>
        tpu.enqueue_indirect_dma source(%arg10 : memref<50x128xf32, #tpu.memory_space<vmem>>) target(%dma_start3A_272 : memref<10000x128xf32, #tpu.memory_space<vmem_shared>>) offsets(%dma_start3A_269 : memref<50xi32, #tpu.memory_space<vmem>>) semaphore(%run_scoped3A_266 : memref<!tpu.dma_semaphore, #tpu.memory_space<semaphore_mem>>) {add = true}
        %dma_wait3A_273 = arith.constant 0 : i32
        %dma_wait3A_274 = tpu.memref_slice %arg7[%add3A_244, %dma_wait3A_273] : memref<40x50xi32, #tpu.memory_space<vmem>> -> memref<1x50xi32, #tpu.memory_space<vmem>>
        %dma_wait3A_275 = tpu.memref_squeeze %dma_wait3A_274 : memref<1x50xi32, #tpu.memory_space<vmem>> -> memref<50xi32, #tpu.memory_space<vmem>>
        %dma_wait3A_276 = arith.constant 0 : i32
        %dma_wait3A_277 = arith.constant 0 : i32
        %dma_wait3A_278 = tpu.memref_slice %arg12[%dma_wait3A_276, %dma_wait3A_277] : memref<10000x128xf32, #tpu.memory_space<vmem_shared>> -> memref<10000x128xf32, #tpu.memory_space<vmem_shared>>
        tpu.wait_indirect_dma semaphore(%run_scoped3A_266 : memref<!tpu.dma_semaphore, #tpu.memory_space<semaphore_mem>>) src(%arg10 : memref<50x128xf32, #tpu.memory_space<vmem>>) dst(%dma_wait3A_278 : memref<10000x128xf32, #tpu.memory_space<vmem_shared>>)
        tpu.yield
      }) : () -> ()
      %lt3A_245 = arith.constant 9 : i32
      %lt3A_246 = arith.cmpi slt, %scan3A_205, %lt3A_245 : i32
      %convert_element_type3A_247 = arith.extui %lt3A_246 : i1 to i32
      %cond3A_248 = arith.constant 0 : i32
      %cond3A_249 = arith.cmpi ne, %convert_element_type3A_247, %cond3A_248 : i32
      scf.if %cond3A_249 {
        %add3A_266 = arith.constant 4 : i32
        %add3A_267 = arith.addi %mul3A_208, %add3A_266 : i32
        %add3A_268 = arith.constant 2 : i32
        %add3A_269 = arith.addi %add3A_267, %add3A_268 : i32
        %dma_start3A_270 = arith.constant 0 : i32
        %dma_start3A_271 = tpu.memref_slice %arg6[%add3A_269, %dma_start3A_270] : memref<40x50xi32, #tpu.memory_space<vmem>> -> memref<1x50xi32, #tpu.memory_space<vmem>>
        %dma_start3A_272 = tpu.memref_squeeze %dma_start3A_271 : memref<1x50xi32, #tpu.memory_space<vmem>> -> memref<50xi32, #tpu.memory_space<vmem>>
        %dma_start3A_273 = arith.constant 0 : i32
        %dma_start3A_274 = arith.constant 0 : i32
        %dma_start3A_275 = tpu.memref_slice %arg4[%dma_start3A_273, %dma_start3A_274] : memref<10000x128xf32, #tpu.memory_space<hbm>> -> memref<10000x128xf32, #tpu.memory_space<hbm>>
        tpu.enqueue_indirect_dma source(%dma_start3A_275 : memref<10000x128xf32, #tpu.memory_space<hbm>>) target(%arg10 : memref<50x128xf32, #tpu.memory_space<vmem>>) offsets(%dma_start3A_272 : memref<50xi32, #tpu.memory_space<vmem>>) semaphore(%arg15 : memref<!tpu.dma_semaphore, #tpu.memory_space<semaphore_mem>>)
      } else {
      }
      %add3A_250 = arith.constant 3 : i32
      %add3A_251 = arith.addi %mul3A_208, %add3A_250 : i32
      %dma_wait3A_252 = arith.constant 0 : i32
      %dma_wait3A_253 = tpu.memref_slice %arg6[%add3A_251, %dma_wait3A_252] : memref<40x50xi32, #tpu.memory_space<vmem>> -> memref<1x50xi32, #tpu.memory_space<vmem>>
      %dma_wait3A_254 = tpu.memref_squeeze %dma_wait3A_253 : memref<1x50xi32, #tpu.memory_space<vmem>> -> memref<50xi32, #tpu.memory_space<vmem>>
      %dma_wait3A_255 = arith.constant 0 : i32
      %dma_wait3A_256 = arith.constant 0 : i32
      %dma_wait3A_257 = tpu.memref_slice %arg4[%dma_wait3A_255, %dma_wait3A_256] : memref<10000x128xf32, #tpu.memory_space<hbm>> -> memref<10000x128xf32, #tpu.memory_space<hbm>>
      tpu.wait_indirect_dma semaphore(%arg16 : memref<!tpu.dma_semaphore, #tpu.memory_space<semaphore_mem>>) src(%dma_wait3A_257 : memref<10000x128xf32, #tpu.memory_space<hbm>>) dst(%arg11 : memref<50x128xf32, #tpu.memory_space<vmem>>)
      %add3A_258 = arith.constant 3 : i32
      %add3A_259 = arith.addi %mul3A_208, %add3A_258 : i32
      "tpu.region"() ({
        %run_scoped3A_266 = tpu.sem_alloc : memref<!tpu.dma_semaphore, #tpu.memory_space<semaphore_mem>>
        %dma_start3A_267 = arith.constant 0 : i32
        %dma_start3A_268 = tpu.memref_slice %arg7[%add3A_259, %dma_start3A_267] : memref<40x50xi32, #tpu.memory_space<vmem>> -> memref<1x50xi32, #tpu.memory_space<vmem>>
        %dma_start3A_269 = tpu.memref_squeeze %dma_start3A_268 : memref<1x50xi32, #tpu.memory_space<vmem>> -> memref<50xi32, #tpu.memory_space<vmem>>
        %dma_start3A_270 = arith.constant 0 : i32
        %dma_start3A_271 = arith.constant 0 : i32
        %dma_start3A_272 = tpu.memref_slice %arg12[%dma_start3A_270, %dma_start3A_271] : memref<10000x128xf32, #tpu.memory_space<vmem_shared>> -> memref<10000x128xf32, #tpu.memory_space<vmem_shared>>
        tpu.enqueue_indirect_dma source(%arg11 : memref<50x128xf32, #tpu.memory_space<vmem>>) target(%dma_start3A_272 : memref<10000x128xf32, #tpu.memory_space<vmem_shared>>) offsets(%dma_start3A_269 : memref<50xi32, #tpu.memory_space<vmem>>) semaphore(%run_scoped3A_266 : memref<!tpu.dma_semaphore, #tpu.memory_space<semaphore_mem>>) {add = true}
        %dma_wait3A_273 = arith.constant 0 : i32
        %dma_wait3A_274 = tpu.memref_slice %arg7[%add3A_259, %dma_wait3A_273] : memref<40x50xi32, #tpu.memory_space<vmem>> -> memref<1x50xi32, #tpu.memory_space<vmem>>
        %dma_wait3A_275 = tpu.memref_squeeze %dma_wait3A_274 : memref<1x50xi32, #tpu.memory_space<vmem>> -> memref<50xi32, #tpu.memory_space<vmem>>
        %dma_wait3A_276 = arith.constant 0 : i32
        %dma_wait3A_277 = arith.constant 0 : i32
        %dma_wait3A_278 = tpu.memref_slice %arg12[%dma_wait3A_276, %dma_wait3A_277] : memref<10000x128xf32, #tpu.memory_space<vmem_shared>> -> memref<10000x128xf32, #tpu.memory_space<vmem_shared>>
        tpu.wait_indirect_dma semaphore(%run_scoped3A_266 : memref<!tpu.dma_semaphore, #tpu.memory_space<semaphore_mem>>) src(%arg11 : memref<50x128xf32, #tpu.memory_space<vmem>>) dst(%dma_wait3A_278 : memref<10000x128xf32, #tpu.memory_space<vmem_shared>>)
        tpu.yield
      }) : () -> ()
      %lt3A_260 = arith.constant 9 : i32
      %lt3A_261 = arith.cmpi slt, %scan3A_205, %lt3A_260 : i32
      %convert_element_type3A_262 = arith.extui %lt3A_261 : i1 to i32
      %cond3A_263 = arith.constant 0 : i32
      %cond3A_264 = arith.cmpi ne, %convert_element_type3A_262, %cond3A_263 : i32
      scf.if %cond3A_264 {
        %add3A_266 = arith.constant 4 : i32
        %add3A_267 = arith.addi %mul3A_208, %add3A_266 : i32
        %add3A_268 = arith.constant 3 : i32
        %add3A_269 = arith.addi %add3A_267, %add3A_268 : i32
        %dma_start3A_270 = arith.constant 0 : i32
        %dma_start3A_271 = tpu.memref_slice %arg6[%add3A_269, %dma_start3A_270] : memref<40x50xi32, #tpu.memory_space<vmem>> -> memref<1x50xi32, #tpu.memory_space<vmem>>
        %dma_start3A_272 = tpu.memref_squeeze %dma_start3A_271 : memref<1x50xi32, #tpu.memory_space<vmem>> -> memref<50xi32, #tpu.memory_space<vmem>>
        %dma_start3A_273 = arith.constant 0 : i32
        %dma_start3A_274 = arith.constant 0 : i32
        %dma_start3A_275 = tpu.memref_slice %arg4[%dma_start3A_273, %dma_start3A_274] : memref<10000x128xf32, #tpu.memory_space<hbm>> -> memref<10000x128xf32, #tpu.memory_space<hbm>>
        tpu.enqueue_indirect_dma source(%dma_start3A_275 : memref<10000x128xf32, #tpu.memory_space<hbm>>) target(%arg11 : memref<50x128xf32, #tpu.memory_space<vmem>>) offsets(%dma_start3A_272 : memref<50xi32, #tpu.memory_space<vmem>>) semaphore(%arg16 : memref<!tpu.dma_semaphore, #tpu.memory_space<semaphore_mem>>)
      } else {
      }
      %scan3A_265 = arith.constant 0 : i32
      scf.yield %scan3A_265 : i32
    }
    %scan3A_122 = arith.constant 10 : i32
    %run_scoped3A_123 = arith.constant 3 : i32
    "tpu.region"() ({
      %run_scoped3A_205 = tpu.sem_alloc : memref<!tpu.dma_semaphore, #tpu.memory_space<semaphore_mem>>
      %dma_start3A_206 = arith.constant 0 : i32
      %dma_start3A_207 = arith.constant 0 : i32
      %dma_start3A_208 = tpu.memref_slice %arg2[%add3A, %run_scoped3A_123, %dma_start3A_206, %dma_start3A_207] : memref<32x5x40x50xi32, #tpu.memory_space<hbm>> -> memref<1x1x40x50xi32, #tpu.memory_space<hbm>>
      %dma_start3A_209 = tpu.memref_squeeze %dma_start3A_208 : memref<1x1x40x50xi32, #tpu.memory_space<hbm>> -> memref<40x50xi32, #tpu.memory_space<hbm>>
      %dma_start3A_210 = arith.constant 0 : i32
      %dma_start3A_211 = arith.constant 0 : i32
      %dma_start3A_212 = tpu.memref_slice %arg2[%add3A, %run_scoped3A_123, %dma_start3A_210, %dma_start3A_211] : memref<32x5x40x50xi32, #tpu.memory_space<hbm>> -> memref<1x1x40x50xi32, #tpu.memory_space<hbm>>
      %dma_start3A_213 = tpu.memref_squeeze %dma_start3A_212 : memref<1x1x40x50xi32, #tpu.memory_space<hbm>> -> memref<40x50xi32, #tpu.memory_space<hbm>>
      tpu.enqueue_dma source(%dma_start3A_213 : memref<40x50xi32, #tpu.memory_space<hbm>>) target(%arg6 : memref<40x50xi32, #tpu.memory_space<vmem>>) target_semaphore(%run_scoped3A_205 : memref<!tpu.dma_semaphore, #tpu.memory_space<semaphore_mem>>)
      %dma_wait3A = arith.constant 0 : i32
      %dma_wait3A_214 = arith.constant 0 : i32
      %dma_wait3A_215 = tpu.memref_slice %arg2[%add3A, %run_scoped3A_123, %dma_wait3A, %dma_wait3A_214] : memref<32x5x40x50xi32, #tpu.memory_space<hbm>> -> memref<1x1x40x50xi32, #tpu.memory_space<hbm>>
      %dma_wait3A_216 = tpu.memref_squeeze %dma_wait3A_215 : memref<1x1x40x50xi32, #tpu.memory_space<hbm>> -> memref<40x50xi32, #tpu.memory_space<hbm>>
      %dma_wait3A_217 = arith.constant 0 : i32
      %dma_wait3A_218 = arith.constant 0 : i32
      %dma_wait3A_219 = tpu.memref_slice %arg2[%add3A, %run_scoped3A_123, %dma_wait3A_217, %dma_wait3A_218] : memref<32x5x40x50xi32, #tpu.memory_space<hbm>> -> memref<1x1x40x50xi32, #tpu.memory_space<hbm>>
      %dma_wait3A_220 = tpu.memref_squeeze %dma_wait3A_219 : memref<1x1x40x50xi32, #tpu.memory_space<hbm>> -> memref<40x50xi32, #tpu.memory_space<hbm>>
      tpu.wait_dma2 semaphore(%run_scoped3A_205 : memref<!tpu.dma_semaphore, #tpu.memory_space<semaphore_mem>>) src(%dma_wait3A_220 : memref<40x50xi32, #tpu.memory_space<hbm>>) dst(%arg6 : memref<40x50xi32, #tpu.memory_space<vmem>>)
      tpu.yield
    }) : () -> ()
    %run_scoped3A_124 = arith.constant 3 : i32
    "tpu.region"() ({
      %run_scoped3A_205 = tpu.sem_alloc : memref<!tpu.dma_semaphore, #tpu.memory_space<semaphore_mem>>
      %dma_start3A_206 = arith.constant 0 : i32
      %dma_start3A_207 = arith.constant 0 : i32
      %dma_start3A_208 = tpu.memref_slice %arg3[%add3A, %run_scoped3A_124, %dma_start3A_206, %dma_start3A_207] : memref<32x5x40x50xi32, #tpu.memory_space<hbm>> -> memref<1x1x40x50xi32, #tpu.memory_space<hbm>>
      %dma_start3A_209 = tpu.memref_squeeze %dma_start3A_208 : memref<1x1x40x50xi32, #tpu.memory_space<hbm>> -> memref<40x50xi32, #tpu.memory_space<hbm>>
      %dma_start3A_210 = arith.constant 0 : i32
      %dma_start3A_211 = arith.constant 0 : i32
      %dma_start3A_212 = tpu.memref_slice %arg3[%add3A, %run_scoped3A_124, %dma_start3A_210, %dma_start3A_211] : memref<32x5x40x50xi32, #tpu.memory_space<hbm>> -> memref<1x1x40x50xi32, #tpu.memory_space<hbm>>
      %dma_start3A_213 = tpu.memref_squeeze %dma_start3A_212 : memref<1x1x40x50xi32, #tpu.memory_space<hbm>> -> memref<40x50xi32, #tpu.memory_space<hbm>>
      tpu.enqueue_dma source(%dma_start3A_213 : memref<40x50xi32, #tpu.memory_space<hbm>>) target(%arg7 : memref<40x50xi32, #tpu.memory_space<vmem>>) target_semaphore(%run_scoped3A_205 : memref<!tpu.dma_semaphore, #tpu.memory_space<semaphore_mem>>)
      %dma_wait3A = arith.constant 0 : i32
      %dma_wait3A_214 = arith.constant 0 : i32
      %dma_wait3A_215 = tpu.memref_slice %arg3[%add3A, %run_scoped3A_124, %dma_wait3A, %dma_wait3A_214] : memref<32x5x40x50xi32, #tpu.memory_space<hbm>> -> memref<1x1x40x50xi32, #tpu.memory_space<hbm>>
      %dma_wait3A_216 = tpu.memref_squeeze %dma_wait3A_215 : memref<1x1x40x50xi32, #tpu.memory_space<hbm>> -> memref<40x50xi32, #tpu.memory_space<hbm>>
      %dma_wait3A_217 = arith.constant 0 : i32
      %dma_wait3A_218 = arith.constant 0 : i32
      %dma_wait3A_219 = tpu.memref_slice %arg3[%add3A, %run_scoped3A_124, %dma_wait3A_217, %dma_wait3A_218] : memref<32x5x40x50xi32, #tpu.memory_space<hbm>> -> memref<1x1x40x50xi32, #tpu.memory_space<hbm>>
      %dma_wait3A_220 = tpu.memref_squeeze %dma_wait3A_219 : memref<1x1x40x50xi32, #tpu.memory_space<hbm>> -> memref<40x50xi32, #tpu.memory_space<hbm>>
      tpu.wait_dma2 semaphore(%run_scoped3A_205 : memref<!tpu.dma_semaphore, #tpu.memory_space<semaphore_mem>>) src(%dma_wait3A_220 : memref<40x50xi32, #tpu.memory_space<hbm>>) dst(%arg7 : memref<40x50xi32, #tpu.memory_space<vmem>>)
      tpu.yield
    }) : () -> ()
    %dma_start3A_125 = arith.constant 0 : i32
    %dma_start3A_126 = arith.constant 0 : i32
    %dma_start3A_127 = tpu.memref_slice %arg6[%dma_start3A_125, %dma_start3A_126] : memref<40x50xi32, #tpu.memory_space<vmem>> -> memref<1x50xi32, #tpu.memory_space<vmem>>
    %dma_start3A_128 = tpu.memref_squeeze %dma_start3A_127 : memref<1x50xi32, #tpu.memory_space<vmem>> -> memref<50xi32, #tpu.memory_space<vmem>>
    %dma_start3A_129 = arith.constant 0 : i32
    %dma_start3A_130 = arith.constant 0 : i32
    %dma_start3A_131 = tpu.memref_slice %arg4[%dma_start3A_129, %dma_start3A_130] : memref<10000x128xf32, #tpu.memory_space<hbm>> -> memref<10000x128xf32, #tpu.memory_space<hbm>>
    tpu.enqueue_indirect_dma source(%dma_start3A_131 : memref<10000x128xf32, #tpu.memory_space<hbm>>) target(%arg8 : memref<50x128xf32, #tpu.memory_space<vmem>>) offsets(%dma_start3A_128 : memref<50xi32, #tpu.memory_space<vmem>>) semaphore(%arg13 : memref<!tpu.dma_semaphore, #tpu.memory_space<semaphore_mem>>)
    %dma_start3A_132 = arith.constant 1 : i32
    %dma_start3A_133 = arith.constant 0 : i32
    %dma_start3A_134 = tpu.memref_slice %arg6[%dma_start3A_132, %dma_start3A_133] : memref<40x50xi32, #tpu.memory_space<vmem>> -> memref<1x50xi32, #tpu.memory_space<vmem>>
    %dma_start3A_135 = tpu.memref_squeeze %dma_start3A_134 : memref<1x50xi32, #tpu.memory_space<vmem>> -> memref<50xi32, #tpu.memory_space<vmem>>
    %dma_start3A_136 = arith.constant 0 : i32
    %dma_start3A_137 = arith.constant 0 : i32
    %dma_start3A_138 = tpu.memref_slice %arg4[%dma_start3A_136, %dma_start3A_137] : memref<10000x128xf32, #tpu.memory_space<hbm>> -> memref<10000x128xf32, #tpu.memory_space<hbm>>
    tpu.enqueue_indirect_dma source(%dma_start3A_138 : memref<10000x128xf32, #tpu.memory_space<hbm>>) target(%arg9 : memref<50x128xf32, #tpu.memory_space<vmem>>) offsets(%dma_start3A_135 : memref<50xi32, #tpu.memory_space<vmem>>) semaphore(%arg14 : memref<!tpu.dma_semaphore, #tpu.memory_space<semaphore_mem>>)
    %dma_start3A_139 = arith.constant 2 : i32
    %dma_start3A_140 = arith.constant 0 : i32
    %dma_start3A_141 = tpu.memref_slice %arg6[%dma_start3A_139, %dma_start3A_140] : memref<40x50xi32, #tpu.memory_space<vmem>> -> memref<1x50xi32, #tpu.memory_space<vmem>>
    %dma_start3A_142 = tpu.memref_squeeze %dma_start3A_141 : memref<1x50xi32, #tpu.memory_space<vmem>> -> memref<50xi32, #tpu.memory_space<vmem>>
    %dma_start3A_143 = arith.constant 0 : i32
    %dma_start3A_144 = arith.constant 0 : i32
    %dma_start3A_145 = tpu.memref_slice %arg4[%dma_start3A_143, %dma_start3A_144] : memref<10000x128xf32, #tpu.memory_space<hbm>> -> memref<10000x128xf32, #tpu.memory_space<hbm>>
    tpu.enqueue_indirect_dma source(%dma_start3A_145 : memref<10000x128xf32, #tpu.memory_space<hbm>>) target(%arg10 : memref<50x128xf32, #tpu.memory_space<vmem>>) offsets(%dma_start3A_142 : memref<50xi32, #tpu.memory_space<vmem>>) semaphore(%arg15 : memref<!tpu.dma_semaphore, #tpu.memory_space<semaphore_mem>>)
    %dma_start3A_146 = arith.constant 3 : i32
    %dma_start3A_147 = arith.constant 0 : i32
    %dma_start3A_148 = tpu.memref_slice %arg6[%dma_start3A_146, %dma_start3A_147] : memref<40x50xi32, #tpu.memory_space<vmem>> -> memref<1x50xi32, #tpu.memory_space<vmem>>
    %dma_start3A_149 = tpu.memref_squeeze %dma_start3A_148 : memref<1x50xi32, #tpu.memory_space<vmem>> -> memref<50xi32, #tpu.memory_space<vmem>>
    %dma_start3A_150 = arith.constant 0 : i32
    %dma_start3A_151 = arith.constant 0 : i32
    %dma_start3A_152 = tpu.memref_slice %arg4[%dma_start3A_150, %dma_start3A_151] : memref<10000x128xf32, #tpu.memory_space<hbm>> -> memref<10000x128xf32, #tpu.memory_space<hbm>>
    tpu.enqueue_indirect_dma source(%dma_start3A_152 : memref<10000x128xf32, #tpu.memory_space<hbm>>) target(%arg11 : memref<50x128xf32, #tpu.memory_space<vmem>>) offsets(%dma_start3A_149 : memref<50xi32, #tpu.memory_space<vmem>>) semaphore(%arg16 : memref<!tpu.dma_semaphore, #tpu.memory_space<semaphore_mem>>)
    %scan3A_153 = arith.constant 0 : i32
    %scan3A_154 = arith.constant 0 : i32
    %scan3A_155 = arith.constant 10 : i32
    %scan3A_156 = arith.addi %scan3A_154, %scan3A_155 : i32
    %scan3A_157 = arith.constant 1 : i32
    %scan3A_158 = scf.for %scan3A_205 = %scan3A_154 to %scan3A_156 step %scan3A_157 iter_args(%scan3A_206 = %scan3A_153) -> (i32)  : i32 {
      %mul3A_207 = arith.constant 4 : i32
      %mul3A_208 = arith.muli %mul3A_207, %scan3A_205 : i32
      %add3A_209 = arith.constant 0 : i32
      %add3A_210 = arith.addi %mul3A_208, %add3A_209 : i32
      %dma_wait3A = arith.constant 0 : i32
      %dma_wait3A_211 = tpu.memref_slice %arg6[%add3A_210, %dma_wait3A] : memref<40x50xi32, #tpu.memory_space<vmem>> -> memref<1x50xi32, #tpu.memory_space<vmem>>
      %dma_wait3A_212 = tpu.memref_squeeze %dma_wait3A_211 : memref<1x50xi32, #tpu.memory_space<vmem>> -> memref<50xi32, #tpu.memory_space<vmem>>
      %dma_wait3A_213 = arith.constant 0 : i32
      %dma_wait3A_214 = arith.constant 0 : i32
      %dma_wait3A_215 = tpu.memref_slice %arg4[%dma_wait3A_213, %dma_wait3A_214] : memref<10000x128xf32, #tpu.memory_space<hbm>> -> memref<10000x128xf32, #tpu.memory_space<hbm>>
      tpu.wait_indirect_dma semaphore(%arg13 : memref<!tpu.dma_semaphore, #tpu.memory_space<semaphore_mem>>) src(%dma_wait3A_215 : memref<10000x128xf32, #tpu.memory_space<hbm>>) dst(%arg8 : memref<50x128xf32, #tpu.memory_space<vmem>>)
      %add3A_216 = arith.constant 0 : i32
      %add3A_217 = arith.addi %mul3A_208, %add3A_216 : i32
      "tpu.region"() ({
        %run_scoped3A_266 = tpu.sem_alloc : memref<!tpu.dma_semaphore, #tpu.memory_space<semaphore_mem>>
        %dma_start3A_267 = arith.constant 0 : i32
        %dma_start3A_268 = tpu.memref_slice %arg7[%add3A_217, %dma_start3A_267] : memref<40x50xi32, #tpu.memory_space<vmem>> -> memref<1x50xi32, #tpu.memory_space<vmem>>
        %dma_start3A_269 = tpu.memref_squeeze %dma_start3A_268 : memref<1x50xi32, #tpu.memory_space<vmem>> -> memref<50xi32, #tpu.memory_space<vmem>>
        %dma_start3A_270 = arith.constant 0 : i32
        %dma_start3A_271 = arith.constant 0 : i32
        %dma_start3A_272 = tpu.memref_slice %arg12[%dma_start3A_270, %dma_start3A_271] : memref<10000x128xf32, #tpu.memory_space<vmem_shared>> -> memref<10000x128xf32, #tpu.memory_space<vmem_shared>>
        tpu.enqueue_indirect_dma source(%arg8 : memref<50x128xf32, #tpu.memory_space<vmem>>) target(%dma_start3A_272 : memref<10000x128xf32, #tpu.memory_space<vmem_shared>>) offsets(%dma_start3A_269 : memref<50xi32, #tpu.memory_space<vmem>>) semaphore(%run_scoped3A_266 : memref<!tpu.dma_semaphore, #tpu.memory_space<semaphore_mem>>) {add = true}
        %dma_wait3A_273 = arith.constant 0 : i32
        %dma_wait3A_274 = tpu.memref_slice %arg7[%add3A_217, %dma_wait3A_273] : memref<40x50xi32, #tpu.memory_space<vmem>> -> memref<1x50xi32, #tpu.memory_space<vmem>>
        %dma_wait3A_275 = tpu.memref_squeeze %dma_wait3A_274 : memref<1x50xi32, #tpu.memory_space<vmem>> -> memref<50xi32, #tpu.memory_space<vmem>>
        %dma_wait3A_276 = arith.constant 0 : i32
        %dma_wait3A_277 = arith.constant 0 : i32
        %dma_wait3A_278 = tpu.memref_slice %arg12[%dma_wait3A_276, %dma_wait3A_277] : memref<10000x128xf32, #tpu.memory_space<vmem_shared>> -> memref<10000x128xf32, #tpu.memory_space<vmem_shared>>
        tpu.wait_indirect_dma semaphore(%run_scoped3A_266 : memref<!tpu.dma_semaphore, #tpu.memory_space<semaphore_mem>>) src(%arg8 : memref<50x128xf32, #tpu.memory_space<vmem>>) dst(%dma_wait3A_278 : memref<10000x128xf32, #tpu.memory_space<vmem_shared>>)
        tpu.yield
      }) : () -> ()
      %lt3A = arith.constant 9 : i32
      %lt3A_218 = arith.cmpi slt, %scan3A_205, %lt3A : i32
      %convert_element_type3A = arith.extui %lt3A_218 : i1 to i32
      %cond3A = arith.constant 0 : i32
      %cond3A_219 = arith.cmpi ne, %convert_element_type3A, %cond3A : i32
      scf.if %cond3A_219 {
        %add3A_266 = arith.constant 4 : i32
        %add3A_267 = arith.addi %mul3A_208, %add3A_266 : i32
        %add3A_268 = arith.constant 0 : i32
        %add3A_269 = arith.addi %add3A_267, %add3A_268 : i32
        %dma_start3A_270 = arith.constant 0 : i32
        %dma_start3A_271 = tpu.memref_slice %arg6[%add3A_269, %dma_start3A_270] : memref<40x50xi32, #tpu.memory_space<vmem>> -> memref<1x50xi32, #tpu.memory_space<vmem>>
        %dma_start3A_272 = tpu.memref_squeeze %dma_start3A_271 : memref<1x50xi32, #tpu.memory_space<vmem>> -> memref<50xi32, #tpu.memory_space<vmem>>
        %dma_start3A_273 = arith.constant 0 : i32
        %dma_start3A_274 = arith.constant 0 : i32
        %dma_start3A_275 = tpu.memref_slice %arg4[%dma_start3A_273, %dma_start3A_274] : memref<10000x128xf32, #tpu.memory_space<hbm>> -> memref<10000x128xf32, #tpu.memory_space<hbm>>
        tpu.enqueue_indirect_dma source(%dma_start3A_275 : memref<10000x128xf32, #tpu.memory_space<hbm>>) target(%arg8 : memref<50x128xf32, #tpu.memory_space<vmem>>) offsets(%dma_start3A_272 : memref<50xi32, #tpu.memory_space<vmem>>) semaphore(%arg13 : memref<!tpu.dma_semaphore, #tpu.memory_space<semaphore_mem>>)
      } else {
      }
      %add3A_220 = arith.constant 1 : i32
      %add3A_221 = arith.addi %mul3A_208, %add3A_220 : i32
      %dma_wait3A_222 = arith.constant 0 : i32
      %dma_wait3A_223 = tpu.memref_slice %arg6[%add3A_221, %dma_wait3A_222] : memref<40x50xi32, #tpu.memory_space<vmem>> -> memref<1x50xi32, #tpu.memory_space<vmem>>
      %dma_wait3A_224 = tpu.memref_squeeze %dma_wait3A_223 : memref<1x50xi32, #tpu.memory_space<vmem>> -> memref<50xi32, #tpu.memory_space<vmem>>
      %dma_wait3A_225 = arith.constant 0 : i32
      %dma_wait3A_226 = arith.constant 0 : i32
      %dma_wait3A_227 = tpu.memref_slice %arg4[%dma_wait3A_225, %dma_wait3A_226] : memref<10000x128xf32, #tpu.memory_space<hbm>> -> memref<10000x128xf32, #tpu.memory_space<hbm>>
      tpu.wait_indirect_dma semaphore(%arg14 : memref<!tpu.dma_semaphore, #tpu.memory_space<semaphore_mem>>) src(%dma_wait3A_227 : memref<10000x128xf32, #tpu.memory_space<hbm>>) dst(%arg9 : memref<50x128xf32, #tpu.memory_space<vmem>>)
      %add3A_228 = arith.constant 1 : i32
      %add3A_229 = arith.addi %mul3A_208, %add3A_228 : i32
      "tpu.region"() ({
        %run_scoped3A_266 = tpu.sem_alloc : memref<!tpu.dma_semaphore, #tpu.memory_space<semaphore_mem>>
        %dma_start3A_267 = arith.constant 0 : i32
        %dma_start3A_268 = tpu.memref_slice %arg7[%add3A_229, %dma_start3A_267] : memref<40x50xi32, #tpu.memory_space<vmem>> -> memref<1x50xi32, #tpu.memory_space<vmem>>
        %dma_start3A_269 = tpu.memref_squeeze %dma_start3A_268 : memref<1x50xi32, #tpu.memory_space<vmem>> -> memref<50xi32, #tpu.memory_space<vmem>>
        %dma_start3A_270 = arith.constant 0 : i32
        %dma_start3A_271 = arith.constant 0 : i32
        %dma_start3A_272 = tpu.memref_slice %arg12[%dma_start3A_270, %dma_start3A_271] : memref<10000x128xf32, #tpu.memory_space<vmem_shared>> -> memref<10000x128xf32, #tpu.memory_space<vmem_shared>>
        tpu.enqueue_indirect_dma source(%arg9 : memref<50x128xf32, #tpu.memory_space<vmem>>) target(%dma_start3A_272 : memref<10000x128xf32, #tpu.memory_space<vmem_shared>>) offsets(%dma_start3A_269 : memref<50xi32, #tpu.memory_space<vmem>>) semaphore(%run_scoped3A_266 : memref<!tpu.dma_semaphore, #tpu.memory_space<semaphore_mem>>) {add = true}
        %dma_wait3A_273 = arith.constant 0 : i32
        %dma_wait3A_274 = tpu.memref_slice %arg7[%add3A_229, %dma_wait3A_273] : memref<40x50xi32, #tpu.memory_space<vmem>> -> memref<1x50xi32, #tpu.memory_space<vmem>>
        %dma_wait3A_275 = tpu.memref_squeeze %dma_wait3A_274 : memref<1x50xi32, #tpu.memory_space<vmem>> -> memref<50xi32, #tpu.memory_space<vmem>>
        %dma_wait3A_276 = arith.constant 0 : i32
        %dma_wait3A_277 = arith.constant 0 : i32
        %dma_wait3A_278 = tpu.memref_slice %arg12[%dma_wait3A_276, %dma_wait3A_277] : memref<10000x128xf32, #tpu.memory_space<vmem_shared>> -> memref<10000x128xf32, #tpu.memory_space<vmem_shared>>
        tpu.wait_indirect_dma semaphore(%run_scoped3A_266 : memref<!tpu.dma_semaphore, #tpu.memory_space<semaphore_mem>>) src(%arg9 : memref<50x128xf32, #tpu.memory_space<vmem>>) dst(%dma_wait3A_278 : memref<10000x128xf32, #tpu.memory_space<vmem_shared>>)
        tpu.yield
      }) : () -> ()
      %lt3A_230 = arith.constant 9 : i32
      %lt3A_231 = arith.cmpi slt, %scan3A_205, %lt3A_230 : i32
      %convert_element_type3A_232 = arith.extui %lt3A_231 : i1 to i32
      %cond3A_233 = arith.constant 0 : i32
      %cond3A_234 = arith.cmpi ne, %convert_element_type3A_232, %cond3A_233 : i32
      scf.if %cond3A_234 {
        %add3A_266 = arith.constant 4 : i32
        %add3A_267 = arith.addi %mul3A_208, %add3A_266 : i32
        %add3A_268 = arith.constant 1 : i32
        %add3A_269 = arith.addi %add3A_267, %add3A_268 : i32
        %dma_start3A_270 = arith.constant 0 : i32
        %dma_start3A_271 = tpu.memref_slice %arg6[%add3A_269, %dma_start3A_270] : memref<40x50xi32, #tpu.memory_space<vmem>> -> memref<1x50xi32, #tpu.memory_space<vmem>>
        %dma_start3A_272 = tpu.memref_squeeze %dma_start3A_271 : memref<1x50xi32, #tpu.memory_space<vmem>> -> memref<50xi32, #tpu.memory_space<vmem>>
        %dma_start3A_273 = arith.constant 0 : i32
        %dma_start3A_274 = arith.constant 0 : i32
        %dma_start3A_275 = tpu.memref_slice %arg4[%dma_start3A_273, %dma_start3A_274] : memref<10000x128xf32, #tpu.memory_space<hbm>> -> memref<10000x128xf32, #tpu.memory_space<hbm>>
        tpu.enqueue_indirect_dma source(%dma_start3A_275 : memref<10000x128xf32, #tpu.memory_space<hbm>>) target(%arg9 : memref<50x128xf32, #tpu.memory_space<vmem>>) offsets(%dma_start3A_272 : memref<50xi32, #tpu.memory_space<vmem>>) semaphore(%arg14 : memref<!tpu.dma_semaphore, #tpu.memory_space<semaphore_mem>>)
      } else {
      }
      %add3A_235 = arith.constant 2 : i32
      %add3A_236 = arith.addi %mul3A_208, %add3A_235 : i32
      %dma_wait3A_237 = arith.constant 0 : i32
      %dma_wait3A_238 = tpu.memref_slice %arg6[%add3A_236, %dma_wait3A_237] : memref<40x50xi32, #tpu.memory_space<vmem>> -> memref<1x50xi32, #tpu.memory_space<vmem>>
      %dma_wait3A_239 = tpu.memref_squeeze %dma_wait3A_238 : memref<1x50xi32, #tpu.memory_space<vmem>> -> memref<50xi32, #tpu.memory_space<vmem>>
      %dma_wait3A_240 = arith.constant 0 : i32
      %dma_wait3A_241 = arith.constant 0 : i32
      %dma_wait3A_242 = tpu.memref_slice %arg4[%dma_wait3A_240, %dma_wait3A_241] : memref<10000x128xf32, #tpu.memory_space<hbm>> -> memref<10000x128xf32, #tpu.memory_space<hbm>>
      tpu.wait_indirect_dma semaphore(%arg15 : memref<!tpu.dma_semaphore, #tpu.memory_space<semaphore_mem>>) src(%dma_wait3A_242 : memref<10000x128xf32, #tpu.memory_space<hbm>>) dst(%arg10 : memref<50x128xf32, #tpu.memory_space<vmem>>)
      %add3A_243 = arith.constant 2 : i32
      %add3A_244 = arith.addi %mul3A_208, %add3A_243 : i32
      "tpu.region"() ({
        %run_scoped3A_266 = tpu.sem_alloc : memref<!tpu.dma_semaphore, #tpu.memory_space<semaphore_mem>>
        %dma_start3A_267 = arith.constant 0 : i32
        %dma_start3A_268 = tpu.memref_slice %arg7[%add3A_244, %dma_start3A_267] : memref<40x50xi32, #tpu.memory_space<vmem>> -> memref<1x50xi32, #tpu.memory_space<vmem>>
        %dma_start3A_269 = tpu.memref_squeeze %dma_start3A_268 : memref<1x50xi32, #tpu.memory_space<vmem>> -> memref<50xi32, #tpu.memory_space<vmem>>
        %dma_start3A_270 = arith.constant 0 : i32
        %dma_start3A_271 = arith.constant 0 : i32
        %dma_start3A_272 = tpu.memref_slice %arg12[%dma_start3A_270, %dma_start3A_271] : memref<10000x128xf32, #tpu.memory_space<vmem_shared>> -> memref<10000x128xf32, #tpu.memory_space<vmem_shared>>
        tpu.enqueue_indirect_dma source(%arg10 : memref<50x128xf32, #tpu.memory_space<vmem>>) target(%dma_start3A_272 : memref<10000x128xf32, #tpu.memory_space<vmem_shared>>) offsets(%dma_start3A_269 : memref<50xi32, #tpu.memory_space<vmem>>) semaphore(%run_scoped3A_266 : memref<!tpu.dma_semaphore, #tpu.memory_space<semaphore_mem>>) {add = true}
        %dma_wait3A_273 = arith.constant 0 : i32
        %dma_wait3A_274 = tpu.memref_slice %arg7[%add3A_244, %dma_wait3A_273] : memref<40x50xi32, #tpu.memory_space<vmem>> -> memref<1x50xi32, #tpu.memory_space<vmem>>
        %dma_wait3A_275 = tpu.memref_squeeze %dma_wait3A_274 : memref<1x50xi32, #tpu.memory_space<vmem>> -> memref<50xi32, #tpu.memory_space<vmem>>
        %dma_wait3A_276 = arith.constant 0 : i32
        %dma_wait3A_277 = arith.constant 0 : i32
        %dma_wait3A_278 = tpu.memref_slice %arg12[%dma_wait3A_276, %dma_wait3A_277] : memref<10000x128xf32, #tpu.memory_space<vmem_shared>> -> memref<10000x128xf32, #tpu.memory_space<vmem_shared>>
        tpu.wait_indirect_dma semaphore(%run_scoped3A_266 : memref<!tpu.dma_semaphore, #tpu.memory_space<semaphore_mem>>) src(%arg10 : memref<50x128xf32, #tpu.memory_space<vmem>>) dst(%dma_wait3A_278 : memref<10000x128xf32, #tpu.memory_space<vmem_shared>>)
        tpu.yield
      }) : () -> ()
      %lt3A_245 = arith.constant 9 : i32
      %lt3A_246 = arith.cmpi slt, %scan3A_205, %lt3A_245 : i32
      %convert_element_type3A_247 = arith.extui %lt3A_246 : i1 to i32
      %cond3A_248 = arith.constant 0 : i32
      %cond3A_249 = arith.cmpi ne, %convert_element_type3A_247, %cond3A_248 : i32
      scf.if %cond3A_249 {
        %add3A_266 = arith.constant 4 : i32
        %add3A_267 = arith.addi %mul3A_208, %add3A_266 : i32
        %add3A_268 = arith.constant 2 : i32
        %add3A_269 = arith.addi %add3A_267, %add3A_268 : i32
        %dma_start3A_270 = arith.constant 0 : i32
        %dma_start3A_271 = tpu.memref_slice %arg6[%add3A_269, %dma_start3A_270] : memref<40x50xi32, #tpu.memory_space<vmem>> -> memref<1x50xi32, #tpu.memory_space<vmem>>
        %dma_start3A_272 = tpu.memref_squeeze %dma_start3A_271 : memref<1x50xi32, #tpu.memory_space<vmem>> -> memref<50xi32, #tpu.memory_space<vmem>>
        %dma_start3A_273 = arith.constant 0 : i32
        %dma_start3A_274 = arith.constant 0 : i32
        %dma_start3A_275 = tpu.memref_slice %arg4[%dma_start3A_273, %dma_start3A_274] : memref<10000x128xf32, #tpu.memory_space<hbm>> -> memref<10000x128xf32, #tpu.memory_space<hbm>>
        tpu.enqueue_indirect_dma source(%dma_start3A_275 : memref<10000x128xf32, #tpu.memory_space<hbm>>) target(%arg10 : memref<50x128xf32, #tpu.memory_space<vmem>>) offsets(%dma_start3A_272 : memref<50xi32, #tpu.memory_space<vmem>>) semaphore(%arg15 : memref<!tpu.dma_semaphore, #tpu.memory_space<semaphore_mem>>)
      } else {
      }
      %add3A_250 = arith.constant 3 : i32
      %add3A_251 = arith.addi %mul3A_208, %add3A_250 : i32
      %dma_wait3A_252 = arith.constant 0 : i32
      %dma_wait3A_253 = tpu.memref_slice %arg6[%add3A_251, %dma_wait3A_252] : memref<40x50xi32, #tpu.memory_space<vmem>> -> memref<1x50xi32, #tpu.memory_space<vmem>>
      %dma_wait3A_254 = tpu.memref_squeeze %dma_wait3A_253 : memref<1x50xi32, #tpu.memory_space<vmem>> -> memref<50xi32, #tpu.memory_space<vmem>>
      %dma_wait3A_255 = arith.constant 0 : i32
      %dma_wait3A_256 = arith.constant 0 : i32
      %dma_wait3A_257 = tpu.memref_slice %arg4[%dma_wait3A_255, %dma_wait3A_256] : memref<10000x128xf32, #tpu.memory_space<hbm>> -> memref<10000x128xf32, #tpu.memory_space<hbm>>
      tpu.wait_indirect_dma semaphore(%arg16 : memref<!tpu.dma_semaphore, #tpu.memory_space<semaphore_mem>>) src(%dma_wait3A_257 : memref<10000x128xf32, #tpu.memory_space<hbm>>) dst(%arg11 : memref<50x128xf32, #tpu.memory_space<vmem>>)
      %add3A_258 = arith.constant 3 : i32
      %add3A_259 = arith.addi %mul3A_208, %add3A_258 : i32
      "tpu.region"() ({
        %run_scoped3A_266 = tpu.sem_alloc : memref<!tpu.dma_semaphore, #tpu.memory_space<semaphore_mem>>
        %dma_start3A_267 = arith.constant 0 : i32
        %dma_start3A_268 = tpu.memref_slice %arg7[%add3A_259, %dma_start3A_267] : memref<40x50xi32, #tpu.memory_space<vmem>> -> memref<1x50xi32, #tpu.memory_space<vmem>>
        %dma_start3A_269 = tpu.memref_squeeze %dma_start3A_268 : memref<1x50xi32, #tpu.memory_space<vmem>> -> memref<50xi32, #tpu.memory_space<vmem>>
        %dma_start3A_270 = arith.constant 0 : i32
        %dma_start3A_271 = arith.constant 0 : i32
        %dma_start3A_272 = tpu.memref_slice %arg12[%dma_start3A_270, %dma_start3A_271] : memref<10000x128xf32, #tpu.memory_space<vmem_shared>> -> memref<10000x128xf32, #tpu.memory_space<vmem_shared>>
        tpu.enqueue_indirect_dma source(%arg11 : memref<50x128xf32, #tpu.memory_space<vmem>>) target(%dma_start3A_272 : memref<10000x128xf32, #tpu.memory_space<vmem_shared>>) offsets(%dma_start3A_269 : memref<50xi32, #tpu.memory_space<vmem>>) semaphore(%run_scoped3A_266 : memref<!tpu.dma_semaphore, #tpu.memory_space<semaphore_mem>>) {add = true}
        %dma_wait3A_273 = arith.constant 0 : i32
        %dma_wait3A_274 = tpu.memref_slice %arg7[%add3A_259, %dma_wait3A_273] : memref<40x50xi32, #tpu.memory_space<vmem>> -> memref<1x50xi32, #tpu.memory_space<vmem>>
        %dma_wait3A_275 = tpu.memref_squeeze %dma_wait3A_274 : memref<1x50xi32, #tpu.memory_space<vmem>> -> memref<50xi32, #tpu.memory_space<vmem>>
        %dma_wait3A_276 = arith.constant 0 : i32
        %dma_wait3A_277 = arith.constant 0 : i32
        %dma_wait3A_278 = tpu.memref_slice %arg12[%dma_wait3A_276, %dma_wait3A_277] : memref<10000x128xf32, #tpu.memory_space<vmem_shared>> -> memref<10000x128xf32, #tpu.memory_space<vmem_shared>>
        tpu.wait_indirect_dma semaphore(%run_scoped3A_266 : memref<!tpu.dma_semaphore, #tpu.memory_space<semaphore_mem>>) src(%arg11 : memref<50x128xf32, #tpu.memory_space<vmem>>) dst(%dma_wait3A_278 : memref<10000x128xf32, #tpu.memory_space<vmem_shared>>)
        tpu.yield
      }) : () -> ()
      %lt3A_260 = arith.constant 9 : i32
      %lt3A_261 = arith.cmpi slt, %scan3A_205, %lt3A_260 : i32
      %convert_element_type3A_262 = arith.extui %lt3A_261 : i1 to i32
      %cond3A_263 = arith.constant 0 : i32
      %cond3A_264 = arith.cmpi ne, %convert_element_type3A_262, %cond3A_263 : i32
      scf.if %cond3A_264 {
        %add3A_266 = arith.constant 4 : i32
        %add3A_267 = arith.addi %mul3A_208, %add3A_266 : i32
        %add3A_268 = arith.constant 3 : i32
        %add3A_269 = arith.addi %add3A_267, %add3A_268 : i32
        %dma_start3A_270 = arith.constant 0 : i32
        %dma_start3A_271 = tpu.memref_slice %arg6[%add3A_269, %dma_start3A_270] : memref<40x50xi32, #tpu.memory_space<vmem>> -> memref<1x50xi32, #tpu.memory_space<vmem>>
        %dma_start3A_272 = tpu.memref_squeeze %dma_start3A_271 : memref<1x50xi32, #tpu.memory_space<vmem>> -> memref<50xi32, #tpu.memory_space<vmem>>
        %dma_start3A_273 = arith.constant 0 : i32
        %dma_start3A_274 = arith.constant 0 : i32
        %dma_start3A_275 = tpu.memref_slice %arg4[%dma_start3A_273, %dma_start3A_274] : memref<10000x128xf32, #tpu.memory_space<hbm>> -> memref<10000x128xf32, #tpu.memory_space<hbm>>
        tpu.enqueue_indirect_dma source(%dma_start3A_275 : memref<10000x128xf32, #tpu.memory_space<hbm>>) target(%arg11 : memref<50x128xf32, #tpu.memory_space<vmem>>) offsets(%dma_start3A_272 : memref<50xi32, #tpu.memory_space<vmem>>) semaphore(%arg16 : memref<!tpu.dma_semaphore, #tpu.memory_space<semaphore_mem>>)
      } else {
      }
      %scan3A_265 = arith.constant 0 : i32
      scf.yield %scan3A_265 : i32
    }
    %scan3A_159 = arith.constant 10 : i32
    %run_scoped3A_160 = arith.constant 4 : i32
    "tpu.region"() ({
      %run_scoped3A_205 = tpu.sem_alloc : memref<!tpu.dma_semaphore, #tpu.memory_space<semaphore_mem>>
      %dma_start3A_206 = arith.constant 0 : i32
      %dma_start3A_207 = arith.constant 0 : i32
      %dma_start3A_208 = tpu.memref_slice %arg2[%add3A, %run_scoped3A_160, %dma_start3A_206, %dma_start3A_207] : memref<32x5x40x50xi32, #tpu.memory_space<hbm>> -> memref<1x1x40x50xi32, #tpu.memory_space<hbm>>
      %dma_start3A_209 = tpu.memref_squeeze %dma_start3A_208 : memref<1x1x40x50xi32, #tpu.memory_space<hbm>> -> memref<40x50xi32, #tpu.memory_space<hbm>>
      %dma_start3A_210 = arith.constant 0 : i32
      %dma_start3A_211 = arith.constant 0 : i32
      %dma_start3A_212 = tpu.memref_slice %arg2[%add3A, %run_scoped3A_160, %dma_start3A_210, %dma_start3A_211] : memref<32x5x40x50xi32, #tpu.memory_space<hbm>> -> memref<1x1x40x50xi32, #tpu.memory_space<hbm>>
      %dma_start3A_213 = tpu.memref_squeeze %dma_start3A_212 : memref<1x1x40x50xi32, #tpu.memory_space<hbm>> -> memref<40x50xi32, #tpu.memory_space<hbm>>
      tpu.enqueue_dma source(%dma_start3A_213 : memref<40x50xi32, #tpu.memory_space<hbm>>) target(%arg6 : memref<40x50xi32, #tpu.memory_space<vmem>>) target_semaphore(%run_scoped3A_205 : memref<!tpu.dma_semaphore, #tpu.memory_space<semaphore_mem>>)
      %dma_wait3A = arith.constant 0 : i32
      %dma_wait3A_214 = arith.constant 0 : i32
      %dma_wait3A_215 = tpu.memref_slice %arg2[%add3A, %run_scoped3A_160, %dma_wait3A, %dma_wait3A_214] : memref<32x5x40x50xi32, #tpu.memory_space<hbm>> -> memref<1x1x40x50xi32, #tpu.memory_space<hbm>>
      %dma_wait3A_216 = tpu.memref_squeeze %dma_wait3A_215 : memref<1x1x40x50xi32, #tpu.memory_space<hbm>> -> memref<40x50xi32, #tpu.memory_space<hbm>>
      %dma_wait3A_217 = arith.constant 0 : i32
      %dma_wait3A_218 = arith.constant 0 : i32
      %dma_wait3A_219 = tpu.memref_slice %arg2[%add3A, %run_scoped3A_160, %dma_wait3A_217, %dma_wait3A_218] : memref<32x5x40x50xi32, #tpu.memory_space<hbm>> -> memref<1x1x40x50xi32, #tpu.memory_space<hbm>>
      %dma_wait3A_220 = tpu.memref_squeeze %dma_wait3A_219 : memref<1x1x40x50xi32, #tpu.memory_space<hbm>> -> memref<40x50xi32, #tpu.memory_space<hbm>>
      tpu.wait_dma2 semaphore(%run_scoped3A_205 : memref<!tpu.dma_semaphore, #tpu.memory_space<semaphore_mem>>) src(%dma_wait3A_220 : memref<40x50xi32, #tpu.memory_space<hbm>>) dst(%arg6 : memref<40x50xi32, #tpu.memory_space<vmem>>)
      tpu.yield
    }) : () -> ()
    %run_scoped3A_161 = arith.constant 4 : i32
    "tpu.region"() ({
      %run_scoped3A_205 = tpu.sem_alloc : memref<!tpu.dma_semaphore, #tpu.memory_space<semaphore_mem>>
      %dma_start3A_206 = arith.constant 0 : i32
      %dma_start3A_207 = arith.constant 0 : i32
      %dma_start3A_208 = tpu.memref_slice %arg3[%add3A, %run_scoped3A_161, %dma_start3A_206, %dma_start3A_207] : memref<32x5x40x50xi32, #tpu.memory_space<hbm>> -> memref<1x1x40x50xi32, #tpu.memory_space<hbm>>
      %dma_start3A_209 = tpu.memref_squeeze %dma_start3A_208 : memref<1x1x40x50xi32, #tpu.memory_space<hbm>> -> memref<40x50xi32, #tpu.memory_space<hbm>>
      %dma_start3A_210 = arith.constant 0 : i32
      %dma_start3A_211 = arith.constant 0 : i32
      %dma_start3A_212 = tpu.memref_slice %arg3[%add3A, %run_scoped3A_161, %dma_start3A_210, %dma_start3A_211] : memref<32x5x40x50xi32, #tpu.memory_space<hbm>> -> memref<1x1x40x50xi32, #tpu.memory_space<hbm>>
      %dma_start3A_213 = tpu.memref_squeeze %dma_start3A_212 : memref<1x1x40x50xi32, #tpu.memory_space<hbm>> -> memref<40x50xi32, #tpu.memory_space<hbm>>
      tpu.enqueue_dma source(%dma_start3A_213 : memref<40x50xi32, #tpu.memory_space<hbm>>) target(%arg7 : memref<40x50xi32, #tpu.memory_space<vmem>>) target_semaphore(%run_scoped3A_205 : memref<!tpu.dma_semaphore, #tpu.memory_space<semaphore_mem>>)
      %dma_wait3A = arith.constant 0 : i32
      %dma_wait3A_214 = arith.constant 0 : i32
      %dma_wait3A_215 = tpu.memref_slice %arg3[%add3A, %run_scoped3A_161, %dma_wait3A, %dma_wait3A_214] : memref<32x5x40x50xi32, #tpu.memory_space<hbm>> -> memref<1x1x40x50xi32, #tpu.memory_space<hbm>>
      %dma_wait3A_216 = tpu.memref_squeeze %dma_wait3A_215 : memref<1x1x40x50xi32, #tpu.memory_space<hbm>> -> memref<40x50xi32, #tpu.memory_space<hbm>>
      %dma_wait3A_217 = arith.constant 0 : i32
      %dma_wait3A_218 = arith.constant 0 : i32
      %dma_wait3A_219 = tpu.memref_slice %arg3[%add3A, %run_scoped3A_161, %dma_wait3A_217, %dma_wait3A_218] : memref<32x5x40x50xi32, #tpu.memory_space<hbm>> -> memref<1x1x40x50xi32, #tpu.memory_space<hbm>>
      %dma_wait3A_220 = tpu.memref_squeeze %dma_wait3A_219 : memref<1x1x40x50xi32, #tpu.memory_space<hbm>> -> memref<40x50xi32, #tpu.memory_space<hbm>>
      tpu.wait_dma2 semaphore(%run_scoped3A_205 : memref<!tpu.dma_semaphore, #tpu.memory_space<semaphore_mem>>) src(%dma_wait3A_220 : memref<40x50xi32, #tpu.memory_space<hbm>>) dst(%arg7 : memref<40x50xi32, #tpu.memory_space<vmem>>)
      tpu.yield
    }) : () -> ()
    %dma_start3A_162 = arith.constant 0 : i32
    %dma_start3A_163 = arith.constant 0 : i32
    %dma_start3A_164 = tpu.memref_slice %arg6[%dma_start3A_162, %dma_start3A_163] : memref<40x50xi32, #tpu.memory_space<vmem>> -> memref<1x50xi32, #tpu.memory_space<vmem>>
    %dma_start3A_165 = tpu.memref_squeeze %dma_start3A_164 : memref<1x50xi32, #tpu.memory_space<vmem>> -> memref<50xi32, #tpu.memory_space<vmem>>
    %dma_start3A_166 = arith.constant 0 : i32
    %dma_start3A_167 = arith.constant 0 : i32
    %dma_start3A_168 = tpu.memref_slice %arg4[%dma_start3A_166, %dma_start3A_167] : memref<10000x128xf32, #tpu.memory_space<hbm>> -> memref<10000x128xf32, #tpu.memory_space<hbm>>
    tpu.enqueue_indirect_dma source(%dma_start3A_168 : memref<10000x128xf32, #tpu.memory_space<hbm>>) target(%arg8 : memref<50x128xf32, #tpu.memory_space<vmem>>) offsets(%dma_start3A_165 : memref<50xi32, #tpu.memory_space<vmem>>) semaphore(%arg13 : memref<!tpu.dma_semaphore, #tpu.memory_space<semaphore_mem>>)
    %dma_start3A_169 = arith.constant 1 : i32
    %dma_start3A_170 = arith.constant 0 : i32
    %dma_start3A_171 = tpu.memref_slice %arg6[%dma_start3A_169, %dma_start3A_170] : memref<40x50xi32, #tpu.memory_space<vmem>> -> memref<1x50xi32, #tpu.memory_space<vmem>>
    %dma_start3A_172 = tpu.memref_squeeze %dma_start3A_171 : memref<1x50xi32, #tpu.memory_space<vmem>> -> memref<50xi32, #tpu.memory_space<vmem>>
    %dma_start3A_173 = arith.constant 0 : i32
    %dma_start3A_174 = arith.constant 0 : i32
    %dma_start3A_175 = tpu.memref_slice %arg4[%dma_start3A_173, %dma_start3A_174] : memref<10000x128xf32, #tpu.memory_space<hbm>> -> memref<10000x128xf32, #tpu.memory_space<hbm>>
    tpu.enqueue_indirect_dma source(%dma_start3A_175 : memref<10000x128xf32, #tpu.memory_space<hbm>>) target(%arg9 : memref<50x128xf32, #tpu.memory_space<vmem>>) offsets(%dma_start3A_172 : memref<50xi32, #tpu.memory_space<vmem>>) semaphore(%arg14 : memref<!tpu.dma_semaphore, #tpu.memory_space<semaphore_mem>>)
    %dma_start3A_176 = arith.constant 2 : i32
    %dma_start3A_177 = arith.constant 0 : i32
    %dma_start3A_178 = tpu.memref_slice %arg6[%dma_start3A_176, %dma_start3A_177] : memref<40x50xi32, #tpu.memory_space<vmem>> -> memref<1x50xi32, #tpu.memory_space<vmem>>
    %dma_start3A_179 = tpu.memref_squeeze %dma_start3A_178 : memref<1x50xi32, #tpu.memory_space<vmem>> -> memref<50xi32, #tpu.memory_space<vmem>>
    %dma_start3A_180 = arith.constant 0 : i32
    %dma_start3A_181 = arith.constant 0 : i32
    %dma_start3A_182 = tpu.memref_slice %arg4[%dma_start3A_180, %dma_start3A_181] : memref<10000x128xf32, #tpu.memory_space<hbm>> -> memref<10000x128xf32, #tpu.memory_space<hbm>>
    tpu.enqueue_indirect_dma source(%dma_start3A_182 : memref<10000x128xf32, #tpu.memory_space<hbm>>) target(%arg10 : memref<50x128xf32, #tpu.memory_space<vmem>>) offsets(%dma_start3A_179 : memref<50xi32, #tpu.memory_space<vmem>>) semaphore(%arg15 : memref<!tpu.dma_semaphore, #tpu.memory_space<semaphore_mem>>)
    %dma_start3A_183 = arith.constant 3 : i32
    %dma_start3A_184 = arith.constant 0 : i32
    %dma_start3A_185 = tpu.memref_slice %arg6[%dma_start3A_183, %dma_start3A_184] : memref<40x50xi32, #tpu.memory_space<vmem>> -> memref<1x50xi32, #tpu.memory_space<vmem>>
    %dma_start3A_186 = tpu.memref_squeeze %dma_start3A_185 : memref<1x50xi32, #tpu.memory_space<vmem>> -> memref<50xi32, #tpu.memory_space<vmem>>
    %dma_start3A_187 = arith.constant 0 : i32
    %dma_start3A_188 = arith.constant 0 : i32
    %dma_start3A_189 = tpu.memref_slice %arg4[%dma_start3A_187, %dma_start3A_188] : memref<10000x128xf32, #tpu.memory_space<hbm>> -> memref<10000x128xf32, #tpu.memory_space<hbm>>
    tpu.enqueue_indirect_dma source(%dma_start3A_189 : memref<10000x128xf32, #tpu.memory_space<hbm>>) target(%arg11 : memref<50x128xf32, #tpu.memory_space<vmem>>) offsets(%dma_start3A_186 : memref<50xi32, #tpu.memory_space<vmem>>) semaphore(%arg16 : memref<!tpu.dma_semaphore, #tpu.memory_space<semaphore_mem>>)
    %scan3A_190 = arith.constant 0 : i32
    %scan3A_191 = arith.constant 0 : i32
    %scan3A_192 = arith.constant 10 : i32
    %scan3A_193 = arith.addi %scan3A_191, %scan3A_192 : i32
    %scan3A_194 = arith.constant 1 : i32
    %scan3A_195 = scf.for %scan3A_205 = %scan3A_191 to %scan3A_193 step %scan3A_194 iter_args(%scan3A_206 = %scan3A_190) -> (i32)  : i32 {
      %mul3A_207 = arith.constant 4 : i32
      %mul3A_208 = arith.muli %mul3A_207, %scan3A_205 : i32
      %add3A_209 = arith.constant 0 : i32
      %add3A_210 = arith.addi %mul3A_208, %add3A_209 : i32
      %dma_wait3A = arith.constant 0 : i32
      %dma_wait3A_211 = tpu.memref_slice %arg6[%add3A_210, %dma_wait3A] : memref<40x50xi32, #tpu.memory_space<vmem>> -> memref<1x50xi32, #tpu.memory_space<vmem>>
      %dma_wait3A_212 = tpu.memref_squeeze %dma_wait3A_211 : memref<1x50xi32, #tpu.memory_space<vmem>> -> memref<50xi32, #tpu.memory_space<vmem>>
      %dma_wait3A_213 = arith.constant 0 : i32
      %dma_wait3A_214 = arith.constant 0 : i32
      %dma_wait3A_215 = tpu.memref_slice %arg4[%dma_wait3A_213, %dma_wait3A_214] : memref<10000x128xf32, #tpu.memory_space<hbm>> -> memref<10000x128xf32, #tpu.memory_space<hbm>>
      tpu.wait_indirect_dma semaphore(%arg13 : memref<!tpu.dma_semaphore, #tpu.memory_space<semaphore_mem>>) src(%dma_wait3A_215 : memref<10000x128xf32, #tpu.memory_space<hbm>>) dst(%arg8 : memref<50x128xf32, #tpu.memory_space<vmem>>)
      %add3A_216 = arith.constant 0 : i32
      %add3A_217 = arith.addi %mul3A_208, %add3A_216 : i32
      "tpu.region"() ({
        %run_scoped3A_266 = tpu.sem_alloc : memref<!tpu.dma_semaphore, #tpu.memory_space<semaphore_mem>>
        %dma_start3A_267 = arith.constant 0 : i32
        %dma_start3A_268 = tpu.memref_slice %arg7[%add3A_217, %dma_start3A_267] : memref<40x50xi32, #tpu.memory_space<vmem>> -> memref<1x50xi32, #tpu.memory_space<vmem>>
        %dma_start3A_269 = tpu.memref_squeeze %dma_start3A_268 : memref<1x50xi32, #tpu.memory_space<vmem>> -> memref<50xi32, #tpu.memory_space<vmem>>
        %dma_start3A_270 = arith.constant 0 : i32
        %dma_start3A_271 = arith.constant 0 : i32
        %dma_start3A_272 = tpu.memref_slice %arg12[%dma_start3A_270, %dma_start3A_271] : memref<10000x128xf32, #tpu.memory_space<vmem_shared>> -> memref<10000x128xf32, #tpu.memory_space<vmem_shared>>
        tpu.enqueue_indirect_dma source(%arg8 : memref<50x128xf32, #tpu.memory_space<vmem>>) target(%dma_start3A_272 : memref<10000x128xf32, #tpu.memory_space<vmem_shared>>) offsets(%dma_start3A_269 : memref<50xi32, #tpu.memory_space<vmem>>) semaphore(%run_scoped3A_266 : memref<!tpu.dma_semaphore, #tpu.memory_space<semaphore_mem>>) {add = true}
        %dma_wait3A_273 = arith.constant 0 : i32
        %dma_wait3A_274 = tpu.memref_slice %arg7[%add3A_217, %dma_wait3A_273] : memref<40x50xi32, #tpu.memory_space<vmem>> -> memref<1x50xi32, #tpu.memory_space<vmem>>
        %dma_wait3A_275 = tpu.memref_squeeze %dma_wait3A_274 : memref<1x50xi32, #tpu.memory_space<vmem>> -> memref<50xi32, #tpu.memory_space<vmem>>
        %dma_wait3A_276 = arith.constant 0 : i32
        %dma_wait3A_277 = arith.constant 0 : i32
        %dma_wait3A_278 = tpu.memref_slice %arg12[%dma_wait3A_276, %dma_wait3A_277] : memref<10000x128xf32, #tpu.memory_space<vmem_shared>> -> memref<10000x128xf32, #tpu.memory_space<vmem_shared>>
        tpu.wait_indirect_dma semaphore(%run_scoped3A_266 : memref<!tpu.dma_semaphore, #tpu.memory_space<semaphore_mem>>) src(%arg8 : memref<50x128xf32, #tpu.memory_space<vmem>>) dst(%dma_wait3A_278 : memref<10000x128xf32, #tpu.memory_space<vmem_shared>>)
        tpu.yield
      }) : () -> ()
      %lt3A = arith.constant 9 : i32
      %lt3A_218 = arith.cmpi slt, %scan3A_205, %lt3A : i32
      %convert_element_type3A = arith.extui %lt3A_218 : i1 to i32
      %cond3A = arith.constant 0 : i32
      %cond3A_219 = arith.cmpi ne, %convert_element_type3A, %cond3A : i32
      scf.if %cond3A_219 {
        %add3A_266 = arith.constant 4 : i32
        %add3A_267 = arith.addi %mul3A_208, %add3A_266 : i32
        %add3A_268 = arith.constant 0 : i32
        %add3A_269 = arith.addi %add3A_267, %add3A_268 : i32
        %dma_start3A_270 = arith.constant 0 : i32
        %dma_start3A_271 = tpu.memref_slice %arg6[%add3A_269, %dma_start3A_270] : memref<40x50xi32, #tpu.memory_space<vmem>> -> memref<1x50xi32, #tpu.memory_space<vmem>>
        %dma_start3A_272 = tpu.memref_squeeze %dma_start3A_271 : memref<1x50xi32, #tpu.memory_space<vmem>> -> memref<50xi32, #tpu.memory_space<vmem>>
        %dma_start3A_273 = arith.constant 0 : i32
        %dma_start3A_274 = arith.constant 0 : i32
        %dma_start3A_275 = tpu.memref_slice %arg4[%dma_start3A_273, %dma_start3A_274] : memref<10000x128xf32, #tpu.memory_space<hbm>> -> memref<10000x128xf32, #tpu.memory_space<hbm>>
        tpu.enqueue_indirect_dma source(%dma_start3A_275 : memref<10000x128xf32, #tpu.memory_space<hbm>>) target(%arg8 : memref<50x128xf32, #tpu.memory_space<vmem>>) offsets(%dma_start3A_272 : memref<50xi32, #tpu.memory_space<vmem>>) semaphore(%arg13 : memref<!tpu.dma_semaphore, #tpu.memory_space<semaphore_mem>>)
      } else {
      }
      %add3A_220 = arith.constant 1 : i32
      %add3A_221 = arith.addi %mul3A_208, %add3A_220 : i32
      %dma_wait3A_222 = arith.constant 0 : i32
      %dma_wait3A_223 = tpu.memref_slice %arg6[%add3A_221, %dma_wait3A_222] : memref<40x50xi32, #tpu.memory_space<vmem>> -> memref<1x50xi32, #tpu.memory_space<vmem>>
      %dma_wait3A_224 = tpu.memref_squeeze %dma_wait3A_223 : memref<1x50xi32, #tpu.memory_space<vmem>> -> memref<50xi32, #tpu.memory_space<vmem>>
      %dma_wait3A_225 = arith.constant 0 : i32
      %dma_wait3A_226 = arith.constant 0 : i32
      %dma_wait3A_227 = tpu.memref_slice %arg4[%dma_wait3A_225, %dma_wait3A_226] : memref<10000x128xf32, #tpu.memory_space<hbm>> -> memref<10000x128xf32, #tpu.memory_space<hbm>>
      tpu.wait_indirect_dma semaphore(%arg14 : memref<!tpu.dma_semaphore, #tpu.memory_space<semaphore_mem>>) src(%dma_wait3A_227 : memref<10000x128xf32, #tpu.memory_space<hbm>>) dst(%arg9 : memref<50x128xf32, #tpu.memory_space<vmem>>)
      %add3A_228 = arith.constant 1 : i32
      %add3A_229 = arith.addi %mul3A_208, %add3A_228 : i32
      "tpu.region"() ({
        %run_scoped3A_266 = tpu.sem_alloc : memref<!tpu.dma_semaphore, #tpu.memory_space<semaphore_mem>>
        %dma_start3A_267 = arith.constant 0 : i32
        %dma_start3A_268 = tpu.memref_slice %arg7[%add3A_229, %dma_start3A_267] : memref<40x50xi32, #tpu.memory_space<vmem>> -> memref<1x50xi32, #tpu.memory_space<vmem>>
        %dma_start3A_269 = tpu.memref_squeeze %dma_start3A_268 : memref<1x50xi32, #tpu.memory_space<vmem>> -> memref<50xi32, #tpu.memory_space<vmem>>
        %dma_start3A_270 = arith.constant 0 : i32
        %dma_start3A_271 = arith.constant 0 : i32
        %dma_start3A_272 = tpu.memref_slice %arg12[%dma_start3A_270, %dma_start3A_271] : memref<10000x128xf32, #tpu.memory_space<vmem_shared>> -> memref<10000x128xf32, #tpu.memory_space<vmem_shared>>
        tpu.enqueue_indirect_dma source(%arg9 : memref<50x128xf32, #tpu.memory_space<vmem>>) target(%dma_start3A_272 : memref<10000x128xf32, #tpu.memory_space<vmem_shared>>) offsets(%dma_start3A_269 : memref<50xi32, #tpu.memory_space<vmem>>) semaphore(%run_scoped3A_266 : memref<!tpu.dma_semaphore, #tpu.memory_space<semaphore_mem>>) {add = true}
        %dma_wait3A_273 = arith.constant 0 : i32
        %dma_wait3A_274 = tpu.memref_slice %arg7[%add3A_229, %dma_wait3A_273] : memref<40x50xi32, #tpu.memory_space<vmem>> -> memref<1x50xi32, #tpu.memory_space<vmem>>
        %dma_wait3A_275 = tpu.memref_squeeze %dma_wait3A_274 : memref<1x50xi32, #tpu.memory_space<vmem>> -> memref<50xi32, #tpu.memory_space<vmem>>
        %dma_wait3A_276 = arith.constant 0 : i32
        %dma_wait3A_277 = arith.constant 0 : i32
        %dma_wait3A_278 = tpu.memref_slice %arg12[%dma_wait3A_276, %dma_wait3A_277] : memref<10000x128xf32, #tpu.memory_space<vmem_shared>> -> memref<10000x128xf32, #tpu.memory_space<vmem_shared>>
        tpu.wait_indirect_dma semaphore(%run_scoped3A_266 : memref<!tpu.dma_semaphore, #tpu.memory_space<semaphore_mem>>) src(%arg9 : memref<50x128xf32, #tpu.memory_space<vmem>>) dst(%dma_wait3A_278 : memref<10000x128xf32, #tpu.memory_space<vmem_shared>>)
        tpu.yield
      }) : () -> ()
      %lt3A_230 = arith.constant 9 : i32
      %lt3A_231 = arith.cmpi slt, %scan3A_205, %lt3A_230 : i32
      %convert_element_type3A_232 = arith.extui %lt3A_231 : i1 to i32
      %cond3A_233 = arith.constant 0 : i32
      %cond3A_234 = arith.cmpi ne, %convert_element_type3A_232, %cond3A_233 : i32
      scf.if %cond3A_234 {
        %add3A_266 = arith.constant 4 : i32
        %add3A_267 = arith.addi %mul3A_208, %add3A_266 : i32
        %add3A_268 = arith.constant 1 : i32
        %add3A_269 = arith.addi %add3A_267, %add3A_268 : i32
        %dma_start3A_270 = arith.constant 0 : i32
        %dma_start3A_271 = tpu.memref_slice %arg6[%add3A_269, %dma_start3A_270] : memref<40x50xi32, #tpu.memory_space<vmem>> -> memref<1x50xi32, #tpu.memory_space<vmem>>
        %dma_start3A_272 = tpu.memref_squeeze %dma_start3A_271 : memref<1x50xi32, #tpu.memory_space<vmem>> -> memref<50xi32, #tpu.memory_space<vmem>>
        %dma_start3A_273 = arith.constant 0 : i32
        %dma_start3A_274 = arith.constant 0 : i32
        %dma_start3A_275 = tpu.memref_slice %arg4[%dma_start3A_273, %dma_start3A_274] : memref<10000x128xf32, #tpu.memory_space<hbm>> -> memref<10000x128xf32, #tpu.memory_space<hbm>>
        tpu.enqueue_indirect_dma source(%dma_start3A_275 : memref<10000x128xf32, #tpu.memory_space<hbm>>) target(%arg9 : memref<50x128xf32, #tpu.memory_space<vmem>>) offsets(%dma_start3A_272 : memref<50xi32, #tpu.memory_space<vmem>>) semaphore(%arg14 : memref<!tpu.dma_semaphore, #tpu.memory_space<semaphore_mem>>)
      } else {
      }
      %add3A_235 = arith.constant 2 : i32
      %add3A_236 = arith.addi %mul3A_208, %add3A_235 : i32
      %dma_wait3A_237 = arith.constant 0 : i32
      %dma_wait3A_238 = tpu.memref_slice %arg6[%add3A_236, %dma_wait3A_237] : memref<40x50xi32, #tpu.memory_space<vmem>> -> memref<1x50xi32, #tpu.memory_space<vmem>>
      %dma_wait3A_239 = tpu.memref_squeeze %dma_wait3A_238 : memref<1x50xi32, #tpu.memory_space<vmem>> -> memref<50xi32, #tpu.memory_space<vmem>>
      %dma_wait3A_240 = arith.constant 0 : i32
      %dma_wait3A_241 = arith.constant 0 : i32
      %dma_wait3A_242 = tpu.memref_slice %arg4[%dma_wait3A_240, %dma_wait3A_241] : memref<10000x128xf32, #tpu.memory_space<hbm>> -> memref<10000x128xf32, #tpu.memory_space<hbm>>
      tpu.wait_indirect_dma semaphore(%arg15 : memref<!tpu.dma_semaphore, #tpu.memory_space<semaphore_mem>>) src(%dma_wait3A_242 : memref<10000x128xf32, #tpu.memory_space<hbm>>) dst(%arg10 : memref<50x128xf32, #tpu.memory_space<vmem>>)
      %add3A_243 = arith.constant 2 : i32
      %add3A_244 = arith.addi %mul3A_208, %add3A_243 : i32
      "tpu.region"() ({
        %run_scoped3A_266 = tpu.sem_alloc : memref<!tpu.dma_semaphore, #tpu.memory_space<semaphore_mem>>
        %dma_start3A_267 = arith.constant 0 : i32
        %dma_start3A_268 = tpu.memref_slice %arg7[%add3A_244, %dma_start3A_267] : memref<40x50xi32, #tpu.memory_space<vmem>> -> memref<1x50xi32, #tpu.memory_space<vmem>>
        %dma_start3A_269 = tpu.memref_squeeze %dma_start3A_268 : memref<1x50xi32, #tpu.memory_space<vmem>> -> memref<50xi32, #tpu.memory_space<vmem>>
        %dma_start3A_270 = arith.constant 0 : i32
        %dma_start3A_271 = arith.constant 0 : i32
        %dma_start3A_272 = tpu.memref_slice %arg12[%dma_start3A_270, %dma_start3A_271] : memref<10000x128xf32, #tpu.memory_space<vmem_shared>> -> memref<10000x128xf32, #tpu.memory_space<vmem_shared>>
        tpu.enqueue_indirect_dma source(%arg10 : memref<50x128xf32, #tpu.memory_space<vmem>>) target(%dma_start3A_272 : memref<10000x128xf32, #tpu.memory_space<vmem_shared>>) offsets(%dma_start3A_269 : memref<50xi32, #tpu.memory_space<vmem>>) semaphore(%run_scoped3A_266 : memref<!tpu.dma_semaphore, #tpu.memory_space<semaphore_mem>>) {add = true}
        %dma_wait3A_273 = arith.constant 0 : i32
        %dma_wait3A_274 = tpu.memref_slice %arg7[%add3A_244, %dma_wait3A_273] : memref<40x50xi32, #tpu.memory_space<vmem>> -> memref<1x50xi32, #tpu.memory_space<vmem>>
        %dma_wait3A_275 = tpu.memref_squeeze %dma_wait3A_274 : memref<1x50xi32, #tpu.memory_space<vmem>> -> memref<50xi32, #tpu.memory_space<vmem>>
        %dma_wait3A_276 = arith.constant 0 : i32
        %dma_wait3A_277 = arith.constant 0 : i32
        %dma_wait3A_278 = tpu.memref_slice %arg12[%dma_wait3A_276, %dma_wait3A_277] : memref<10000x128xf32, #tpu.memory_space<vmem_shared>> -> memref<10000x128xf32, #tpu.memory_space<vmem_shared>>
        tpu.wait_indirect_dma semaphore(%run_scoped3A_266 : memref<!tpu.dma_semaphore, #tpu.memory_space<semaphore_mem>>) src(%arg10 : memref<50x128xf32, #tpu.memory_space<vmem>>) dst(%dma_wait3A_278 : memref<10000x128xf32, #tpu.memory_space<vmem_shared>>)
        tpu.yield
      }) : () -> ()
      %lt3A_245 = arith.constant 9 : i32
      %lt3A_246 = arith.cmpi slt, %scan3A_205, %lt3A_245 : i32
      %convert_element_type3A_247 = arith.extui %lt3A_246 : i1 to i32
      %cond3A_248 = arith.constant 0 : i32
      %cond3A_249 = arith.cmpi ne, %convert_element_type3A_247, %cond3A_248 : i32
      scf.if %cond3A_249 {
        %add3A_266 = arith.constant 4 : i32
        %add3A_267 = arith.addi %mul3A_208, %add3A_266 : i32
        %add3A_268 = arith.constant 2 : i32
        %add3A_269 = arith.addi %add3A_267, %add3A_268 : i32
        %dma_start3A_270 = arith.constant 0 : i32
        %dma_start3A_271 = tpu.memref_slice %arg6[%add3A_269, %dma_start3A_270] : memref<40x50xi32, #tpu.memory_space<vmem>> -> memref<1x50xi32, #tpu.memory_space<vmem>>
        %dma_start3A_272 = tpu.memref_squeeze %dma_start3A_271 : memref<1x50xi32, #tpu.memory_space<vmem>> -> memref<50xi32, #tpu.memory_space<vmem>>
        %dma_start3A_273 = arith.constant 0 : i32
        %dma_start3A_274 = arith.constant 0 : i32
        %dma_start3A_275 = tpu.memref_slice %arg4[%dma_start3A_273, %dma_start3A_274] : memref<10000x128xf32, #tpu.memory_space<hbm>> -> memref<10000x128xf32, #tpu.memory_space<hbm>>
        tpu.enqueue_indirect_dma source(%dma_start3A_275 : memref<10000x128xf32, #tpu.memory_space<hbm>>) target(%arg10 : memref<50x128xf32, #tpu.memory_space<vmem>>) offsets(%dma_start3A_272 : memref<50xi32, #tpu.memory_space<vmem>>) semaphore(%arg15 : memref<!tpu.dma_semaphore, #tpu.memory_space<semaphore_mem>>)
      } else {
      }
      %add3A_250 = arith.constant 3 : i32
      %add3A_251 = arith.addi %mul3A_208, %add3A_250 : i32
      %dma_wait3A_252 = arith.constant 0 : i32
      %dma_wait3A_253 = tpu.memref_slice %arg6[%add3A_251, %dma_wait3A_252] : memref<40x50xi32, #tpu.memory_space<vmem>> -> memref<1x50xi32, #tpu.memory_space<vmem>>
      %dma_wait3A_254 = tpu.memref_squeeze %dma_wait3A_253 : memref<1x50xi32, #tpu.memory_space<vmem>> -> memref<50xi32, #tpu.memory_space<vmem>>
      %dma_wait3A_255 = arith.constant 0 : i32
      %dma_wait3A_256 = arith.constant 0 : i32
      %dma_wait3A_257 = tpu.memref_slice %arg4[%dma_wait3A_255, %dma_wait3A_256] : memref<10000x128xf32, #tpu.memory_space<hbm>> -> memref<10000x128xf32, #tpu.memory_space<hbm>>
      tpu.wait_indirect_dma semaphore(%arg16 : memref<!tpu.dma_semaphore, #tpu.memory_space<semaphore_mem>>) src(%dma_wait3A_257 : memref<10000x128xf32, #tpu.memory_space<hbm>>) dst(%arg11 : memref<50x128xf32, #tpu.memory_space<vmem>>)
      %add3A_258 = arith.constant 3 : i32
      %add3A_259 = arith.addi %mul3A_208, %add3A_258 : i32
      "tpu.region"() ({
        %run_scoped3A_266 = tpu.sem_alloc : memref<!tpu.dma_semaphore, #tpu.memory_space<semaphore_mem>>
        %dma_start3A_267 = arith.constant 0 : i32
        %dma_start3A_268 = tpu.memref_slice %arg7[%add3A_259, %dma_start3A_267] : memref<40x50xi32, #tpu.memory_space<vmem>> -> memref<1x50xi32, #tpu.memory_space<vmem>>
        %dma_start3A_269 = tpu.memref_squeeze %dma_start3A_268 : memref<1x50xi32, #tpu.memory_space<vmem>> -> memref<50xi32, #tpu.memory_space<vmem>>
        %dma_start3A_270 = arith.constant 0 : i32
        %dma_start3A_271 = arith.constant 0 : i32
        %dma_start3A_272 = tpu.memref_slice %arg12[%dma_start3A_270, %dma_start3A_271] : memref<10000x128xf32, #tpu.memory_space<vmem_shared>> -> memref<10000x128xf32, #tpu.memory_space<vmem_shared>>
        tpu.enqueue_indirect_dma source(%arg11 : memref<50x128xf32, #tpu.memory_space<vmem>>) target(%dma_start3A_272 : memref<10000x128xf32, #tpu.memory_space<vmem_shared>>) offsets(%dma_start3A_269 : memref<50xi32, #tpu.memory_space<vmem>>) semaphore(%run_scoped3A_266 : memref<!tpu.dma_semaphore, #tpu.memory_space<semaphore_mem>>) {add = true}
        %dma_wait3A_273 = arith.constant 0 : i32
        %dma_wait3A_274 = tpu.memref_slice %arg7[%add3A_259, %dma_wait3A_273] : memref<40x50xi32, #tpu.memory_space<vmem>> -> memref<1x50xi32, #tpu.memory_space<vmem>>
        %dma_wait3A_275 = tpu.memref_squeeze %dma_wait3A_274 : memref<1x50xi32, #tpu.memory_space<vmem>> -> memref<50xi32, #tpu.memory_space<vmem>>
        %dma_wait3A_276 = arith.constant 0 : i32
        %dma_wait3A_277 = arith.constant 0 : i32
        %dma_wait3A_278 = tpu.memref_slice %arg12[%dma_wait3A_276, %dma_wait3A_277] : memref<10000x128xf32, #tpu.memory_space<vmem_shared>> -> memref<10000x128xf32, #tpu.memory_space<vmem_shared>>
        tpu.wait_indirect_dma semaphore(%run_scoped3A_266 : memref<!tpu.dma_semaphore, #tpu.memory_space<semaphore_mem>>) src(%arg11 : memref<50x128xf32, #tpu.memory_space<vmem>>) dst(%dma_wait3A_278 : memref<10000x128xf32, #tpu.memory_space<vmem_shared>>)
        tpu.yield
      }) : () -> ()
      %lt3A_260 = arith.constant 9 : i32
      %lt3A_261 = arith.cmpi slt, %scan3A_205, %lt3A_260 : i32
      %convert_element_type3A_262 = arith.extui %lt3A_261 : i1 to i32
      %cond3A_263 = arith.constant 0 : i32
      %cond3A_264 = arith.cmpi ne, %convert_element_type3A_262, %cond3A_263 : i32
      scf.if %cond3A_264 {
        %add3A_266 = arith.constant 4 : i32
        %add3A_267 = arith.addi %mul3A_208, %add3A_266 : i32
        %add3A_268 = arith.constant 3 : i32
        %add3A_269 = arith.addi %add3A_267, %add3A_268 : i32
        %dma_start3A_270 = arith.constant 0 : i32
        %dma_start3A_271 = tpu.memref_slice %arg6[%add3A_269, %dma_start3A_270] : memref<40x50xi32, #tpu.memory_space<vmem>> -> memref<1x50xi32, #tpu.memory_space<vmem>>
        %dma_start3A_272 = tpu.memref_squeeze %dma_start3A_271 : memref<1x50xi32, #tpu.memory_space<vmem>> -> memref<50xi32, #tpu.memory_space<vmem>>
        %dma_start3A_273 = arith.constant 0 : i32
        %dma_start3A_274 = arith.constant 0 : i32
        %dma_start3A_275 = tpu.memref_slice %arg4[%dma_start3A_273, %dma_start3A_274] : memref<10000x128xf32, #tpu.memory_space<hbm>> -> memref<10000x128xf32, #tpu.memory_space<hbm>>
        tpu.enqueue_indirect_dma source(%dma_start3A_275 : memref<10000x128xf32, #tpu.memory_space<hbm>>) target(%arg11 : memref<50x128xf32, #tpu.memory_space<vmem>>) offsets(%dma_start3A_272 : memref<50xi32, #tpu.memory_space<vmem>>) semaphore(%arg16 : memref<!tpu.dma_semaphore, #tpu.memory_space<semaphore_mem>>)
      } else {
      }
      %scan3A_265 = arith.constant 0 : i32
      scf.yield %scan3A_265 : i32
    }
    %scan3A_196 = arith.constant 10 : i32
    %barrier3A_197 = arith.constant 0 : index
    tpu.barrier barrier_id(%barrier3A_197)
    %scan3A_198 = arith.constant 0 : i32
    %scan3A_199 = arith.constant 0 : i32
    %scan3A_200 = arith.constant 16 : i32
    %scan3A_201 = arith.addi %scan3A_199, %scan3A_200 : i32
    %scan3A_202 = arith.constant 1 : i32
    %scan3A_203 = scf.for %scan3A_205 = %scan3A_199 to %scan3A_201 step %scan3A_202 iter_args(%scan3A_206 = %scan3A_198) -> (i32)  : i32 {
      %mul3A_207 = arith.constant 16 : i32
      %mul3A_208 = arith.muli %mul3A_207, %scan3A_205 : i32
      %add3A_209 = arith.addi %arg1, %mul3A_208 : i32
      %lt3A = arith.constant 250 : i32
      %lt3A_210 = arith.cmpi slt, %add3A_209, %lt3A : i32
      %convert_element_type3A = arith.extui %lt3A_210 : i1 to i32
      %cond3A = arith.constant 0 : i32
      %cond3A_211 = arith.cmpi ne, %convert_element_type3A, %cond3A : i32
      scf.if %cond3A_211 {
        %mul3A_213 = arith.constant 40 : i32
        %mul3A_214 = arith.muli %add3A_209, %mul3A_213 : i32
        %mul3A_215 = arith.constant 40 : i32
        %mul3A_216 = arith.muli %add3A_209, %mul3A_215 : i32
        "tpu.region"() ({
          %run_scoped3A_217 = tpu.sem_alloc : memref<!tpu.dma_semaphore, #tpu.memory_space<semaphore_mem>>
          %dma_start3A_218 = arith.constant 0 : i32
          %dma_start3A_219 = tpu.memref_slice %arg5[%arg0, %mul3A_216, %dma_start3A_218] : memref<2x10000x128xf32, #tpu.memory_space<hbm>> -> memref<1x40x128xf32, #tpu.memory_space<hbm>>
          %dma_start3A_220 = tpu.memref_squeeze %dma_start3A_219 : memref<1x40x128xf32, #tpu.memory_space<hbm>> -> memref<40x128xf32, #tpu.memory_space<hbm>>
          %dma_start3A_221 = arith.constant 0 : i32
          %dma_start3A_222 = tpu.memref_slice %arg12[%mul3A_214, %dma_start3A_221] : memref<10000x128xf32, #tpu.memory_space<vmem_shared>> -> memref<40x128xf32, #tpu.memory_space<vmem_shared>>
          tpu.enqueue_dma source(%dma_start3A_222 : memref<40x128xf32, #tpu.memory_space<vmem_shared>>) target(%dma_start3A_220 : memref<40x128xf32, #tpu.memory_space<hbm>>) target_semaphore(%run_scoped3A_217 : memref<!tpu.dma_semaphore, #tpu.memory_space<semaphore_mem>>)
          %dma_wait3A = arith.constant 0 : i32
          %dma_wait3A_223 = tpu.memref_slice %arg5[%arg0, %mul3A_216, %dma_wait3A] : memref<2x10000x128xf32, #tpu.memory_space<hbm>> -> memref<1x40x128xf32, #tpu.memory_space<hbm>>
          %dma_wait3A_224 = tpu.memref_squeeze %dma_wait3A_223 : memref<1x40x128xf32, #tpu.memory_space<hbm>> -> memref<40x128xf32, #tpu.memory_space<hbm>>
          %dma_wait3A_225 = arith.constant 0 : i32
          %dma_wait3A_226 = tpu.memref_slice %arg12[%mul3A_214, %dma_wait3A_225] : memref<10000x128xf32, #tpu.memory_space<vmem_shared>> -> memref<40x128xf32, #tpu.memory_space<vmem_shared>>
          tpu.wait_dma2 semaphore(%run_scoped3A_217 : memref<!tpu.dma_semaphore, #tpu.memory_space<semaphore_mem>>) src(%dma_wait3A_226 : memref<40x128xf32, #tpu.memory_space<vmem_shared>>) dst(%dma_wait3A_224 : memref<40x128xf32, #tpu.memory_space<hbm>>)
          tpu.yield
        }) : () -> ()
      } else {
      }
      %scan3A_212 = arith.constant 0 : i32
      scf.yield %scan3A_212 : i32
    }
    %scan3A_204 = arith.constant 16 : i32
    return
  }
}

module attributes {stable_mosaic.version = 14 : i64} {
  func.func @_mm_body(%arg0: i32, %arg1: memref<1000x128xf32, #tpu.memory_space<vmem>>, %arg2: memref<128x128xf32, #tpu.memory_space<vmem>>, %arg3: memref<1000x128xf32, #tpu.memory_space<vmem>>) attributes {dimension_semantics = [#tpu.dimension_semantics<arbitrary>], iteration_bounds = array<i64: 10>, scalar_prefetch = 0 : i64, scratch_operands = 0 : i64, tpu.core_type = #tpu.core_type<tc>, window_params = [{transform_indices = @transform_0, window_bounds = array<i64: 1000, 128>}, {pipeline_mode = #tpu.pipeline_mode<synchronous>, transform_indices = @transform_1, window_bounds = array<i64: 128, 128>}, {transform_indices = @transform_2, window_bounds = array<i64: 1000, 128>}]} {
    %get3A = arith.constant 0 : index
    %get3A_0 = arith.constant 0 : index
    %get3A_1 = vector.load %arg1[%get3A, %get3A_0] : memref<1000x128xf32, #tpu.memory_space<vmem>>, vector<1000x128xf32>
    %get3A_2 = arith.constant 0 : index
    %get3A_3 = arith.constant 0 : index
    %get3A_4 = vector.load %arg2[%get3A_2, %get3A_3] : memref<128x128xf32, #tpu.memory_space<vmem>>, vector<128x128xf32>
    %dot_general3A = arith.constant dense<0.000000e+00> : vector<1000x128xf32>
    %dot_general3A_5 = tpu.matmul %get3A_1, %get3A_4, %dot_general3A {dimension_numbers = #tpu.dot_dimension_numbers<[1], [0], [0], [1], [0, 0, 1, 1], [], []>, transpose_lhs_hint = false} : vector<1000x128xf32>, vector<128x128xf32>, vector<1000x128xf32> -> vector<1000x128xf32>
    %swap3A = arith.constant 0 : index
    %swap3A_6 = arith.constant 0 : index
    %swap3A_7 = vector.load %arg3[%swap3A, %swap3A_6] : memref<1000x128xf32, #tpu.memory_space<vmem>>, vector<1000x128xf32>
    tpu.vector_store %arg3[%swap3A, %swap3A_6], %dot_general3A_5 {strides = array<i32>} : memref<1000x128xf32, #tpu.memory_space<vmem>>, vector<1000x128xf32>,
    return
  }
  func.func @transform_0(%arg0: i32) -> (i32, i32) {
    %c0_i32 = arith.constant 0 : i32
    %c0_i32_0 = arith.constant 0 : i32
    return %arg0, %c0_i32 : i32, i32
  }
  func.func @transform_1(%arg0: i32) -> (i32, i32) {
    %c0_i32 = arith.constant 0 : i32
    %c0_i32_0 = arith.constant 0 : i32
    %c0_i32_1 = arith.constant 0 : i32
    return %c0_i32, %c0_i32_0 : i32, i32
  }
  func.func @transform_2(%arg0: i32) -> (i32, i32) {
    %c0_i32 = arith.constant 0 : i32
    %c0_i32_0 = arith.constant 0 : i32
    return %arg0, %c0_i32 : i32, i32
  }
}

module attributes {stable_mosaic.version = 14 : i64} {
  func.func @_scale_body(%arg0: i32, %arg1: memref<2x1000x16xf32, #tpu.memory_space<vmem>>, %arg2: memref<1000x128xf32, #tpu.memory_space<vmem>>, %arg3: memref<1000x128xf32, #tpu.memory_space<vmem>>) attributes {dimension_semantics = [#tpu.dimension_semantics<arbitrary>], iteration_bounds = array<i64: 10>, scalar_prefetch = 0 : i64, scratch_operands = 0 : i64, tpu.core_type = #tpu.core_type<tc>, window_params = [{transform_indices = @transform_0, window_bounds = array<i64: 2, 1000, 16>}, {transform_indices = @transform_1, window_bounds = array<i64: 1000, 128>}, {transform_indices = @transform_2, window_bounds = array<i64: 1000, 128>}]} {
    %get3A = arith.constant 0 : index
    %get3A_0 = arith.constant 0 : index
    %get3A_1 = arith.constant 0 : index
    %get3A_2 = vector.load %arg1[%get3A, %get3A_0, %get3A_1] : memref<2x1000x16xf32, #tpu.memory_space<vmem>>, vector<2x1000x16xf32>
    %slice3A = vector.extract_strided_slice %get3A_2 {offsets = [0, 0, 0], sizes = [1, 1000, 1], strides = [1, 1, 1]} : vector<2x1000x16xf32> to vector<1x1000x1xf32>
    %squeeze3A = vector.shape_cast %slice3A : vector<1x1000x1xf32> to vector<1000xf32>
    %slice3A_3 = vector.extract_strided_slice %get3A_2 {offsets = [1, 0, 0], sizes = [1, 1000, 1], strides = [1, 1, 1]} : vector<2x1000x16xf32> to vector<1x1000x1xf32>
    %squeeze3A_4 = vector.shape_cast %slice3A_3 : vector<1x1000x1xf32> to vector<1000xf32>
    %add3A = arith.addf %squeeze3A, %squeeze3A_4 : vector<1000xf32>
    %add3A_5 = arith.constant 1.000000e+00 : f32
    %add3A_6 = vector.broadcast %add3A_5 : f32 to vector<1000xf32>
    %add3A_7 = arith.addf %add3A, %add3A_6 : vector<1000xf32>
    %rsqrt3A = math.rsqrt %add3A_7 : vector<1000xf32>
    %broadcast_in_dim3A = vector.shape_cast %rsqrt3A : vector<1000xf32> to vector<1000x1xf32>
    %get3A_8 = arith.constant 0 : index
    %get3A_9 = arith.constant 0 : index
    %get3A_10 = vector.load %arg2[%get3A_8, %get3A_9] : memref<1000x128xf32, #tpu.memory_space<vmem>>, vector<1000x128xf32>
    %mul3A = vector.broadcast %broadcast_in_dim3A : vector<1000x1xf32> to vector<1000x128xf32>
    %mul3A_11 = arith.mulf %mul3A, %get3A_10 : vector<1000x128xf32>
    %swap3A = arith.constant 0 : index
    %swap3A_12 = arith.constant 0 : index
    %swap3A_13 = vector.load %arg3[%swap3A, %swap3A_12] : memref<1000x128xf32, #tpu.memory_space<vmem>>, vector<1000x128xf32>
    tpu.vector_store %arg3[%swap3A, %swap3A_12], %mul3A_11 {strides = array<i32>} : memref<1000x128xf32, #tpu.memory_space<vmem>>, vector<1000x128xf32>,
    return
  }
  func.func @transform_0(%arg0: i32) -> (i32, i32, i32) {
    %c0_i32 = arith.constant 0 : i32
    %c0_i32_0 = arith.constant 0 : i32
    %c0_i32_1 = arith.constant 0 : i32
    return %c0_i32, %arg0, %c0_i32_0 : i32, i32, i32
  }
  func.func @transform_1(%arg0: i32) -> (i32, i32) {
    %c0_i32 = arith.constant 0 : i32
    %c0_i32_0 = arith.constant 0 : i32
    return %arg0, %c0_i32 : i32, i32
  }
  func.func @transform_2(%arg0: i32) -> (i32, i32) {
    %c0_i32 = arith.constant 0 : i32
    %c0_i32_0 = arith.constant 0 : i32
    return %arg0, %c0_i32 : i32, i32
  }
}

module attributes {stable_mosaic.version = 14 : i64} {
  func.func @_layer_body(%arg0: i32, %arg1: memref<2x1000x16xf32, #tpu.memory_space<vmem>>, %arg2: memref<2x1000x128xf32, #tpu.memory_space<vmem>>, %arg3: memref<1000x128xf32, #tpu.memory_space<vmem>>, %arg4: memref<128x128xf32, #tpu.memory_space<vmem>>, %arg5: memref<1x128xf32, #tpu.memory_space<vmem>>, %arg6: memref<1000x128xf32, #tpu.memory_space<vmem>>) attributes {dimension_semantics = [#tpu.dimension_semantics<arbitrary>], iteration_bounds = array<i64: 10>, scalar_prefetch = 0 : i64, scratch_operands = 0 : i64, tpu.core_type = #tpu.core_type<tc>, window_params = [{transform_indices = @transform_0, window_bounds = array<i64: 2, 1000, 16>}, {transform_indices = @transform_1, window_bounds = array<i64: 2, 1000, 128>}, {transform_indices = @transform_2, window_bounds = array<i64: 1000, 128>}, {pipeline_mode = #tpu.pipeline_mode<synchronous>, transform_indices = @transform_3, window_bounds = array<i64: 128, 128>}, {pipeline_mode = #tpu.pipeline_mode<synchronous>, transform_indices = @transform_4, window_bounds = array<i64: 1, 128>}, {transform_indices = @transform_5, window_bounds = array<i64: 1000, 128>}]} {
    %get3A = arith.constant 0 : index
    %get3A_0 = arith.constant 0 : index
    %get3A_1 = arith.constant 0 : index
    %get3A_2 = vector.load %arg1[%get3A, %get3A_0, %get3A_1] : memref<2x1000x16xf32, #tpu.memory_space<vmem>>, vector<2x1000x16xf32>
    %slice3A = vector.extract_strided_slice %get3A_2 {offsets = [0, 0, 0], sizes = [1, 1000, 1], strides = [1, 1, 1]} : vector<2x1000x16xf32> to vector<1x1000x1xf32>
    %squeeze3A = vector.shape_cast %slice3A : vector<1x1000x1xf32> to vector<1000xf32>
    %slice3A_3 = vector.extract_strided_slice %get3A_2 {offsets = [1, 0, 0], sizes = [1, 1000, 1], strides = [1, 1, 1]} : vector<2x1000x16xf32> to vector<1x1000x1xf32>
    %squeeze3A_4 = vector.shape_cast %slice3A_3 : vector<1x1000x1xf32> to vector<1000xf32>
    %add3A = arith.addf %squeeze3A, %squeeze3A_4 : vector<1000xf32>
    %add3A_5 = arith.constant 1.000000e+00 : f32
    %add3A_6 = vector.broadcast %add3A_5 : f32 to vector<1000xf32>
    %add3A_7 = arith.addf %add3A, %add3A_6 : vector<1000xf32>
    %rsqrt3A = math.rsqrt %add3A_7 : vector<1000xf32>
    %get3A_8 = arith.constant 0 : index
    %get3A_9 = arith.constant 0 : index
    %get3A_10 = arith.constant 0 : index
    %get3A_11 = vector.load %arg2[%get3A_8, %get3A_9, %get3A_10] : memref<2x1000x128xf32, #tpu.memory_space<vmem>>, vector<2x1000x128xf32>
    %slice3A_12 = vector.extract_strided_slice %get3A_11 {offsets = [0, 0, 0], sizes = [1, 1000, 128], strides = [1, 1, 1]} : vector<2x1000x128xf32> to vector<1x1000x128xf32>
    %squeeze3A_13 = vector.shape_cast %slice3A_12 : vector<1x1000x128xf32> to vector<1000x128xf32>
    %slice3A_14 = vector.extract_strided_slice %get3A_11 {offsets = [1, 0, 0], sizes = [1, 1000, 128], strides = [1, 1, 1]} : vector<2x1000x128xf32> to vector<1x1000x128xf32>
    %squeeze3A_15 = vector.shape_cast %slice3A_14 : vector<1x1000x128xf32> to vector<1000x128xf32>
    %add3A_16 = arith.addf %squeeze3A_13, %squeeze3A_15 : vector<1000x128xf32>
    %get3A_17 = arith.constant 0 : index
    %get3A_18 = arith.constant 0 : index
    %get3A_19 = vector.load %arg3[%get3A_17, %get3A_18] : memref<1000x128xf32, #tpu.memory_space<vmem>>, vector<1000x128xf32>
    %add3A_20 = arith.addf %add3A_16, %get3A_19 : vector<1000x128xf32>
    %broadcast_in_dim3A = vector.shape_cast %rsqrt3A : vector<1000xf32> to vector<1000x1xf32>
    %mul3A = vector.broadcast %broadcast_in_dim3A : vector<1000x1xf32> to vector<1000x128xf32>
    %mul3A_21 = arith.mulf %mul3A, %add3A_20 : vector<1000x128xf32>
    %get3A_22 = arith.constant 0 : index
    %get3A_23 = arith.constant 0 : index
    %get3A_24 = vector.load %arg5[%get3A_22, %get3A_23] : memref<1x128xf32, #tpu.memory_space<vmem>>, vector<1x128xf32>
    %add3A_25 = vector.broadcast %get3A_24 : vector<1x128xf32> to vector<1000x128xf32>
    %add3A_26 = arith.addf %mul3A_21, %add3A_25 : vector<1000x128xf32>
    %max3A = arith.constant 0.000000e+00 : f32
    %max3A_27 = vector.broadcast %max3A : f32 to vector<1000x128xf32>
    %max3A_28 = arith.maximumf %add3A_26, %max3A_27 : vector<1000x128xf32>
    %broadcast_in_dim3A_29 = vector.shape_cast %rsqrt3A : vector<1000xf32> to vector<1000x1xf32>
    %get3A_30 = arith.constant 0 : index
    %get3A_31 = arith.constant 0 : index
    %get3A_32 = vector.load %arg4[%get3A_30, %get3A_31] : memref<128x128xf32, #tpu.memory_space<vmem>>, vector<128x128xf32>
    %dot_general3A = arith.constant dense<0.000000e+00> : vector<1000x128xf32>
    %dot_general3A_33 = tpu.matmul %max3A_28, %get3A_32, %dot_general3A {dimension_numbers = #tpu.dot_dimension_numbers<[1], [0], [0], [1], [0, 0, 1, 1], [], []>, transpose_lhs_hint = false} : vector<1000x128xf32>, vector<128x128xf32>, vector<1000x128xf32> -> vector<1000x128xf32>
    %mul3A_34 = vector.broadcast %broadcast_in_dim3A_29 : vector<1000x1xf32> to vector<1000x128xf32>
    %mul3A_35 = arith.mulf %mul3A_34, %dot_general3A_33 : vector<1000x128xf32>
    %swap3A = arith.constant 0 : index
    %swap3A_36 = arith.constant 0 : index
    %swap3A_37 = vector.load %arg6[%swap3A, %swap3A_36] : memref<1000x128xf32, #tpu.memory_space<vmem>>, vector<1000x128xf32>
    tpu.vector_store %arg6[%swap3A, %swap3A_36], %mul3A_35 {strides = array<i32>} : memref<1000x128xf32, #tpu.memory_space<vmem>>, vector<1000x128xf32>,
    return
  }
  func.func @transform_0(%arg0: i32) -> (i32, i32, i32) {
    %c0_i32 = arith.constant 0 : i32
    %c0_i32_0 = arith.constant 0 : i32
    %c0_i32_1 = arith.constant 0 : i32
    return %c0_i32, %arg0, %c0_i32_0 : i32, i32, i32
  }
  func.func @transform_1(%arg0: i32) -> (i32, i32, i32) {
    %c0_i32 = arith.constant 0 : i32
    %c0_i32_0 = arith.constant 0 : i32
    %c0_i32_1 = arith.constant 0 : i32
    return %c0_i32, %arg0, %c0_i32_0 : i32, i32, i32
  }
  func.func @transform_2(%arg0: i32) -> (i32, i32) {
    %c0_i32 = arith.constant 0 : i32
    %c0_i32_0 = arith.constant 0 : i32
    return %arg0, %c0_i32 : i32, i32
  }
  func.func @transform_3(%arg0: i32) -> (i32, i32) {
    %c0_i32 = arith.constant 0 : i32
    %c0_i32_0 = arith.constant 0 : i32
    %c0_i32_1 = arith.constant 0 : i32
    return %c0_i32, %c0_i32_0 : i32, i32
  }
  func.func @transform_4(%arg0: i32) -> (i32, i32) {
    %c0_i32 = arith.constant 0 : i32
    %c0_i32_0 = arith.constant 0 : i32
    %c0_i32_1 = arith.constant 0 : i32
    return %c0_i32, %c0_i32_0 : i32, i32
  }
  func.func @transform_5(%arg0: i32) -> (i32, i32) {
    %c0_i32 = arith.constant 0 : i32
    %c0_i32_0 = arith.constant 0 : i32
    return %arg0, %c0_i32 : i32, i32
  }
}

module attributes {stable_mosaic.version = 14 : i64} {
  func.func @_final_body(%arg0: i32, %arg1: memref<2x1000x16xf32, #tpu.memory_space<vmem>>, %arg2: memref<2x1000x128xf32, #tpu.memory_space<vmem>>, %arg3: memref<1000x128xf32, #tpu.memory_space<vmem>>, %arg4: memref<1x128xf32, #tpu.memory_space<vmem>>, %arg5: memref<1000x1xi32, #tpu.memory_space<vmem>>, %arg6: memref<128x64xf32, #tpu.memory_space<vmem>>, %arg7: memref<1x64xf32, #tpu.memory_space<vmem>>, %arg8: memref<64x1xf32, #tpu.memory_space<vmem>>, %arg9: memref<1x1xf32, #tpu.memory_space<vmem>>, %arg10: memref<64x1xf32, #tpu.memory_space<vmem>>, %arg11: memref<64x128xf32, #tpu.memory_space<vmem>>, %arg12: memref<64x128xf32, #tpu.memory_space<vmem>>) attributes {dimension_semantics = [#tpu.dimension_semantics<arbitrary>], iteration_bounds = array<i64: 10>, scalar_prefetch = 0 : i64, scratch_operands = 2 : i64, tpu.core_type = #tpu.core_type<tc>, window_params = [{transform_indices = @transform_0, window_bounds = array<i64: 2, 1000, 16>}, {transform_indices = @transform_1, window_bounds = array<i64: 2, 1000, 128>}, {transform_indices = @transform_2, window_bounds = array<i64: 1000, 128>}, {pipeline_mode = #tpu.pipeline_mode<synchronous>, transform_indices = @transform_3, window_bounds = array<i64: 1, 128>}, {transform_indices = @transform_4, window_bounds = array<i64: 1000, 1>}, {pipeline_mode = #tpu.pipeline_mode<synchronous>, transform_indices = @transform_5, window_bounds = array<i64: 128, 64>}, {pipeline_mode = #tpu.pipeline_mode<synchronous>, transform_indices = @transform_6, window_bounds = array<i64: 1, 64>}, {pipeline_mode = #tpu.pipeline_mode<synchronous>, transform_indices = @transform_7, window_bounds = array<i64: 64, 1>}, {pipeline_mode = #tpu.pipeline_mode<synchronous>, transform_indices = @transform_8, window_bounds = array<i64: 1, 1>}, {pipeline_mode = #tpu.pipeline_mode<synchronous>, transform_indices = @transform_9, window_bounds = array<i64: 64, 1>}]} {
    %get3A = arith.constant 0 : index
    %get3A_0 = arith.constant 0 : index
    %get3A_1 = arith.constant 0 : index
    %get3A_2 = vector.load %arg1[%get3A, %get3A_0, %get3A_1] : memref<2x1000x16xf32, #tpu.memory_space<vmem>>, vector<2x1000x16xf32>
    %slice3A = vector.extract_strided_slice %get3A_2 {offsets = [0, 0, 0], sizes = [1, 1000, 1], strides = [1, 1, 1]} : vector<2x1000x16xf32> to vector<1x1000x1xf32>
    %squeeze3A = vector.shape_cast %slice3A : vector<1x1000x1xf32> to vector<1000xf32>
    %slice3A_3 = vector.extract_strided_slice %get3A_2 {offsets = [1, 0, 0], sizes = [1, 1000, 1], strides = [1, 1, 1]} : vector<2x1000x16xf32> to vector<1x1000x1xf32>
    %squeeze3A_4 = vector.shape_cast %slice3A_3 : vector<1x1000x1xf32> to vector<1000xf32>
    %add3A = arith.addf %squeeze3A, %squeeze3A_4 : vector<1000xf32>
    %add3A_5 = arith.constant 1.000000e+00 : f32
    %add3A_6 = vector.broadcast %add3A_5 : f32 to vector<1000xf32>
    %add3A_7 = arith.addf %add3A, %add3A_6 : vector<1000xf32>
    %rsqrt3A = math.rsqrt %add3A_7 : vector<1000xf32>
    %get3A_8 = arith.constant 0 : index
    %get3A_9 = arith.constant 0 : index
    %get3A_10 = arith.constant 0 : index
    %get3A_11 = vector.load %arg2[%get3A_8, %get3A_9, %get3A_10] : memref<2x1000x128xf32, #tpu.memory_space<vmem>>, vector<2x1000x128xf32>
    %slice3A_12 = vector.extract_strided_slice %get3A_11 {offsets = [0, 0, 0], sizes = [1, 1000, 128], strides = [1, 1, 1]} : vector<2x1000x128xf32> to vector<1x1000x128xf32>
    %squeeze3A_13 = vector.shape_cast %slice3A_12 : vector<1x1000x128xf32> to vector<1000x128xf32>
    %slice3A_14 = vector.extract_strided_slice %get3A_11 {offsets = [1, 0, 0], sizes = [1, 1000, 128], strides = [1, 1, 1]} : vector<2x1000x128xf32> to vector<1x1000x128xf32>
    %squeeze3A_15 = vector.shape_cast %slice3A_14 : vector<1x1000x128xf32> to vector<1000x128xf32>
    %add3A_16 = arith.addf %squeeze3A_13, %squeeze3A_15 : vector<1000x128xf32>
    %get3A_17 = arith.constant 0 : index
    %get3A_18 = arith.constant 0 : index
    %get3A_19 = vector.load %arg3[%get3A_17, %get3A_18] : memref<1000x128xf32, #tpu.memory_space<vmem>>, vector<1000x128xf32>
    %add3A_20 = arith.addf %add3A_16, %get3A_19 : vector<1000x128xf32>
    %broadcast_in_dim3A = vector.shape_cast %rsqrt3A : vector<1000xf32> to vector<1000x1xf32>
    %mul3A = vector.broadcast %broadcast_in_dim3A : vector<1000x1xf32> to vector<1000x128xf32>
    %mul3A_21 = arith.mulf %mul3A, %add3A_20 : vector<1000x128xf32>
    %get3A_22 = arith.constant 0 : index
    %get3A_23 = arith.constant 0 : index
    %get3A_24 = vector.load %arg4[%get3A_22, %get3A_23] : memref<1x128xf32, #tpu.memory_space<vmem>>, vector<1x128xf32>
    %add3A_25 = vector.broadcast %get3A_24 : vector<1x128xf32> to vector<1000x128xf32>
    %add3A_26 = arith.addf %mul3A_21, %add3A_25 : vector<1000x128xf32>
    %max3A = arith.constant 0.000000e+00 : f32
    %max3A_27 = vector.broadcast %max3A : f32 to vector<1000x128xf32>
    %max3A_28 = arith.maximumf %add3A_26, %max3A_27 : vector<1000x128xf32>
    %get3A_29 = arith.constant 0 : index
    %get3A_30 = arith.constant 0 : index
    %get3A_31 = vector.load %arg5[%get3A_29, %get3A_30] : memref<1000x1xi32, #tpu.memory_space<vmem>>, vector<1000x1xi32>
    %iota3A = tpu.iota {dimensions = array<i32: 1>} : vector<1000x64xi32>
    %eq3A = vector.broadcast %get3A_31 : vector<1000x1xi32> to vector<1000x64xi32>
    %eq3A_32 = arith.cmpi eq, %eq3A, %iota3A : vector<1000x64xi32>
    %jit3A = arith.constant 1.000000e+00 : f32
    %jit3A_33 = arith.constant 0.000000e+00 : f32
    %broadcast_in_dim3A_34 = vector.broadcast %jit3A : f32 to vector<1000x64xf32>
    %broadcast_in_dim3A_35 = vector.broadcast %jit3A_33 : f32 to vector<1000x64xf32>
    %select_n3A = arith.select %eq3A_32, %broadcast_in_dim3A_34, %broadcast_in_dim3A_35 : vector<1000x64xi1>, vector<1000x64xf32>
    %dot_general3A = arith.constant dense<0.000000e+00> : vector<64x128xf32>
    %dot_general3A_36 = tpu.matmul %select_n3A, %max3A_28, %dot_general3A {dimension_numbers = #tpu.dot_dimension_numbers<[0], [0], [1], [1], [0, 1, 1, 1], [], []>, transpose_lhs_hint = false} : vector<1000x64xf32>, vector<1000x128xf32>, vector<64x128xf32> -> vector<64x128xf32>
    %broadcast_in_dim3A_37 = arith.constant 1.000000e+00 : f32
    %broadcast_in_dim3A_38 = vector.broadcast %broadcast_in_dim3A_37 : f32 to vector<1000x128xf32>
    %dot_general3A_39 = arith.constant dense<0.000000e+00> : vector<64x128xf32>
    %dot_general3A_40 = tpu.matmul %select_n3A, %broadcast_in_dim3A_38, %dot_general3A_39 {dimension_numbers = #tpu.dot_dimension_numbers<[0], [0], [1], [1], [0, 1, 1, 1], [], []>, transpose_lhs_hint = false} : vector<1000x64xf32>, vector<1000x128xf32>, vector<64x128xf32> -> vector<64x128xf32>
    %eq3A_41 = arith.constant 0 : i32
    %eq3A_42 = arith.cmpi eq, %arg0, %eq3A_41 : i32
    %convert_element_type3A = arith.extui %eq3A_42 : i1 to i32
    %cond3A = arith.constant 0 : i32
    %cond3A_43 = arith.cmpi ne, %convert_element_type3A, %cond3A : i32
    scf.if %cond3A_43 {
      %broadcast_in_dim3A_62 = arith.constant 0.000000e+00 : f32
      %broadcast_in_dim3A_63 = vector.broadcast %broadcast_in_dim3A_62 : f32 to vector<64x128xf32>
      %swap3A_64 = arith.constant 0 : index
      %swap3A_65 = arith.constant 0 : index
      %swap3A_66 = vector.load %arg11[%swap3A_64, %swap3A_65] : memref<64x128xf32, #tpu.memory_space<vmem>>, vector<64x128xf32>
      tpu.vector_store %arg11[%swap3A_64, %swap3A_65], %broadcast_in_dim3A_63 {strides = array<i32>} : memref<64x128xf32, #tpu.memory_space<vmem>>, vector<64x128xf32>,
      %broadcast_in_dim3A_67 = arith.constant 0.000000e+00 : f32
      %broadcast_in_dim3A_68 = vector.broadcast %broadcast_in_dim3A_67 : f32 to vector<64x128xf32>
      %swap3A_69 = arith.constant 0 : index
      %swap3A_70 = arith.constant 0 : index
      %swap3A_71 = vector.load %arg12[%swap3A_69, %swap3A_70] : memref<64x128xf32, #tpu.memory_space<vmem>>, vector<64x128xf32>
      tpu.vector_store %arg12[%swap3A_69, %swap3A_70], %broadcast_in_dim3A_68 {strides = array<i32>} : memref<64x128xf32, #tpu.memory_space<vmem>>, vector<64x128xf32>,
    } else {
    }
    %get3A_44 = arith.constant 0 : index
    %get3A_45 = arith.constant 0 : index
    %get3A_46 = vector.load %arg11[%get3A_44, %get3A_45] : memref<64x128xf32, #tpu.memory_space<vmem>>, vector<64x128xf32>
    %add3A_47 = arith.addf %get3A_46, %dot_general3A_36 : vector<64x128xf32>
    %swap3A = arith.constant 0 : index
    %swap3A_48 = arith.constant 0 : index
    %swap3A_49 = vector.load %arg11[%swap3A, %swap3A_48] : memref<64x128xf32, #tpu.memory_space<vmem>>, vector<64x128xf32>
    tpu.vector_store %arg11[%swap3A, %swap3A_48], %add3A_47 {strides = array<i32>} : memref<64x128xf32, #tpu.memory_space<vmem>>, vector<64x128xf32>,
    %get3A_50 = arith.constant 0 : index
    %get3A_51 = arith.constant 0 : index
    %get3A_52 = vector.load %arg12[%get3A_50, %get3A_51] : memref<64x128xf32, #tpu.memory_space<vmem>>, vector<64x128xf32>
    %add3A_53 = arith.addf %get3A_52, %dot_general3A_40 : vector<64x128xf32>
    %swap3A_54 = arith.constant 0 : index
    %swap3A_55 = arith.constant 0 : index
    %swap3A_56 = vector.load %arg12[%swap3A_54, %swap3A_55] : memref<64x128xf32, #tpu.memory_space<vmem>>, vector<64x128xf32>
    tpu.vector_store %arg12[%swap3A_54, %swap3A_55], %add3A_53 {strides = array<i32>} : memref<64x128xf32, #tpu.memory_space<vmem>>, vector<64x128xf32>,
    %eq3A_57 = arith.constant 9 : i32
    %eq3A_58 = arith.cmpi eq, %arg0, %eq3A_57 : i32
    %convert_element_type3A_59 = arith.extui %eq3A_58 : i1 to i32
    %cond3A_60 = arith.constant 0 : i32
    %cond3A_61 = arith.cmpi ne, %convert_element_type3A_59, %cond3A_60 : i32
    scf.if %cond3A_61 {
      %get3A_62 = arith.constant 0 : index
      %get3A_63 = arith.constant 0 : index
      %get3A_64 = vector.load %arg11[%get3A_62, %get3A_63] : memref<64x128xf32, #tpu.memory_space<vmem>>, vector<64x128xf32>
      %get3A_65 = arith.constant 0 : index
      %get3A_66 = arith.constant 0 : index
      %get3A_67 = vector.load %arg12[%get3A_65, %get3A_66] : memref<64x128xf32, #tpu.memory_space<vmem>>, vector<64x128xf32>
      %max3A_68 = arith.constant 1.000000e+00 : f32
      %max3A_69 = vector.broadcast %max3A_68 : f32 to vector<64x128xf32>
      %max3A_70 = arith.maximumf %get3A_67, %max3A_69 : vector<64x128xf32>
      %div3A = arith.divf %get3A_64, %max3A_70 : vector<64x128xf32>
      %get3A_71 = arith.constant 0 : index
      %get3A_72 = arith.constant 0 : index
      %get3A_73 = vector.load %arg6[%get3A_71, %get3A_72] : memref<128x64xf32, #tpu.memory_space<vmem>>, vector<128x64xf32>
      %dot_general3A_74 = arith.constant dense<0.000000e+00> : vector<64x64xf32>
      %dot_general3A_75 = tpu.matmul %div3A, %get3A_73, %dot_general3A_74 {dimension_numbers = #tpu.dot_dimension_numbers<[1], [0], [0], [1], [0, 0, 1, 1], [], []>, transpose_lhs_hint = false} : vector<64x128xf32>, vector<128x64xf32>, vector<64x64xf32> -> vector<64x64xf32>
      %get3A_76 = arith.constant 0 : index
      %get3A_77 = arith.constant 0 : index
      %get3A_78 = vector.load %arg7[%get3A_76, %get3A_77] : memref<1x64xf32, #tpu.memory_space<vmem>>, vector<1x64xf32>
      %add3A_79 = vector.broadcast %get3A_78 : vector<1x64xf32> to vector<64x64xf32>
      %add3A_80 = arith.addf %dot_general3A_75, %add3A_79 : vector<64x64xf32>
      %max3A_81 = arith.constant 0.000000e+00 : f32
      %max3A_82 = vector.broadcast %max3A_81 : f32 to vector<64x64xf32>
      %max3A_83 = arith.maximumf %add3A_80, %max3A_82 : vector<64x64xf32>
      %get3A_84 = arith.constant 0 : index
      %get3A_85 = arith.constant 0 : index
      %get3A_86 = vector.load %arg8[%get3A_84, %get3A_85] : memref<64x1xf32, #tpu.memory_space<vmem>>, vector<64x1xf32>
      %dot_general3A_87 = arith.constant dense<0.000000e+00> : vector<64x1xf32>
      %dot_general3A_88 = tpu.matmul %max3A_83, %get3A_86, %dot_general3A_87 {dimension_numbers = #tpu.dot_dimension_numbers<[1], [0], [0], [1], [0, 0, 1, 1], [], []>, transpose_lhs_hint = false} : vector<64x64xf32>, vector<64x1xf32>, vector<64x1xf32> -> vector<64x1xf32>
      %get3A_89 = arith.constant 0 : index
      %get3A_90 = arith.constant 0 : index
      %get3A_91 = vector.load %arg9[%get3A_89, %get3A_90] : memref<1x1xf32, #tpu.memory_space<vmem>>, vector<1x1xf32>
      %add3A_92 = vector.broadcast %get3A_91 : vector<1x1xf32> to vector<64x1xf32>
      %add3A_93 = arith.addf %dot_general3A_88, %add3A_92 : vector<64x1xf32>
      %swap3A_94 = arith.constant 0 : index
      %swap3A_95 = arith.constant 0 : index
      %swap3A_96 = vector.load %arg10[%swap3A_94, %swap3A_95] : memref<64x1xf32, #tpu.memory_space<vmem>>, vector<64x1xf32>
      tpu.vector_store %arg10[%swap3A_94, %swap3A_95], %add3A_93 {strides = array<i32>} : memref<64x1xf32, #tpu.memory_space<vmem>>, vector<64x1xf32>,
    } else {
    }
    return
  }
  func.func @transform_0(%arg0: i32) -> (i32, i32, i32) {
    %c0_i32 = arith.constant 0 : i32
    %c0_i32_0 = arith.constant 0 : i32
    %c0_i32_1 = arith.constant 0 : i32
    return %c0_i32, %arg0, %c0_i32_0 : i32, i32, i32
  }
  func.func @transform_1(%arg0: i32) -> (i32, i32, i32) {
    %c0_i32 = arith.constant 0 : i32
    %c0_i32_0 = arith.constant 0 : i32
    %c0_i32_1 = arith.constant 0 : i32
    return %c0_i32, %arg0, %c0_i32_0 : i32, i32, i32
  }
  func.func @transform_2(%arg0: i32) -> (i32, i32) {
    %c0_i32 = arith.constant 0 : i32
    %c0_i32_0 = arith.constant 0 : i32
    return %arg0, %c0_i32 : i32, i32
  }
  func.func @transform_3(%arg0: i32) -> (i32, i32) {
    %c0_i32 = arith.constant 0 : i32
    %c0_i32_0 = arith.constant 0 : i32
    %c0_i32_1 = arith.constant 0 : i32
    return %c0_i32, %c0_i32_0 : i32, i32
  }
  func.func @transform_4(%arg0: i32) -> (i32, i32) {
    %c0_i32 = arith.constant 0 : i32
    %c0_i32_0 = arith.constant 0 : i32
    return %arg0, %c0_i32 : i32, i32
  }
  func.func @transform_5(%arg0: i32) -> (i32, i32) {
    %c0_i32 = arith.constant 0 : i32
    %c0_i32_0 = arith.constant 0 : i32
    %c0_i32_1 = arith.constant 0 : i32
    return %c0_i32, %c0_i32_0 : i32, i32
  }
  func.func @transform_6(%arg0: i32) -> (i32, i32) {
    %c0_i32 = arith.constant 0 : i32
    %c0_i32_0 = arith.constant 0 : i32
    %c0_i32_1 = arith.constant 0 : i32
    return %c0_i32, %c0_i32_0 : i32, i32
  }
  func.func @transform_7(%arg0: i32) -> (i32, i32) {
    %c0_i32 = arith.constant 0 : i32
    %c0_i32_0 = arith.constant 0 : i32
    %c0_i32_1 = arith.constant 0 : i32
    return %c0_i32, %c0_i32_0 : i32, i32
  }
  func.func @transform_8(%arg0: i32) -> (i32, i32) {
    %c0_i32 = arith.constant 0 : i32
    %c0_i32_0 = arith.constant 0 : i32
    %c0_i32_1 = arith.constant 0 : i32
    return %c0_i32, %c0_i32_0 : i32, i32
  }
  func.func @transform_9(%arg0: i32) -> (i32, i32) {
    %c0_i32 = arith.constant 0 : i32
    %c0_i32_0 = arith.constant 0 : i32
    %c0_i32_1 = arith.constant 0 : i32
    return %c0_i32, %c0_i32_0 : i32, i32
  }
}

</mosaic_0001>

<sc_bundles>
// kernel: kernel.12.cloned.1.call-start
scs
__scs_entry_jumppad:
0x0: {  	(pc) =	sbr.rel $0x88, $3  }
0x1: {  	(tag) =	ssettag $0x0;
	lr =	simm.s32 $0x1  }
0x2: {  	[smem:$0x3F96] =	sst lr;
	_ =	strace $0xD0000000  }
0x3: {  	_ = 	snop  }
0x4: {  	_ = 	snop  }
0x5: {  	_ = 	snop  }
0x6: {  	_ = 	snop  }
0x7: {  	_ = 	snop  }
__scs_overlays_trampoline_lowered:
0x8: {  	[smem:$0x3FA5] =	sst s0  }
0x9: {  	[smem:$0x3FA6] =	sst s1  }
0xa: {  	[smem:$0x3FA7] =	sst s2  }
0xb: {  	[smem:$0x3FA8] =	sst s3  }
0xc: {  	[smem:$0x3FA9] =	sst s4  }
0xd: {  	[smem:$0x3FAA] =	sst s5  }
0xe: {  	[smem:$0x3FAB] =	sst s6  }
0xf: {  	[smem:$0x3FAC] =	sst s7  }
0x10: {  	[smem:$0x3FAD] =	sst s8  }
0x11: {  	[smem:$0x3FAE] =	sst s9;
	s0 =	simm.s32 @!p0 $0x0  }
0x12: {  	s1 =	sld [smem:$0x3F94];
	s0 =	simm.s32 @p0 $0x1  }
0x13: {  	[smem:$0x3FAF] =	sst s0;
	s0 =	simm.s32 @!p1 $0x0  }
0x14: {  	s2 =	sld [smem:$0x3F93];
	s0 =	simm.s32 @p1 $0x1  }
0x15: {  	[smem:$0x3FB0] =	sst s0;
	s0 =	simm.s32 @!p2 $0x0  }
0x16: {  	s3 =	sld [smem:$0x3FDB];
	s0 =	simm.s32 @p2 $0x1  }
0x17: {  	s4 =	simm.s32 $0x1BF5;
	[smem:$0x3FB2] =	sst s0  }
0x18: {  	s0 =	sld [smem:$0x3F95];
	_ =	swait.ge [sflag:s4], $0x0  }
0x19: {  	s7 =	sld [smem:$0x3F96]  }
0x1a: {  	s8 =	sadd.s32 $0xFFFFE003, lr  }
0x1b: {  	s9 =	sadd.s32 $0xFFFFFEF7, lr;
	s5 =	simm.s32 $0xFFFFFFFF;
	p2 =	slt.u32 s8, $0xFFFFF086  }
0x1c: {  	p1 =	slt.u32 s9, $0xF7A;
	s5 =	simm.s32 @!p2 $0x0  }
0x1d: {  	s5 =	simm.s32 @p1 $0x1;
	p0 =	seq.s32 s7, s2  }
0x1e: {  	s7 =	smul.u32 @!p0 $0xF7A, s2;
	p2 =	seq.s32 @!p0 s5, $0x0  }
0x1f: {  	s9 =	smul.u32 $0xF7A, s1;
	s8 =	simm.s32 @!p0 $0x1BF5;
	p2 =	por !p2, p0  }
0x20: {  	[sflag:s8] =	ssyncset.s32 @!p0 $0xFFFFF086;
	s6 =	sadd.s32 @!p0 s3, s7;
	s7 =	simm.s32 @!p0 $0x108  }
0x21: {  	s3 =	sadd.s32 s3, s9;
	s6 =	sadd.s32 @!p0 $0x88, s6;
	s7 =	simm.s32 @p2 $0x1082  }
0x22: {  	[simem:s7], [sflag:s8] =	dma.local @!p0 [hbm:s6], $0xF7A  }
0x23: {  	s9 =	sor.u32 $0xD0000000, s2;
	s6 =	simm.s32 $0x108;
	_ =	swait.ge @!p0 [sflag:s8], $0x0  }
0x24: {  	s3 =	sadd.s32 $0x88, s3;
	s6 =	simm.s32 @!p1 $0x1082;
	[sflag:s4] =	ssyncset.s32 $0xFFFFF086  }
0x25: {  	[simem:s6], [sflag:s4] =	dma.local [hbm:s3], $0xF7A  }
0x26: {  	[smem:$0x3F96] =	sst s1;
	(tag) =	ssettag s2;
	_ =	strace s9  }
0x27: {  	s1 =	sld [smem:$0x3FA6]  }
0x28: {  	s2 =	sld [smem:$0x3FA7]  }
0x29: {  	s4 =	sld [smem:$0x3FA9]  }
0x2a: {  	p0 =	seq.s32 s5, $0x0;
	s5 =	sld [smem:$0x3FAA]  }
0x2b: {  	s6 =	sld [smem:$0x3FAB]  }
0x2c: {  	s7 =	sld [smem:$0x3FAC]  }
0x2d: {  	s3 =	simm.s32 $0x108;
	s8 =	sld [smem:$0x3FAD]  }
0x2e: {  	s3 =	simm.s32 @!p0 $0x1082;
	s9 =	sld [smem:$0x3FAE]  }
0x2f: {  	lr =	sadd.s32 s0, s3;
	s0 =	sld [smem:$0x3FA5]  }
0x30: {  	s3 =	sld [smem:$0x3FA8]  }
0x31: {  	[smem:$0x3FB1] =	sst s10  }
0x32: {  	s10 =	sld [smem:$0x3FAF];
	_ =	sdelay $0x3  }
0x33: {  	p0 =	seq.s32 s10, $0x1;
	s10 =	sld [smem:$0x3FB1];
	_ =	sdelay $0x3  }
0x34: {  	[smem:$0x3FB1] =	sst s10  }
0x35: {  	s10 =	sld [smem:$0x3FB0];
	_ =	sdelay $0x3  }
0x36: {  	p1 =	seq.s32 s10, $0x1;
	s10 =	sld [smem:$0x3FB1];
	_ =	sdelay $0x3  }
0x37: {  	[smem:$0x3FB1] =	sst s10  }
0x38: {  	s10 =	sld [smem:$0x3FB2]  }
0x39: {  	_ = 	snop;
	(pc) =	sbr.ind lr, $3  }
0x3a: {  	_ = 	snop  }
0x3b: {  	_ = 	snop  }
0x3c: {  	p2 =	seq.s32 s10, $0x1;
	s10 =	sld [smem:$0x3FB1]  }
0x3d: {  	_ =	shalt  }
0x3e: {  	_ =	shalt  }
0x3f: {  	_ =	shalt  }
0x40: {  	_ =	shalt  }
0x41: {  	_ =	shalt  }
0x42: {  	_ =	shalt  }
0x43: {  	_ =	shalt  }
0x44: {  	_ =	shalt  }
0x45: {  	_ =	shalt  }
0x46: {  	_ =	shalt  }
0x47: {  	_ =	shalt  }
0x48: {  	_ =	shalt  }
0x49: {  	_ =	shalt  }
0x4a: {  	_ =	shalt  }
0x4b: {  	_ =	shalt  }
0x4c: {  	_ =	shalt  }
0x4d: {  	_ =	shalt  }
0x4e: {  	_ =	shalt  }
0x4f: {  	_ =	shalt  }
0x50: {  	_ =	shalt  }
0x51: {  	_ =	shalt  }
0x52: {  	_ =	shalt  }
0x53: {  	_ =	shalt  }
0x54: {  	_ =	shalt  }
0x55: {  	_ =	shalt  }
0x56: {  	_ =	shalt  }
0x57: {  	_ =	shalt  }
0x58: {  	_ =	shalt  }
0x59: {  	_ =	shalt  }
0x5a: {  	_ =	shalt  }
0x5b: {  	_ =	shalt  }
0x5c: {  	_ =	shalt  }
0x5d: {  	_ =	shalt  }
0x5e: {  	_ =	shalt  }
0x5f: {  	_ =	shalt  }
0x60: {  	_ =	shalt  }
0x61: {  	_ =	shalt  }
0x62: {  	_ =	shalt  }
0x63: {  	_ =	shalt  }
0x64: {  	_ =	shalt  }
0x65: {  	_ =	shalt  }
0x66: {  	_ =	shalt  }
0x67: {  	_ =	shalt  }
0x68: {  	_ =	shalt  }
0x69: {  	_ =	shalt  }
0x6a: {  	_ =	shalt  }
0x6b: {  	_ =	shalt  }
0x6c: {  	_ =	shalt  }
0x6d: {  	_ =	shalt  }
0x6e: {  	_ =	shalt  }
0x6f: {  	_ =	shalt  }
0x70: {  	_ =	shalt  }
0x71: {  	_ =	shalt  }
0x72: {  	_ =	shalt  }
0x73: {  	_ =	shalt  }
0x74: {  	_ =	shalt  }
0x75: {  	_ =	shalt  }
0x76: {  	_ =	shalt  }
0x77: {  	_ =	shalt  }
0x78: {  	_ =	shalt  }
0x79: {  	_ =	shalt  }
0x7a: {  	_ =	shalt  }
0x7b: {  	_ =	shalt  }
0x7c: {  	_ =	shalt  }
0x7d: {  	_ =	shalt  }
0x7e: {  	_ =	shalt  }
0x7f: {  	_ =	shalt  }
0x80: {  	_ =	shalt  }
0x81: {  	_ =	shalt  }
0x82: {  	_ =	shalt  }
0x83: {  	_ =	shalt  }
0x84: {  	_ =	shalt  }
0x85: {  	_ =	shalt  }
0x86: {  	_ =	shalt  }
0x87: {  	_ =	shalt  }
.Lfunc_end0:
.L_simem_size_0:
called_computation.1_lowered:
.L_overlay_start_0:
0x88: {  	s2 =	sld [smem:$0x3FD9]  }
0x89: {  	s3 =	sld [smem:$0x3FFE];
	_ =	sdelay $0x1  }
0x8a: {  	s1 =	srdreg.scid  }
0x8b: {  	s0 =	sand.u32 $0x1, s1  }
0x8c: {  	s16 =	sshll.u32 s0, $0xA;
	s2 =	sadd.s32 s3, s2  }
0x8d: {  	s2 =	sadd.s32 s2, s16  }
0x8e: {  	[smem:$0x3FBD] =	sst s2  }
0x8f: {  	_ = 	snop  }
0x90: {  	(tm) =	ssettm $0x1  }
0x91: {  	s17 =	sld [smem:$0x3FFB];
	_ =	sdelay $0x3  }
0x92: {  	_ =	strace s17  }
0x93: {  	s2 =	sld [smem:$0x3FFC];
	_ =	sdelay $0x3  }
0x94: {  	_ =	strace s2  }
0x95: {  	s2 =	sld [smem:$0x3FFD];
	_ =	sdelay $0x3  }
0x96: {  	_ =	strace s2  }
0x97: {  	_ =	strace $0x8FFFFFFF  }
0x98: {  	s18 =	sld [smem:$0x3FDB];
	_ =	sdelay $0x1  }
0x99: {  	s19 =	simm.s32 $_scs_section_size  }
0x9a: {  	s4 =	simm.s32 $_size__tile_overlayer_lowered;
	s5 =	simm.s32 $_tile_overlayer_lowered  }
0x9b: {  	s22 =	simm.s32 $0x1BFF;
	s21 =	sshll.u32 s5, $0x1;
	s2 =	sadd.s32 s19, s18  }
0x9c: {  	s6 =	simm.s32 $0x0;
	s20 =	sshll.u32 s4, $0x1;
	s4 =	sadd.s32 s21, s2  }
0x9d: {  	[timem:s6], [sflag:s22] =	dma.local [hbm:s4], s20  }
0x9e: {  	_ =	swait.ge [sflag:s22], s20  }
0x9f: {  	s3 =	ssub.s32 $0x0, s20;
	[sflag:s22] =	ssyncset.done $0x0  }
0xa0: {  	[sflag:s22] =	ssyncadd.s32 s3;
	_ =	sdelay $0x1  }
0xa1: {  	s23 =	simm.s32 $0x1B8B  }
0xa2: {  	_ =	swait.ge [sflag:s23], $0x1  }
0xa3: {  	[sflag:s23] =	ssyncset.done $0x0  }
0xa4: {  	s25 =	simm.s32 $0x1B8E;
	s24 =	sld [smem:$0x3FFE];
	[sflag:s23] =	ssyncadd.s32 $0xFFFFFFFF  }
0xa5: {  	s26 =	simm.s32 $execute0_lowered;
	[smem:$0x3FD2] =	sst s25  }
0xa6: {  	s4 =	sshll.u32 s26, $0x1;
	_ =	strace $0x80000049;
	[dreg:$0x1] =	wrdreg $0xFFFFFFFF  }
0xa7: {  	s28 =	simm.s32 $_size_execute0_lowered;
	s2 =	sadd.s32 s2, s4;
	[dreg:$0x0] =	wrdreg $0x0  }
0xa8: {  	s4 =	sshll.u32 s28, $0x1;
	[dreg:$0x2] =	wrdreg s2  }
0xa9: {  	[dreg:$0x3] =	wrdreg s4  }
0xaa: {  	[dreg:$0x4] =	wrdreg $0xC0  }
0xab: {  	_ =	task [dreg:s6], $0x5FFFF  }
0xac: {  	[dreg:$0x1] =	wrdreg $0xFFFFFFFF  }
0xad: {  	[dreg:$0x0] =	wrdreg $0x60  }
0xae: {  	[dreg:$0x2] =	wrdreg s24  }
0xaf: {  	[dreg:$0x3] =	wrdreg $0x98000  }
0xb0: {  	[dreg:$0x4] =	wrdreg $0x9  }
0xb1: {  	_ =	task.clear_ibuf [dreg:s6], $0x5FFFF;
	_ =	strace $0x90000049  }
0xb2: {  	s29 =	simm.s32 $0x9;
	_ =	strace $0x8000004B  }
0xb3: {  	_ =	swait.ge [sflag:s29], $0x1  }
0xb4: {  	[sflag:s29] =	ssyncadd.s32 $0xFFFFFFFF  }
0xb5: {  	_ =	strace $0x9000004B  }
0xb6: {  	_ =	sfence  }
0xb7: {  	s30 =	sld [smem:$0x0];
	_ =	sdelay $0x2  }
0xb8: {  	s31 =	sshll.u32 s1, $0xD;
	s1 =	sshrl.u32 s1, $0x2  }
0xb9: {  	s3 =	sand.u32 $0x4000, s31;
	s1 =	sadd.s32 s1, s30  }
0xba: {  	s0 =	sor.u32 s3, s0;
	s1 =	sshll.u32 s1, $0x11  }
0xbb: {  	s0 =	sor.u32 s1, s0  }
0xbc: {  	s0 =	sadd.s32 $0x8F2B, s0  }
0xbd: {  	[sflag:s0] =	ssyncadd.remote.s32 $0x1  }
0xbe: {  	_ =	sfence.sel $0xFFFF  }
0xbf: {  	[dreg:$0x0] =	wrdreg $0xFFFFFFFF;
	(pc) =	sbr.abs _section_cstart, $3  }
0xc0: {  	[dreg:$0x1] =	wrdreg $0xFFFFFFFF  }
0xc1: {  	_ =	task.clear_ibuf [dreg:s6], $0x2FFFF;
	_ =	strace $0x9FFFFFFF  }
0xc2: {  	(tm) =	ssettm $0x7FFFFFFF  }
0xc3: {  	_ =	shalt  }
tec
execute0_lowered:
.L_overlay_start_1:
0x0: {  	(tag) =	ssettag $0x1  }
0x1: {  	s0 =	rddreg [dreg:$0x0]  }
0x2: {  	s1 =	rddreg [dreg:$0x1]  }
0x3: {  	s3 =	simm.s32 $0x0;
	s2 =	srdreg.scid;
	s28 =	simm.s32 $0x7C00  }
0x4: {  	s29 =	simm.s32 $0x1;
	s30 =	simm.s32 $0x2;
	s31 =	simm.s32 $0x3  }
0x5: {  	[smem:$0x7FF] =	sst s3;
	s5 =	sand.u32 $0x1, s2;
	s2 =	stileid.u32  }
0x6: {  	s8 =	sadd.s32 $0x82200, s0;
	s9 =	sadd.s32 $0x69200, s0;
	s6 =	smul.u32 $0x138800, s5  }
0x7: {  	s4 =	sshll.u32 s5, $0x4;
	_ =	strace $0x8000004A;
	s7 =	smul.u32 $0x1400, s2  }
0x8: {  	s5 =	ssub.s32 $0x2, s5;
	s23 =	smul.u32 $0x5000, s2;
	s4 =	sor.u32 s2, s4  }
0x9: {  	s15 =	sshrl.u32 s5, $0x1;
	s10 =	smul.u32 $0x6400, s4;
	s4 =	sadd.s32 $0x2000, s0  }
0xa: {  	s6 =	sadd.s32 s7, s6;
	s5 =	ssub.s32 s5, s15;
	s26 =	sshrl.u32 s23, $0x2  }
0xb: {  	s23 =	simm.s32 $0x4400;
	s7 =	simm.s32 $0x2700;
	s6 =	sshrl.u32 s6, $0x3  }
0xc: {  	s5 =	smax.u32 s5, $0x1;
	s10 =	sshrl.u32 s10, $0x3;
	s0 =	sadd.s32 s6, s0  }
0xd: {  	[dreg:$0xd] =	wrdreg s5;
	s5 =	simm.s32 $0x2600;
	s16 =	sadd.s32 s8, s10  }
0xe: {  	s17 =	sadd.s32 s9, s10;
	s18 =	sadd.s32 $0x280, s10;
	s19 =	sadd.s32 $0x500, s10  }
0xf: {  	s22 =	sadd.s32 $0x780, s10;
	s25 =	sadd.s32 $0xA00, s10;
	[dreg:$0x3] =	wrdreg s16  }
0x10: {  	[dreg:$0x4] =	wrdreg s17;
	s11 =	sadd.s32 s8, s18;
	s6 =	sadd.s32 s9, s18  }
0x11: {  	s20 =	sadd.s32 s8, s19;
	s21 =	sadd.s32 s9, s19;
	[dreg:$0x5] =	wrdreg s11  }
0x12: {  	s24 =	sadd.s32 s8, s22;
	s8 =	sadd.s32 s8, s25;
	[dreg:$0x6] =	wrdreg s6  }
0x13: {  	s16 =	sadd.s32 s26, s1;
	s17 =	sadd.s32 $0x9B200, s0;
	[dreg:$0x7] =	wrdreg s20  }
0x14: {  	s18 =	simm.s32 $0x5;
	s19 =	simm.s32 $0x1400;
	[dreg:$0x8] =	wrdreg s21  }
0x15: {  	s26 =	simm.s32 $0x180;
	s0 =	simm.s32 $0x4;
	[dreg:$0x9] =	wrdreg s24  }
0x16: {  	s6 =	sadd.s32 s9, s22;
	[dreg:$0xb] =	wrdreg s8;
	s20 =	simm.s32 $0x32  }
0x17: {  	s21 =	simm.s32 $0x2800;
	s22 =	simm.s32 $0x80;
	s24 =	simm.s32 $0x100  }
0x18: {  	s8 =	simm.s32 $0x2780;
	[dreg:$0xa] =	wrdreg s6;
	s6 =	sadd.s32 s9, s25  }
0x19: {  	v0 =	vimm.f32 $0.0e+00;
	s25 =	simm.s32 $0x6000;
	[dreg:$0xc] =	wrdreg s6;
	s6 =	simm.s32 $0x2680  }
.LBB2_1:
0x1a: {  	s9 =	simm.s32 $0x0;
	s10 =	simm.s32 $0x200  }
.LBB2_2:
0x1b: {  	p0 =	sne.s32 s10, $0x4E00;
	[tilespmem:s9+$0x2870] =	vst v0  }
0x1c: {  	[tilespmem:s9+$0x2800] =	vst v0  }
0x1d: {  	[tilespmem:s9+$0x2810] =	vst v0  }
.Ltmp0:
0x1e: {  	[tilespmem:s9+$0x2820] =	vst v0;
	(pc) =	sbr.rel @p0 .LBB2_2-.Ltmp0, $4  }
0x1f: {  	[tilespmem:s9+$0x2830] =	vst v0  }
0x20: {  	[tilespmem:s9+$0x2840] =	vst v0  }
0x21: {  	[tilespmem:s9+$0x2850] =	vst v0  }
0x22: {  	[tilespmem:s9+$0x2860] =	vst v0;
	s9 =	sshra.s32 s10, $0x2;
	s10 =	sadd.s32 $0x200, s10  }
0x23: {  	[tilespmem:s9+$0x2870] =	vst v0  }
0x24: {  	[tilespmem:s9+$0x2800] =	vst v0  }
0x25: {  	[tilespmem:s9+$0x2810] =	vst v0  }
0x26: {  	[tilespmem:s9+$0x2820] =	vst v0  }
0x27: {  	[tilespmem:s9+$0x2830] =	vst v0  }
0x28: {  	[tilespmem:s9+$0x2840] =	vst v0;
	s10 =	sadd.s32 $0x0, s2  }
0x29: {  	[tilespmem:s9+$0x2850] =	vst v0;
	p0 =	sgt.u32 s10, $0xF9  }
0x2a: {  	[tilespmem:s9+$0x2860] =	vst v0;
	s9 =	simm.s32 @!p0 $0x2800;
	s12 =	simm.s32 @!p0 $0x5  }
0x2b: {  	[spmem:s16] =	stream.linear.scatter @!p0 [tilespmem:s9], [sflag:$0x5], $0x1400, $0x38;
	[tilespmem:$0x1D080] =	vst v63  }
0x2c: {  	s11 =	simm.s32 $0x20;
	_ =	swait.ge @!p0 [sflag:s12], $0x1400  }
0x2d: {  	s10 =	simm.s32 $0x10;
	s9 =	sadd.s32 $0x14000, s16;
	[sflag:s12] =	ssyncset.done @!p0 $0x0  }
.LBB2_4:
0x2e: {  	s13 =	sadd.s32 s10, s2;
	s10 =	smov.u32 s11;
	s11 =	sadd.s32 $0x10, s11  }
0x2f: {  	[sflag:s12] =	ssyncadd.s32 @!p0 $0xFFFFEC00;
	p1 =	sne.s32 s11, $0x100  }
.Ltmp1:
0x30: {  	p0 =	sgt.u32 s13, $0xF9;
	(pc) =	sbr.rel @p1 .LBB2_4-.Ltmp1, $4  }
0x31: {  	s13 =	simm.s32 @!p0 $0x2800;
	s12 =	simm.s32 @!p0 $0x5  }
0x32: {  	[spmem:s9] =	stream.linear.scatter @!p0 [tilespmem:s13], [sflag:$0x5], $0x1400, $0x38;
	[tilespmem:$0x1D080] =	vst v63  }
0x33: {  	_ =	swait.ge @!p0 [sflag:s12], $0x1400  }
0x34: {  	s9 =	sadd.s32 $0x14000, s9;
	[sflag:s12] =	ssyncset.done @!p0 $0x0  }
0x35: {  	s10 =	sadd.s32 s10, s2  }
0x36: {  	p1 =	sgt.u32 s10, $0xF9  }
0x37: {  	[sflag:s12] =	ssyncadd.s32 @!p0 $0xFFFFEC00;
	s10 =	simm.s32 @!p1 $0x2800;
	s11 =	simm.s32 @!p1 $0x5  }
0x38: {  	[spmem:s9] =	stream.linear.scatter @!p1 [tilespmem:s10], [sflag:$0x5], $0x1400, $0x38;
	[tilespmem:$0x1D080] =	vst v63  }
0x39: {  	_ =	swait.ge @!p1 [sflag:s11], $0x1400  }
0x3a: {  	[sflag:s11] =	ssyncset.done @!p1 $0x0  }
0x3b: {  	[sflag:s11] =	ssyncadd.s32 @!p1 $0xFFFFEC00  }
0x3c: {  	[bflag:$0x0] =	sbarrier.arrive $0xFFFF  }
0x3d: {  	s12 =	simm.s32 $0x0;
	s13 =	rddreg [dreg:$0x3]  }
0x3e: {  	[tilespmem:s12], [sflag:$0x5] =	stream.linear.gather [hbm4b:s13+s12], $0x1400, $0x38;
	[tilespmem:$0x1D080] =	vst v63  }
0x3f: {  	_ =	swait.ge [sflag:s18], $0x1400  }
0x40: {  	[sflag:s18] =	ssyncset.done $0x0  }
0x41: {  	s14 =	rddreg [dreg:$0x4];
	[sflag:s18] =	ssyncadd.s32 $0xFFFFEC00  }
0x42: {  	[tilespmem:s19], [sflag:$0x5] =	stream.linear.gather [hbm4b:s14+s12], $0x1400, $0x38;
	[tilespmem:$0x1D080] =	vst v63  }
0x43: {  	_ =	swait.ge [sflag:s18], $0x1400  }
0x44: {  	[sflag:s18] =	ssyncset.done $0x0  }
0x45: {  	[sflag:s18] =	ssyncadd.s32 $0xFFFFEC00  }
0x46: {  	[tilespmem:s21], [sflag:$0x1] =	stream.indirect.gather [hbm4b:s4+s20], $0x80, s12, s20, $0xb8;
	[tilespmem:$0x1D080] =	vst v63  }
0x47: {  	_ = 	snop  }
0x48: {  	[tilespmem:s23], [sflag:$0x2] =	stream.indirect.gather [hbm4b:s4+s20], $0x80, s22, s20, $0xb8;
	[tilespmem:$0x1D080] =	vst v63  }
0x49: {  	_ = 	snop  }
0x4a: {  	[tilespmem:s25], [sflag:$0x3] =	stream.indirect.gather [hbm4b:s4+s20], $0x80, s24, s20, $0xb8;
	[tilespmem:$0x1D080] =	vst v63  }
0x4b: {  	_ = 	snop  }
0x4c: {  	[tilespmem:s28], [sflag:$0x4] =	stream.indirect.gather [hbm4b:s4+s20], $0x80, s26, s20, $0xb8;
	[tilespmem:$0x1D080] =	vst v63  }
0x4d: {  	_ =	swait.ge [sflag:s29], $0x1900  }
0x4e: {  	[sflag:s29] =	ssyncset.done $0x0  }
0x4f: {  	s15 =	simm.s32 $0x1400;
	[sflag:s29] =	ssyncadd.s32 $0xFFFFE700  }
0x50: {  	[spmem:s1] =	stream.indirect.scatter.add.f32 [tilespmem:s21], [sflag:$0x5], $0x80, s15, s20, $0xb8;
	[tilespmem:$0x1D080] =	vst v63  }
0x51: {  	_ =	swait.ge [sflag:s18], $0x1900  }
0x52: {  	[sflag:s18] =	ssyncset.done $0x0  }
0x53: {  	s10 =	simm.s32 $0x200;
	[sflag:s18] =	ssyncadd.s32 $0xFFFFE700  }
0x54: {  	[tilespmem:s21], [sflag:$0x1] =	stream.indirect.gather [hbm4b:s4+s20], $0x80, s10, s20, $0xb8;
	[tilespmem:$0x1D080] =	vst v63  }
0x55: {  	_ =	swait.ge [sflag:s30], $0x1900  }
0x56: {  	[sflag:s30] =	ssyncset.done $0x0  }
0x57: {  	s11 =	simm.s32 $0x1480;
	[sflag:s30] =	ssyncadd.s32 $0xFFFFE700  }
0x58: {  	[spmem:s1] =	stream.indirect.scatter.add.f32 [tilespmem:s23], [sflag:$0x5], $0x80, s11, s20, $0xb8;
	[tilespmem:$0x1D080] =	vst v63  }
0x59: {  	_ =	swait.ge [sflag:s18], $0x1900  }
0x5a: {  	[sflag:s18] =	ssyncset.done $0x0  }
0x5b: {  	s12 =	simm.s32 $0x280;
	[sflag:s18] =	ssyncadd.s32 $0xFFFFE700  }
0x5c: {  	[tilespmem:s23], [sflag:$0x2] =	stream.indirect.gather [hbm4b:s4+s20], $0x80, s12, s20, $0xb8;
	[tilespmem:$0x1D080] =	vst v63  }
0x5d: {  	_ =	swait.ge [sflag:s31], $0x1900  }
0x5e: {  	[sflag:s31] =	ssyncset.done $0x0  }
0x5f: {  	s13 =	simm.s32 $0x1500;
	[sflag:s31] =	ssyncadd.s32 $0xFFFFE700  }
0x60: {  	[spmem:s1] =	stream.indirect.scatter.add.f32 [tilespmem:s25], [sflag:$0x5], $0x80, s13, s20, $0xb8;
	[tilespmem:$0x1D080] =	vst v63  }
0x61: {  	_ =	swait.ge [sflag:s18], $0x1900  }
0x62: {  	[sflag:s18] =	ssyncset.done $0x0  }
0x63: {  	s14 =	simm.s32 $0x300;
	[sflag:s18] =	ssyncadd.s32 $0xFFFFE700  }
0x64: {  	[tilespmem:s25], [sflag:$0x3] =	stream.indirect.gather [hbm4b:s4+s20], $0x80, s14, s20, $0xb8;
	[tilespmem:$0x1D080] =	vst v63  }
0x65: {  	_ =	swait.ge [sflag:s0], $0x1900  }
0x66: {  	[sflag:s0] =	ssyncset.done $0x0  }
0x67: {  	s15 =	simm.s32 $0x1580;
	[sflag:s0] =	ssyncadd.s32 $0xFFFFE700  }
0x68: {  	[spmem:s1] =	stream.indirect.scatter.add.f32 [tilespmem:s28], [sflag:$0x5], $0x80, s15, s20, $0xb8;
	[tilespmem:$0x1D080] =	vst v63  }
0x69: {  	_ =	swait.ge [sflag:s18], $0x1900  }
0x6a: {  	[sflag:s18] =	ssyncset.done $0x0  }
0x6b: {  	s9 =	simm.s32 $0x800;
	s10 =	simm.s32 $0x380;
	[sflag:s18] =	ssyncadd.s32 $0xFFFFE700  }
.LBB2_6:
0x6c: {  	[tilespmem:s28], [sflag:$0x4] =	stream.indirect.gather [hbm4b:s4+s20], $0x80, s10, s20, $0xb8;
	[tilespmem:$0x1D080] =	vst v63  }
0x6d: {  	s10 =	smov.u32 s9  }
0x6e: {  	p0 =	sne.s32 s9, $0x4000;
	s9 =	sadd.s32 $0x800, s9;
	_ =	swait.ge [sflag:s29], $0x1900  }
0x6f: {  	s10 =	sshra.s32 s10, $0x2;
	[sflag:s29] =	ssyncset.done $0x0  }
0x70: {  	s11 =	sadd.s32 $0x1400, s10;
	[sflag:s29] =	ssyncadd.s32 $0xFFFFE700  }
0x71: {  	[spmem:s1] =	stream.indirect.scatter.add.f32 [tilespmem:s21], [sflag:$0x5], $0x80, s11, s20, $0xb8;
	[tilespmem:$0x1D080] =	vst v63  }
0x72: {  	_ =	swait.ge [sflag:s18], $0x1900  }
0x73: {  	[sflag:s18] =	ssyncset.done $0x0  }
0x74: {  	s11 =	sadd.s32 $0x200, s10;
	[sflag:s18] =	ssyncadd.s32 $0xFFFFE700  }
0x75: {  	[tilespmem:s21], [sflag:$0x1] =	stream.indirect.gather [hbm4b:s4+s20], $0x80, s11, s20, $0xb8;
	[tilespmem:$0x1D080] =	vst v63  }
0x76: {  	_ =	swait.ge [sflag:s30], $0x1900  }
0x77: {  	[sflag:s30] =	ssyncset.done $0x0  }
0x78: {  	s11 =	sadd.s32 $0x1480, s10;
	[sflag:s30] =	ssyncadd.s32 $0xFFFFE700  }
0x79: {  	[spmem:s1] =	stream.indirect.scatter.add.f32 [tilespmem:s23], [sflag:$0x5], $0x80, s11, s20, $0xb8;
	[tilespmem:$0x1D080] =	vst v63  }
0x7a: {  	_ =	swait.ge [sflag:s18], $0x1900  }
0x7b: {  	[sflag:s18] =	ssyncset.done $0x0  }
0x7c: {  	s11 =	sadd.s32 $0x280, s10;
	[sflag:s18] =	ssyncadd.s32 $0xFFFFE700  }
0x7d: {  	[tilespmem:s23], [sflag:$0x2] =	stream.indirect.gather [hbm4b:s4+s20], $0x80, s11, s20, $0xb8;
	[tilespmem:$0x1D080] =	vst v63  }
0x7e: {  	_ =	swait.ge [sflag:s31], $0x1900  }
0x7f: {  	[sflag:s31] =	ssyncset.done $0x0  }
0x80: {  	s11 =	sadd.s32 $0x1500, s10;
	[sflag:s31] =	ssyncadd.s32 $0xFFFFE700  }
0x81: {  	[spmem:s1] =	stream.indirect.scatter.add.f32 [tilespmem:s25], [sflag:$0x5], $0x80, s11, s20, $0xb8;
	[tilespmem:$0x1D080] =	vst v63  }
0x82: {  	_ =	swait.ge [sflag:s18], $0x1900  }
0x83: {  	[sflag:s18] =	ssyncset.done $0x0  }
0x84: {  	s11 =	sadd.s32 $0x300, s10;
	[sflag:s18] =	ssyncadd.s32 $0xFFFFE700  }
0x85: {  	[tilespmem:s25], [sflag:$0x3] =	stream.indirect.gather [hbm4b:s4+s20], $0x80, s11, s20, $0xb8;
	[tilespmem:$0x1D080] =	vst v63  }
0x86: {  	_ =	swait.ge [sflag:s0], $0x1900  }
0x87: {  	[sflag:s0] =	ssyncset.done $0x0  }
.Ltmp2:
0x88: {  	s11 =	sadd.s32 $0x1580, s10;
	[sflag:s0] =	ssyncadd.s32 $0xFFFFE700;
	(pc) =	sbr.rel @p0 .LBB2_6-.Ltmp2, $4  }
0x89: {  	[spmem:s1] =	stream.indirect.scatter.add.f32 [tilespmem:s28], [sflag:$0x5], $0x80, s11, s20, $0xb8;
	[tilespmem:$0x1D080] =	vst v63  }
0x8a: {  	_ =	swait.ge [sflag:s18], $0x1900  }
0x8b: {  	[sflag:s18] =	ssyncset.done $0x0  }
0x8c: {  	s10 =	sadd.s32 $0x380, s10;
	[sflag:s18] =	ssyncadd.s32 $0xFFFFE700  }
0x8d: {  	[tilespmem:s28], [sflag:$0x4] =	stream.indirect.gather [hbm4b:s4+s20], $0x80, s10, s20, $0xb8;
	[tilespmem:$0x1D080] =	vst v63  }
0x8e: {  	_ =	swait.ge [sflag:s29], $0x1900  }
0x8f: {  	[sflag:s29] =	ssyncset.done $0x0  }
0x90: {  	[sflag:s29] =	ssyncadd.s32 $0xFFFFE700  }
0x91: {  	[spmem:s1] =	stream.indirect.scatter.add.f32 [tilespmem:s21], [sflag:$0x5], $0x80, s5, s20, $0xb8;
	[tilespmem:$0x1D080] =	vst v63  }
0x92: {  	_ =	swait.ge [sflag:s18], $0x1900  }
0x93: {  	[sflag:s18] =	ssyncset.done $0x0  }
0x94: {  	[sflag:s18] =	ssyncadd.s32 $0xFFFFE700  }
0x95: {  	_ =	swait.ge [sflag:s30], $0x1900  }
0x96: {  	[sflag:s30] =	ssyncset.done $0x0  }
0x97: {  	[sflag:s30] =	ssyncadd.s32 $0xFFFFE700  }
0x98: {  	[spmem:s1] =	stream.indirect.scatter.add.f32 [tilespmem:s23], [sflag:$0x5], $0x80, s6, s20, $0xb8;
	[tilespmem:$0x1D080] =	vst v63  }
0x99: {  	_ =	swait.ge [sflag:s18], $0x1900  }
0x9a: {  	[sflag:s18] =	ssyncset.done $0x0  }
0x9b: {  	[sflag:s18] =	ssyncadd.s32 $0xFFFFE700  }
0x9c: {  	_ =	swait.ge [sflag:s31], $0x1900  }
0x9d: {  	[sflag:s31] =	ssyncset.done $0x0  }
0x9e: {  	[sflag:s31] =	ssyncadd.s32 $0xFFFFE700  }
0x9f: {  	[spmem:s1] =	stream.indirect.scatter.add.f32 [tilespmem:s25], [sflag:$0x5], $0x80, s7, s20, $0xb8;
	[tilespmem:$0x1D080] =	vst v63  }
0xa0: {  	_ =	swait.ge [sflag:s18], $0x1900  }
0xa1: {  	[sflag:s18] =	ssyncset.done $0x0  }
0xa2: {  	[sflag:s18] =	ssyncadd.s32 $0xFFFFE700  }
0xa3: {  	_ =	swait.ge [sflag:s0], $0x1900  }
0xa4: {  	[sflag:s0] =	ssyncset.done $0x0  }
0xa5: {  	[sflag:s0] =	ssyncadd.s32 $0xFFFFE700  }
0xa6: {  	[spmem:s1] =	stream.indirect.scatter.add.f32 [tilespmem:s28], [sflag:$0x5], $0x80, s8, s20, $0xb8;
	[tilespmem:$0x1D080] =	vst v63  }
0xa7: {  	_ =	swait.ge [sflag:s18], $0x1900  }
0xa8: {  	[sflag:s18] =	ssyncset.done $0x0  }
0xa9: {  	s9 =	simm.s32 $0x0;
	s13 =	rddreg [dreg:$0x5];
	[sflag:s18] =	ssyncadd.s32 $0xFFFFE700  }
0xaa: {  	[tilespmem:s9], [sflag:$0x5] =	stream.linear.gather [hbm4b:s13+s9], $0x1400, $0x38;
	[tilespmem:$0x1D080] =	vst v63  }
0xab: {  	_ =	swait.ge [sflag:s18], $0x1400  }
0xac: {  	[sflag:s18] =	ssyncset.done $0x0  }
0xad: {  	s14 =	rddreg [dreg:$0x6];
	[sflag:s18] =	ssyncadd.s32 $0xFFFFEC00  }
0xae: {  	[tilespmem:s19], [sflag:$0x5] =	stream.linear.gather [hbm4b:s14+s9], $0x1400, $0x38;
	[tilespmem:$0x1D080] =	vst v63  }
0xaf: {  	_ =	swait.ge [sflag:s18], $0x1400  }
0xb0: {  	[sflag:s18] =	ssyncset.done $0x0  }
0xb1: {  	[sflag:s18] =	ssyncadd.s32 $0xFFFFEC00  }
0xb2: {  	[tilespmem:s21], [sflag:$0x1] =	stream.indirect.gather [hbm4b:s4+s20], $0x80, s9, s20, $0xb8;
	[tilespmem:$0x1D080] =	vst v63  }
0xb3: {  	_ = 	snop  }
0xb4: {  	[tilespmem:s23], [sflag:$0x2] =	stream.indirect.gather [hbm4b:s4+s20], $0x80, s22, s20, $0xb8;
	[tilespmem:$0x1D080] =	vst v63  }
0xb5: {  	_ = 	snop  }
0xb6: {  	[tilespmem:s25], [sflag:$0x3] =	stream.indirect.gather [hbm4b:s4+s20], $0x80, s24, s20, $0xb8;
	[tilespmem:$0x1D080] =	vst v63  }
0xb7: {  	_ = 	snop  }
0xb8: {  	[tilespmem:s28], [sflag:$0x4] =	stream.indirect.gather [hbm4b:s4+s20], $0x80, s26, s20, $0xb8;
	[tilespmem:$0x1D080] =	vst v63  }
0xb9: {  	_ =	swait.ge [sflag:s29], $0x1900  }
0xba: {  	[sflag:s29] =	ssyncset.done $0x0  }
0xbb: {  	s15 =	simm.s32 $0x1400;
	[sflag:s29] =	ssyncadd.s32 $0xFFFFE700  }
0xbc: {  	[spmem:s1] =	stream.indirect.scatter.add.f32 [tilespmem:s21], [sflag:$0x5], $0x80, s15, s20, $0xb8;
	[tilespmem:$0x1D080] =	vst v63  }
0xbd: {  	_ =	swait.ge [sflag:s18], $0x1900  }
0xbe: {  	[sflag:s18] =	ssyncset.done $0x0  }
0xbf: {  	s10 =	simm.s32 $0x200;
	[sflag:s18] =	ssyncadd.s32 $0xFFFFE700  }
0xc0: {  	[tilespmem:s21], [sflag:$0x1] =	stream.indirect.gather [hbm4b:s4+s20], $0x80, s10, s20, $0xb8;
	[tilespmem:$0x1D080] =	vst v63  }
0xc1: {  	_ =	swait.ge [sflag:s30], $0x1900  }
0xc2: {  	[sflag:s30] =	ssyncset.done $0x0  }
0xc3: {  	s11 =	simm.s32 $0x1480;
	[sflag:s30] =	ssyncadd.s32 $0xFFFFE700  }
0xc4: {  	[spmem:s1] =	stream.indirect.scatter.add.f32 [tilespmem:s23], [sflag:$0x5], $0x80, s11, s20, $0xb8;
	[tilespmem:$0x1D080] =	vst v63  }
0xc5: {  	_ =	swait.ge [sflag:s18], $0x1900  }
0xc6: {  	[sflag:s18] =	ssyncset.done $0x0  }
0xc7: {  	s12 =	simm.s32 $0x280;
	[sflag:s18] =	ssyncadd.s32 $0xFFFFE700  }
0xc8: {  	[tilespmem:s23], [sflag:$0x2] =	stream.indirect.gather [hbm4b:s4+s20], $0x80, s12, s20, $0xb8;
	[tilespmem:$0x1D080] =	vst v63  }
0xc9: {  	_ =	swait.ge [sflag:s31], $0x1900  }
0xca: {  	[sflag:s31] =	ssyncset.done $0x0  }
0xcb: {  	s13 =	simm.s32 $0x1500;
	[sflag:s31] =	ssyncadd.s32 $0xFFFFE700  }
0xcc: {  	[spmem:s1] =	stream.indirect.scatter.add.f32 [tilespmem:s25], [sflag:$0x5], $0x80, s13, s20, $0xb8;
	[tilespmem:$0x1D080] =	vst v63  }
0xcd: {  	_ =	swait.ge [sflag:s18], $0x1900  }
0xce: {  	[sflag:s18] =	ssyncset.done $0x0  }
0xcf: {  	s14 =	simm.s32 $0x300;
	[sflag:s18] =	ssyncadd.s32 $0xFFFFE700  }
0xd0: {  	[tilespmem:s25], [sflag:$0x3] =	stream.indirect.gather [hbm4b:s4+s20], $0x80, s14, s20, $0xb8;
	[tilespmem:$0x1D080] =	vst v63  }
0xd1: {  	_ =	swait.ge [sflag:s0], $0x1900  }
0xd2: {  	[sflag:s0] =	ssyncset.done $0x0  }
0xd3: {  	s15 =	simm.s32 $0x1580;
	[sflag:s0] =	ssyncadd.s32 $0xFFFFE700  }
0xd4: {  	[spmem:s1] =	stream.indirect.scatter.add.f32 [tilespmem:s28], [sflag:$0x5], $0x80, s15, s20, $0xb8;
	[tilespmem:$0x1D080] =	vst v63  }
0xd5: {  	_ =	swait.ge [sflag:s18], $0x1900  }
0xd6: {  	[sflag:s18] =	ssyncset.done $0x0  }
0xd7: {  	s9 =	simm.s32 $0x800;
	s10 =	simm.s32 $0x380;
	[sflag:s18] =	ssyncadd.s32 $0xFFFFE700  }
.LBB2_8:
0xd8: {  	[tilespmem:s28], [sflag:$0x4] =	stream.indirect.gather [hbm4b:s4+s20], $0x80, s10, s20, $0xb8;
	[tilespmem:$0x1D080] =	vst v63  }
0xd9: {  	s10 =	smov.u32 s9  }
0xda: {  	p0 =	sne.s32 s9, $0x4000;
	s9 =	sadd.s32 $0x800, s9;
	_ =	swait.ge [sflag:s29], $0x1900  }
0xdb: {  	s10 =	sshra.s32 s10, $0x2;
	[sflag:s29] =	ssyncset.done $0x0  }
0xdc: {  	s11 =	sadd.s32 $0x1400, s10;
	[sflag:s29] =	ssyncadd.s32 $0xFFFFE700  }
0xdd: {  	[spmem:s1] =	stream.indirect.scatter.add.f32 [tilespmem:s21], [sflag:$0x5], $0x80, s11, s20, $0xb8;
	[tilespmem:$0x1D080] =	vst v63  }
0xde: {  	_ =	swait.ge [sflag:s18], $0x1900  }
0xdf: {  	[sflag:s18] =	ssyncset.done $0x0  }
0xe0: {  	s11 =	sadd.s32 $0x200, s10;
	[sflag:s18] =	ssyncadd.s32 $0xFFFFE700  }
0xe1: {  	[tilespmem:s21], [sflag:$0x1] =	stream.indirect.gather [hbm4b:s4+s20], $0x80, s11, s20, $0xb8;
	[tilespmem:$0x1D080] =	vst v63  }
0xe2: {  	_ =	swait.ge [sflag:s30], $0x1900  }
0xe3: {  	[sflag:s30] =	ssyncset.done $0x0  }
0xe4: {  	s11 =	sadd.s32 $0x1480, s10;
	[sflag:s30] =	ssyncadd.s32 $0xFFFFE700  }
0xe5: {  	[spmem:s1] =	stream.indirect.scatter.add.f32 [tilespmem:s23], [sflag:$0x5], $0x80, s11, s20, $0xb8;
	[tilespmem:$0x1D080] =	vst v63  }
0xe6: {  	_ =	swait.ge [sflag:s18], $0x1900  }
0xe7: {  	[sflag:s18] =	ssyncset.done $0x0  }
0xe8: {  	s11 =	sadd.s32 $0x280, s10;
	[sflag:s18] =	ssyncadd.s32 $0xFFFFE700  }
0xe9: {  	[tilespmem:s23], [sflag:$0x2] =	stream.indirect.gather [hbm4b:s4+s20], $0x80, s11, s20, $0xb8;
	[tilespmem:$0x1D080] =	vst v63  }
0xea: {  	_ =	swait.ge [sflag:s31], $0x1900  }
0xeb: {  	[sflag:s31] =	ssyncset.done $0x0  }
0xec: {  	s11 =	sadd.s32 $0x1500, s10;
	[sflag:s31] =	ssyncadd.s32 $0xFFFFE700  }
0xed: {  	[spmem:s1] =	stream.indirect.scatter.add.f32 [tilespmem:s25], [sflag:$0x5], $0x80, s11, s20, $0xb8;
	[tilespmem:$0x1D080] =	vst v63  }
0xee: {  	_ =	swait.ge [sflag:s18], $0x1900  }
0xef: {  	[sflag:s18] =	ssyncset.done $0x0  }
0xf0: {  	s11 =	sadd.s32 $0x300, s10;
	[sflag:s18] =	ssyncadd.s32 $0xFFFFE700  }
0xf1: {  	[tilespmem:s25], [sflag:$0x3] =	stream.indirect.gather [hbm4b:s4+s20], $0x80, s11, s20, $0xb8;
	[tilespmem:$0x1D080] =	vst v63  }
0xf2: {  	_ =	swait.ge [sflag:s0], $0x1900  }
0xf3: {  	[sflag:s0] =	ssyncset.done $0x0  }
.Ltmp3:
0xf4: {  	s11 =	sadd.s32 $0x1580, s10;
	[sflag:s0] =	ssyncadd.s32 $0xFFFFE700;
	(pc) =	sbr.rel @p0 .LBB2_8-.Ltmp3, $4  }
0xf5: {  	[spmem:s1] =	stream.indirect.scatter.add.f32 [tilespmem:s28], [sflag:$0x5], $0x80, s11, s20, $0xb8;
	[tilespmem:$0x1D080] =	vst v63  }
0xf6: {  	_ =	swait.ge [sflag:s18], $0x1900  }
0xf7: {  	[sflag:s18] =	ssyncset.done $0x0  }
0xf8: {  	s10 =	sadd.s32 $0x380, s10;
	[sflag:s18] =	ssyncadd.s32 $0xFFFFE700  }
0xf9: {  	[tilespmem:s28], [sflag:$0x4] =	stream.indirect.gather [hbm4b:s4+s20], $0x80, s10, s20, $0xb8;
	[tilespmem:$0x1D080] =	vst v63  }
0xfa: {  	_ =	swait.ge [sflag:s29], $0x1900  }
0xfb: {  	[sflag:s29] =	ssyncset.done $0x0  }
0xfc: {  	[sflag:s29] =	ssyncadd.s32 $0xFFFFE700  }
0xfd: {  	[spmem:s1] =	stream.indirect.scatter.add.f32 [tilespmem:s21], [sflag:$0x5], $0x80, s5, s20, $0xb8;
	[tilespmem:$0x1D080] =	vst v63  }
0xfe: {  	_ =	swait.ge [sflag:s18], $0x1900  }
0xff: {  	[sflag:s18] =	ssyncset.done $0x0  }
0x100: {  	[sflag:s18] =	ssyncadd.s32 $0xFFFFE700  }
0x101: {  	_ =	swait.ge [sflag:s30], $0x1900  }
0x102: {  	[sflag:s30] =	ssyncset.done $0x0  }
0x103: {  	[sflag:s30] =	ssyncadd.s32 $0xFFFFE700  }
0x104: {  	[spmem:s1] =	stream.indirect.scatter.add.f32 [tilespmem:s23], [sflag:$0x5], $0x80, s6, s20, $0xb8;
	[tilespmem:$0x1D080] =	vst v63  }
0x105: {  	_ =	swait.ge [sflag:s18], $0x1900  }
0x106: {  	[sflag:s18] =	ssyncset.done $0x0  }
0x107: {  	[sflag:s18] =	ssyncadd.s32 $0xFFFFE700  }
0x108: {  	_ =	swait.ge [sflag:s31], $0x1900  }
0x109: {  	[sflag:s31] =	ssyncset.done $0x0  }
0x10a: {  	[sflag:s31] =	ssyncadd.s32 $0xFFFFE700  }
0x10b: {  	[spmem:s1] =	stream.indirect.scatter.add.f32 [tilespmem:s25], [sflag:$0x5], $0x80, s7, s20, $0xb8;
	[tilespmem:$0x1D080] =	vst v63  }
0x10c: {  	_ =	swait.ge [sflag:s18], $0x1900  }
0x10d: {  	[sflag:s18] =	ssyncset.done $0x0  }
0x10e: {  	[sflag:s18] =	ssyncadd.s32 $0xFFFFE700  }
0x10f: {  	_ =	swait.ge [sflag:s0], $0x1900  }
0x110: {  	[sflag:s0] =	ssyncset.done $0x0  }
0x111: {  	[sflag:s0] =	ssyncadd.s32 $0xFFFFE700  }
0x112: {  	[spmem:s1] =	stream.indirect.scatter.add.f32 [tilespmem:s28], [sflag:$0x5], $0x80, s8, s20, $0xb8;
	[tilespmem:$0x1D080] =	vst v63  }
0x113: {  	_ =	swait.ge [sflag:s18], $0x1900  }
0x114: {  	[sflag:s18] =	ssyncset.done $0x0  }
0x115: {  	s9 =	simm.s32 $0x0;
	s13 =	rddreg [dreg:$0x7];
	[sflag:s18] =	ssyncadd.s32 $0xFFFFE700  }
0x116: {  	[tilespmem:s9], [sflag:$0x5] =	stream.linear.gather [hbm4b:s13+s9], $0x1400, $0x38;
	[tilespmem:$0x1D080] =	vst v63  }
0x117: {  	_ =	swait.ge [sflag:s18], $0x1400  }
0x118: {  	[sflag:s18] =	ssyncset.done $0x0  }
0x119: {  	s14 =	rddreg [dreg:$0x8];
	[sflag:s18] =	ssyncadd.s32 $0xFFFFEC00  }
0x11a: {  	[tilespmem:s19], [sflag:$0x5] =	stream.linear.gather [hbm4b:s14+s9], $0x1400, $0x38;
	[tilespmem:$0x1D080] =	vst v63  }
0x11b: {  	_ =	swait.ge [sflag:s18], $0x1400  }
0x11c: {  	[sflag:s18] =	ssyncset.done $0x0  }
0x11d: {  	[sflag:s18] =	ssyncadd.s32 $0xFFFFEC00  }
0x11e: {  	[tilespmem:s21], [sflag:$0x1] =	stream.indirect.gather [hbm4b:s4+s20], $0x80, s9, s20, $0xb8;
	[tilespmem:$0x1D080] =	vst v63  }
0x11f: {  	_ = 	snop  }
0x120: {  	[tilespmem:s23], [sflag:$0x2] =	stream.indirect.gather [hbm4b:s4+s20], $0x80, s22, s20, $0xb8;
	[tilespmem:$0x1D080] =	vst v63  }
0x121: {  	_ = 	snop  }
0x122: {  	[tilespmem:s25], [sflag:$0x3] =	stream.indirect.gather [hbm4b:s4+s20], $0x80, s24, s20, $0xb8;
	[tilespmem:$0x1D080] =	vst v63  }
0x123: {  	_ = 	snop  }
0x124: {  	[tilespmem:s28], [sflag:$0x4] =	stream.indirect.gather [hbm4b:s4+s20], $0x80, s26, s20, $0xb8;
	[tilespmem:$0x1D080] =	vst v63  }
0x125: {  	_ =	swait.ge [sflag:s29], $0x1900  }
0x126: {  	[sflag:s29] =	ssyncset.done $0x0  }
0x127: {  	s15 =	simm.s32 $0x1400;
	[sflag:s29] =	ssyncadd.s32 $0xFFFFE700  }
0x128: {  	[spmem:s1] =	stream.indirect.scatter.add.f32 [tilespmem:s21], [sflag:$0x5], $0x80, s15, s20, $0xb8;
	[tilespmem:$0x1D080] =	vst v63  }
0x129: {  	_ =	swait.ge [sflag:s18], $0x1900  }
0x12a: {  	[sflag:s18] =	ssyncset.done $0x0  }
0x12b: {  	s10 =	simm.s32 $0x200;
	[sflag:s18] =	ssyncadd.s32 $0xFFFFE700  }
0x12c: {  	[tilespmem:s21], [sflag:$0x1] =	stream.indirect.gather [hbm4b:s4+s20], $0x80, s10, s20, $0xb8;
	[tilespmem:$0x1D080] =	vst v63  }
0x12d: {  	_ =	swait.ge [sflag:s30], $0x1900  }
0x12e: {  	[sflag:s30] =	ssyncset.done $0x0  }
0x12f: {  	s11 =	simm.s32 $0x1480;
	[sflag:s30] =	ssyncadd.s32 $0xFFFFE700  }
0x130: {  	[spmem:s1] =	stream.indirect.scatter.add.f32 [tilespmem:s23], [sflag:$0x5], $0x80, s11, s20, $0xb8;
	[tilespmem:$0x1D080] =	vst v63  }
0x131: {  	_ =	swait.ge [sflag:s18], $0x1900  }
0x132: {  	[sflag:s18] =	ssyncset.done $0x0  }
0x133: {  	s12 =	simm.s32 $0x280;
	[sflag:s18] =	ssyncadd.s32 $0xFFFFE700  }
0x134: {  	[tilespmem:s23], [sflag:$0x2] =	stream.indirect.gather [hbm4b:s4+s20], $0x80, s12, s20, $0xb8;
	[tilespmem:$0x1D080] =	vst v63  }
0x135: {  	_ =	swait.ge [sflag:s31], $0x1900  }
0x136: {  	[sflag:s31] =	ssyncset.done $0x0  }
0x137: {  	s13 =	simm.s32 $0x1500;
	[sflag:s31] =	ssyncadd.s32 $0xFFFFE700  }
0x138: {  	[spmem:s1] =	stream.indirect.scatter.add.f32 [tilespmem:s25], [sflag:$0x5], $0x80, s13, s20, $0xb8;
	[tilespmem:$0x1D080] =	vst v63  }
0x139: {  	_ =	swait.ge [sflag:s18], $0x1900  }
0x13a: {  	[sflag:s18] =	ssyncset.done $0x0  }
0x13b: {  	s14 =	simm.s32 $0x300;
	[sflag:s18] =	ssyncadd.s32 $0xFFFFE700  }
0x13c: {  	[tilespmem:s25], [sflag:$0x3] =	stream.indirect.gather [hbm4b:s4+s20], $0x80, s14, s20, $0xb8;
	[tilespmem:$0x1D080] =	vst v63  }
0x13d: {  	_ =	swait.ge [sflag:s0], $0x1900  }
0x13e: {  	[sflag:s0] =	ssyncset.done $0x0  }
0x13f: {  	s15 =	simm.s32 $0x1580;
	[sflag:s0] =	ssyncadd.s32 $0xFFFFE700  }
0x140: {  	[spmem:s1] =	stream.indirect.scatter.add.f32 [tilespmem:s28], [sflag:$0x5], $0x80, s15, s20, $0xb8;
	[tilespmem:$0x1D080] =	vst v63  }
0x141: {  	_ =	swait.ge [sflag:s18], $0x1900  }
0x142: {  	[sflag:s18] =	ssyncset.done $0x0  }
0x143: {  	s9 =	simm.s32 $0x800;
	s10 =	simm.s32 $0x380;
	[sflag:s18] =	ssyncadd.s32 $0xFFFFE700  }
.LBB2_10:
0x144: {  	[tilespmem:s28], [sflag:$0x4] =	stream.indirect.gather [hbm4b:s4+s20], $0x80, s10, s20, $0xb8;
	[tilespmem:$0x1D080] =	vst v63  }
0x145: {  	s10 =	smov.u32 s9  }
0x146: {  	p0 =	sne.s32 s9, $0x4000;
	s9 =	sadd.s32 $0x800, s9;
	_ =	swait.ge [sflag:s29], $0x1900  }
0x147: {  	s10 =	sshra.s32 s10, $0x2;
	[sflag:s29] =	ssyncset.done $0x0  }
0x148: {  	s11 =	sadd.s32 $0x1400, s10;
	[sflag:s29] =	ssyncadd.s32 $0xFFFFE700  }
0x149: {  	[spmem:s1] =	stream.indirect.scatter.add.f32 [tilespmem:s21], [sflag:$0x5], $0x80, s11, s20, $0xb8;
	[tilespmem:$0x1D080] =	vst v63  }
0x14a: {  	_ =	swait.ge [sflag:s18], $0x1900  }
0x14b: {  	[sflag:s18] =	ssyncset.done $0x0  }
0x14c: {  	s11 =	sadd.s32 $0x200, s10;
	[sflag:s18] =	ssyncadd.s32 $0xFFFFE700  }
0x14d: {  	[tilespmem:s21], [sflag:$0x1] =	stream.indirect.gather [hbm4b:s4+s20], $0x80, s11, s20, $0xb8;
	[tilespmem:$0x1D080] =	vst v63  }
0x14e: {  	_ =	swait.ge [sflag:s30], $0x1900  }
0x14f: {  	[sflag:s30] =	ssyncset.done $0x0  }
0x150: {  	s11 =	sadd.s32 $0x1480, s10;
	[sflag:s30] =	ssyncadd.s32 $0xFFFFE700  }
0x151: {  	[spmem:s1] =	stream.indirect.scatter.add.f32 [tilespmem:s23], [sflag:$0x5], $0x80, s11, s20, $0xb8;
	[tilespmem:$0x1D080] =	vst v63  }
0x152: {  	_ =	swait.ge [sflag:s18], $0x1900  }
0x153: {  	[sflag:s18] =	ssyncset.done $0x0  }
0x154: {  	s11 =	sadd.s32 $0x280, s10;
	[sflag:s18] =	ssyncadd.s32 $0xFFFFE700  }
0x155: {  	[tilespmem:s23], [sflag:$0x2] =	stream.indirect.gather [hbm4b:s4+s20], $0x80, s11, s20, $0xb8;
	[tilespmem:$0x1D080] =	vst v63  }
0x156: {  	_ =	swait.ge [sflag:s31], $0x1900  }
0x157: {  	[sflag:s31] =	ssyncset.done $0x0  }
0x158: {  	s11 =	sadd.s32 $0x1500, s10;
	[sflag:s31] =	ssyncadd.s32 $0xFFFFE700  }
0x159: {  	[spmem:s1] =	stream.indirect.scatter.add.f32 [tilespmem:s25], [sflag:$0x5], $0x80, s11, s20, $0xb8;
	[tilespmem:$0x1D080] =	vst v63  }
0x15a: {  	_ =	swait.ge [sflag:s18], $0x1900  }
0x15b: {  	[sflag:s18] =	ssyncset.done $0x0  }
0x15c: {  	s11 =	sadd.s32 $0x300, s10;
	[sflag:s18] =	ssyncadd.s32 $0xFFFFE700  }
0x15d: {  	[tilespmem:s25], [sflag:$0x3] =	stream.indirect.gather [hbm4b:s4+s20], $0x80, s11, s20, $0xb8;
	[tilespmem:$0x1D080] =	vst v63  }
0x15e: {  	_ =	swait.ge [sflag:s0], $0x1900  }
0x15f: {  	[sflag:s0] =	ssyncset.done $0x0  }
.Ltmp4:
0x160: {  	s11 =	sadd.s32 $0x1580, s10;
	[sflag:s0] =	ssyncadd.s32 $0xFFFFE700;
	(pc) =	sbr.rel @p0 .LBB2_10-.Ltmp4, $4  }
0x161: {  	[spmem:s1] =	stream.indirect.scatter.add.f32 [tilespmem:s28], [sflag:$0x5], $0x80, s11, s20, $0xb8;
	[tilespmem:$0x1D080] =	vst v63  }
0x162: {  	_ =	swait.ge [sflag:s18], $0x1900  }
0x163: {  	[sflag:s18] =	ssyncset.done $0x0  }
0x164: {  	s10 =	sadd.s32 $0x380, s10;
	[sflag:s18] =	ssyncadd.s32 $0xFFFFE700  }
0x165: {  	[tilespmem:s28], [sflag:$0x4] =	stream.indirect.gather [hbm4b:s4+s20], $0x80, s10, s20, $0xb8;
	[tilespmem:$0x1D080] =	vst v63  }
0x166: {  	_ =	swait.ge [sflag:s29], $0x1900  }
0x167: {  	[sflag:s29] =	ssyncset.done $0x0  }
0x168: {  	[sflag:s29] =	ssyncadd.s32 $0xFFFFE700  }
0x169: {  	[spmem:s1] =	stream.indirect.scatter.add.f32 [tilespmem:s21], [sflag:$0x5], $0x80, s5, s20, $0xb8;
	[tilespmem:$0x1D080] =	vst v63  }
0x16a: {  	_ =	swait.ge [sflag:s18], $0x1900  }
0x16b: {  	[sflag:s18] =	ssyncset.done $0x0  }
0x16c: {  	[sflag:s18] =	ssyncadd.s32 $0xFFFFE700  }
0x16d: {  	_ =	swait.ge [sflag:s30], $0x1900  }
0x16e: {  	[sflag:s30] =	ssyncset.done $0x0  }
0x16f: {  	[sflag:s30] =	ssyncadd.s32 $0xFFFFE700  }
0x170: {  	[spmem:s1] =	stream.indirect.scatter.add.f32 [tilespmem:s23], [sflag:$0x5], $0x80, s6, s20, $0xb8;
	[tilespmem:$0x1D080] =	vst v63  }
0x171: {  	_ =	swait.ge [sflag:s18], $0x1900  }
0x172: {  	[sflag:s18] =	ssyncset.done $0x0  }
0x173: {  	[sflag:s18] =	ssyncadd.s32 $0xFFFFE700  }
0x174: {  	_ =	swait.ge [sflag:s31], $0x1900  }
0x175: {  	[sflag:s31] =	ssyncset.done $0x0  }
0x176: {  	[sflag:s31] =	ssyncadd.s32 $0xFFFFE700  }
0x177: {  	[spmem:s1] =	stream.indirect.scatter.add.f32 [tilespmem:s25], [sflag:$0x5], $0x80, s7, s20, $0xb8;
	[tilespmem:$0x1D080] =	vst v63  }
0x178: {  	_ =	swait.ge [sflag:s18], $0x1900  }
0x179: {  	[sflag:s18] =	ssyncset.done $0x0  }
0x17a: {  	[sflag:s18] =	ssyncadd.s32 $0xFFFFE700  }
0x17b: {  	_ =	swait.ge [sflag:s0], $0x1900  }
0x17c: {  	[sflag:s0] =	ssyncset.done $0x0  }
0x17d: {  	[sflag:s0] =	ssyncadd.s32 $0xFFFFE700  }
0x17e: {  	[spmem:s1] =	stream.indirect.scatter.add.f32 [tilespmem:s28], [sflag:$0x5], $0x80, s8, s20, $0xb8;
	[tilespmem:$0x1D080] =	vst v63  }
0x17f: {  	_ =	swait.ge [sflag:s18], $0x1900  }
0x180: {  	[sflag:s18] =	ssyncset.done $0x0  }
0x181: {  	s9 =	simm.s32 $0x0;
	s13 =	rddreg [dreg:$0x9];
	[sflag:s18] =	ssyncadd.s32 $0xFFFFE700  }
0x182: {  	[tilespmem:s9], [sflag:$0x5] =	stream.linear.gather [hbm4b:s13+s9], $0x1400, $0x38;
	[tilespmem:$0x1D080] =	vst v63  }
0x183: {  	_ =	swait.ge [sflag:s18], $0x1400  }
0x184: {  	[sflag:s18] =	ssyncset.done $0x0  }
0x185: {  	s14 =	rddreg [dreg:$0xa];
	[sflag:s18] =	ssyncadd.s32 $0xFFFFEC00  }
0x186: {  	[tilespmem:s19], [sflag:$0x5] =	stream.linear.gather [hbm4b:s14+s9], $0x1400, $0x38;
	[tilespmem:$0x1D080] =	vst v63  }
0x187: {  	_ =	swait.ge [sflag:s18], $0x1400  }
0x188: {  	[sflag:s18] =	ssyncset.done $0x0  }
0x189: {  	[sflag:s18] =	ssyncadd.s32 $0xFFFFEC00  }
0x18a: {  	[tilespmem:s21], [sflag:$0x1] =	stream.indirect.gather [hbm4b:s4+s20], $0x80, s9, s20, $0xb8;
	[tilespmem:$0x1D080] =	vst v63  }
0x18b: {  	_ = 	snop  }
0x18c: {  	[tilespmem:s23], [sflag:$0x2] =	stream.indirect.gather [hbm4b:s4+s20], $0x80, s22, s20, $0xb8;
	[tilespmem:$0x1D080] =	vst v63  }
0x18d: {  	_ = 	snop  }
0x18e: {  	[tilespmem:s25], [sflag:$0x3] =	stream.indirect.gather [hbm4b:s4+s20], $0x80, s24, s20, $0xb8;
	[tilespmem:$0x1D080] =	vst v63  }
0x18f: {  	_ = 	snop  }
0x190: {  	[tilespmem:s28], [sflag:$0x4] =	stream.indirect.gather [hbm4b:s4+s20], $0x80, s26, s20, $0xb8;
	[tilespmem:$0x1D080] =	vst v63  }
0x191: {  	_ =	swait.ge [sflag:s29], $0x1900  }
0x192: {  	[sflag:s29] =	ssyncset.done $0x0  }
0x193: {  	s15 =	simm.s32 $0x1400;
	[sflag:s29] =	ssyncadd.s32 $0xFFFFE700  }
0x194: {  	[spmem:s1] =	stream.indirect.scatter.add.f32 [tilespmem:s21], [sflag:$0x5], $0x80, s15, s20, $0xb8;
	[tilespmem:$0x1D080] =	vst v63  }
0x195: {  	_ =	swait.ge [sflag:s18], $0x1900  }
0x196: {  	[sflag:s18] =	ssyncset.done $0x0  }
0x197: {  	s10 =	simm.s32 $0x200;
	[sflag:s18] =	ssyncadd.s32 $0xFFFFE700  }
0x198: {  	[tilespmem:s21], [sflag:$0x1] =	stream.indirect.gather [hbm4b:s4+s20], $0x80, s10, s20, $0xb8;
	[tilespmem:$0x1D080] =	vst v63  }
0x199: {  	_ =	swait.ge [sflag:s30], $0x1900  }
0x19a: {  	[sflag:s30] =	ssyncset.done $0x0  }
0x19b: {  	s11 =	simm.s32 $0x1480;
	[sflag:s30] =	ssyncadd.s32 $0xFFFFE700  }
0x19c: {  	[spmem:s1] =	stream.indirect.scatter.add.f32 [tilespmem:s23], [sflag:$0x5], $0x80, s11, s20, $0xb8;
	[tilespmem:$0x1D080] =	vst v63  }
0x19d: {  	_ =	swait.ge [sflag:s18], $0x1900  }
0x19e: {  	[sflag:s18] =	ssyncset.done $0x0  }
0x19f: {  	s12 =	simm.s32 $0x280;
	[sflag:s18] =	ssyncadd.s32 $0xFFFFE700  }
0x1a0: {  	[tilespmem:s23], [sflag:$0x2] =	stream.indirect.gather [hbm4b:s4+s20], $0x80, s12, s20, $0xb8;
	[tilespmem:$0x1D080] =	vst v63  }
0x1a1: {  	_ =	swait.ge [sflag:s31], $0x1900  }
0x1a2: {  	[sflag:s31] =	ssyncset.done $0x0  }
0x1a3: {  	s13 =	simm.s32 $0x1500;
	[sflag:s31] =	ssyncadd.s32 $0xFFFFE700  }
0x1a4: {  	[spmem:s1] =	stream.indirect.scatter.add.f32 [tilespmem:s25], [sflag:$0x5], $0x80, s13, s20, $0xb8;
	[tilespmem:$0x1D080] =	vst v63  }
0x1a5: {  	_ =	swait.ge [sflag:s18], $0x1900  }
0x1a6: {  	[sflag:s18] =	ssyncset.done $0x0  }
0x1a7: {  	s14 =	simm.s32 $0x300;
	[sflag:s18] =	ssyncadd.s32 $0xFFFFE700  }
0x1a8: {  	[tilespmem:s25], [sflag:$0x3] =	stream.indirect.gather [hbm4b:s4+s20], $0x80, s14, s20, $0xb8;
	[tilespmem:$0x1D080] =	vst v63  }
0x1a9: {  	_ =	swait.ge [sflag:s0], $0x1900  }
0x1aa: {  	[sflag:s0] =	ssyncset.done $0x0  }
0x1ab: {  	s15 =	simm.s32 $0x1580;
	[sflag:s0] =	ssyncadd.s32 $0xFFFFE700  }
0x1ac: {  	[spmem:s1] =	stream.indirect.scatter.add.f32 [tilespmem:s28], [sflag:$0x5], $0x80, s15, s20, $0xb8;
	[tilespmem:$0x1D080] =	vst v63  }
0x1ad: {  	_ =	swait.ge [sflag:s18], $0x1900  }
0x1ae: {  	[sflag:s18] =	ssyncset.done $0x0  }
0x1af: {  	s9 =	simm.s32 $0x800;
	s10 =	simm.s32 $0x380;
	[sflag:s18] =	ssyncadd.s32 $0xFFFFE700  }
.LBB2_12:
0x1b0: {  	[tilespmem:s28], [sflag:$0x4] =	stream.indirect.gather [hbm4b:s4+s20], $0x80, s10, s20, $0xb8;
	[tilespmem:$0x1D080] =	vst v63  }
0x1b1: {  	s10 =	smov.u32 s9  }
0x1b2: {  	p0 =	sne.s32 s9, $0x4000;
	s9 =	sadd.s32 $0x800, s9;
	_ =	swait.ge [sflag:s29], $0x1900  }
0x1b3: {  	s10 =	sshra.s32 s10, $0x2;
	[sflag:s29] =	ssyncset.done $0x0  }
0x1b4: {  	s11 =	sadd.s32 $0x1400, s10;
	[sflag:s29] =	ssyncadd.s32 $0xFFFFE700  }
0x1b5: {  	[spmem:s1] =	stream.indirect.scatter.add.f32 [tilespmem:s21], [sflag:$0x5], $0x80, s11, s20, $0xb8;
	[tilespmem:$0x1D080] =	vst v63  }
0x1b6: {  	_ =	swait.ge [sflag:s18], $0x1900  }
0x1b7: {  	[sflag:s18] =	ssyncset.done $0x0  }
0x1b8: {  	s11 =	sadd.s32 $0x200, s10;
	[sflag:s18] =	ssyncadd.s32 $0xFFFFE700  }
0x1b9: {  	[tilespmem:s21], [sflag:$0x1] =	stream.indirect.gather [hbm4b:s4+s20], $0x80, s11, s20, $0xb8;
	[tilespmem:$0x1D080] =	vst v63  }
0x1ba: {  	_ =	swait.ge [sflag:s30], $0x1900  }
0x1bb: {  	[sflag:s30] =	ssyncset.done $0x0  }
0x1bc: {  	s11 =	sadd.s32 $0x1480, s10;
	[sflag:s30] =	ssyncadd.s32 $0xFFFFE700  }
0x1bd: {  	[spmem:s1] =	stream.indirect.scatter.add.f32 [tilespmem:s23], [sflag:$0x5], $0x80, s11, s20, $0xb8;
	[tilespmem:$0x1D080] =	vst v63  }
0x1be: {  	_ =	swait.ge [sflag:s18], $0x1900  }
0x1bf: {  	[sflag:s18] =	ssyncset.done $0x0  }
0x1c0: {  	s11 =	sadd.s32 $0x280, s10;
	[sflag:s18] =	ssyncadd.s32 $0xFFFFE700  }
0x1c1: {  	[tilespmem:s23], [sflag:$0x2] =	stream.indirect.gather [hbm4b:s4+s20], $0x80, s11, s20, $0xb8;
	[tilespmem:$0x1D080] =	vst v63  }
0x1c2: {  	_ =	swait.ge [sflag:s31], $0x1900  }
0x1c3: {  	[sflag:s31] =	ssyncset.done $0x0  }
0x1c4: {  	s11 =	sadd.s32 $0x1500, s10;
	[sflag:s31] =	ssyncadd.s32 $0xFFFFE700  }
0x1c5: {  	[spmem:s1] =	stream.indirect.scatter.add.f32 [tilespmem:s25], [sflag:$0x5], $0x80, s11, s20, $0xb8;
	[tilespmem:$0x1D080] =	vst v63  }
0x1c6: {  	_ =	swait.ge [sflag:s18], $0x1900  }
0x1c7: {  	[sflag:s18] =	ssyncset.done $0x0  }
0x1c8: {  	s11 =	sadd.s32 $0x300, s10;
	[sflag:s18] =	ssyncadd.s32 $0xFFFFE700  }
0x1c9: {  	[tilespmem:s25], [sflag:$0x3] =	stream.indirect.gather [hbm4b:s4+s20], $0x80, s11, s20, $0xb8;
	[tilespmem:$0x1D080] =	vst v63  }
0x1ca: {  	_ =	swait.ge [sflag:s0], $0x1900  }
0x1cb: {  	[sflag:s0] =	ssyncset.done $0x0  }
.Ltmp5:
0x1cc: {  	s11 =	sadd.s32 $0x1580, s10;
	[sflag:s0] =	ssyncadd.s32 $0xFFFFE700;
	(pc) =	sbr.rel @p0 .LBB2_12-.Ltmp5, $4  }
0x1cd: {  	[spmem:s1] =	stream.indirect.scatter.add.f32 [tilespmem:s28], [sflag:$0x5], $0x80, s11, s20, $0xb8;
	[tilespmem:$0x1D080] =	vst v63  }
0x1ce: {  	_ =	swait.ge [sflag:s18], $0x1900  }
0x1cf: {  	[sflag:s18] =	ssyncset.done $0x0  }
0x1d0: {  	s10 =	sadd.s32 $0x380, s10;
	[sflag:s18] =	ssyncadd.s32 $0xFFFFE700  }
0x1d1: {  	[tilespmem:s28], [sflag:$0x4] =	stream.indirect.gather [hbm4b:s4+s20], $0x80, s10, s20, $0xb8;
	[tilespmem:$0x1D080] =	vst v63  }
0x1d2: {  	_ =	swait.ge [sflag:s29], $0x1900  }
0x1d3: {  	[sflag:s29] =	ssyncset.done $0x0  }
0x1d4: {  	[sflag:s29] =	ssyncadd.s32 $0xFFFFE700  }
0x1d5: {  	[spmem:s1] =	stream.indirect.scatter.add.f32 [tilespmem:s21], [sflag:$0x5], $0x80, s5, s20, $0xb8;
	[tilespmem:$0x1D080] =	vst v63  }
0x1d6: {  	_ =	swait.ge [sflag:s18], $0x1900  }
0x1d7: {  	[sflag:s18] =	ssyncset.done $0x0  }
0x1d8: {  	[sflag:s18] =	ssyncadd.s32 $0xFFFFE700  }
0x1d9: {  	_ =	swait.ge [sflag:s30], $0x1900  }
0x1da: {  	[sflag:s30] =	ssyncset.done $0x0  }
0x1db: {  	[sflag:s30] =	ssyncadd.s32 $0xFFFFE700  }
0x1dc: {  	[spmem:s1] =	stream.indirect.scatter.add.f32 [tilespmem:s23], [sflag:$0x5], $0x80, s6, s20, $0xb8;
	[tilespmem:$0x1D080] =	vst v63  }
0x1dd: {  	_ =	swait.ge [sflag:s18], $0x1900  }
0x1de: {  	[sflag:s18] =	ssyncset.done $0x0  }
0x1df: {  	[sflag:s18] =	ssyncadd.s32 $0xFFFFE700  }
0x1e0: {  	_ =	swait.ge [sflag:s31], $0x1900  }
0x1e1: {  	[sflag:s31] =	ssyncset.done $0x0  }
0x1e2: {  	[sflag:s31] =	ssyncadd.s32 $0xFFFFE700  }
0x1e3: {  	[spmem:s1] =	stream.indirect.scatter.add.f32 [tilespmem:s25], [sflag:$0x5], $0x80, s7, s20, $0xb8;
	[tilespmem:$0x1D080] =	vst v63  }
0x1e4: {  	_ =	swait.ge [sflag:s18], $0x1900  }
0x1e5: {  	[sflag:s18] =	ssyncset.done $0x0  }
0x1e6: {  	[sflag:s18] =	ssyncadd.s32 $0xFFFFE700  }
0x1e7: {  	_ =	swait.ge [sflag:s0], $0x1900  }
0x1e8: {  	[sflag:s0] =	ssyncset.done $0x0  }
0x1e9: {  	[sflag:s0] =	ssyncadd.s32 $0xFFFFE700  }
0x1ea: {  	[spmem:s1] =	stream.indirect.scatter.add.f32 [tilespmem:s28], [sflag:$0x5], $0x80, s8, s20, $0xb8;
	[tilespmem:$0x1D080] =	vst v63  }
0x1eb: {  	_ =	swait.ge [sflag:s18], $0x1900  }
0x1ec: {  	[sflag:s18] =	ssyncset.done $0x0  }
0x1ed: {  	s9 =	simm.s32 $0x0;
	s13 =	rddreg [dreg:$0xb];
	[sflag:s18] =	ssyncadd.s32 $0xFFFFE700  }
0x1ee: {  	[tilespmem:s9], [sflag:$0x5] =	stream.linear.gather [hbm4b:s13+s9], $0x1400, $0x38;
	[tilespmem:$0x1D080] =	vst v63  }
0x1ef: {  	_ =	swait.ge [sflag:s18], $0x1400  }
0x1f0: {  	[sflag:s18] =	ssyncset.done $0x0  }
0x1f1: {  	s14 =	rddreg [dreg:$0xc];
	[sflag:s18] =	ssyncadd.s32 $0xFFFFEC00  }
0x1f2: {  	[tilespmem:s19], [sflag:$0x5] =	stream.linear.gather [hbm4b:s14+s9], $0x1400, $0x38;
	[tilespmem:$0x1D080] =	vst v63  }
0x1f3: {  	_ =	swait.ge [sflag:s18], $0x1400  }
0x1f4: {  	[sflag:s18] =	ssyncset.done $0x0  }
0x1f5: {  	[sflag:s18] =	ssyncadd.s32 $0xFFFFEC00  }
0x1f6: {  	[tilespmem:s21], [sflag:$0x1] =	stream.indirect.gather [hbm4b:s4+s20], $0x80, s9, s20, $0xb8;
	[tilespmem:$0x1D080] =	vst v63  }
0x1f7: {  	_ = 	snop  }
0x1f8: {  	[tilespmem:s23], [sflag:$0x2] =	stream.indirect.gather [hbm4b:s4+s20], $0x80, s22, s20, $0xb8;
	[tilespmem:$0x1D080] =	vst v63  }
0x1f9: {  	_ = 	snop  }
0x1fa: {  	[tilespmem:s25], [sflag:$0x3] =	stream.indirect.gather [hbm4b:s4+s20], $0x80, s24, s20, $0xb8;
	[tilespmem:$0x1D080] =	vst v63  }
0x1fb: {  	_ = 	snop  }
0x1fc: {  	[tilespmem:s28], [sflag:$0x4] =	stream.indirect.gather [hbm4b:s4+s20], $0x80, s26, s20, $0xb8;
	[tilespmem:$0x1D080] =	vst v63  }
0x1fd: {  	_ =	swait.ge [sflag:s29], $0x1900  }
0x1fe: {  	[sflag:s29] =	ssyncset.done $0x0  }
0x1ff: {  	s15 =	simm.s32 $0x1400;
	[sflag:s29] =	ssyncadd.s32 $0xFFFFE700  }
0x200: {  	[spmem:s1] =	stream.indirect.scatter.add.f32 [tilespmem:s21], [sflag:$0x5], $0x80, s15, s20, $0xb8;
	[tilespmem:$0x1D080] =	vst v63  }
0x201: {  	_ =	swait.ge [sflag:s18], $0x1900  }
0x202: {  	[sflag:s18] =	ssyncset.done $0x0  }
0x203: {  	s10 =	simm.s32 $0x200;
	[sflag:s18] =	ssyncadd.s32 $0xFFFFE700  }
0x204: {  	[tilespmem:s21], [sflag:$0x1] =	stream.indirect.gather [hbm4b:s4+s20], $0x80, s10, s20, $0xb8;
	[tilespmem:$0x1D080] =	vst v63  }
0x205: {  	_ =	swait.ge [sflag:s30], $0x1900  }
0x206: {  	[sflag:s30] =	ssyncset.done $0x0  }
0x207: {  	s11 =	simm.s32 $0x1480;
	[sflag:s30] =	ssyncadd.s32 $0xFFFFE700  }
0x208: {  	[spmem:s1] =	stream.indirect.scatter.add.f32 [tilespmem:s23], [sflag:$0x5], $0x80, s11, s20, $0xb8;
	[tilespmem:$0x1D080] =	vst v63  }
0x209: {  	_ =	swait.ge [sflag:s18], $0x1900  }
0x20a: {  	[sflag:s18] =	ssyncset.done $0x0  }
0x20b: {  	s12 =	simm.s32 $0x280;
	[sflag:s18] =	ssyncadd.s32 $0xFFFFE700  }
0x20c: {  	[tilespmem:s23], [sflag:$0x2] =	stream.indirect.gather [hbm4b:s4+s20], $0x80, s12, s20, $0xb8;
	[tilespmem:$0x1D080] =	vst v63  }
0x20d: {  	_ =	swait.ge [sflag:s31], $0x1900  }
0x20e: {  	[sflag:s31] =	ssyncset.done $0x0  }
0x20f: {  	s13 =	simm.s32 $0x1500;
	[sflag:s31] =	ssyncadd.s32 $0xFFFFE700  }
0x210: {  	[spmem:s1] =	stream.indirect.scatter.add.f32 [tilespmem:s25], [sflag:$0x5], $0x80, s13, s20, $0xb8;
	[tilespmem:$0x1D080] =	vst v63  }
0x211: {  	_ =	swait.ge [sflag:s18], $0x1900  }
0x212: {  	[sflag:s18] =	ssyncset.done $0x0  }
0x213: {  	s14 =	simm.s32 $0x300;
	[sflag:s18] =	ssyncadd.s32 $0xFFFFE700  }
0x214: {  	[tilespmem:s25], [sflag:$0x3] =	stream.indirect.gather [hbm4b:s4+s20], $0x80, s14, s20, $0xb8;
	[tilespmem:$0x1D080] =	vst v63  }
0x215: {  	_ =	swait.ge [sflag:s0], $0x1900  }
0x216: {  	[sflag:s0] =	ssyncset.done $0x0  }
0x217: {  	s15 =	simm.s32 $0x1580;
	[sflag:s0] =	ssyncadd.s32 $0xFFFFE700  }
0x218: {  	[spmem:s1] =	stream.indirect.scatter.add.f32 [tilespmem:s28], [sflag:$0x5], $0x80, s15, s20, $0xb8;
	[tilespmem:$0x1D080] =	vst v63  }
0x219: {  	_ =	swait.ge [sflag:s18], $0x1900  }
0x21a: {  	[sflag:s18] =	ssyncset.done $0x0  }
0x21b: {  	s9 =	simm.s32 $0x800;
	s10 =	simm.s32 $0x380;
	[sflag:s18] =	ssyncadd.s32 $0xFFFFE700  }
.LBB2_14:
0x21c: {  	[tilespmem:s28], [sflag:$0x4] =	stream.indirect.gather [hbm4b:s4+s20], $0x80, s10, s20, $0xb8;
	[tilespmem:$0x1D080] =	vst v63  }
0x21d: {  	s10 =	smov.u32 s9  }
0x21e: {  	p0 =	sne.s32 s9, $0x4000;
	s9 =	sadd.s32 $0x800, s9;
	_ =	swait.ge [sflag:s29], $0x1900  }
0x21f: {  	s10 =	sshra.s32 s10, $0x2;
	[sflag:s29] =	ssyncset.done $0x0  }
0x220: {  	s11 =	sadd.s32 $0x1400, s10;
	[sflag:s29] =	ssyncadd.s32 $0xFFFFE700  }
0x221: {  	[spmem:s1] =	stream.indirect.scatter.add.f32 [tilespmem:s21], [sflag:$0x5], $0x80, s11, s20, $0xb8;
	[tilespmem:$0x1D080] =	vst v63  }
0x222: {  	_ =	swait.ge [sflag:s18], $0x1900  }
0x223: {  	[sflag:s18] =	ssyncset.done $0x0  }
0x224: {  	s11 =	sadd.s32 $0x200, s10;
	[sflag:s18] =	ssyncadd.s32 $0xFFFFE700  }
0x225: {  	[tilespmem:s21], [sflag:$0x1] =	stream.indirect.gather [hbm4b:s4+s20], $0x80, s11, s20, $0xb8;
	[tilespmem:$0x1D080] =	vst v63  }
0x226: {  	_ =	swait.ge [sflag:s30], $0x1900  }
0x227: {  	[sflag:s30] =	ssyncset.done $0x0  }
0x228: {  	s11 =	sadd.s32 $0x1480, s10;
	[sflag:s30] =	ssyncadd.s32 $0xFFFFE700  }
0x229: {  	[spmem:s1] =	stream.indirect.scatter.add.f32 [tilespmem:s23], [sflag:$0x5], $0x80, s11, s20, $0xb8;
	[tilespmem:$0x1D080] =	vst v63  }
0x22a: {  	_ =	swait.ge [sflag:s18], $0x1900  }
0x22b: {  	[sflag:s18] =	ssyncset.done $0x0  }
0x22c: {  	s11 =	sadd.s32 $0x280, s10;
	[sflag:s18] =	ssyncadd.s32 $0xFFFFE700  }
0x22d: {  	[tilespmem:s23], [sflag:$0x2] =	stream.indirect.gather [hbm4b:s4+s20], $0x80, s11, s20, $0xb8;
	[tilespmem:$0x1D080] =	vst v63  }
0x22e: {  	_ =	swait.ge [sflag:s31], $0x1900  }
0x22f: {  	[sflag:s31] =	ssyncset.done $0x0  }
0x230: {  	s11 =	sadd.s32 $0x1500, s10;
	[sflag:s31] =	ssyncadd.s32 $0xFFFFE700  }
0x231: {  	[spmem:s1] =	stream.indirect.scatter.add.f32 [tilespmem:s25], [sflag:$0x5], $0x80, s11, s20, $0xb8;
	[tilespmem:$0x1D080] =	vst v63  }
0x232: {  	_ =	swait.ge [sflag:s18], $0x1900  }
0x233: {  	[sflag:s18] =	ssyncset.done $0x0  }
0x234: {  	s11 =	sadd.s32 $0x300, s10;
	[sflag:s18] =	ssyncadd.s32 $0xFFFFE700  }
0x235: {  	[tilespmem:s25], [sflag:$0x3] =	stream.indirect.gather [hbm4b:s4+s20], $0x80, s11, s20, $0xb8;
	[tilespmem:$0x1D080] =	vst v63  }
0x236: {  	_ =	swait.ge [sflag:s0], $0x1900  }
0x237: {  	[sflag:s0] =	ssyncset.done $0x0  }
.Ltmp6:
0x238: {  	s11 =	sadd.s32 $0x1580, s10;
	[sflag:s0] =	ssyncadd.s32 $0xFFFFE700;
	(pc) =	sbr.rel @p0 .LBB2_14-.Ltmp6, $4  }
0x239: {  	[spmem:s1] =	stream.indirect.scatter.add.f32 [tilespmem:s28], [sflag:$0x5], $0x80, s11, s20, $0xb8;
	[tilespmem:$0x1D080] =	vst v63  }
0x23a: {  	_ =	swait.ge [sflag:s18], $0x1900  }
0x23b: {  	[sflag:s18] =	ssyncset.done $0x0  }
0x23c: {  	s10 =	sadd.s32 $0x380, s10;
	[sflag:s18] =	ssyncadd.s32 $0xFFFFE700  }
0x23d: {  	[tilespmem:s28], [sflag:$0x4] =	stream.indirect.gather [hbm4b:s4+s20], $0x80, s10, s20, $0xb8;
	[tilespmem:$0x1D080] =	vst v63  }
0x23e: {  	_ =	swait.ge [sflag:s29], $0x1900  }
0x23f: {  	[sflag:s29] =	ssyncset.done $0x0  }
0x240: {  	[sflag:s29] =	ssyncadd.s32 $0xFFFFE700  }
0x241: {  	[spmem:s1] =	stream.indirect.scatter.add.f32 [tilespmem:s21], [sflag:$0x5], $0x80, s5, s20, $0xb8;
	[tilespmem:$0x1D080] =	vst v63  }
0x242: {  	_ =	swait.ge [sflag:s18], $0x1900  }
0x243: {  	[sflag:s18] =	ssyncset.done $0x0  }
0x244: {  	[sflag:s18] =	ssyncadd.s32 $0xFFFFE700  }
0x245: {  	_ =	swait.ge [sflag:s30], $0x1900  }
0x246: {  	[sflag:s30] =	ssyncset.done $0x0  }
0x247: {  	[sflag:s30] =	ssyncadd.s32 $0xFFFFE700  }
0x248: {  	[spmem:s1] =	stream.indirect.scatter.add.f32 [tilespmem:s23], [sflag:$0x5], $0x80, s6, s20, $0xb8;
	[tilespmem:$0x1D080] =	vst v63  }
0x249: {  	_ =	swait.ge [sflag:s18], $0x1900  }
0x24a: {  	[sflag:s18] =	ssyncset.done $0x0  }
0x24b: {  	[sflag:s18] =	ssyncadd.s32 $0xFFFFE700  }
0x24c: {  	_ =	swait.ge [sflag:s31], $0x1900  }
0x24d: {  	[sflag:s31] =	ssyncset.done $0x0  }
0x24e: {  	[sflag:s31] =	ssyncadd.s32 $0xFFFFE700  }
0x24f: {  	[spmem:s1] =	stream.indirect.scatter.add.f32 [tilespmem:s25], [sflag:$0x5], $0x80, s7, s20, $0xb8;
	[tilespmem:$0x1D080] =	vst v63  }
0x250: {  	_ =	swait.ge [sflag:s18], $0x1900  }
0x251: {  	[sflag:s18] =	ssyncset.done $0x0  }
0x252: {  	[sflag:s18] =	ssyncadd.s32 $0xFFFFE700  }
0x253: {  	_ =	swait.ge [sflag:s0], $0x1900  }
0x254: {  	[sflag:s0] =	ssyncset.done $0x0  }
0x255: {  	[sflag:s0] =	ssyncadd.s32 $0xFFFFE700  }
0x256: {  	[spmem:s1] =	stream.indirect.scatter.add.f32 [tilespmem:s28], [sflag:$0x5], $0x80, s8, s20, $0xb8;
	[tilespmem:$0x1D080] =	vst v63  }
0x257: {  	s9 =	sadd.s32 $0x0, s2;
	_ =	swait.ge [sflag:s18], $0x1900  }
0x258: {  	p0 =	sgt.u32 s9, $0xF9;
	[sflag:s18] =	ssyncset.done $0x0  }
0x259: {  	s9 =	sshll.u32 @!p0 s2, $0x6;
	s10 =	sshrl.u32 @!p0 s16, $0x3;
	[sflag:s18] =	ssyncadd.s32 $0xFFFFE700  }
0x25a: {  	s12 =	simm.s32 @!p0 $0x5;
	s9 =	sor.u32 @!p0 $0x1C05, s9;
	[bflag:$0x0] =	sbarrier.arrive $0xFFFF  }
0x25b: {  	[hbm:s17], [sflag:s9] =	dma.local @!p0 [spmem:s10], $0x280  }
0x25c: {  	s11 =	simm.s32 $0x20;
	s13 =	sadd.s32 $0x10, s2;
	_ =	swait.ge @!p0 [sflag:s12], $0x280  }
0x25d: {  	s9 =	sadd.s32 $0x14000, s16;
	s10 =	sadd.s32 $0x2800, s17;
	[sflag:s12] =	ssyncset.done @!p0 $0x0  }
.LBB2_16:
0x25e: {  	[sflag:s12] =	ssyncadd.s32 @!p0 $0xFFFFFD80  }
0x25f: {  	p0 =	sgt.u32 s13, $0xF9;
	s13 =	smov.u32 s11;
	s11 =	sadd.s32 $0x10, s11  }
0x260: {  	p1 =	sne.s32 s11, $0x100  }
.Ltmp7:
0x261: {  	s12 =	sshll.u32 @!p0 s2, $0x6;
	s14 =	sshrl.u32 @!p0 s9, $0x3;
	(pc) =	sbr.rel @p1 .LBB2_16-.Ltmp7, $4  }
0x262: {  	s15 =	sor.u32 @!p0 $0x1C05, s12;
	s12 =	simm.s32 @!p0 $0x5  }
0x263: {  	[hbm:s10], [sflag:s15] =	dma.local @!p0 [spmem:s14], $0x280  }
0x264: {  	s9 =	sadd.s32 $0x14000, s9;
	_ =	swait.ge @!p0 [sflag:s12], $0x280  }
0x265: {  	s13 =	sadd.s32 s13, s2;
	s10 =	sadd.s32 $0x2800, s10;
	[sflag:s12] =	ssyncset.done @!p0 $0x0  }
0x266: {  	p1 =	sgt.u32 s13, $0xF9  }
0x267: {  	[sflag:s12] =	ssyncadd.s32 @!p0 $0xFFFFFD80;
	s11 =	sshll.u32 @!p1 s2, $0x6  }
0x268: {  	s9 =	sshrl.u32 @!p1 s9, $0x3;
	s12 =	simm.s32 @!p1 $0x5;
	s11 =	sor.u32 @!p1 $0x1C05, s11  }
0x269: {  	[hbm:s10], [sflag:s11] =	dma.local @!p1 [spmem:s9], $0x280  }
0x26a: {  	_ =	swait.ge @!p1 [sflag:s12], $0x280  }
0x26b: {  	s3 =	sadd.s32 $0x1, s3;
	s15 =	rddreg [dreg:$0xd]  }
0x26c: {  	p0 =	sne.s32 s3, s15  }
.Ltmp8:
0x26d: {  	_ = 	snop;
	(pc) =	sbr.rel @p0 .LBB2_1-.Ltmp8, $3  }
0x26e: {  	_ =	sdelay $0x1  }
0x26f: {  	[sflag:s12] =	ssyncset.done @!p1 $0x0  }
0x270: {  	[sflag:s12] =	ssyncadd.s32 @!p1 $0xFFFFFD80  }
0x271: {  	_ =	sfence.sel $0x180000  }
0x272: {  	[bflag:$0x0] =	sbarrier.arrive $0xFFFF  }
0x273: {  	_ =	strace $0x9000004A  }
0x274: {  	[bflag:$0x2] =	sbarrier.arrive $0xFFFF  }
0x275: {  	p0 =	sne.s32 s2, $0x0;
	s0 =	rddreg [dreg:$0x2]  }
0x276: {  	s0 =	sadd.s32 @!p0 $0x100000, s0  }
0x277: {  	[sflag:s0] =	ssyncadd.tile.s32 @!p0 $0x1;
	_ =	shalt  }
.Lfunc_end2:
_tile_overlayer_lowered:
.L_overlay_start_2:
0x278: {  	(tag) =	ssettag $0x2  }
0x279: {  	s0 =	rddreg [dreg:$0x0];
	s2 =	stileid.u32  }
0x27a: {  	s1 =	rddreg [dreg:$0x1];
	p0 =	sne.s32 s2, $0x0  }
0x27b: {  	s3 =	rddreg [dreg:$0x2];
	[bflag:$0x3] =	sbarrier.arrive $0xFFFF;
	s2 =	simm.s32 @!p0 $0x1C05  }
0x27c: {  	[timem:s3], [sflag:s2] =	dma.local @!p0 [hbm:s0], s1  }
0x27d: {  	s0 =	simm.s32 @!p0 $0x5  }
0x27e: {  	_ =	swait.ge @!p0 [sflag:s0], s1  }
0x27f: {  	s1 =	ssub.s32 @!p0 $0x0, s1;
	[sflag:s0] =	ssyncset.done @!p0 $0x0  }
0x280: {  	[sflag:s0] =	ssyncadd.s32 @!p0 s1  }
0x281: {  	[bflag:$0x3] =	sbarrier.arrive $0xFFFF  }
0x282: {  	_ =	shalt  }

// kernel: kernel.15.cloned.1.call-start
scs
__scs_entry_jumppad:
0x0: {  	(pc) =	sbr.rel $0x88, $3  }
0x1: {  	(tag) =	ssettag $0x0;
	lr =	simm.s32 $0x1  }
0x2: {  	[smem:$0x3F96] =	sst lr;
	_ =	strace $0xD0000000  }
0x3: {  	_ = 	snop  }
0x4: {  	_ = 	snop  }
0x5: {  	_ = 	snop  }
0x6: {  	_ = 	snop  }
0x7: {  	_ = 	snop  }
__scs_overlays_trampoline_lowered:
0x8: {  	[smem:$0x3FA5] =	sst s0  }
0x9: {  	[smem:$0x3FA6] =	sst s1  }
0xa: {  	[smem:$0x3FA7] =	sst s2  }
0xb: {  	[smem:$0x3FA8] =	sst s3  }
0xc: {  	[smem:$0x3FA9] =	sst s4  }
0xd: {  	[smem:$0x3FAA] =	sst s5  }
0xe: {  	[smem:$0x3FAB] =	sst s6  }
0xf: {  	[smem:$0x3FAC] =	sst s7  }
0x10: {  	[smem:$0x3FAD] =	sst s8  }
0x11: {  	[smem:$0x3FAE] =	sst s9;
	s0 =	simm.s32 @!p0 $0x0  }
0x12: {  	s1 =	sld [smem:$0x3F94];
	s0 =	simm.s32 @p0 $0x1  }
0x13: {  	[smem:$0x3FAF] =	sst s0;
	s0 =	simm.s32 @!p1 $0x0  }
0x14: {  	s2 =	sld [smem:$0x3F93];
	s0 =	simm.s32 @p1 $0x1  }
0x15: {  	[smem:$0x3FB0] =	sst s0;
	s0 =	simm.s32 @!p2 $0x0  }
0x16: {  	s3 =	sld [smem:$0x3FDB];
	s0 =	simm.s32 @p2 $0x1  }
0x17: {  	s4 =	simm.s32 $0x1BF5;
	[smem:$0x3FB2] =	sst s0  }
0x18: {  	s0 =	sld [smem:$0x3F95];
	_ =	swait.ge [sflag:s4], $0x0  }
0x19: {  	s7 =	sld [smem:$0x3F96]  }
0x1a: {  	s8 =	sadd.s32 $0xFFFFE003, lr  }
0x1b: {  	s9 =	sadd.s32 $0xFFFFFEF7, lr;
	s5 =	simm.s32 $0xFFFFFFFF;
	p2 =	slt.u32 s8, $0xFFFFF086  }
0x1c: {  	p1 =	slt.u32 s9, $0xF7A;
	s5 =	simm.s32 @!p2 $0x0  }
0x1d: {  	s5 =	simm.s32 @p1 $0x1;
	p0 =	seq.s32 s7, s2  }
0x1e: {  	s7 =	smul.u32 @!p0 $0xF7A, s2;
	p2 =	seq.s32 @!p0 s5, $0x0  }
0x1f: {  	s9 =	smul.u32 $0xF7A, s1;
	s8 =	simm.s32 @!p0 $0x1BF5;
	p2 =	por !p2, p0  }
0x20: {  	[sflag:s8] =	ssyncset.s32 @!p0 $0xFFFFF086;
	s6 =	sadd.s32 @!p0 s3, s7;
	s7 =	simm.s32 @!p0 $0x108  }
0x21: {  	s3 =	sadd.s32 s3, s9;
	s6 =	sadd.s32 @!p0 $0x88, s6;
	s7 =	simm.s32 @p2 $0x1082  }
0x22: {  	[simem:s7], [sflag:s8] =	dma.local @!p0 [hbm:s6], $0xF7A  }
0x23: {  	s9 =	sor.u32 $0xD0000000, s2;
	s6 =	simm.s32 $0x108;
	_ =	swait.ge @!p0 [sflag:s8], $0x0  }
0x24: {  	s3 =	sadd.s32 $0x88, s3;
	s6 =	simm.s32 @!p1 $0x1082;
	[sflag:s4] =	ssyncset.s32 $0xFFFFF086  }
0x25: {  	[simem:s6], [sflag:s4] =	dma.local [hbm:s3], $0xF7A  }
0x26: {  	[smem:$0x3F96] =	sst s1;
	(tag) =	ssettag s2;
	_ =	strace s9  }
0x27: {  	s1 =	sld [smem:$0x3FA6]  }
0x28: {  	s2 =	sld [smem:$0x3FA7]  }
0x29: {  	s4 =	sld [smem:$0x3FA9]  }
0x2a: {  	p0 =	seq.s32 s5, $0x0;
	s5 =	sld [smem:$0x3FAA]  }
0x2b: {  	s6 =	sld [smem:$0x3FAB]  }
0x2c: {  	s7 =	sld [smem:$0x3FAC]  }
0x2d: {  	s3 =	simm.s32 $0x108;
	s8 =	sld [smem:$0x3FAD]  }
0x2e: {  	s3 =	simm.s32 @!p0 $0x1082;
	s9 =	sld [smem:$0x3FAE]  }
0x2f: {  	lr =	sadd.s32 s0, s3;
	s0 =	sld [smem:$0x3FA5]  }
0x30: {  	s3 =	sld [smem:$0x3FA8]  }
0x31: {  	[smem:$0x3FB1] =	sst s10  }
0x32: {  	s10 =	sld [smem:$0x3FAF];
	_ =	sdelay $0x3  }
0x33: {  	p0 =	seq.s32 s10, $0x1;
	s10 =	sld [smem:$0x3FB1];
	_ =	sdelay $0x3  }
0x34: {  	[smem:$0x3FB1] =	sst s10  }
0x35: {  	s10 =	sld [smem:$0x3FB0];
	_ =	sdelay $0x3  }
0x36: {  	p1 =	seq.s32 s10, $0x1;
	s10 =	sld [smem:$0x3FB1];
	_ =	sdelay $0x3  }
0x37: {  	[smem:$0x3FB1] =	sst s10  }
0x38: {  	s10 =	sld [smem:$0x3FB2]  }
0x39: {  	_ = 	snop;
	(pc) =	sbr.ind lr, $3  }
0x3a: {  	_ = 	snop  }
0x3b: {  	_ = 	snop  }
0x3c: {  	p2 =	seq.s32 s10, $0x1;
	s10 =	sld [smem:$0x3FB1]  }
0x3d: {  	_ =	shalt  }
0x3e: {  	_ =	shalt  }
0x3f: {  	_ =	shalt  }
0x40: {  	_ =	shalt  }
0x41: {  	_ =	shalt  }
0x42: {  	_ =	shalt  }
0x43: {  	_ =	shalt  }
0x44: {  	_ =	shalt  }
0x45: {  	_ =	shalt  }
0x46: {  	_ =	shalt  }
0x47: {  	_ =	shalt  }
0x48: {  	_ =	shalt  }
0x49: {  	_ =	shalt  }
0x4a: {  	_ =	shalt  }
0x4b: {  	_ =	shalt  }
0x4c: {  	_ =	shalt  }
0x4d: {  	_ =	shalt  }
0x4e: {  	_ =	shalt  }
0x4f: {  	_ =	shalt  }
0x50: {  	_ =	shalt  }
0x51: {  	_ =	shalt  }
0x52: {  	_ =	shalt  }
0x53: {  	_ =	shalt  }
0x54: {  	_ =	shalt  }
0x55: {  	_ =	shalt  }
0x56: {  	_ =	shalt  }
0x57: {  	_ =	shalt  }
0x58: {  	_ =	shalt  }
0x59: {  	_ =	shalt  }
0x5a: {  	_ =	shalt  }
0x5b: {  	_ =	shalt  }
0x5c: {  	_ =	shalt  }
0x5d: {  	_ =	shalt  }
0x5e: {  	_ =	shalt  }
0x5f: {  	_ =	shalt  }
0x60: {  	_ =	shalt  }
0x61: {  	_ =	shalt  }
0x62: {  	_ =	shalt  }
0x63: {  	_ =	shalt  }
0x64: {  	_ =	shalt  }
0x65: {  	_ =	shalt  }
0x66: {  	_ =	shalt  }
0x67: {  	_ =	shalt  }
0x68: {  	_ =	shalt  }
0x69: {  	_ =	shalt  }
0x6a: {  	_ =	shalt  }
0x6b: {  	_ =	shalt  }
0x6c: {  	_ =	shalt  }
0x6d: {  	_ =	shalt  }
0x6e: {  	_ =	shalt  }
0x6f: {  	_ =	shalt  }
0x70: {  	_ =	shalt  }
0x71: {  	_ =	shalt  }
0x72: {  	_ =	shalt  }
0x73: {  	_ =	shalt  }
0x74: {  	_ =	shalt  }
0x75: {  	_ =	shalt  }
0x76: {  	_ =	shalt  }
0x77: {  	_ =	shalt  }
0x78: {  	_ =	shalt  }
0x79: {  	_ =	shalt  }
0x7a: {  	_ =	shalt  }
0x7b: {  	_ =	shalt  }
0x7c: {  	_ =	shalt  }
0x7d: {  	_ =	shalt  }
0x7e: {  	_ =	shalt  }
0x7f: {  	_ =	shalt  }
0x80: {  	_ =	shalt  }
0x81: {  	_ =	shalt  }
0x82: {  	_ =	shalt  }
0x83: {  	_ =	shalt  }
0x84: {  	_ =	shalt  }
0x85: {  	_ =	shalt  }
0x86: {  	_ =	shalt  }
0x87: {  	_ =	shalt  }
.Lfunc_end0:
.L_simem_size_0:
called_computation.2_lowered:
.L_overlay_start_0:
0x88: {  	s2 =	sld [smem:$0x3FD9]  }
0x89: {  	s3 =	sld [smem:$0x3FFE];
	_ =	sdelay $0x1  }
0x8a: {  	s1 =	srdreg.scid  }
0x8b: {  	s0 =	sand.u32 $0x1, s1  }
0x8c: {  	s16 =	sshll.u32 s0, $0xA;
	s2 =	sadd.s32 s3, s2  }
0x8d: {  	s2 =	sadd.s32 s2, s16  }
0x8e: {  	[smem:$0x3FBD] =	sst s2  }
0x8f: {  	_ = 	snop  }
0x90: {  	(tm) =	ssettm $0x1  }
0x91: {  	s17 =	sld [smem:$0x3FFB];
	_ =	sdelay $0x3  }
0x92: {  	_ =	strace s17  }
0x93: {  	s2 =	sld [smem:$0x3FFC];
	_ =	sdelay $0x3  }
0x94: {  	_ =	strace s2  }
0x95: {  	s2 =	sld [smem:$0x3FFD];
	_ =	sdelay $0x3  }
0x96: {  	_ =	strace s2  }
0x97: {  	_ =	strace $0x8FFFFFFF  }
0x98: {  	s18 =	sld [smem:$0x3FDB];
	_ =	sdelay $0x1  }
0x99: {  	s19 =	simm.s32 $_scs_section_size  }
0x9a: {  	s4 =	simm.s32 $_size__tile_overlayer_lowered;
	s5 =	simm.s32 $_tile_overlayer_lowered  }
0x9b: {  	s22 =	simm.s32 $0x1BFF;
	s21 =	sshll.u32 s5, $0x1;
	s2 =	sadd.s32 s19, s18  }
0x9c: {  	s6 =	simm.s32 $0x0;
	s20 =	sshll.u32 s4, $0x1;
	s4 =	sadd.s32 s21, s2  }
0x9d: {  	[timem:s6], [sflag:s22] =	dma.local [hbm:s4], s20  }
0x9e: {  	_ =	swait.ge [sflag:s22], s20  }
0x9f: {  	s3 =	ssub.s32 $0x0, s20;
	[sflag:s22] =	ssyncset.done $0x0  }
0xa0: {  	[sflag:s22] =	ssyncadd.s32 s3;
	_ =	sdelay $0x1  }
0xa1: {  	s23 =	simm.s32 $0x1B8B  }
0xa2: {  	_ =	swait.ge [sflag:s23], $0x1  }
0xa3: {  	[sflag:s23] =	ssyncset.done $0x0  }
0xa4: {  	s25 =	simm.s32 $0x1B8E;
	s24 =	sld [smem:$0x3FFE];
	[sflag:s23] =	ssyncadd.s32 $0xFFFFFFFF  }
0xa5: {  	s26 =	simm.s32 $execute0_lowered;
	[smem:$0x3FD2] =	sst s25  }
0xa6: {  	s4 =	sshll.u32 s26, $0x1;
	_ =	strace $0x8000004C;
	[dreg:$0x1] =	wrdreg $0xFFFFFFFF  }
0xa7: {  	s28 =	simm.s32 $_size_execute0_lowered;
	s2 =	sadd.s32 s2, s4;
	[dreg:$0x0] =	wrdreg $0x0  }
0xa8: {  	s4 =	sshll.u32 s28, $0x1;
	[dreg:$0x2] =	wrdreg s2  }
0xa9: {  	[dreg:$0x3] =	wrdreg s4  }
0xaa: {  	[dreg:$0x4] =	wrdreg $0xC0  }
0xab: {  	_ =	task [dreg:s6], $0x5FFFF  }
0xac: {  	[dreg:$0x1] =	wrdreg $0xFFFFFFFF  }
0xad: {  	[dreg:$0x0] =	wrdreg $0x60  }
0xae: {  	[dreg:$0x2] =	wrdreg s24  }
0xaf: {  	[dreg:$0x3] =	wrdreg $0x98000  }
0xb0: {  	[dreg:$0x4] =	wrdreg $0x9  }
0xb1: {  	_ =	task.clear_ibuf [dreg:s6], $0x5FFFF;
	_ =	strace $0x9000004C  }
0xb2: {  	s29 =	simm.s32 $0x9;
	_ =	strace $0x8000004E  }
0xb3: {  	_ =	swait.ge [sflag:s29], $0x1  }
0xb4: {  	[sflag:s29] =	ssyncadd.s32 $0xFFFFFFFF  }
0xb5: {  	_ =	strace $0x9000004E  }
0xb6: {  	_ =	sfence  }
0xb7: {  	s30 =	sld [smem:$0x0];
	_ =	sdelay $0x2  }
0xb8: {  	s31 =	sshll.u32 s1, $0xD;
	s1 =	sshrl.u32 s1, $0x2  }
0xb9: {  	s3 =	sand.u32 $0x4000, s31;
	s1 =	sadd.s32 s1, s30  }
0xba: {  	s0 =	sor.u32 s3, s0;
	s1 =	sshll.u32 s1, $0x11  }
0xbb: {  	s0 =	sor.u32 s1, s0  }
0xbc: {  	s0 =	sadd.s32 $0x8F2B, s0  }
0xbd: {  	[sflag:s0] =	ssyncadd.remote.s32 $0x1  }
0xbe: {  	_ =	sfence.sel $0xFFFF  }
0xbf: {  	[dreg:$0x0] =	wrdreg $0xFFFFFFFF;
	(pc) =	sbr.abs _section_cstart, $3  }
0xc0: {  	[dreg:$0x1] =	wrdreg $0xFFFFFFFF  }
0xc1: {  	_ =	task.clear_ibuf [dreg:s6], $0x2FFFF;
	_ =	strace $0x9FFFFFFF  }
0xc2: {  	(tm) =	ssettm $0x7FFFFFFF  }
0xc3: {  	_ =	shalt  }
tec
execute0_lowered:
.L_overlay_start_1:
0x0: {  	(tag) =	ssettag $0x1  }
0x1: {  	s0 =	rddreg [dreg:$0x0]  }
0x2: {  	s1 =	rddreg [dreg:$0x1]  }
0x3: {  	s3 =	simm.s32 $0x0;
	s2 =	srdreg.scid;
	s28 =	simm.s32 $0x7C00  }
0x4: {  	s29 =	simm.s32 $0x1;
	s30 =	simm.s32 $0x2;
	s31 =	simm.s32 $0x3  }
0x5: {  	[smem:$0x7FF] =	sst s3;
	s5 =	sand.u32 $0x1, s2;
	s2 =	stileid.u32  }
0x6: {  	s8 =	sadd.s32 $0x82200, s0;
	s9 =	sadd.s32 $0x69200, s0;
	s6 =	smul.u32 $0x138800, s5  }
0x7: {  	s4 =	sshll.u32 s5, $0x4;
	_ =	strace $0x8000004D;
	s7 =	smul.u32 $0x1400, s2  }
0x8: {  	s5 =	ssub.s32 $0x2, s5;
	s23 =	smul.u32 $0x5000, s2;
	s4 =	sor.u32 s2, s4  }
0x9: {  	s15 =	sshrl.u32 s5, $0x1;
	s10 =	smul.u32 $0x6400, s4;
	s4 =	sadd.s32 $0x2000, s0  }
0xa: {  	s6 =	sadd.s32 s7, s6;
	s5 =	ssub.s32 s5, s15;
	s26 =	sshrl.u32 s23, $0x2  }
0xb: {  	s23 =	simm.s32 $0x4400;
	s7 =	simm.s32 $0x2700;
	s6 =	sshrl.u32 s6, $0x3  }
0xc: {  	s5 =	smax.u32 s5, $0x1;
	s10 =	sshrl.u32 s10, $0x3;
	s0 =	sadd.s32 s6, s0  }
0xd: {  	[dreg:$0xd] =	wrdreg s5;
	s5 =	simm.s32 $0x2600;
	s16 =	sadd.s32 s8, s10  }
0xe: {  	s17 =	sadd.s32 s9, s10;
	s18 =	sadd.s32 $0x280, s10;
	s19 =	sadd.s32 $0x500, s10  }
0xf: {  	s22 =	sadd.s32 $0x780, s10;
	s25 =	sadd.s32 $0xA00, s10;
	[dreg:$0x3] =	wrdreg s16  }
0x10: {  	[dreg:$0x4] =	wrdreg s17;
	s11 =	sadd.s32 s8, s18;
	s6 =	sadd.s32 s9, s18  }
0x11: {  	s20 =	sadd.s32 s8, s19;
	s21 =	sadd.s32 s9, s19;
	[dreg:$0x5] =	wrdreg s11  }
0x12: {  	s24 =	sadd.s32 s8, s22;
	s8 =	sadd.s32 s8, s25;
	[dreg:$0x6] =	wrdreg s6  }
0x13: {  	s16 =	sadd.s32 s26, s1;
	s17 =	sadd.s32 $0x9B200, s0;
	[dreg:$0x7] =	wrdreg s20  }
0x14: {  	s18 =	simm.s32 $0x5;
	s19 =	simm.s32 $0x1400;
	[dreg:$0x8] =	wrdreg s21  }
0x15: {  	s26 =	simm.s32 $0x180;
	s0 =	simm.s32 $0x4;
	[dreg:$0x9] =	wrdreg s24  }
0x16: {  	s6 =	sadd.s32 s9, s22;
	[dreg:$0xb] =	wrdreg s8;
	s20 =	simm.s32 $0x32  }
0x17: {  	s21 =	simm.s32 $0x2800;
	s22 =	simm.s32 $0x80;
	s24 =	simm.s32 $0x100  }
0x18: {  	s8 =	simm.s32 $0x2780;
	[dreg:$0xa] =	wrdreg s6;
	s6 =	sadd.s32 s9, s25  }
0x19: {  	v0 =	vimm.f32 $0.0e+00;
	s25 =	simm.s32 $0x6000;
	[dreg:$0xc] =	wrdreg s6;
	s6 =	simm.s32 $0x2680  }
.LBB2_1:
0x1a: {  	s9 =	simm.s32 $0x0;
	s10 =	simm.s32 $0x200  }
.LBB2_2:
0x1b: {  	p0 =	sne.s32 s10, $0x4E00;
	[tilespmem:s9+$0x2870] =	vst v0  }
0x1c: {  	[tilespmem:s9+$0x2800] =	vst v0  }
0x1d: {  	[tilespmem:s9+$0x2810] =	vst v0  }
.Ltmp0:
0x1e: {  	[tilespmem:s9+$0x2820] =	vst v0;
	(pc) =	sbr.rel @p0 .LBB2_2-.Ltmp0, $4  }
0x1f: {  	[tilespmem:s9+$0x2830] =	vst v0  }
0x20: {  	[tilespmem:s9+$0x2840] =	vst v0  }
0x21: {  	[tilespmem:s9+$0x2850] =	vst v0  }
0x22: {  	[tilespmem:s9+$0x2860] =	vst v0;
	s9 =	sshra.s32 s10, $0x2;
	s10 =	sadd.s32 $0x200, s10  }
0x23: {  	[tilespmem:s9+$0x2870] =	vst v0  }
0x24: {  	[tilespmem:s9+$0x2800] =	vst v0  }
0x25: {  	[tilespmem:s9+$0x2810] =	vst v0  }
0x26: {  	[tilespmem:s9+$0x2820] =	vst v0  }
0x27: {  	[tilespmem:s9+$0x2830] =	vst v0  }
0x28: {  	[tilespmem:s9+$0x2840] =	vst v0;
	s10 =	sadd.s32 $0x0, s2  }
0x29: {  	[tilespmem:s9+$0x2850] =	vst v0;
	p0 =	sgt.u32 s10, $0xF9  }
0x2a: {  	[tilespmem:s9+$0x2860] =	vst v0;
	s9 =	simm.s32 @!p0 $0x2800;
	s12 =	simm.s32 @!p0 $0x5  }
0x2b: {  	[spmem:s16] =	stream.linear.scatter @!p0 [tilespmem:s9], [sflag:$0x5], $0x1400, $0x38;
	[tilespmem:$0x1D080] =	vst v63  }
0x2c: {  	s11 =	simm.s32 $0x20;
	_ =	swait.ge @!p0 [sflag:s12], $0x1400  }
0x2d: {  	s10 =	simm.s32 $0x10;
	s9 =	sadd.s32 $0x14000, s16;
	[sflag:s12] =	ssyncset.done @!p0 $0x0  }
.LBB2_4:
0x2e: {  	s13 =	sadd.s32 s10, s2;
	s10 =	smov.u32 s11;
	s11 =	sadd.s32 $0x10, s11  }
0x2f: {  	[sflag:s12] =	ssyncadd.s32 @!p0 $0xFFFFEC00;
	p1 =	sne.s32 s11, $0x100  }
.Ltmp1:
0x30: {  	p0 =	sgt.u32 s13, $0xF9;
	(pc) =	sbr.rel @p1 .LBB2_4-.Ltmp1, $4  }
0x31: {  	s13 =	simm.s32 @!p0 $0x2800;
	s12 =	simm.s32 @!p0 $0x5  }
0x32: {  	[spmem:s9] =	stream.linear.scatter @!p0 [tilespmem:s13], [sflag:$0x5], $0x1400, $0x38;
	[tilespmem:$0x1D080] =	vst v63  }
0x33: {  	_ =	swait.ge @!p0 [sflag:s12], $0x1400  }
0x34: {  	s9 =	sadd.s32 $0x14000, s9;
	[sflag:s12] =	ssyncset.done @!p0 $0x0  }
0x35: {  	s10 =	sadd.s32 s10, s2  }
0x36: {  	p1 =	sgt.u32 s10, $0xF9  }
0x37: {  	[sflag:s12] =	ssyncadd.s32 @!p0 $0xFFFFEC00;
	s10 =	simm.s32 @!p1 $0x2800;
	s11 =	simm.s32 @!p1 $0x5  }
0x38: {  	[spmem:s9] =	stream.linear.scatter @!p1 [tilespmem:s10], [sflag:$0x5], $0x1400, $0x38;
	[tilespmem:$0x1D080] =	vst v63  }
0x39: {  	_ =	swait.ge @!p1 [sflag:s11], $0x1400  }
0x3a: {  	[sflag:s11] =	ssyncset.done @!p1 $0x0  }
0x3b: {  	[sflag:s11] =	ssyncadd.s32 @!p1 $0xFFFFEC00  }
0x3c: {  	[bflag:$0x0] =	sbarrier.arrive $0xFFFF  }
0x3d: {  	s12 =	simm.s32 $0x0;
	s13 =	rddreg [dreg:$0x3]  }
0x3e: {  	[tilespmem:s12], [sflag:$0x5] =	stream.linear.gather [hbm4b:s13+s12], $0x1400, $0x38;
	[tilespmem:$0x1D080] =	vst v63  }
0x3f: {  	_ =	swait.ge [sflag:s18], $0x1400  }
0x40: {  	[sflag:s18] =	ssyncset.done $0x0  }
0x41: {  	s14 =	rddreg [dreg:$0x4];
	[sflag:s18] =	ssyncadd.s32 $0xFFFFEC00  }
0x42: {  	[tilespmem:s19], [sflag:$0x5] =	stream.linear.gather [hbm4b:s14+s12], $0x1400, $0x38;
	[tilespmem:$0x1D080] =	vst v63  }
0x43: {  	_ =	swait.ge [sflag:s18], $0x1400  }
0x44: {  	[sflag:s18] =	ssyncset.done $0x0  }
0x45: {  	[sflag:s18] =	ssyncadd.s32 $0xFFFFEC00  }
0x46: {  	[tilespmem:s21], [sflag:$0x1] =	stream.indirect.gather [hbm4b:s4+s20], $0x80, s12, s20, $0xb8;
	[tilespmem:$0x1D080] =	vst v63  }
0x47: {  	_ = 	snop  }
0x48: {  	[tilespmem:s23], [sflag:$0x2] =	stream.indirect.gather [hbm4b:s4+s20], $0x80, s22, s20, $0xb8;
	[tilespmem:$0x1D080] =	vst v63  }
0x49: {  	_ = 	snop  }
0x4a: {  	[tilespmem:s25], [sflag:$0x3] =	stream.indirect.gather [hbm4b:s4+s20], $0x80, s24, s20, $0xb8;
	[tilespmem:$0x1D080] =	vst v63  }
0x4b: {  	_ = 	snop  }
0x4c: {  	[tilespmem:s28], [sflag:$0x4] =	stream.indirect.gather [hbm4b:s4+s20], $0x80, s26, s20, $0xb8;
	[tilespmem:$0x1D080] =	vst v63  }
0x4d: {  	_ =	swait.ge [sflag:s29], $0x1900  }
0x4e: {  	[sflag:s29] =	ssyncset.done $0x0  }
0x4f: {  	s15 =	simm.s32 $0x1400;
	[sflag:s29] =	ssyncadd.s32 $0xFFFFE700  }
0x50: {  	[spmem:s1] =	stream.indirect.scatter.add.f32 [tilespmem:s21], [sflag:$0x5], $0x80, s15, s20, $0xb8;
	[tilespmem:$0x1D080] =	vst v63  }
0x51: {  	_ =	swait.ge [sflag:s18], $0x1900  }
0x52: {  	[sflag:s18] =	ssyncset.done $0x0  }
0x53: {  	s10 =	simm.s32 $0x200;
	[sflag:s18] =	ssyncadd.s32 $0xFFFFE700  }
0x54: {  	[tilespmem:s21], [sflag:$0x1] =	stream.indirect.gather [hbm4b:s4+s20], $0x80, s10, s20, $0xb8;
	[tilespmem:$0x1D080] =	vst v63  }
0x55: {  	_ =	swait.ge [sflag:s30], $0x1900  }
0x56: {  	[sflag:s30] =	ssyncset.done $0x0  }
0x57: {  	s11 =	simm.s32 $0x1480;
	[sflag:s30] =	ssyncadd.s32 $0xFFFFE700  }
0x58: {  	[spmem:s1] =	stream.indirect.scatter.add.f32 [tilespmem:s23], [sflag:$0x5], $0x80, s11, s20, $0xb8;
	[tilespmem:$0x1D080] =	vst v63  }
0x59: {  	_ =	swait.ge [sflag:s18], $0x1900  }
0x5a: {  	[sflag:s18] =	ssyncset.done $0x0  }
0x5b: {  	s12 =	simm.s32 $0x280;
	[sflag:s18] =	ssyncadd.s32 $0xFFFFE700  }
0x5c: {  	[tilespmem:s23], [sflag:$0x2] =	stream.indirect.gather [hbm4b:s4+s20], $0x80, s12, s20, $0xb8;
	[tilespmem:$0x1D080] =	vst v63  }
0x5d: {  	_ =	swait.ge [sflag:s31], $0x1900  }
0x5e: {  	[sflag:s31] =	ssyncset.done $0x0  }
0x5f: {  	s13 =	simm.s32 $0x1500;
	[sflag:s31] =	ssyncadd.s32 $0xFFFFE700  }
0x60: {  	[spmem:s1] =	stream.indirect.scatter.add.f32 [tilespmem:s25], [sflag:$0x5], $0x80, s13, s20, $0xb8;
	[tilespmem:$0x1D080] =	vst v63  }
0x61: {  	_ =	swait.ge [sflag:s18], $0x1900  }
0x62: {  	[sflag:s18] =	ssyncset.done $0x0  }
0x63: {  	s14 =	simm.s32 $0x300;
	[sflag:s18] =	ssyncadd.s32 $0xFFFFE700  }
0x64: {  	[tilespmem:s25], [sflag:$0x3] =	stream.indirect.gather [hbm4b:s4+s20], $0x80, s14, s20, $0xb8;
	[tilespmem:$0x1D080] =	vst v63  }
0x65: {  	_ =	swait.ge [sflag:s0], $0x1900  }
0x66: {  	[sflag:s0] =	ssyncset.done $0x0  }
0x67: {  	s15 =	simm.s32 $0x1580;
	[sflag:s0] =	ssyncadd.s32 $0xFFFFE700  }
0x68: {  	[spmem:s1] =	stream.indirect.scatter.add.f32 [tilespmem:s28], [sflag:$0x5], $0x80, s15, s20, $0xb8;
	[tilespmem:$0x1D080] =	vst v63  }
0x69: {  	_ =	swait.ge [sflag:s18], $0x1900  }
0x6a: {  	[sflag:s18] =	ssyncset.done $0x0  }
0x6b: {  	s9 =	simm.s32 $0x800;
	s10 =	simm.s32 $0x380;
	[sflag:s18] =	ssyncadd.s32 $0xFFFFE700  }
.LBB2_6:
0x6c: {  	[tilespmem:s28], [sflag:$0x4] =	stream.indirect.gather [hbm4b:s4+s20], $0x80, s10, s20, $0xb8;
	[tilespmem:$0x1D080] =	vst v63  }
0x6d: {  	s10 =	smov.u32 s9  }
0x6e: {  	p0 =	sne.s32 s9, $0x4000;
	s9 =	sadd.s32 $0x800, s9;
	_ =	swait.ge [sflag:s29], $0x1900  }
0x6f: {  	s10 =	sshra.s32 s10, $0x2;
	[sflag:s29] =	ssyncset.done $0x0  }
0x70: {  	s11 =	sadd.s32 $0x1400, s10;
	[sflag:s29] =	ssyncadd.s32 $0xFFFFE700  }
0x71: {  	[spmem:s1] =	stream.indirect.scatter.add.f32 [tilespmem:s21], [sflag:$0x5], $0x80, s11, s20, $0xb8;
	[tilespmem:$0x1D080] =	vst v63  }
0x72: {  	_ =	swait.ge [sflag:s18], $0x1900  }
0x73: {  	[sflag:s18] =	ssyncset.done $0x0  }
0x74: {  	s11 =	sadd.s32 $0x200, s10;
	[sflag:s18] =	ssyncadd.s32 $0xFFFFE700  }
0x75: {  	[tilespmem:s21], [sflag:$0x1] =	stream.indirect.gather [hbm4b:s4+s20], $0x80, s11, s20, $0xb8;
	[tilespmem:$0x1D080] =	vst v63  }
0x76: {  	_ =	swait.ge [sflag:s30], $0x1900  }
0x77: {  	[sflag:s30] =	ssyncset.done $0x0  }
0x78: {  	s11 =	sadd.s32 $0x1480, s10;
	[sflag:s30] =	ssyncadd.s32 $0xFFFFE700  }
0x79: {  	[spmem:s1] =	stream.indirect.scatter.add.f32 [tilespmem:s23], [sflag:$0x5], $0x80, s11, s20, $0xb8;
	[tilespmem:$0x1D080] =	vst v63  }
0x7a: {  	_ =	swait.ge [sflag:s18], $0x1900  }
0x7b: {  	[sflag:s18] =	ssyncset.done $0x0  }
0x7c: {  	s11 =	sadd.s32 $0x280, s10;
	[sflag:s18] =	ssyncadd.s32 $0xFFFFE700  }
0x7d: {  	[tilespmem:s23], [sflag:$0x2] =	stream.indirect.gather [hbm4b:s4+s20], $0x80, s11, s20, $0xb8;
	[tilespmem:$0x1D080] =	vst v63  }
0x7e: {  	_ =	swait.ge [sflag:s31], $0x1900  }
0x7f: {  	[sflag:s31] =	ssyncset.done $0x0  }
0x80: {  	s11 =	sadd.s32 $0x1500, s10;
	[sflag:s31] =	ssyncadd.s32 $0xFFFFE700  }
0x81: {  	[spmem:s1] =	stream.indirect.scatter.add.f32 [tilespmem:s25], [sflag:$0x5], $0x80, s11, s20, $0xb8;
	[tilespmem:$0x1D080] =	vst v63  }
0x82: {  	_ =	swait.ge [sflag:s18], $0x1900  }
0x83: {  	[sflag:s18] =	ssyncset.done $0x0  }
0x84: {  	s11 =	sadd.s32 $0x300, s10;
	[sflag:s18] =	ssyncadd.s32 $0xFFFFE700  }
0x85: {  	[tilespmem:s25], [sflag:$0x3] =	stream.indirect.gather [hbm4b:s4+s20], $0x80, s11, s20, $0xb8;
	[tilespmem:$0x1D080] =	vst v63  }
0x86: {  	_ =	swait.ge [sflag:s0], $0x1900  }
0x87: {  	[sflag:s0] =	ssyncset.done $0x0  }
.Ltmp2:
0x88: {  	s11 =	sadd.s32 $0x1580, s10;
	[sflag:s0] =	ssyncadd.s32 $0xFFFFE700;
	(pc) =	sbr.rel @p0 .LBB2_6-.Ltmp2, $4  }
0x89: {  	[spmem:s1] =	stream.indirect.scatter.add.f32 [tilespmem:s28], [sflag:$0x5], $0x80, s11, s20, $0xb8;
	[tilespmem:$0x1D080] =	vst v63  }
0x8a: {  	_ =	swait.ge [sflag:s18], $0x1900  }
0x8b: {  	[sflag:s18] =	ssyncset.done $0x0  }
0x8c: {  	s10 =	sadd.s32 $0x380, s10;
	[sflag:s18] =	ssyncadd.s32 $0xFFFFE700  }
0x8d: {  	[tilespmem:s28], [sflag:$0x4] =	stream.indirect.gather [hbm4b:s4+s20], $0x80, s10, s20, $0xb8;
	[tilespmem:$0x1D080] =	vst v63  }
0x8e: {  	_ =	swait.ge [sflag:s29], $0x1900  }
0x8f: {  	[sflag:s29] =	ssyncset.done $0x0  }
0x90: {  	[sflag:s29] =	ssyncadd.s32 $0xFFFFE700  }
0x91: {  	[spmem:s1] =	stream.indirect.scatter.add.f32 [tilespmem:s21], [sflag:$0x5], $0x80, s5, s20, $0xb8;
	[tilespmem:$0x1D080] =	vst v63  }
0x92: {  	_ =	swait.ge [sflag:s18], $0x1900  }
0x93: {  	[sflag:s18] =	ssyncset.done $0x0  }
0x94: {  	[sflag:s18] =	ssyncadd.s32 $0xFFFFE700  }
0x95: {  	_ =	swait.ge [sflag:s30], $0x1900  }
0x96: {  	[sflag:s30] =	ssyncset.done $0x0  }
0x97: {  	[sflag:s30] =	ssyncadd.s32 $0xFFFFE700  }
0x98: {  	[spmem:s1] =	stream.indirect.scatter.add.f32 [tilespmem:s23], [sflag:$0x5], $0x80, s6, s20, $0xb8;
	[tilespmem:$0x1D080] =	vst v63  }
0x99: {  	_ =	swait.ge [sflag:s18], $0x1900  }
0x9a: {  	[sflag:s18] =	ssyncset.done $0x0  }
0x9b: {  	[sflag:s18] =	ssyncadd.s32 $0xFFFFE700  }
0x9c: {  	_ =	swait.ge [sflag:s31], $0x1900  }
0x9d: {  	[sflag:s31] =	ssyncset.done $0x0  }
0x9e: {  	[sflag:s31] =	ssyncadd.s32 $0xFFFFE700  }
0x9f: {  	[spmem:s1] =	stream.indirect.scatter.add.f32 [tilespmem:s25], [sflag:$0x5], $0x80, s7, s20, $0xb8;
	[tilespmem:$0x1D080] =	vst v63  }
0xa0: {  	_ =	swait.ge [sflag:s18], $0x1900  }
0xa1: {  	[sflag:s18] =	ssyncset.done $0x0  }
0xa2: {  	[sflag:s18] =	ssyncadd.s32 $0xFFFFE700  }
0xa3: {  	_ =	swait.ge [sflag:s0], $0x1900  }
0xa4: {  	[sflag:s0] =	ssyncset.done $0x0  }
0xa5: {  	[sflag:s0] =	ssyncadd.s32 $0xFFFFE700  }
0xa6: {  	[spmem:s1] =	stream.indirect.scatter.add.f32 [tilespmem:s28], [sflag:$0x5], $0x80, s8, s20, $0xb8;
	[tilespmem:$0x1D080] =	vst v63  }
0xa7: {  	_ =	swait.ge [sflag:s18], $0x1900  }
0xa8: {  	[sflag:s18] =	ssyncset.done $0x0  }
0xa9: {  	s9 =	simm.s32 $0x0;
	s13 =	rddreg [dreg:$0x5];
	[sflag:s18] =	ssyncadd.s32 $0xFFFFE700  }
0xaa: {  	[tilespmem:s9], [sflag:$0x5] =	stream.linear.gather [hbm4b:s13+s9], $0x1400, $0x38;
	[tilespmem:$0x1D080] =	vst v63  }
0xab: {  	_ =	swait.ge [sflag:s18], $0x1400  }
0xac: {  	[sflag:s18] =	ssyncset.done $0x0  }
0xad: {  	s14 =	rddreg [dreg:$0x6];
	[sflag:s18] =	ssyncadd.s32 $0xFFFFEC00  }
0xae: {  	[tilespmem:s19], [sflag:$0x5] =	stream.linear.gather [hbm4b:s14+s9], $0x1400, $0x38;
	[tilespmem:$0x1D080] =	vst v63  }
0xaf: {  	_ =	swait.ge [sflag:s18], $0x1400  }
0xb0: {  	[sflag:s18] =	ssyncset.done $0x0  }
0xb1: {  	[sflag:s18] =	ssyncadd.s32 $0xFFFFEC00  }
0xb2: {  	[tilespmem:s21], [sflag:$0x1] =	stream.indirect.gather [hbm4b:s4+s20], $0x80, s9, s20, $0xb8;
	[tilespmem:$0x1D080] =	vst v63  }
0xb3: {  	_ = 	snop  }
0xb4: {  	[tilespmem:s23], [sflag:$0x2] =	stream.indirect.gather [hbm4b:s4+s20], $0x80, s22, s20, $0xb8;
	[tilespmem:$0x1D080] =	vst v63  }
0xb5: {  	_ = 	snop  }
0xb6: {  	[tilespmem:s25], [sflag:$0x3] =	stream.indirect.gather [hbm4b:s4+s20], $0x80, s24, s20, $0xb8;
	[tilespmem:$0x1D080] =	vst v63  }
0xb7: {  	_ = 	snop  }
0xb8: {  	[tilespmem:s28], [sflag:$0x4] =	stream.indirect.gather [hbm4b:s4+s20], $0x80, s26, s20, $0xb8;
	[tilespmem:$0x1D080] =	vst v63  }
0xb9: {  	_ =	swait.ge [sflag:s29], $0x1900  }
0xba: {  	[sflag:s29] =	ssyncset.done $0x0  }
0xbb: {  	s15 =	simm.s32 $0x1400;
	[sflag:s29] =	ssyncadd.s32 $0xFFFFE700  }
0xbc: {  	[spmem:s1] =	stream.indirect.scatter.add.f32 [tilespmem:s21], [sflag:$0x5], $0x80, s15, s20, $0xb8;
	[tilespmem:$0x1D080] =	vst v63  }
0xbd: {  	_ =	swait.ge [sflag:s18], $0x1900  }
0xbe: {  	[sflag:s18] =	ssyncset.done $0x0  }
0xbf: {  	s10 =	simm.s32 $0x200;
	[sflag:s18] =	ssyncadd.s32 $0xFFFFE700  }
0xc0: {  	[tilespmem:s21], [sflag:$0x1] =	stream.indirect.gather [hbm4b:s4+s20], $0x80, s10, s20, $0xb8;
	[tilespmem:$0x1D080] =	vst v63  }
0xc1: {  	_ =	swait.ge [sflag:s30], $0x1900  }
0xc2: {  	[sflag:s30] =	ssyncset.done $0x0  }
0xc3: {  	s11 =	simm.s32 $0x1480;
	[sflag:s30] =	ssyncadd.s32 $0xFFFFE700  }
0xc4: {  	[spmem:s1] =	stream.indirect.scatter.add.f32 [tilespmem:s23], [sflag:$0x5], $0x80, s11, s20, $0xb8;
	[tilespmem:$0x1D080] =	vst v63  }
0xc5: {  	_ =	swait.ge [sflag:s18], $0x1900  }
0xc6: {  	[sflag:s18] =	ssyncset.done $0x0  }
0xc7: {  	s12 =	simm.s32 $0x280;
	[sflag:s18] =	ssyncadd.s32 $0xFFFFE700  }
0xc8: {  	[tilespmem:s23], [sflag:$0x2] =	stream.indirect.gather [hbm4b:s4+s20], $0x80, s12, s20, $0xb8;
	[tilespmem:$0x1D080] =	vst v63  }
0xc9: {  	_ =	swait.ge [sflag:s31], $0x1900  }
0xca: {  	[sflag:s31] =	ssyncset.done $0x0  }
0xcb: {  	s13 =	simm.s32 $0x1500;
	[sflag:s31] =	ssyncadd.s32 $0xFFFFE700  }
0xcc: {  	[spmem:s1] =	stream.indirect.scatter.add.f32 [tilespmem:s25], [sflag:$0x5], $0x80, s13, s20, $0xb8;
	[tilespmem:$0x1D080] =	vst v63  }
0xcd: {  	_ =	swait.ge [sflag:s18], $0x1900  }
0xce: {  	[sflag:s18] =	ssyncset.done $0x0  }
0xcf: {  	s14 =	simm.s32 $0x300;
	[sflag:s18] =	ssyncadd.s32 $0xFFFFE700  }
0xd0: {  	[tilespmem:s25], [sflag:$0x3] =	stream.indirect.gather [hbm4b:s4+s20], $0x80, s14, s20, $0xb8;
	[tilespmem:$0x1D080] =	vst v63  }
0xd1: {  	_ =	swait.ge [sflag:s0], $0x1900  }
0xd2: {  	[sflag:s0] =	ssyncset.done $0x0  }
0xd3: {  	s15 =	simm.s32 $0x1580;
	[sflag:s0] =	ssyncadd.s32 $0xFFFFE700  }
0xd4: {  	[spmem:s1] =	stream.indirect.scatter.add.f32 [tilespmem:s28], [sflag:$0x5], $0x80, s15, s20, $0xb8;
	[tilespmem:$0x1D080] =	vst v63  }
0xd5: {  	_ =	swait.ge [sflag:s18], $0x1900  }
0xd6: {  	[sflag:s18] =	ssyncset.done $0x0  }
0xd7: {  	s9 =	simm.s32 $0x800;
	s10 =	simm.s32 $0x380;
	[sflag:s18] =	ssyncadd.s32 $0xFFFFE700  }
.LBB2_8:
0xd8: {  	[tilespmem:s28], [sflag:$0x4] =	stream.indirect.gather [hbm4b:s4+s20], $0x80, s10, s20, $0xb8;
	[tilespmem:$0x1D080] =	vst v63  }
0xd9: {  	s10 =	smov.u32 s9  }
0xda: {  	p0 =	sne.s32 s9, $0x4000;
	s9 =	sadd.s32 $0x800, s9;
	_ =	swait.ge [sflag:s29], $0x1900  }
0xdb: {  	s10 =	sshra.s32 s10, $0x2;
	[sflag:s29] =	ssyncset.done $0x0  }
0xdc: {  	s11 =	sadd.s32 $0x1400, s10;
	[sflag:s29] =	ssyncadd.s32 $0xFFFFE700  }
0xdd: {  	[spmem:s1] =	stream.indirect.scatter.add.f32 [tilespmem:s21], [sflag:$0x5], $0x80, s11, s20, $0xb8;
	[tilespmem:$0x1D080] =	vst v63  }
0xde: {  	_ =	swait.ge [sflag:s18], $0x1900  }
0xdf: {  	[sflag:s18] =	ssyncset.done $0x0  }
0xe0: {  	s11 =	sadd.s32 $0x200, s10;
	[sflag:s18] =	ssyncadd.s32 $0xFFFFE700  }
0xe1: {  	[tilespmem:s21], [sflag:$0x1] =	stream.indirect.gather [hbm4b:s4+s20], $0x80, s11, s20, $0xb8;
	[tilespmem:$0x1D080] =	vst v63  }
0xe2: {  	_ =	swait.ge [sflag:s30], $0x1900  }
0xe3: {  	[sflag:s30] =	ssyncset.done $0x0  }
0xe4: {  	s11 =	sadd.s32 $0x1480, s10;
	[sflag:s30] =	ssyncadd.s32 $0xFFFFE700  }
0xe5: {  	[spmem:s1] =	stream.indirect.scatter.add.f32 [tilespmem:s23], [sflag:$0x5], $0x80, s11, s20, $0xb8;
	[tilespmem:$0x1D080] =	vst v63  }
0xe6: {  	_ =	swait.ge [sflag:s18], $0x1900  }
0xe7: {  	[sflag:s18] =	ssyncset.done $0x0  }
0xe8: {  	s11 =	sadd.s32 $0x280, s10;
	[sflag:s18] =	ssyncadd.s32 $0xFFFFE700  }
0xe9: {  	[tilespmem:s23], [sflag:$0x2] =	stream.indirect.gather [hbm4b:s4+s20], $0x80, s11, s20, $0xb8;
	[tilespmem:$0x1D080] =	vst v63  }
0xea: {  	_ =	swait.ge [sflag:s31], $0x1900  }
0xeb: {  	[sflag:s31] =	ssyncset.done $0x0  }
0xec: {  	s11 =	sadd.s32 $0x1500, s10;
	[sflag:s31] =	ssyncadd.s32 $0xFFFFE700  }
0xed: {  	[spmem:s1] =	stream.indirect.scatter.add.f32 [tilespmem:s25], [sflag:$0x5], $0x80, s11, s20, $0xb8;
	[tilespmem:$0x1D080] =	vst v63  }
0xee: {  	_ =	swait.ge [sflag:s18], $0x1900  }
0xef: {  	[sflag:s18] =	ssyncset.done $0x0  }
0xf0: {  	s11 =	sadd.s32 $0x300, s10;
	[sflag:s18] =	ssyncadd.s32 $0xFFFFE700  }
0xf1: {  	[tilespmem:s25], [sflag:$0x3] =	stream.indirect.gather [hbm4b:s4+s20], $0x80, s11, s20, $0xb8;
	[tilespmem:$0x1D080] =	vst v63  }
0xf2: {  	_ =	swait.ge [sflag:s0], $0x1900  }
0xf3: {  	[sflag:s0] =	ssyncset.done $0x0  }
.Ltmp3:
0xf4: {  	s11 =	sadd.s32 $0x1580, s10;
	[sflag:s0] =	ssyncadd.s32 $0xFFFFE700;
	(pc) =	sbr.rel @p0 .LBB2_8-.Ltmp3, $4  }
0xf5: {  	[spmem:s1] =	stream.indirect.scatter.add.f32 [tilespmem:s28], [sflag:$0x5], $0x80, s11, s20, $0xb8;
	[tilespmem:$0x1D080] =	vst v63  }
0xf6: {  	_ =	swait.ge [sflag:s18], $0x1900  }
0xf7: {  	[sflag:s18] =	ssyncset.done $0x0  }
0xf8: {  	s10 =	sadd.s32 $0x380, s10;
	[sflag:s18] =	ssyncadd.s32 $0xFFFFE700  }
0xf9: {  	[tilespmem:s28], [sflag:$0x4] =	stream.indirect.gather [hbm4b:s4+s20], $0x80, s10, s20, $0xb8;
	[tilespmem:$0x1D080] =	vst v63  }
0xfa: {  	_ =	swait.ge [sflag:s29], $0x1900  }
0xfb: {  	[sflag:s29] =	ssyncset.done $0x0  }
0xfc: {  	[sflag:s29] =	ssyncadd.s32 $0xFFFFE700  }
0xfd: {  	[spmem:s1] =	stream.indirect.scatter.add.f32 [tilespmem:s21], [sflag:$0x5], $0x80, s5, s20, $0xb8;
	[tilespmem:$0x1D080] =	vst v63  }
0xfe: {  	_ =	swait.ge [sflag:s18], $0x1900  }
0xff: {  	[sflag:s18] =	ssyncset.done $0x0  }
0x100: {  	[sflag:s18] =	ssyncadd.s32 $0xFFFFE700  }
0x101: {  	_ =	swait.ge [sflag:s30], $0x1900  }
0x102: {  	[sflag:s30] =	ssyncset.done $0x0  }
0x103: {  	[sflag:s30] =	ssyncadd.s32 $0xFFFFE700  }
0x104: {  	[spmem:s1] =	stream.indirect.scatter.add.f32 [tilespmem:s23], [sflag:$0x5], $0x80, s6, s20, $0xb8;
	[tilespmem:$0x1D080] =	vst v63  }
0x105: {  	_ =	swait.ge [sflag:s18], $0x1900  }
0x106: {  	[sflag:s18] =	ssyncset.done $0x0  }
0x107: {  	[sflag:s18] =	ssyncadd.s32 $0xFFFFE700  }
0x108: {  	_ =	swait.ge [sflag:s31], $0x1900  }
0x109: {  	[sflag:s31] =	ssyncset.done $0x0  }
0x10a: {  	[sflag:s31] =	ssyncadd.s32 $0xFFFFE700  }
0x10b: {  	[spmem:s1] =	stream.indirect.scatter.add.f32 [tilespmem:s25], [sflag:$0x5], $0x80, s7, s20, $0xb8;
	[tilespmem:$0x1D080] =	vst v63  }
0x10c: {  	_ =	swait.ge [sflag:s18], $0x1900  }
0x10d: {  	[sflag:s18] =	ssyncset.done $0x0  }
0x10e: {  	[sflag:s18] =	ssyncadd.s32 $0xFFFFE700  }
0x10f: {  	_ =	swait.ge [sflag:s0], $0x1900  }
0x110: {  	[sflag:s0] =	ssyncset.done $0x0  }
0x111: {  	[sflag:s0] =	ssyncadd.s32 $0xFFFFE700  }
0x112: {  	[spmem:s1] =	stream.indirect.scatter.add.f32 [tilespmem:s28], [sflag:$0x5], $0x80, s8, s20, $0xb8;
	[tilespmem:$0x1D080] =	vst v63  }
0x113: {  	_ =	swait.ge [sflag:s18], $0x1900  }
0x114: {  	[sflag:s18] =	ssyncset.done $0x0  }
0x115: {  	s9 =	simm.s32 $0x0;
	s13 =	rddreg [dreg:$0x7];
	[sflag:s18] =	ssyncadd.s32 $0xFFFFE700  }
0x116: {  	[tilespmem:s9], [sflag:$0x5] =	stream.linear.gather [hbm4b:s13+s9], $0x1400, $0x38;
	[tilespmem:$0x1D080] =	vst v63  }
0x117: {  	_ =	swait.ge [sflag:s18], $0x1400  }
0x118: {  	[sflag:s18] =	ssyncset.done $0x0  }
0x119: {  	s14 =	rddreg [dreg:$0x8];
	[sflag:s18] =	ssyncadd.s32 $0xFFFFEC00  }
0x11a: {  	[tilespmem:s19], [sflag:$0x5] =	stream.linear.gather [hbm4b:s14+s9], $0x1400, $0x38;
	[tilespmem:$0x1D080] =	vst v63  }
0x11b: {  	_ =	swait.ge [sflag:s18], $0x1400  }
0x11c: {  	[sflag:s18] =	ssyncset.done $0x0  }
0x11d: {  	[sflag:s18] =	ssyncadd.s32 $0xFFFFEC00  }
0x11e: {  	[tilespmem:s21], [sflag:$0x1] =	stream.indirect.gather [hbm4b:s4+s20], $0x80, s9, s20, $0xb8;
	[tilespmem:$0x1D080] =	vst v63  }
0x11f: {  	_ = 	snop  }
0x120: {  	[tilespmem:s23], [sflag:$0x2] =	stream.indirect.gather [hbm4b:s4+s20], $0x80, s22, s20, $0xb8;
	[tilespmem:$0x1D080] =	vst v63  }
0x121: {  	_ = 	snop  }
0x122: {  	[tilespmem:s25], [sflag:$0x3] =	stream.indirect.gather [hbm4b:s4+s20], $0x80, s24, s20, $0xb8;
	[tilespmem:$0x1D080] =	vst v63  }
0x123: {  	_ = 	snop  }
0x124: {  	[tilespmem:s28], [sflag:$0x4] =	stream.indirect.gather [hbm4b:s4+s20], $0x80, s26, s20, $0xb8;
	[tilespmem:$0x1D080] =	vst v63  }
0x125: {  	_ =	swait.ge [sflag:s29], $0x1900  }
0x126: {  	[sflag:s29] =	ssyncset.done $0x0  }
0x127: {  	s15 =	simm.s32 $0x1400;
	[sflag:s29] =	ssyncadd.s32 $0xFFFFE700  }
0x128: {  	[spmem:s1] =	stream.indirect.scatter.add.f32 [tilespmem:s21], [sflag:$0x5], $0x80, s15, s20, $0xb8;
	[tilespmem:$0x1D080] =	vst v63  }
0x129: {  	_ =	swait.ge [sflag:s18], $0x1900  }
0x12a: {  	[sflag:s18] =	ssyncset.done $0x0  }
0x12b: {  	s10 =	simm.s32 $0x200;
	[sflag:s18] =	ssyncadd.s32 $0xFFFFE700  }
0x12c: {  	[tilespmem:s21], [sflag:$0x1] =	stream.indirect.gather [hbm4b:s4+s20], $0x80, s10, s20, $0xb8;
	[tilespmem:$0x1D080] =	vst v63  }
0x12d: {  	_ =	swait.ge [sflag:s30], $0x1900  }
0x12e: {  	[sflag:s30] =	ssyncset.done $0x0  }
0x12f: {  	s11 =	simm.s32 $0x1480;
	[sflag:s30] =	ssyncadd.s32 $0xFFFFE700  }
0x130: {  	[spmem:s1] =	stream.indirect.scatter.add.f32 [tilespmem:s23], [sflag:$0x5], $0x80, s11, s20, $0xb8;
	[tilespmem:$0x1D080] =	vst v63  }
0x131: {  	_ =	swait.ge [sflag:s18], $0x1900  }
0x132: {  	[sflag:s18] =	ssyncset.done $0x0  }
0x133: {  	s12 =	simm.s32 $0x280;
	[sflag:s18] =	ssyncadd.s32 $0xFFFFE700  }
0x134: {  	[tilespmem:s23], [sflag:$0x2] =	stream.indirect.gather [hbm4b:s4+s20], $0x80, s12, s20, $0xb8;
	[tilespmem:$0x1D080] =	vst v63  }
0x135: {  	_ =	swait.ge [sflag:s31], $0x1900  }
0x136: {  	[sflag:s31] =	ssyncset.done $0x0  }
0x137: {  	s13 =	simm.s32 $0x1500;
	[sflag:s31] =	ssyncadd.s32 $0xFFFFE700  }
0x138: {  	[spmem:s1] =	stream.indirect.scatter.add.f32 [tilespmem:s25], [sflag:$0x5], $0x80, s13, s20, $0xb8;
	[tilespmem:$0x1D080] =	vst v63  }
0x139: {  	_ =	swait.ge [sflag:s18], $0x1900  }
0x13a: {  	[sflag:s18] =	ssyncset.done $0x0  }
0x13b: {  	s14 =	simm.s32 $0x300;
	[sflag:s18] =	ssyncadd.s32 $0xFFFFE700  }
0x13c: {  	[tilespmem:s25], [sflag:$0x3] =	stream.indirect.gather [hbm4b:s4+s20], $0x80, s14, s20, $0xb8;
	[tilespmem:$0x1D080] =	vst v63  }
0x13d: {  	_ =	swait.ge [sflag:s0], $0x1900  }
0x13e: {  	[sflag:s0] =	ssyncset.done $0x0  }
0x13f: {  	s15 =	simm.s32 $0x1580;
	[sflag:s0] =	ssyncadd.s32 $0xFFFFE700  }
0x140: {  	[spmem:s1] =	stream.indirect.scatter.add.f32 [tilespmem:s28], [sflag:$0x5], $0x80, s15, s20, $0xb8;
	[tilespmem:$0x1D080] =	vst v63  }
0x141: {  	_ =	swait.ge [sflag:s18], $0x1900  }
0x142: {  	[sflag:s18] =	ssyncset.done $0x0  }
0x143: {  	s9 =	simm.s32 $0x800;
	s10 =	simm.s32 $0x380;
	[sflag:s18] =	ssyncadd.s32 $0xFFFFE700  }
.LBB2_10:
0x144: {  	[tilespmem:s28], [sflag:$0x4] =	stream.indirect.gather [hbm4b:s4+s20], $0x80, s10, s20, $0xb8;
	[tilespmem:$0x1D080] =	vst v63  }
0x145: {  	s10 =	smov.u32 s9  }
0x146: {  	p0 =	sne.s32 s9, $0x4000;
	s9 =	sadd.s32 $0x800, s9;
	_ =	swait.ge [sflag:s29], $0x1900  }
0x147: {  	s10 =	sshra.s32 s10, $0x2;
	[sflag:s29] =	ssyncset.done $0x0  }
0x148: {  	s11 =	sadd.s32 $0x1400, s10;
	[sflag:s29] =	ssyncadd.s32 $0xFFFFE700  }
0x149: {  	[spmem:s1] =	stream.indirect.scatter.add.f32 [tilespmem:s21], [sflag:$0x5], $0x80, s11, s20, $0xb8;
	[tilespmem:$0x1D080] =	vst v63  }
0x14a: {  	_ =	swait.ge [sflag:s18], $0x1900  }
0x14b: {  	[sflag:s18] =	ssyncset.done $0x0  }
0x14c: {  	s11 =	sadd.s32 $0x200, s10;
	[sflag:s18] =	ssyncadd.s32 $0xFFFFE700  }
0x14d: {  	[tilespmem:s21], [sflag:$0x1] =	stream.indirect.gather [hbm4b:s4+s20], $0x80, s11, s20, $0xb8;
	[tilespmem:$0x1D080] =	vst v63  }
0x14e: {  	_ =	swait.ge [sflag:s30], $0x1900  }
0x14f: {  	[sflag:s30] =	ssyncset.done $0x0  }
0x150: {  	s11 =	sadd.s32 $0x1480, s10;
	[sflag:s30] =	ssyncadd.s32 $0xFFFFE700  }
0x151: {  	[spmem:s1] =	stream.indirect.scatter.add.f32 [tilespmem:s23], [sflag:$0x5], $0x80, s11, s20, $0xb8;
	[tilespmem:$0x1D080] =	vst v63  }
0x152: {  	_ =	swait.ge [sflag:s18], $0x1900  }
0x153: {  	[sflag:s18] =	ssyncset.done $0x0  }
0x154: {  	s11 =	sadd.s32 $0x280, s10;
	[sflag:s18] =	ssyncadd.s32 $0xFFFFE700  }
0x155: {  	[tilespmem:s23], [sflag:$0x2] =	stream.indirect.gather [hbm4b:s4+s20], $0x80, s11, s20, $0xb8;
	[tilespmem:$0x1D080] =	vst v63  }
0x156: {  	_ =	swait.ge [sflag:s31], $0x1900  }
0x157: {  	[sflag:s31] =	ssyncset.done $0x0  }
0x158: {  	s11 =	sadd.s32 $0x1500, s10;
	[sflag:s31] =	ssyncadd.s32 $0xFFFFE700  }
0x159: {  	[spmem:s1] =	stream.indirect.scatter.add.f32 [tilespmem:s25], [sflag:$0x5], $0x80, s11, s20, $0xb8;
	[tilespmem:$0x1D080] =	vst v63  }
0x15a: {  	_ =	swait.ge [sflag:s18], $0x1900  }
0x15b: {  	[sflag:s18] =	ssyncset.done $0x0  }
0x15c: {  	s11 =	sadd.s32 $0x300, s10;
	[sflag:s18] =	ssyncadd.s32 $0xFFFFE700  }
0x15d: {  	[tilespmem:s25], [sflag:$0x3] =	stream.indirect.gather [hbm4b:s4+s20], $0x80, s11, s20, $0xb8;
	[tilespmem:$0x1D080] =	vst v63  }
0x15e: {  	_ =	swait.ge [sflag:s0], $0x1900  }
0x15f: {  	[sflag:s0] =	ssyncset.done $0x0  }
.Ltmp4:
0x160: {  	s11 =	sadd.s32 $0x1580, s10;
	[sflag:s0] =	ssyncadd.s32 $0xFFFFE700;
	(pc) =	sbr.rel @p0 .LBB2_10-.Ltmp4, $4  }
0x161: {  	[spmem:s1] =	stream.indirect.scatter.add.f32 [tilespmem:s28], [sflag:$0x5], $0x80, s11, s20, $0xb8;
	[tilespmem:$0x1D080] =	vst v63  }
0x162: {  	_ =	swait.ge [sflag:s18], $0x1900  }
0x163: {  	[sflag:s18] =	ssyncset.done $0x0  }
0x164: {  	s10 =	sadd.s32 $0x380, s10;
	[sflag:s18] =	ssyncadd.s32 $0xFFFFE700  }
0x165: {  	[tilespmem:s28], [sflag:$0x4] =	stream.indirect.gather [hbm4b:s4+s20], $0x80, s10, s20, $0xb8;
	[tilespmem:$0x1D080] =	vst v63  }
0x166: {  	_ =	swait.ge [sflag:s29], $0x1900  }
0x167: {  	[sflag:s29] =	ssyncset.done $0x0  }
0x168: {  	[sflag:s29] =	ssyncadd.s32 $0xFFFFE700  }
0x169: {  	[spmem:s1] =	stream.indirect.scatter.add.f32 [tilespmem:s21], [sflag:$0x5], $0x80, s5, s20, $0xb8;
	[tilespmem:$0x1D080] =	vst v63  }
0x16a: {  	_ =	swait.ge [sflag:s18], $0x1900  }
0x16b: {  	[sflag:s18] =	ssyncset.done $0x0  }
0x16c: {  	[sflag:s18] =	ssyncadd.s32 $0xFFFFE700  }
0x16d: {  	_ =	swait.ge [sflag:s30], $0x1900  }
0x16e: {  	[sflag:s30] =	ssyncset.done $0x0  }
0x16f: {  	[sflag:s30] =	ssyncadd.s32 $0xFFFFE700  }
0x170: {  	[spmem:s1] =	stream.indirect.scatter.add.f32 [tilespmem:s23], [sflag:$0x5], $0x80, s6, s20, $0xb8;
	[tilespmem:$0x1D080] =	vst v63  }
0x171: {  	_ =	swait.ge [sflag:s18], $0x1900  }
0x172: {  	[sflag:s18] =	ssyncset.done $0x0  }
0x173: {  	[sflag:s18] =	ssyncadd.s32 $0xFFFFE700  }
0x174: {  	_ =	swait.ge [sflag:s31], $0x1900  }
0x175: {  	[sflag:s31] =	ssyncset.done $0x0  }
0x176: {  	[sflag:s31] =	ssyncadd.s32 $0xFFFFE700  }
0x177: {  	[spmem:s1] =	stream.indirect.scatter.add.f32 [tilespmem:s25], [sflag:$0x5], $0x80, s7, s20, $0xb8;
	[tilespmem:$0x1D080] =	vst v63  }
0x178: {  	_ =	swait.ge [sflag:s18], $0x1900  }
0x179: {  	[sflag:s18] =	ssyncset.done $0x0  }
0x17a: {  	[sflag:s18] =	ssyncadd.s32 $0xFFFFE700  }
0x17b: {  	_ =	swait.ge [sflag:s0], $0x1900  }
0x17c: {  	[sflag:s0] =	ssyncset.done $0x0  }
0x17d: {  	[sflag:s0] =	ssyncadd.s32 $0xFFFFE700  }
0x17e: {  	[spmem:s1] =	stream.indirect.scatter.add.f32 [tilespmem:s28], [sflag:$0x5], $0x80, s8, s20, $0xb8;
	[tilespmem:$0x1D080] =	vst v63  }
0x17f: {  	_ =	swait.ge [sflag:s18], $0x1900  }
0x180: {  	[sflag:s18] =	ssyncset.done $0x0  }
0x181: {  	s9 =	simm.s32 $0x0;
	s13 =	rddreg [dreg:$0x9];
	[sflag:s18] =	ssyncadd.s32 $0xFFFFE700  }
0x182: {  	[tilespmem:s9], [sflag:$0x5] =	stream.linear.gather [hbm4b:s13+s9], $0x1400, $0x38;
	[tilespmem:$0x1D080] =	vst v63  }
0x183: {  	_ =	swait.ge [sflag:s18], $0x1400  }
0x184: {  	[sflag:s18] =	ssyncset.done $0x0  }
0x185: {  	s14 =	rddreg [dreg:$0xa];
	[sflag:s18] =	ssyncadd.s32 $0xFFFFEC00  }
0x186: {  	[tilespmem:s19], [sflag:$0x5] =	stream.linear.gather [hbm4b:s14+s9], $0x1400, $0x38;
	[tilespmem:$0x1D080] =	vst v63  }
0x187: {  	_ =	swait.ge [sflag:s18], $0x1400  }
0x188: {  	[sflag:s18] =	ssyncset.done $0x0  }
0x189: {  	[sflag:s18] =	ssyncadd.s32 $0xFFFFEC00  }
0x18a: {  	[tilespmem:s21], [sflag:$0x1] =	stream.indirect.gather [hbm4b:s4+s20], $0x80, s9, s20, $0xb8;
	[tilespmem:$0x1D080] =	vst v63  }
0x18b: {  	_ = 	snop  }
0x18c: {  	[tilespmem:s23], [sflag:$0x2] =	stream.indirect.gather [hbm4b:s4+s20], $0x80, s22, s20, $0xb8;
	[tilespmem:$0x1D080] =	vst v63  }
0x18d: {  	_ = 	snop  }
0x18e: {  	[tilespmem:s25], [sflag:$0x3] =	stream.indirect.gather [hbm4b:s4+s20], $0x80, s24, s20, $0xb8;
	[tilespmem:$0x1D080] =	vst v63  }
0x18f: {  	_ = 	snop  }
0x190: {  	[tilespmem:s28], [sflag:$0x4] =	stream.indirect.gather [hbm4b:s4+s20], $0x80, s26, s20, $0xb8;
	[tilespmem:$0x1D080] =	vst v63  }
0x191: {  	_ =	swait.ge [sflag:s29], $0x1900  }
0x192: {  	[sflag:s29] =	ssyncset.done $0x0  }
0x193: {  	s15 =	simm.s32 $0x1400;
	[sflag:s29] =	ssyncadd.s32 $0xFFFFE700  }
0x194: {  	[spmem:s1] =	stream.indirect.scatter.add.f32 [tilespmem:s21], [sflag:$0x5], $0x80, s15, s20, $0xb8;
	[tilespmem:$0x1D080] =	vst v63  }
0x195: {  	_ =	swait.ge [sflag:s18], $0x1900  }
0x196: {  	[sflag:s18] =	ssyncset.done $0x0  }
0x197: {  	s10 =	simm.s32 $0x200;
	[sflag:s18] =	ssyncadd.s32 $0xFFFFE700  }
0x198: {  	[tilespmem:s21], [sflag:$0x1] =	stream.indirect.gather [hbm4b:s4+s20], $0x80, s10, s20, $0xb8;
	[tilespmem:$0x1D080] =	vst v63  }
0x199: {  	_ =	swait.ge [sflag:s30], $0x1900  }
0x19a: {  	[sflag:s30] =	ssyncset.done $0x0  }
0x19b: {  	s11 =	simm.s32 $0x1480;
	[sflag:s30] =	ssyncadd.s32 $0xFFFFE700  }
0x19c: {  	[spmem:s1] =	stream.indirect.scatter.add.f32 [tilespmem:s23], [sflag:$0x5], $0x80, s11, s20, $0xb8;
	[tilespmem:$0x1D080] =	vst v63  }
0x19d: {  	_ =	swait.ge [sflag:s18], $0x1900  }
0x19e: {  	[sflag:s18] =	ssyncset.done $0x0  }
0x19f: {  	s12 =	simm.s32 $0x280;
	[sflag:s18] =	ssyncadd.s32 $0xFFFFE700  }
0x1a0: {  	[tilespmem:s23], [sflag:$0x2] =	stream.indirect.gather [hbm4b:s4+s20], $0x80, s12, s20, $0xb8;
	[tilespmem:$0x1D080] =	vst v63  }
0x1a1: {  	_ =	swait.ge [sflag:s31], $0x1900  }
0x1a2: {  	[sflag:s31] =	ssyncset.done $0x0  }
0x1a3: {  	s13 =	simm.s32 $0x1500;
	[sflag:s31] =	ssyncadd.s32 $0xFFFFE700  }
0x1a4: {  	[spmem:s1] =	stream.indirect.scatter.add.f32 [tilespmem:s25], [sflag:$0x5], $0x80, s13, s20, $0xb8;
	[tilespmem:$0x1D080] =	vst v63  }
0x1a5: {  	_ =	swait.ge [sflag:s18], $0x1900  }
0x1a6: {  	[sflag:s18] =	ssyncset.done $0x0  }
0x1a7: {  	s14 =	simm.s32 $0x300;
	[sflag:s18] =	ssyncadd.s32 $0xFFFFE700  }
0x1a8: {  	[tilespmem:s25], [sflag:$0x3] =	stream.indirect.gather [hbm4b:s4+s20], $0x80, s14, s20, $0xb8;
	[tilespmem:$0x1D080] =	vst v63  }
0x1a9: {  	_ =	swait.ge [sflag:s0], $0x1900  }
0x1aa: {  	[sflag:s0] =	ssyncset.done $0x0  }
0x1ab: {  	s15 =	simm.s32 $0x1580;
	[sflag:s0] =	ssyncadd.s32 $0xFFFFE700  }
0x1ac: {  	[spmem:s1] =	stream.indirect.scatter.add.f32 [tilespmem:s28], [sflag:$0x5], $0x80, s15, s20, $0xb8;
	[tilespmem:$0x1D080] =	vst v63  }
0x1ad: {  	_ =	swait.ge [sflag:s18], $0x1900  }
0x1ae: {  	[sflag:s18] =	ssyncset.done $0x0  }
0x1af: {  	s9 =	simm.s32 $0x800;
	s10 =	simm.s32 $0x380;
	[sflag:s18] =	ssyncadd.s32 $0xFFFFE700  }
.LBB2_12:
0x1b0: {  	[tilespmem:s28], [sflag:$0x4] =	stream.indirect.gather [hbm4b:s4+s20], $0x80, s10, s20, $0xb8;
	[tilespmem:$0x1D080] =	vst v63  }
0x1b1: {  	s10 =	smov.u32 s9  }
0x1b2: {  	p0 =	sne.s32 s9, $0x4000;
	s9 =	sadd.s32 $0x800, s9;
	_ =	swait.ge [sflag:s29], $0x1900  }
0x1b3: {  	s10 =	sshra.s32 s10, $0x2;
	[sflag:s29] =	ssyncset.done $0x0  }
0x1b4: {  	s11 =	sadd.s32 $0x1400, s10;
	[sflag:s29] =	ssyncadd.s32 $0xFFFFE700  }
0x1b5: {  	[spmem:s1] =	stream.indirect.scatter.add.f32 [tilespmem:s21], [sflag:$0x5], $0x80, s11, s20, $0xb8;
	[tilespmem:$0x1D080] =	vst v63  }
0x1b6: {  	_ =	swait.ge [sflag:s18], $0x1900  }
0x1b7: {  	[sflag:s18] =	ssyncset.done $0x0  }
0x1b8: {  	s11 =	sadd.s32 $0x200, s10;
	[sflag:s18] =	ssyncadd.s32 $0xFFFFE700  }
0x1b9: {  	[tilespmem:s21], [sflag:$0x1] =	stream.indirect.gather [hbm4b:s4+s20], $0x80, s11, s20, $0xb8;
	[tilespmem:$0x1D080] =	vst v63  }
0x1ba: {  	_ =	swait.ge [sflag:s30], $0x1900  }
0x1bb: {  	[sflag:s30] =	ssyncset.done $0x0  }
0x1bc: {  	s11 =	sadd.s32 $0x1480, s10;
	[sflag:s30] =	ssyncadd.s32 $0xFFFFE700  }
0x1bd: {  	[spmem:s1] =	stream.indirect.scatter.add.f32 [tilespmem:s23], [sflag:$0x5], $0x80, s11, s20, $0xb8;
	[tilespmem:$0x1D080] =	vst v63  }
0x1be: {  	_ =	swait.ge [sflag:s18], $0x1900  }
0x1bf: {  	[sflag:s18] =	ssyncset.done $0x0  }
0x1c0: {  	s11 =	sadd.s32 $0x280, s10;
	[sflag:s18] =	ssyncadd.s32 $0xFFFFE700  }
0x1c1: {  	[tilespmem:s23], [sflag:$0x2] =	stream.indirect.gather [hbm4b:s4+s20], $0x80, s11, s20, $0xb8;
	[tilespmem:$0x1D080] =	vst v63  }
0x1c2: {  	_ =	swait.ge [sflag:s31], $0x1900  }
0x1c3: {  	[sflag:s31] =	ssyncset.done $0x0  }
0x1c4: {  	s11 =	sadd.s32 $0x1500, s10;
	[sflag:s31] =	ssyncadd.s32 $0xFFFFE700  }
0x1c5: {  	[spmem:s1] =	stream.indirect.scatter.add.f32 [tilespmem:s25], [sflag:$0x5], $0x80, s11, s20, $0xb8;
	[tilespmem:$0x1D080] =	vst v63  }
0x1c6: {  	_ =	swait.ge [sflag:s18], $0x1900  }
0x1c7: {  	[sflag:s18] =	ssyncset.done $0x0  }
0x1c8: {  	s11 =	sadd.s32 $0x300, s10;
	[sflag:s18] =	ssyncadd.s32 $0xFFFFE700  }
0x1c9: {  	[tilespmem:s25], [sflag:$0x3] =	stream.indirect.gather [hbm4b:s4+s20], $0x80, s11, s20, $0xb8;
	[tilespmem:$0x1D080] =	vst v63  }
0x1ca: {  	_ =	swait.ge [sflag:s0], $0x1900  }
0x1cb: {  	[sflag:s0] =	ssyncset.done $0x0  }
.Ltmp5:
0x1cc: {  	s11 =	sadd.s32 $0x1580, s10;
	[sflag:s0] =	ssyncadd.s32 $0xFFFFE700;
	(pc) =	sbr.rel @p0 .LBB2_12-.Ltmp5, $4  }
0x1cd: {  	[spmem:s1] =	stream.indirect.scatter.add.f32 [tilespmem:s28], [sflag:$0x5], $0x80, s11, s20, $0xb8;
	[tilespmem:$0x1D080] =	vst v63  }
0x1ce: {  	_ =	swait.ge [sflag:s18], $0x1900  }
0x1cf: {  	[sflag:s18] =	ssyncset.done $0x0  }
0x1d0: {  	s10 =	sadd.s32 $0x380, s10;
	[sflag:s18] =	ssyncadd.s32 $0xFFFFE700  }
0x1d1: {  	[tilespmem:s28], [sflag:$0x4] =	stream.indirect.gather [hbm4b:s4+s20], $0x80, s10, s20, $0xb8;
	[tilespmem:$0x1D080] =	vst v63  }
0x1d2: {  	_ =	swait.ge [sflag:s29], $0x1900  }
0x1d3: {  	[sflag:s29] =	ssyncset.done $0x0  }
0x1d4: {  	[sflag:s29] =	ssyncadd.s32 $0xFFFFE700  }
0x1d5: {  	[spmem:s1] =	stream.indirect.scatter.add.f32 [tilespmem:s21], [sflag:$0x5], $0x80, s5, s20, $0xb8;
	[tilespmem:$0x1D080] =	vst v63  }
0x1d6: {  	_ =	swait.ge [sflag:s18], $0x1900  }
0x1d7: {  	[sflag:s18] =	ssyncset.done $0x0  }
0x1d8: {  	[sflag:s18] =	ssyncadd.s32 $0xFFFFE700  }
0x1d9: {  	_ =	swait.ge [sflag:s30], $0x1900  }
0x1da: {  	[sflag:s30] =	ssyncset.done $0x0  }
0x1db: {  	[sflag:s30] =	ssyncadd.s32 $0xFFFFE700  }
0x1dc: {  	[spmem:s1] =	stream.indirect.scatter.add.f32 [tilespmem:s23], [sflag:$0x5], $0x80, s6, s20, $0xb8;
	[tilespmem:$0x1D080] =	vst v63  }
0x1dd: {  	_ =	swait.ge [sflag:s18], $0x1900  }
0x1de: {  	[sflag:s18] =	ssyncset.done $0x0  }
0x1df: {  	[sflag:s18] =	ssyncadd.s32 $0xFFFFE700  }
0x1e0: {  	_ =	swait.ge [sflag:s31], $0x1900  }
0x1e1: {  	[sflag:s31] =	ssyncset.done $0x0  }
0x1e2: {  	[sflag:s31] =	ssyncadd.s32 $0xFFFFE700  }
0x1e3: {  	[spmem:s1] =	stream.indirect.scatter.add.f32 [tilespmem:s25], [sflag:$0x5], $0x80, s7, s20, $0xb8;
	[tilespmem:$0x1D080] =	vst v63  }
0x1e4: {  	_ =	swait.ge [sflag:s18], $0x1900  }
0x1e5: {  	[sflag:s18] =	ssyncset.done $0x0  }
0x1e6: {  	[sflag:s18] =	ssyncadd.s32 $0xFFFFE700  }
0x1e7: {  	_ =	swait.ge [sflag:s0], $0x1900  }
0x1e8: {  	[sflag:s0] =	ssyncset.done $0x0  }
0x1e9: {  	[sflag:s0] =	ssyncadd.s32 $0xFFFFE700  }
0x1ea: {  	[spmem:s1] =	stream.indirect.scatter.add.f32 [tilespmem:s28], [sflag:$0x5], $0x80, s8, s20, $0xb8;
	[tilespmem:$0x1D080] =	vst v63  }
0x1eb: {  	_ =	swait.ge [sflag:s18], $0x1900  }
0x1ec: {  	[sflag:s18] =	ssyncset.done $0x0  }
0x1ed: {  	s9 =	simm.s32 $0x0;
	s13 =	rddreg [dreg:$0xb];
	[sflag:s18] =	ssyncadd.s32 $0xFFFFE700  }
0x1ee: {  	[tilespmem:s9], [sflag:$0x5] =	stream.linear.gather [hbm4b:s13+s9], $0x1400, $0x38;
	[tilespmem:$0x1D080] =	vst v63  }
0x1ef: {  	_ =	swait.ge [sflag:s18], $0x1400  }
0x1f0: {  	[sflag:s18] =	ssyncset.done $0x0  }
0x1f1: {  	s14 =	rddreg [dreg:$0xc];
	[sflag:s18] =	ssyncadd.s32 $0xFFFFEC00  }
0x1f2: {  	[tilespmem:s19], [sflag:$0x5] =	stream.linear.gather [hbm4b:s14+s9], $0x1400, $0x38;
	[tilespmem:$0x1D080] =	vst v63  }
0x1f3: {  	_ =	swait.ge [sflag:s18], $0x1400  }
0x1f4: {  	[sflag:s18] =	ssyncset.done $0x0  }
0x1f5: {  	[sflag:s18] =	ssyncadd.s32 $0xFFFFEC00  }
0x1f6: {  	[tilespmem:s21], [sflag:$0x1] =	stream.indirect.gather [hbm4b:s4+s20], $0x80, s9, s20, $0xb8;
	[tilespmem:$0x1D080] =	vst v63  }
0x1f7: {  	_ = 	snop  }
0x1f8: {  	[tilespmem:s23], [sflag:$0x2] =	stream.indirect.gather [hbm4b:s4+s20], $0x80, s22, s20, $0xb8;
	[tilespmem:$0x1D080] =	vst v63  }
0x1f9: {  	_ = 	snop  }
0x1fa: {  	[tilespmem:s25], [sflag:$0x3] =	stream.indirect.gather [hbm4b:s4+s20], $0x80, s24, s20, $0xb8;
	[tilespmem:$0x1D080] =	vst v63  }
0x1fb: {  	_ = 	snop  }
0x1fc: {  	[tilespmem:s28], [sflag:$0x4] =	stream.indirect.gather [hbm4b:s4+s20], $0x80, s26, s20, $0xb8;
	[tilespmem:$0x1D080] =	vst v63  }
0x1fd: {  	_ =	swait.ge [sflag:s29], $0x1900  }
0x1fe: {  	[sflag:s29] =	ssyncset.done $0x0  }
0x1ff: {  	s15 =	simm.s32 $0x1400;
	[sflag:s29] =	ssyncadd.s32 $0xFFFFE700  }
0x200: {  	[spmem:s1] =	stream.indirect.scatter.add.f32 [tilespmem:s21], [sflag:$0x5], $0x80, s15, s20, $0xb8;
	[tilespmem:$0x1D080] =	vst v63  }
0x201: {  	_ =	swait.ge [sflag:s18], $0x1900  }
0x202: {  	[sflag:s18] =	ssyncset.done $0x0  }
0x203: {  	s10 =	simm.s32 $0x200;
	[sflag:s18] =	ssyncadd.s32 $0xFFFFE700  }
0x204: {  	[tilespmem:s21], [sflag:$0x1] =	stream.indirect.gather [hbm4b:s4+s20], $0x80, s10, s20, $0xb8;
	[tilespmem:$0x1D080] =	vst v63  }
0x205: {  	_ =	swait.ge [sflag:s30], $0x1900  }
0x206: {  	[sflag:s30] =	ssyncset.done $0x0  }
0x207: {  	s11 =	simm.s32 $0x1480;
	[sflag:s30] =	ssyncadd.s32 $0xFFFFE700  }
0x208: {  	[spmem:s1] =	stream.indirect.scatter.add.f32 [tilespmem:s23], [sflag:$0x5], $0x80, s11, s20, $0xb8;
	[tilespmem:$0x1D080] =	vst v63  }
0x209: {  	_ =	swait.ge [sflag:s18], $0x1900  }
0x20a: {  	[sflag:s18] =	ssyncset.done $0x0  }
0x20b: {  	s12 =	simm.s32 $0x280;
	[sflag:s18] =	ssyncadd.s32 $0xFFFFE700  }
0x20c: {  	[tilespmem:s23], [sflag:$0x2] =	stream.indirect.gather [hbm4b:s4+s20], $0x80, s12, s20, $0xb8;
	[tilespmem:$0x1D080] =	vst v63  }
0x20d: {  	_ =	swait.ge [sflag:s31], $0x1900  }
0x20e: {  	[sflag:s31] =	ssyncset.done $0x0  }
0x20f: {  	s13 =	simm.s32 $0x1500;
	[sflag:s31] =	ssyncadd.s32 $0xFFFFE700  }
0x210: {  	[spmem:s1] =	stream.indirect.scatter.add.f32 [tilespmem:s25], [sflag:$0x5], $0x80, s13, s20, $0xb8;
	[tilespmem:$0x1D080] =	vst v63  }
0x211: {  	_ =	swait.ge [sflag:s18], $0x1900  }
0x212: {  	[sflag:s18] =	ssyncset.done $0x0  }
0x213: {  	s14 =	simm.s32 $0x300;
	[sflag:s18] =	ssyncadd.s32 $0xFFFFE700  }
0x214: {  	[tilespmem:s25], [sflag:$0x3] =	stream.indirect.gather [hbm4b:s4+s20], $0x80, s14, s20, $0xb8;
	[tilespmem:$0x1D080] =	vst v63  }
0x215: {  	_ =	swait.ge [sflag:s0], $0x1900  }
0x216: {  	[sflag:s0] =	ssyncset.done $0x0  }
0x217: {  	s15 =	simm.s32 $0x1580;
	[sflag:s0] =	ssyncadd.s32 $0xFFFFE700  }
0x218: {  	[spmem:s1] =	stream.indirect.scatter.add.f32 [tilespmem:s28], [sflag:$0x5], $0x80, s15, s20, $0xb8;
	[tilespmem:$0x1D080] =	vst v63  }
0x219: {  	_ =	swait.ge [sflag:s18], $0x1900  }
0x21a: {  	[sflag:s18] =	ssyncset.done $0x0  }
0x21b: {  	s9 =	simm.s32 $0x800;
	s10 =	simm.s32 $0x380;
	[sflag:s18] =	ssyncadd.s32 $0xFFFFE700  }
.LBB2_14:
0x21c: {  	[tilespmem:s28], [sflag:$0x4] =	stream.indirect.gather [hbm4b:s4+s20], $0x80, s10, s20, $0xb8;
	[tilespmem:$0x1D080] =	vst v63  }
0x21d: {  	s10 =	smov.u32 s9  }
0x21e: {  	p0 =	sne.s32 s9, $0x4000;
	s9 =	sadd.s32 $0x800, s9;
	_ =	swait.ge [sflag:s29], $0x1900  }
0x21f: {  	s10 =	sshra.s32 s10, $0x2;
	[sflag:s29] =	ssyncset.done $0x0  }
0x220: {  	s11 =	sadd.s32 $0x1400, s10;
	[sflag:s29] =	ssyncadd.s32 $0xFFFFE700  }
0x221: {  	[spmem:s1] =	stream.indirect.scatter.add.f32 [tilespmem:s21], [sflag:$0x5], $0x80, s11, s20, $0xb8;
	[tilespmem:$0x1D080] =	vst v63  }
0x222: {  	_ =	swait.ge [sflag:s18], $0x1900  }
0x223: {  	[sflag:s18] =	ssyncset.done $0x0  }
0x224: {  	s11 =	sadd.s32 $0x200, s10;
	[sflag:s18] =	ssyncadd.s32 $0xFFFFE700  }
0x225: {  	[tilespmem:s21], [sflag:$0x1] =	stream.indirect.gather [hbm4b:s4+s20], $0x80, s11, s20, $0xb8;
	[tilespmem:$0x1D080] =	vst v63  }
0x226: {  	_ =	swait.ge [sflag:s30], $0x1900  }
0x227: {  	[sflag:s30] =	ssyncset.done $0x0  }
0x228: {  	s11 =	sadd.s32 $0x1480, s10;
	[sflag:s30] =	ssyncadd.s32 $0xFFFFE700  }
0x229: {  	[spmem:s1] =	stream.indirect.scatter.add.f32 [tilespmem:s23], [sflag:$0x5], $0x80, s11, s20, $0xb8;
	[tilespmem:$0x1D080] =	vst v63  }
0x22a: {  	_ =	swait.ge [sflag:s18], $0x1900  }
0x22b: {  	[sflag:s18] =	ssyncset.done $0x0  }
0x22c: {  	s11 =	sadd.s32 $0x280, s10;
	[sflag:s18] =	ssyncadd.s32 $0xFFFFE700  }
0x22d: {  	[tilespmem:s23], [sflag:$0x2] =	stream.indirect.gather [hbm4b:s4+s20], $0x80, s11, s20, $0xb8;
	[tilespmem:$0x1D080] =	vst v63  }
0x22e: {  	_ =	swait.ge [sflag:s31], $0x1900  }
0x22f: {  	[sflag:s31] =	ssyncset.done $0x0  }
0x230: {  	s11 =	sadd.s32 $0x1500, s10;
	[sflag:s31] =	ssyncadd.s32 $0xFFFFE700  }
0x231: {  	[spmem:s1] =	stream.indirect.scatter.add.f32 [tilespmem:s25], [sflag:$0x5], $0x80, s11, s20, $0xb8;
	[tilespmem:$0x1D080] =	vst v63  }
0x232: {  	_ =	swait.ge [sflag:s18], $0x1900  }
0x233: {  	[sflag:s18] =	ssyncset.done $0x0  }
0x234: {  	s11 =	sadd.s32 $0x300, s10;
	[sflag:s18] =	ssyncadd.s32 $0xFFFFE700  }
0x235: {  	[tilespmem:s25], [sflag:$0x3] =	stream.indirect.gather [hbm4b:s4+s20], $0x80, s11, s20, $0xb8;
	[tilespmem:$0x1D080] =	vst v63  }
0x236: {  	_ =	swait.ge [sflag:s0], $0x1900  }
0x237: {  	[sflag:s0] =	ssyncset.done $0x0  }
.Ltmp6:
0x238: {  	s11 =	sadd.s32 $0x1580, s10;
	[sflag:s0] =	ssyncadd.s32 $0xFFFFE700;
	(pc) =	sbr.rel @p0 .LBB2_14-.Ltmp6, $4  }
0x239: {  	[spmem:s1] =	stream.indirect.scatter.add.f32 [tilespmem:s28], [sflag:$0x5], $0x80, s11, s20, $0xb8;
	[tilespmem:$0x1D080] =	vst v63  }
0x23a: {  	_ =	swait.ge [sflag:s18], $0x1900  }
0x23b: {  	[sflag:s18] =	ssyncset.done $0x0  }
0x23c: {  	s10 =	sadd.s32 $0x380, s10;
	[sflag:s18] =	ssyncadd.s32 $0xFFFFE700  }
0x23d: {  	[tilespmem:s28], [sflag:$0x4] =	stream.indirect.gather [hbm4b:s4+s20], $0x80, s10, s20, $0xb8;
	[tilespmem:$0x1D080] =	vst v63  }
0x23e: {  	_ =	swait.ge [sflag:s29], $0x1900  }
0x23f: {  	[sflag:s29] =	ssyncset.done $0x0  }
0x240: {  	[sflag:s29] =	ssyncadd.s32 $0xFFFFE700  }
0x241: {  	[spmem:s1] =	stream.indirect.scatter.add.f32 [tilespmem:s21], [sflag:$0x5], $0x80, s5, s20, $0xb8;
	[tilespmem:$0x1D080] =	vst v63  }
0x242: {  	_ =	swait.ge [sflag:s18], $0x1900  }
0x243: {  	[sflag:s18] =	ssyncset.done $0x0  }
0x244: {  	[sflag:s18] =	ssyncadd.s32 $0xFFFFE700  }
0x245: {  	_ =	swait.ge [sflag:s30], $0x1900  }
0x246: {  	[sflag:s30] =	ssyncset.done $0x0  }
0x247: {  	[sflag:s30] =	ssyncadd.s32 $0xFFFFE700  }
0x248: {  	[spmem:s1] =	stream.indirect.scatter.add.f32 [tilespmem:s23], [sflag:$0x5], $0x80, s6, s20, $0xb8;
	[tilespmem:$0x1D080] =	vst v63  }
0x249: {  	_ =	swait.ge [sflag:s18], $0x1900  }
0x24a: {  	[sflag:s18] =	ssyncset.done $0x0  }
0x24b: {  	[sflag:s18] =	ssyncadd.s32 $0xFFFFE700  }
0x24c: {  	_ =	swait.ge [sflag:s31], $0x1900  }
0x24d: {  	[sflag:s31] =	ssyncset.done $0x0  }
0x24e: {  	[sflag:s31] =	ssyncadd.s32 $0xFFFFE700  }
0x24f: {  	[spmem:s1] =	stream.indirect.scatter.add.f32 [tilespmem:s25], [sflag:$0x5], $0x80, s7, s20, $0xb8;
	[tilespmem:$0x1D080] =	vst v63  }
0x250: {  	_ =	swait.ge [sflag:s18], $0x1900  }
0x251: {  	[sflag:s18] =	ssyncset.done $0x0  }
0x252: {  	[sflag:s18] =	ssyncadd.s32 $0xFFFFE700  }
0x253: {  	_ =	swait.ge [sflag:s0], $0x1900  }
0x254: {  	[sflag:s0] =	ssyncset.done $0x0  }
0x255: {  	[sflag:s0] =	ssyncadd.s32 $0xFFFFE700  }
0x256: {  	[spmem:s1] =	stream.indirect.scatter.add.f32 [tilespmem:s28], [sflag:$0x5], $0x80, s8, s20, $0xb8;
	[tilespmem:$0x1D080] =	vst v63  }
0x257: {  	s9 =	sadd.s32 $0x0, s2;
	_ =	swait.ge [sflag:s18], $0x1900  }
0x258: {  	p0 =	sgt.u32 s9, $0xF9;
	[sflag:s18] =	ssyncset.done $0x0  }
0x259: {  	s9 =	sshll.u32 @!p0 s2, $0x6;
	s10 =	sshrl.u32 @!p0 s16, $0x3;
	[sflag:s18] =	ssyncadd.s32 $0xFFFFE700  }
0x25a: {  	s12 =	simm.s32 @!p0 $0x5;
	s9 =	sor.u32 @!p0 $0x1C05, s9;
	[bflag:$0x0] =	sbarrier.arrive $0xFFFF  }
0x25b: {  	[hbm:s17], [sflag:s9] =	dma.local @!p0 [spmem:s10], $0x280  }
0x25c: {  	s11 =	simm.s32 $0x20;
	s13 =	sadd.s32 $0x10, s2;
	_ =	swait.ge @!p0 [sflag:s12], $0x280  }
0x25d: {  	s9 =	sadd.s32 $0x14000, s16;
	s10 =	sadd.s32 $0x2800, s17;
	[sflag:s12] =	ssyncset.done @!p0 $0x0  }
.LBB2_16:
0x25e: {  	[sflag:s12] =	ssyncadd.s32 @!p0 $0xFFFFFD80  }
0x25f: {  	p0 =	sgt.u32 s13, $0xF9;
	s13 =	smov.u32 s11;
	s11 =	sadd.s32 $0x10, s11  }
0x260: {  	p1 =	sne.s32 s11, $0x100  }
.Ltmp7:
0x261: {  	s12 =	sshll.u32 @!p0 s2, $0x6;
	s14 =	sshrl.u32 @!p0 s9, $0x3;
	(pc) =	sbr.rel @p1 .LBB2_16-.Ltmp7, $4  }
0x262: {  	s15 =	sor.u32 @!p0 $0x1C05, s12;
	s12 =	simm.s32 @!p0 $0x5  }
0x263: {  	[hbm:s10], [sflag:s15] =	dma.local @!p0 [spmem:s14], $0x280  }
0x264: {  	s9 =	sadd.s32 $0x14000, s9;
	_ =	swait.ge @!p0 [sflag:s12], $0x280  }
0x265: {  	s13 =	sadd.s32 s13, s2;
	s10 =	sadd.s32 $0x2800, s10;
	[sflag:s12] =	ssyncset.done @!p0 $0x0  }
0x266: {  	p1 =	sgt.u32 s13, $0xF9  }
0x267: {  	[sflag:s12] =	ssyncadd.s32 @!p0 $0xFFFFFD80;
	s11 =	sshll.u32 @!p1 s2, $0x6  }
0x268: {  	s9 =	sshrl.u32 @!p1 s9, $0x3;
	s12 =	simm.s32 @!p1 $0x5;
	s11 =	sor.u32 @!p1 $0x1C05, s11  }
0x269: {  	[hbm:s10], [sflag:s11] =	dma.local @!p1 [spmem:s9], $0x280  }
0x26a: {  	_ =	swait.ge @!p1 [sflag:s12], $0x280  }
0x26b: {  	s3 =	sadd.s32 $0x1, s3;
	s15 =	rddreg [dreg:$0xd]  }
0x26c: {  	p0 =	sne.s32 s3, s15  }
.Ltmp8:
0x26d: {  	_ = 	snop;
	(pc) =	sbr.rel @p0 .LBB2_1-.Ltmp8, $3  }
0x26e: {  	_ =	sdelay $0x1  }
0x26f: {  	[sflag:s12] =	ssyncset.done @!p1 $0x0  }
0x270: {  	[sflag:s12] =	ssyncadd.s32 @!p1 $0xFFFFFD80  }
0x271: {  	_ =	sfence.sel $0x180000  }
0x272: {  	[bflag:$0x0] =	sbarrier.arrive $0xFFFF  }
0x273: {  	_ =	strace $0x9000004D  }
0x274: {  	[bflag:$0x2] =	sbarrier.arrive $0xFFFF  }
0x275: {  	p0 =	sne.s32 s2, $0x0;
	s0 =	rddreg [dreg:$0x2]  }
0x276: {  	s0 =	sadd.s32 @!p0 $0x100000, s0  }
0x277: {  	[sflag:s0] =	ssyncadd.tile.s32 @!p0 $0x1;
	_ =	shalt  }
.Lfunc_end2:
_tile_overlayer_lowered:
.L_overlay_start_2:
0x278: {  	(tag) =	ssettag $0x2  }
0x279: {  	s0 =	rddreg [dreg:$0x0];
	s2 =	stileid.u32  }
0x27a: {  	s1 =	rddreg [dreg:$0x1];
	p0 =	sne.s32 s2, $0x0  }
0x27b: {  	s3 =	rddreg [dreg:$0x2];
	[bflag:$0x3] =	sbarrier.arrive $0xFFFF;
	s2 =	simm.s32 @!p0 $0x1C05  }
0x27c: {  	[timem:s3], [sflag:s2] =	dma.local @!p0 [hbm:s0], s1  }
0x27d: {  	s0 =	simm.s32 @!p0 $0x5  }
0x27e: {  	_ =	swait.ge @!p0 [sflag:s0], s1  }
0x27f: {  	s1 =	ssub.s32 @!p0 $0x0, s1;
	[sflag:s0] =	ssyncset.done @!p0 $0x0  }
0x280: {  	[sflag:s0] =	ssyncadd.s32 @!p0 s1  }
0x281: {  	[bflag:$0x3] =	sbarrier.arrive $0xFFFF  }
0x282: {  	_ =	shalt  }

// kernel: kernel.9.cloned.1.call-start
scs
__scs_entry_jumppad:
0x0: {  	(pc) =	sbr.rel $0x88, $3  }
0x1: {  	(tag) =	ssettag $0x0;
	lr =	simm.s32 $0x1  }
0x2: {  	[smem:$0x3F96] =	sst lr;
	_ =	strace $0xD0000000  }
0x3: {  	_ = 	snop  }
0x4: {  	_ = 	snop  }
0x5: {  	_ = 	snop  }
0x6: {  	_ = 	snop  }
0x7: {  	_ = 	snop  }
__scs_overlays_trampoline_lowered:
0x8: {  	[smem:$0x3FA5] =	sst s0  }
0x9: {  	[smem:$0x3FA6] =	sst s1  }
0xa: {  	[smem:$0x3FA7] =	sst s2  }
0xb: {  	[smem:$0x3FA8] =	sst s3  }
0xc: {  	[smem:$0x3FA9] =	sst s4  }
0xd: {  	[smem:$0x3FAA] =	sst s5  }
0xe: {  	[smem:$0x3FAB] =	sst s6  }
0xf: {  	[smem:$0x3FAC] =	sst s7  }
0x10: {  	[smem:$0x3FAD] =	sst s8  }
0x11: {  	[smem:$0x3FAE] =	sst s9;
	s0 =	simm.s32 @!p0 $0x0  }
0x12: {  	s1 =	sld [smem:$0x3F94];
	s0 =	simm.s32 @p0 $0x1  }
0x13: {  	[smem:$0x3FAF] =	sst s0;
	s0 =	simm.s32 @!p1 $0x0  }
0x14: {  	s2 =	sld [smem:$0x3F93];
	s0 =	simm.s32 @p1 $0x1  }
0x15: {  	[smem:$0x3FB0] =	sst s0;
	s0 =	simm.s32 @!p2 $0x0  }
0x16: {  	s3 =	sld [smem:$0x3FDB];
	s0 =	simm.s32 @p2 $0x1  }
0x17: {  	s4 =	simm.s32 $0x1BF5;
	[smem:$0x3FB2] =	sst s0  }
0x18: {  	s0 =	sld [smem:$0x3F95];
	_ =	swait.ge [sflag:s4], $0x0  }
0x19: {  	s7 =	sld [smem:$0x3F96]  }
0x1a: {  	s8 =	sadd.s32 $0xFFFFE003, lr  }
0x1b: {  	s9 =	sadd.s32 $0xFFFFFEF7, lr;
	s5 =	simm.s32 $0xFFFFFFFF;
	p2 =	slt.u32 s8, $0xFFFFF086  }
0x1c: {  	p1 =	slt.u32 s9, $0xF7A;
	s5 =	simm.s32 @!p2 $0x0  }
0x1d: {  	s5 =	simm.s32 @p1 $0x1;
	p0 =	seq.s32 s7, s2  }
0x1e: {  	s7 =	smul.u32 @!p0 $0xF7A, s2;
	p2 =	seq.s32 @!p0 s5, $0x0  }
0x1f: {  	s9 =	smul.u32 $0xF7A, s1;
	s8 =	simm.s32 @!p0 $0x1BF5;
	p2 =	por !p2, p0  }
0x20: {  	[sflag:s8] =	ssyncset.s32 @!p0 $0xFFFFF086;
	s6 =	sadd.s32 @!p0 s3, s7;
	s7 =	simm.s32 @!p0 $0x108  }
0x21: {  	s3 =	sadd.s32 s3, s9;
	s6 =	sadd.s32 @!p0 $0x88, s6;
	s7 =	simm.s32 @p2 $0x1082  }
0x22: {  	[simem:s7], [sflag:s8] =	dma.local @!p0 [hbm:s6], $0xF7A  }
0x23: {  	s9 =	sor.u32 $0xD0000000, s2;
	s6 =	simm.s32 $0x108;
	_ =	swait.ge @!p0 [sflag:s8], $0x0  }
0x24: {  	s3 =	sadd.s32 $0x88, s3;
	s6 =	simm.s32 @!p1 $0x1082;
	[sflag:s4] =	ssyncset.s32 $0xFFFFF086  }
0x25: {  	[simem:s6], [sflag:s4] =	dma.local [hbm:s3], $0xF7A  }
0x26: {  	[smem:$0x3F96] =	sst s1;
	(tag) =	ssettag s2;
	_ =	strace s9  }
0x27: {  	s1 =	sld [smem:$0x3FA6]  }
0x28: {  	s2 =	sld [smem:$0x3FA7]  }
0x29: {  	s4 =	sld [smem:$0x3FA9]  }
0x2a: {  	p0 =	seq.s32 s5, $0x0;
	s5 =	sld [smem:$0x3FAA]  }
0x2b: {  	s6 =	sld [smem:$0x3FAB]  }
0x2c: {  	s7 =	sld [smem:$0x3FAC]  }
0x2d: {  	s3 =	simm.s32 $0x108;
	s8 =	sld [smem:$0x3FAD]  }
0x2e: {  	s3 =	simm.s32 @!p0 $0x1082;
	s9 =	sld [smem:$0x3FAE]  }
0x2f: {  	lr =	sadd.s32 s0, s3;
	s0 =	sld [smem:$0x3FA5]  }
0x30: {  	s3 =	sld [smem:$0x3FA8]  }
0x31: {  	[smem:$0x3FB1] =	sst s10  }
0x32: {  	s10 =	sld [smem:$0x3FAF];
	_ =	sdelay $0x3  }
0x33: {  	p0 =	seq.s32 s10, $0x1;
	s10 =	sld [smem:$0x3FB1];
	_ =	sdelay $0x3  }
0x34: {  	[smem:$0x3FB1] =	sst s10  }
0x35: {  	s10 =	sld [smem:$0x3FB0];
	_ =	sdelay $0x3  }
0x36: {  	p1 =	seq.s32 s10, $0x1;
	s10 =	sld [smem:$0x3FB1];
	_ =	sdelay $0x3  }
0x37: {  	[smem:$0x3FB1] =	sst s10  }
0x38: {  	s10 =	sld [smem:$0x3FB2]  }
0x39: {  	_ = 	snop;
	(pc) =	sbr.ind lr, $3  }
0x3a: {  	_ = 	snop  }
0x3b: {  	_ = 	snop  }
0x3c: {  	p2 =	seq.s32 s10, $0x1;
	s10 =	sld [smem:$0x3FB1]  }
0x3d: {  	_ =	shalt  }
0x3e: {  	_ =	shalt  }
0x3f: {  	_ =	shalt  }
0x40: {  	_ =	shalt  }
0x41: {  	_ =	shalt  }
0x42: {  	_ =	shalt  }
0x43: {  	_ =	shalt  }
0x44: {  	_ =	shalt  }
0x45: {  	_ =	shalt  }
0x46: {  	_ =	shalt  }
0x47: {  	_ =	shalt  }
0x48: {  	_ =	shalt  }
0x49: {  	_ =	shalt  }
0x4a: {  	_ =	shalt  }
0x4b: {  	_ =	shalt  }
0x4c: {  	_ =	shalt  }
0x4d: {  	_ =	shalt  }
0x4e: {  	_ =	shalt  }
0x4f: {  	_ =	shalt  }
0x50: {  	_ =	shalt  }
0x51: {  	_ =	shalt  }
0x52: {  	_ =	shalt  }
0x53: {  	_ =	shalt  }
0x54: {  	_ =	shalt  }
0x55: {  	_ =	shalt  }
0x56: {  	_ =	shalt  }
0x57: {  	_ =	shalt  }
0x58: {  	_ =	shalt  }
0x59: {  	_ =	shalt  }
0x5a: {  	_ =	shalt  }
0x5b: {  	_ =	shalt  }
0x5c: {  	_ =	shalt  }
0x5d: {  	_ =	shalt  }
0x5e: {  	_ =	shalt  }
0x5f: {  	_ =	shalt  }
0x60: {  	_ =	shalt  }
0x61: {  	_ =	shalt  }
0x62: {  	_ =	shalt  }
0x63: {  	_ =	shalt  }
0x64: {  	_ =	shalt  }
0x65: {  	_ =	shalt  }
0x66: {  	_ =	shalt  }
0x67: {  	_ =	shalt  }
0x68: {  	_ =	shalt  }
0x69: {  	_ =	shalt  }
0x6a: {  	_ =	shalt  }
0x6b: {  	_ =	shalt  }
0x6c: {  	_ =	shalt  }
0x6d: {  	_ =	shalt  }
0x6e: {  	_ =	shalt  }
0x6f: {  	_ =	shalt  }
0x70: {  	_ =	shalt  }
0x71: {  	_ =	shalt  }
0x72: {  	_ =	shalt  }
0x73: {  	_ =	shalt  }
0x74: {  	_ =	shalt  }
0x75: {  	_ =	shalt  }
0x76: {  	_ =	shalt  }
0x77: {  	_ =	shalt  }
0x78: {  	_ =	shalt  }
0x79: {  	_ =	shalt  }
0x7a: {  	_ =	shalt  }
0x7b: {  	_ =	shalt  }
0x7c: {  	_ =	shalt  }
0x7d: {  	_ =	shalt  }
0x7e: {  	_ =	shalt  }
0x7f: {  	_ =	shalt  }
0x80: {  	_ =	shalt  }
0x81: {  	_ =	shalt  }
0x82: {  	_ =	shalt  }
0x83: {  	_ =	shalt  }
0x84: {  	_ =	shalt  }
0x85: {  	_ =	shalt  }
0x86: {  	_ =	shalt  }
0x87: {  	_ =	shalt  }
.Lfunc_end0:
.L_simem_size_0:
called_computation_lowered:
.L_overlay_start_0:
0x88: {  	s2 =	sld [smem:$0x3FD9]  }
0x89: {  	s3 =	sld [smem:$0x3FFE];
	_ =	sdelay $0x1  }
0x8a: {  	s1 =	srdreg.scid  }
0x8b: {  	s0 =	sand.u32 $0x1, s1  }
0x8c: {  	s16 =	sshll.u32 s0, $0xA;
	s2 =	sadd.s32 s3, s2  }
0x8d: {  	s2 =	sadd.s32 s2, s16  }
0x8e: {  	[smem:$0x3FBD] =	sst s2  }
0x8f: {  	_ = 	snop  }
0x90: {  	(tm) =	ssettm $0x1  }
0x91: {  	s17 =	sld [smem:$0x3FFB];
	_ =	sdelay $0x3  }
0x92: {  	_ =	strace s17  }
0x93: {  	s2 =	sld [smem:$0x3FFC];
	_ =	sdelay $0x3  }
0x94: {  	_ =	strace s2  }
0x95: {  	s2 =	sld [smem:$0x3FFD];
	_ =	sdelay $0x3  }
0x96: {  	_ =	strace s2  }
0x97: {  	_ =	strace $0x8FFFFFFF  }
0x98: {  	s18 =	sld [smem:$0x3FDB];
	_ =	sdelay $0x1  }
0x99: {  	s19 =	simm.s32 $_scs_section_size  }
0x9a: {  	s4 =	simm.s32 $_size__tile_overlayer_lowered;
	s5 =	simm.s32 $_tile_overlayer_lowered  }
0x9b: {  	s22 =	simm.s32 $0x1BFF;
	s21 =	sshll.u32 s5, $0x1;
	s2 =	sadd.s32 s19, s18  }
0x9c: {  	s6 =	simm.s32 $0x0;
	s20 =	sshll.u32 s4, $0x1;
	s4 =	sadd.s32 s21, s2  }
0x9d: {  	[timem:s6], [sflag:s22] =	dma.local [hbm:s4], s20  }
0x9e: {  	_ =	swait.ge [sflag:s22], s20  }
0x9f: {  	s3 =	ssub.s32 $0x0, s20;
	[sflag:s22] =	ssyncset.done $0x0  }
0xa0: {  	[sflag:s22] =	ssyncadd.s32 s3;
	_ =	sdelay $0x1  }
0xa1: {  	s23 =	simm.s32 $0x1B8B  }
0xa2: {  	_ =	swait.ge [sflag:s23], $0x1  }
0xa3: {  	[sflag:s23] =	ssyncset.done $0x0  }
0xa4: {  	s25 =	simm.s32 $0x1B8E;
	s24 =	sld [smem:$0x3FFE];
	[sflag:s23] =	ssyncadd.s32 $0xFFFFFFFF  }
0xa5: {  	s26 =	simm.s32 $execute0_lowered;
	[smem:$0x3FD2] =	sst s25  }
0xa6: {  	s4 =	sshll.u32 s26, $0x1;
	_ =	strace $0x80000046;
	[dreg:$0x1] =	wrdreg $0xFFFFFFFF  }
0xa7: {  	s28 =	simm.s32 $_size_execute0_lowered;
	s2 =	sadd.s32 s2, s4;
	[dreg:$0x0] =	wrdreg $0x0  }
0xa8: {  	s4 =	sshll.u32 s28, $0x1;
	[dreg:$0x2] =	wrdreg s2  }
0xa9: {  	[dreg:$0x3] =	wrdreg s4  }
0xaa: {  	[dreg:$0x4] =	wrdreg $0xC0  }
0xab: {  	_ =	task [dreg:s6], $0x5FFFF  }
0xac: {  	[dreg:$0x1] =	wrdreg $0xFFFFFFFF  }
0xad: {  	[dreg:$0x0] =	wrdreg $0x60  }
0xae: {  	[dreg:$0x2] =	wrdreg s24  }
0xaf: {  	[dreg:$0x3] =	wrdreg $0x94000  }
0xb0: {  	[dreg:$0x4] =	wrdreg $0x9  }
0xb1: {  	_ =	task.clear_ibuf [dreg:s6], $0x5FFFF;
	_ =	strace $0x90000046  }
0xb2: {  	s29 =	simm.s32 $0x9;
	_ =	strace $0x80000048  }
0xb3: {  	_ =	swait.ge [sflag:s29], $0x1  }
0xb4: {  	[sflag:s29] =	ssyncadd.s32 $0xFFFFFFFF  }
0xb5: {  	_ =	strace $0x90000048  }
0xb6: {  	_ =	sfence  }
0xb7: {  	s30 =	sld [smem:$0x0];
	_ =	sdelay $0x2  }
0xb8: {  	s31 =	sshll.u32 s1, $0xD;
	s1 =	sshrl.u32 s1, $0x2  }
0xb9: {  	s3 =	sand.u32 $0x4000, s31;
	s1 =	sadd.s32 s1, s30  }
0xba: {  	s0 =	sor.u32 s3, s0;
	s1 =	sshll.u32 s1, $0x11  }
0xbb: {  	s0 =	sor.u32 s1, s0  }
0xbc: {  	s0 =	sadd.s32 $0x8F2B, s0  }
0xbd: {  	[sflag:s0] =	ssyncadd.remote.s32 $0x1  }
0xbe: {  	_ =	sfence.sel $0xFFFF  }
0xbf: {  	[dreg:$0x0] =	wrdreg $0xFFFFFFFF;
	(pc) =	sbr.abs _section_cstart, $3  }
0xc0: {  	[dreg:$0x1] =	wrdreg $0xFFFFFFFF  }
0xc1: {  	_ =	task.clear_ibuf [dreg:s6], $0x2FFFF;
	_ =	strace $0x9FFFFFFF  }
0xc2: {  	(tm) =	ssettm $0x7FFFFFFF  }
0xc3: {  	_ =	shalt  }
tec
execute0_lowered:
.L_overlay_start_1:
0x0: {  	(tag) =	ssettag $0x1  }
0x1: {  	s4 =	rddreg [dreg:$0x0]  }
0x2: {  	s2 =	rddreg [dreg:$0x1];
	s1 =	srdreg.scid  }
0x3: {  	s0 =	rddreg [dreg:$0x2];
	s3 =	simm.s32 $0x0;
	s5 =	sand.u32 $0x1, s1  }
0x4: {  	s10 =	simm.s32 $0x6400;
	s1 =	stileid.u32;
	s6 =	smul.u32 $0x138800, s5  }
0x5: {  	[smem:$0x7FF] =	sst s3;
	s7 =	sshll.u32 s5, $0x4;
	s8 =	smul.u32 $0x1400, s1  }
0x6: {  	s5 =	ssub.s32 $0x2, s5;
	s29 =	smul.u32 $0x5000, s1;
	s7 =	sor.u32 s1, s7  }
0x7: {  	_ =	strace $0x80000047;
	s30 =	sshrl.u32 s5, $0x1;
	s7 =	smul.u32 $0xC80, s7  }
0x8: {  	s6 =	sadd.s32 s8, s6;
	s5 =	ssub.s32 s5, s30;
	s31 =	sshrl.u32 s29, $0x2  }
0x9: {  	s8 =	simm.s32 $0x1;
	s6 =	sshrl.u32 s6, $0x3;
	s5 =	smax.u32 s5, $0x1  }
0xa: {  	s7 =	sadd.s32 s7, s4;
	s9 =	sadd.s32 s6, s4;
	s6 =	sadd.s32 s31, s2  }
0xb: {  	v0 =	vimm.f32 $1.000000000e+00;
	v1 =	vimm.f32 $0.0e+00;
	s4 =	sadd.s32 $0x2000, s7;
	s7 =	sadd.s32 $0x1B000, s9;
	s9 =	simm.s32 $0x32  }
.LBB2_1:
0xc: {  	s11 =	simm.s32 $0x200;
	s12 =	simm.s32 $0x0  }
.LBB2_2:
0xd: {  	p0 =	sne.s32 s11, $0x6200;
	[tilespmem:s12+$0x6400] =	vst v0;
	s12 =	smov.u32 s11;
	s11 =	sadd.s32 $0x200, s11  }
.Ltmp0:
0xe: {  	(pc) =	sbr.rel @p0 .LBB2_2-.Ltmp0, $2  }
0xf: {  	_ =	sdelay $0x2  }
0x10: {  	s12 =	sshra.s32 s12, $0x2  }
0x11: {  	[tilespmem:s12+$0x6400] =	vst v0  }
0x12: {  	[tilespmem:$0x8000] =	vst v1  }
0x13: {  	[tilespmem:$0x8080] =	vst v1  }
0x14: {  	[tilespmem:$0x8100] =	vst v1  }
0x15: {  	[tilespmem:$0x8180] =	vst v1  }
0x16: {  	[tilespmem:$0x8200] =	vst v1  }
0x17: {  	[tilespmem:$0x8280] =	vst v1  }
0x18: {  	[tilespmem:$0x8300] =	vst v1  }
0x19: {  	[tilespmem:$0x8380] =	vst v1  }
0x1a: {  	[tilespmem:$0x8400] =	vst v1  }
0x1b: {  	[tilespmem:$0x8480] =	vst v1  }
0x1c: {  	[tilespmem:$0x8500] =	vst v1  }
0x1d: {  	[tilespmem:$0x8580] =	vst v1  }
0x1e: {  	[tilespmem:$0x8600] =	vst v1  }
0x1f: {  	[tilespmem:$0x8680] =	vst v1  }
0x20: {  	[tilespmem:$0x8700] =	vst v1  }
0x21: {  	[tilespmem:$0x8780] =	vst v1  }
0x22: {  	[tilespmem:$0x8800] =	vst v1  }
0x23: {  	[tilespmem:$0x8880] =	vst v1  }
0x24: {  	[tilespmem:$0x8900] =	vst v1  }
0x25: {  	[tilespmem:$0x8980] =	vst v1  }
0x26: {  	[tilespmem:$0x8A00] =	vst v1  }
0x27: {  	[tilespmem:$0x8A80] =	vst v1  }
0x28: {  	[tilespmem:$0x8B00] =	vst v1  }
0x29: {  	[tilespmem:$0x8B80] =	vst v1  }
0x2a: {  	[tilespmem:$0x8C00] =	vst v1  }
0x2b: {  	[tilespmem:$0x8C80] =	vst v1  }
0x2c: {  	[tilespmem:$0x8D00] =	vst v1  }
0x2d: {  	[tilespmem:$0x8D80] =	vst v1  }
0x2e: {  	[tilespmem:$0x8E00] =	vst v1  }
0x2f: {  	[tilespmem:$0x8E80] =	vst v1  }
0x30: {  	[tilespmem:$0x8F00] =	vst v1  }
0x31: {  	[tilespmem:$0x8F80] =	vst v1  }
0x32: {  	[tilespmem:$0x9000] =	vst v1  }
0x33: {  	[tilespmem:$0x9080] =	vst v1  }
0x34: {  	[tilespmem:$0x9100] =	vst v1  }
0x35: {  	[tilespmem:$0x9180] =	vst v1  }
0x36: {  	[tilespmem:$0x9200] =	vst v1  }
0x37: {  	[tilespmem:$0x9280] =	vst v1  }
0x38: {  	[tilespmem:$0x9300] =	vst v1  }
0x39: {  	s11 =	simm.s32 $0x0;
	[tilespmem:$0x9380] =	vst v1  }
0x3a: {  	[tilespmem:s11], [sflag:$0x1] =	stream.linear.gather [hbm4b:s4+s11], $0x6400, $0x38;
	[tilespmem:$0xBB10] =	vst v63  }
0x3b: {  	s31 =	sadd.s32 $0x0, s1;
	_ =	swait.ge [sflag:s8], $0x6400  }
0x3c: {  	p0 =	sgt.u32 s31, $0xF9;
	[sflag:s8] =	ssyncset.done $0x0  }
0x3d: {  	s11 =	simm.s32 @!p0 $0x8000;
	s14 =	simm.s32 @!p0 $0x1;
	[sflag:s8] =	ssyncadd.s32 $0xFFFF9C00  }
0x3e: {  	[spmem:s6] =	stream.linear.scatter @!p0 [tilespmem:s11], [sflag:$0x1], $0x1400, $0x38;
	[tilespmem:$0xBB10] =	vst v63  }
0x3f: {  	s12 =	simm.s32 $0x10;
	_ =	swait.ge @!p0 [sflag:s14], $0x1400  }
0x40: {  	s13 =	simm.s32 $0x20;
	s11 =	sadd.s32 $0x14000, s6;
	[sflag:s14] =	ssyncset.done @!p0 $0x0  }
.LBB2_4:
0x41: {  	s15 =	sadd.s32 s12, s1;
	s12 =	smov.u32 s13;
	s13 =	sadd.s32 $0x10, s13  }
0x42: {  	[sflag:s14] =	ssyncadd.s32 @!p0 $0xFFFFEC00;
	p1 =	sne.s32 s13, $0x100  }
.Ltmp1:
0x43: {  	p0 =	sgt.u32 s15, $0xF9;
	(pc) =	sbr.rel @p1 .LBB2_4-.Ltmp1, $4  }
0x44: {  	s15 =	simm.s32 @!p0 $0x8000;
	s14 =	simm.s32 @!p0 $0x1  }
0x45: {  	[spmem:s11] =	stream.linear.scatter @!p0 [tilespmem:s15], [sflag:$0x1], $0x1400, $0x38;
	[tilespmem:$0xBB10] =	vst v63  }
0x46: {  	_ =	swait.ge @!p0 [sflag:s14], $0x1400  }
0x47: {  	s11 =	sadd.s32 $0x14000, s11;
	[sflag:s14] =	ssyncset.done @!p0 $0x0  }
0x48: {  	s12 =	sadd.s32 s12, s1  }
0x49: {  	p1 =	sgt.u32 s12, $0xF9  }
0x4a: {  	[sflag:s14] =	ssyncadd.s32 @!p0 $0xFFFFEC00;
	s12 =	simm.s32 @!p1 $0x8000;
	s13 =	simm.s32 @!p1 $0x1  }
0x4b: {  	[spmem:s11] =	stream.linear.scatter @!p1 [tilespmem:s12], [sflag:$0x1], $0x1400, $0x38;
	[tilespmem:$0xBB10] =	vst v63  }
0x4c: {  	_ =	swait.ge @!p1 [sflag:s13], $0x1400  }
0x4d: {  	[sflag:s13] =	ssyncset.done @!p1 $0x0  }
0x4e: {  	[sflag:s13] =	ssyncadd.s32 @!p1 $0xFFFFEC00  }
0x4f: {  	s31 =	simm.s32 $0x0;
	[bflag:$0x0] =	sbarrier.arrive $0xFFFF  }
0x50: {  	[spmem:s2] =	stream.indirect.scatter.add.f32 [tilespmem:s10], [sflag:$0x1], $0x10, s31, s9, $0xb8;
	[tilespmem:$0xBB10] =	vst v63  }
0x51: {  	_ =	swait.ge [sflag:s8], $0x320  }
0x52: {  	s11 =	simm.s32 $0x200;
	[sflag:s8] =	ssyncset.done $0x0  }
.LBB2_6:
0x53: {  	s12 =	sshra.s32 s11, $0x2;
	[sflag:s8] =	ssyncadd.s32 $0xFFFFFCE0;
	p0 =	sne.s32 s11, $0x18E00  }
0x54: {  	[spmem:s2] =	stream.indirect.scatter.add.f32 [tilespmem:s10], [sflag:$0x1], $0x10, s12, s9, $0xb8;
	[tilespmem:$0xBB10] =	vst v63  }
.Ltmp2:
0x55: {  	_ = 	snop;
	(pc) =	sbr.rel @p0 .LBB2_6-.Ltmp2, $4  }
0x56: {  	_ = 	snop  }
0x57: {  	s11 =	sadd.s32 $0x200, s11  }
0x58: {  	_ =	swait.ge [sflag:s8], $0x320  }
0x59: {  	[sflag:s8] =	ssyncset.done $0x0  }
0x5a: {  	s11 =	sadd.s32 $0x0, s1  }
0x5b: {  	[sflag:s8] =	ssyncadd.s32 $0xFFFFFCE0;
	p0 =	sgt.u32 s11, $0xF9  }
0x5c: {  	[bflag:$0x0] =	sbarrier.arrive $0xFFFF;
	s11 =	sshll.u32 @!p0 s1, $0x6  }
0x5d: {  	s12 =	sshrl.u32 @!p0 s6, $0x3;
	s14 =	simm.s32 @!p0 $0x1;
	s11 =	sor.u32 @!p0 $0x1C01, s11  }
0x5e: {  	[hbm:s7], [sflag:s11] =	dma.local @!p0 [spmem:s12], $0x280  }
0x5f: {  	s13 =	simm.s32 $0x20;
	s15 =	sadd.s32 $0x10, s1;
	_ =	swait.ge @!p0 [sflag:s14], $0x280  }
0x60: {  	s11 =	sadd.s32 $0x14000, s6;
	s12 =	sadd.s32 $0x2800, s7;
	[sflag:s14] =	ssyncset.done @!p0 $0x0  }
.LBB2_8:
0x61: {  	[sflag:s14] =	ssyncadd.s32 @!p0 $0xFFFFFD80  }
0x62: {  	p0 =	sgt.u32 s15, $0xF9;
	s15 =	smov.u32 s13;
	s13 =	sadd.s32 $0x10, s13  }
0x63: {  	p1 =	sne.s32 s13, $0x100  }
.Ltmp3:
0x64: {  	s14 =	sshll.u32 @!p0 s1, $0x6;
	s16 =	sshrl.u32 @!p0 s11, $0x3;
	(pc) =	sbr.rel @p1 .LBB2_8-.Ltmp3, $4  }
0x65: {  	s17 =	sor.u32 @!p0 $0x1C01, s14;
	s14 =	simm.s32 @!p0 $0x1  }
0x66: {  	[hbm:s12], [sflag:s17] =	dma.local @!p0 [spmem:s16], $0x280  }
0x67: {  	s11 =	sadd.s32 $0x14000, s11;
	_ =	swait.ge @!p0 [sflag:s14], $0x280  }
0x68: {  	s15 =	sadd.s32 s15, s1;
	s12 =	sadd.s32 $0x2800, s12;
	[sflag:s14] =	ssyncset.done @!p0 $0x0  }
0x69: {  	p1 =	sgt.u32 s15, $0xF9;
	[sflag:s14] =	ssyncadd.s32 @!p0 $0xFFFFFD80;
	s3 =	sadd.s32 $0x1, s3  }
0x6a: {  	s13 =	sshll.u32 @!p1 s1, $0x6;
	s11 =	sshrl.u32 @!p1 s11, $0x3;
	p0 =	sne.s32 s3, s5  }
.Ltmp4:
0x6b: {  	s14 =	simm.s32 @!p1 $0x1;
	s13 =	sor.u32 @!p1 $0x1C01, s13;
	(pc) =	sbr.rel @p0 .LBB2_1-.Ltmp4, $4  }
0x6c: {  	[hbm:s12], [sflag:s13] =	dma.local @!p1 [spmem:s11], $0x280  }
0x6d: {  	_ =	swait.ge @!p1 [sflag:s14], $0x280  }
0x6e: {  	[sflag:s14] =	ssyncset.done @!p1 $0x0  }
0x6f: {  	[sflag:s14] =	ssyncadd.s32 @!p1 $0xFFFFFD80  }
0x70: {  	_ =	sfence.sel $0x180000  }
0x71: {  	[bflag:$0x0] =	sbarrier.arrive $0xFFFF  }
0x72: {  	p0 =	sne.s32 s1, $0x0;
	_ =	strace $0x90000047  }
0x73: {  	s0 =	sadd.s32 @!p0 $0x100000, s0;
	[bflag:$0x2] =	sbarrier.arrive $0xFFFF  }
0x74: {  	[sflag:s0] =	ssyncadd.tile.s32 @!p0 $0x1;
	_ =	shalt  }
.Lfunc_end2:
_tile_overlayer_lowered:
.L_overlay_start_2:
0x75: {  	(tag) =	ssettag $0x2  }
0x76: {  	s0 =	rddreg [dreg:$0x0];
	s2 =	stileid.u32  }
0x77: {  	s1 =	rddreg [dreg:$0x1];
	p0 =	sne.s32 s2, $0x0  }
0x78: {  	s3 =	rddreg [dreg:$0x2];
	[bflag:$0x3] =	sbarrier.arrive $0xFFFF;
	s2 =	simm.s32 @!p0 $0x1C01  }
0x79: {  	[timem:s3], [sflag:s2] =	dma.local @!p0 [hbm:s0], s1  }
0x7a: {  	s0 =	simm.s32 @!p0 $0x1  }
0x7b: {  	_ =	swait.ge @!p0 [sflag:s0], s1  }
0x7c: {  	s1 =	ssub.s32 @!p0 $0x0, s1;
	[sflag:s0] =	ssyncset.done @!p0 $0x0  }
0x7d: {  	[sflag:s0] =	ssyncadd.s32 @!p0 s1  }
0x7e: {  	[bflag:$0x3] =	sbarrier.arrive $0xFFFF  }
0x7f: {  	_ =	shalt  }

</sc_bundles>
